<compile_context>
chip_gen: v7x
topology: tpu7x:2x2x1
jax: 0.10.2.dev20260603
libtpu: 0.0.44.dev20260713+nightly
codegen_flags: <defaults>
</compile_context>

<pallas_src>
import jax
import jax.numpy as jnp
from jax import lax
from jax.experimental import pallas as pl
from jax.experimental.pallas import tpu as pltpu, tpu_sc as plsc

_V = 1000000
_B = 16384
_K = 8192
_NT = 16
_VP = 1000448
_CPT = _VP // _NT
_NV = _CPT // 16
_SEL = 8448
_DUMP = 8192
_MININT = -2147483648

_i32 = jnp.int32
_f32 = jnp.float32


def _lsr(x, n):
    return plsc.bitcast(
        jnp.right_shift(plsc.bitcast(x, jnp.uint32), jnp.uint32(n)), _i32)


def _smax(v):
    return jnp.max(v)


def _lane(v, lane_mask_eq):
    return jnp.sum(jnp.where(lane_mask_eq, v, 0))


_MESH = dict(core_axis_name="c", subcore_axis_name="s", num_cores=1,
             num_subcores=_NT)

_LEVELS = ((21, 0x7FF, None), (10, 0x7FF, 21), (0, 0x3FF, 10))


def _make_call1():
    out_type = (
        jax.ShapeDtypeStruct((_SEL,), _i32),
        jax.ShapeDtypeStruct((_SEL,), _i32),
        jax.ShapeDtypeStruct((_NT, 8, 128), _f32),
        jax.ShapeDtypeStruct((18, 2048), _i32),
    )
    scratch = [
        pltpu.VMEM((_CPT,), _i32),
        pltpu.VMEM((8192,), _i32),
        pltpu.VMEM((2048,), _i32),
        pltpu.VMEM((2048,), _i32),
        pltpu.VMEM((16, 128), _i32),
        pltpu.VMEM((128,), _i32),
        pltpu.VMEM((8224,), _i32),
        pltpu.VMEM((8224,), _i32),
        pltpu.VMEM((8224,), _i32),
        pltpu.VMEM((65, 128), _i32),
        pltpu.VMEM((128,), _i32),
        pltpu.VMEM((8, 128), _i32),
        pltpu.VMEM((8, 128), _f32),
        pltpu.VMEM((16,), _i32),
        pltpu.SemaphoreType.DMA,
        pltpu.SemaphoreType.DMA,
    ]

    def body(skey_hbm, probs_hbm, y_hbm, selk_hbm, seli_hbm, tp_hbm, xchg,
             keys, hist4, hist, ghist, histred, redout, gtk, gti, eqi, dsti,
             constk, yv, ypv, stage, sem, ysem):
        w = lax.axis_index("s")
        I = lax.iota(_i32, 16)
        base = w * _CPT

        pltpu.sync_copy(y_hbm.at[w], yv)
        ydescs = [
            pltpu.async_copy(probs_hbm.at[yv.at[j]], ypv.at[j], ysem)
            for j in range(8)
        ]

        pltpu.sync_copy(skey_hbm.at[pl.ds(base, _CPT)], keys)

        t = _i32(_K)
        prefix = _i32(0)
        for lvl, (sh, msk, psh) in enumerate(_LEVELS):
            pfx = prefix

            if psh is None:
                def zero(j, _):
                    hist4[pl.ds(j * 16, 16)] = jnp.zeros((16,), _i32)
                    return 0
                lax.fori_loop(0, 512, zero, 0)
            else:
                def zeroh(j, _):
                    hist[pl.ds(j * 16, 16)] = jnp.zeros((16,), _i32)
                    return 0
                lax.fori_loop(0, 128, zeroh, 0)

            def hb(j, _, sh=sh, msk=msk, psh=psh, pfx=pfx):
                if psh is None:
                    for r in range(4):
                        kv = keys[pl.ds((j * 4 + r) * 16, 16)]
                        u = kv ^ _MININT
                        d = (_lsr(u, sh) & msk) + r * 2048
                        cnt, lm = plsc.scan_count(d)
                        plsc.addupdate_scatter(hist4, [d], cnt, mask=lm)
                else:
                    us, vals = [], []
                    for r in range(4):
                        kv = keys[pl.ds((j * 4 + r) * 16, 16)]
                        u = kv ^ _MININT
                        us.append(u)
                        vals.append(_lsr(u, psh) == pfx)
                    anyv = (vals[0] | vals[1]) | (vals[2] | vals[3])

                    @pl.when(_smax(plsc.all_reduce_population_count(anyv)) > 0)
                    def _():
                        for r in range(4):
                            d = _lsr(us[r], sh) & msk
                            cnt, lm = plsc.scan_count(d, mask=vals[r])
                            plsc.addupdate_scatter(hist, [d], cnt, mask=lm)
                return 0
            lax.fori_loop(0, _NV // 4, hb, 0)

            if psh is None:
                def merge(j, _):
                    acc = hist4[pl.ds(j * 16, 16)]
                    for r in range(1, 4):
                        acc = acc + hist4[pl.ds(r * 2048 + j * 16, 16)]
                    hist[pl.ds(j * 16, 16)] = acc
                    return 0
                lax.fori_loop(0, 128, merge, 0)

            pltpu.sync_copy(hist, xchg.at[w])
            plsc.subcore_barrier()
            pltpu.sync_copy(xchg.at[pl.ds(0, 16), pl.ds(w * 128, 128)],
                            histred)

            def red(b, _):
                acc = histred[0, pl.ds(b * 16, 16)]
                for r in range(1, 16):
                    acc = acc + histred[r, pl.ds(b * 16, 16)]
                redout[pl.ds(b * 16, 16)] = acc
                return 0
            lax.fori_loop(0, 8, red, 0)
            pltpu.sync_copy(redout, xchg.at[16, pl.ds(w * 128, 128)])
            plsc.subcore_barrier()
            pltpu.sync_copy(xchg.at[16], ghist)

            def scan_body(v, st, t=t):
                carry, found, binf, astr = st
                vv = 127 - v
                hv = ghist[pl.ds(vv * 16, 16)]
                rev = lax.rev(hv, (0,))
                cs = plsc.cumsum(rev) + carry
                tot = _smax(cs)
                m = cs >= t
                j = _smax(plsc.all_reduce_ffs(m))
                jj = jnp.where(j > 15, 15, j)
                mj = I == jj
                cj = _lane(cs, mj)
                hbv = _lane(rev, mj)
                cross = jnp.logical_and(jnp.logical_not(found), tot >= t)
                binf = jnp.where(cross, vv * 16 + 15 - jj, binf)
                astr = jnp.where(cross, cj - hbv, astr)
                found = jnp.logical_or(found, cross)
                return (tot, found, binf, astr)

            _, _, binf, astr = lax.fori_loop(
                0, 128, scan_body,
                (_i32(0), jnp.bool_(False), _i32(0), _i32(0)))
            t = t - astr
            if lvl == 0:
                prefix = binf
            elif lvl == 1:
                prefix = (prefix << 11) | binf
            else:
                uK = (prefix << 10) | binf
        k3 = t
        skeyK = uK ^ _MININT

        zv = jnp.zeros((16,), _i32)
        redout[pl.ds(0, 16)] = zv
        redout[pl.ds(16, 16)] = zv

        def col(j, _):
            kvs, ges = [], []
            for r in range(4):
                kv = keys[pl.ds((j * 4 + r) * 16, 16)]
                kvs.append(kv)
                ges.append(kv >= skeyK)
            anyv = (ges[0] | ges[1]) | (ges[2] | ges[3])

            @pl.when(_smax(plsc.all_reduce_population_count(anyv)) > 0)
            def _():
                og_s = _smax(redout[pl.ds(0, 16)])
                oe_s = _smax(redout[pl.ds(16, 16)])
                for r in range(4):
                    mg = kvs[r] > skeyK
                    me = kvs[r] == skeyK
                    gidx = base + (j * 4 + r) * 16 + I
                    ogc = jnp.where(og_s > _K, _i32(_K), og_s)
                    plsc.store_compressed(gtk.at[pl.ds(ogc, 16)], kvs[r],
                                          mask=mg)
                    plsc.store_compressed(gti.at[pl.ds(ogc, 16)], gidx,
                                          mask=mg)
                    oec = jnp.where(oe_s > _K, _i32(_K), oe_s)
                    plsc.store_compressed(eqi.at[pl.ds(oec, 16)], gidx,
                                          mask=me)
                    og_s = og_s + _smax(plsc.all_reduce_population_count(mg))
                    oe_s = oe_s + _smax(plsc.all_reduce_population_count(me))
                redout[pl.ds(0, 16)] = zv + og_s
                redout[pl.ds(16, 16)] = zv + oe_s
            return 0

        lax.fori_loop(0, _NV // 4, col, 0)
        ngt = _smax(redout[pl.ds(0, 16)])
        neq = _smax(redout[pl.ds(16, 16)])

        stage[...] = jnp.where(I == 0, ngt, jnp.where(I == 1, neq, 0))
        pltpu.sync_copy(stage, xchg.at[17, pl.ds(w * 128, 16)])
        plsc.subcore_barrier()
        pltpu.sync_copy(xchg.at[17], hist)
        gtbase = _i32(0)
        eqbase = _i32(0)
        for r in range(16):
            row = hist[pl.ds(r * 128, 16)]
            g_r = _lane(row, I == 0)
            e_r = _lane(row, I == 1)
            lt = _i32(r) < w
            gtbase = gtbase + jnp.where(lt, g_r, 0)
            eqbase = eqbase + jnp.where(lt, e_r, 0)
        take = jnp.clip(k3 - eqbase, 0, neq)
        blockoff = gtbase + jnp.minimum(eqbase, k3)

        def bg(cidx, _):
            for i2 in range(8):
                p = cidx * 128 + i2 * 16 + I
                dst = jnp.where(p < ngt, blockoff + p, _DUMP + (p & 127))
                dsti[cidx, pl.ds(i2 * 16, 16)] = jnp.clip(dst, 0, _SEL - 1)
            return 0
        ncg = (ngt + 127) >> 7
        lax.fori_loop(0, ncg, bg, 0)

        def sc(cidx, _):
            d1 = pltpu.async_copy(gtk.at[pl.ds(cidx * 128, 128)],
                                  selk_hbm.at[dsti.at[cidx]], sem)
            d2 = pltpu.async_copy(gti.at[pl.ds(cidx * 128, 128)],
                                  seli_hbm.at[dsti.at[cidx]], sem)
            d1.wait()
            d2.wait()
            return 0
        lax.fori_loop(0, ncg, sc, 0)

        def f0(j, _):
            constk[pl.ds(j * 16, 16)] = jnp.full((16,), 1, _i32) * skeyK
            return 0
        lax.fori_loop(0, 8, f0, 0)

        def be(cidx, _):
            for i2 in range(8):
                p = cidx * 128 + i2 * 16 + I
                dst = jnp.where(p < take, blockoff + ngt + p,
                                _DUMP + (p & 127))
                dsti[cidx, pl.ds(i2 * 16, 16)] = jnp.clip(dst, 0, _SEL - 1)
            return 0
        nce = (take + 127) >> 7
        lax.fori_loop(0, nce, be, 0)

        def sce(cidx, _):
            d1 = pltpu.async_copy(constk, selk_hbm.at[dsti.at[cidx]], sem)
            d2 = pltpu.async_copy(eqi.at[pl.ds(cidx * 128, 128)],
                                  seli_hbm.at[dsti.at[cidx]], sem)
            d1.wait()
            d2.wait()
            return 0
        lax.fori_loop(0, nce, sce, 0)

        for d in ydescs:
            d.wait()
        pltpu.sync_copy(ypv, tp_hbm.at[w])

    return pl.kernel(
        body, out_type=out_type,
        mesh=plsc.VectorSubcoreMesh(**_MESH),
        scratch_types=scratch,
        compiler_params=pltpu.CompilerParams(needs_layout_passes=False))


_PASSES = ((0, 0x7FF), (11, 0x7FF), (22, 0x3FF))


def _make_call2():
    out_type = (
        jax.ShapeDtypeStruct((_K,), _i32),
        jax.ShapeDtypeStruct((_NT, 4, 128), _f32),
    )
    scratch = [
        pltpu.VMEM((_K,), _i32),
        pltpu.VMEM((_K,), _i32),
        pltpu.VMEM((_K,), _i32),
        pltpu.VMEM((_K,), _i32),
        pltpu.VMEM((2048,), _i32),
        pltpu.VMEM((512,), _i32),
        pltpu.VMEM((4, 128), _i32),
        pltpu.VMEM((4, 128), _f32),
        pltpu.SemaphoreType.DMA,
    ]

    def body(selk_hbm, seli_hbm, probs_hbm, sidx_hbm, sp_hbm,
             Ak, Ai, Bk, Bi, hist, idx1d, idxv, pv, sem):
        w = lax.axis_index("s")

        @pl.when(w == 0)
        def _():
            pltpu.sync_copy(selk_hbm.at[pl.ds(0, _K)], Ak)
            pltpu.sync_copy(seli_hbm.at[pl.ds(0, _K)], Ai)

            def cv(j, _):
                kv = Ak[pl.ds(j * 16, 16)]
                Ak[pl.ds(j * 16, 16)] = jnp.bitwise_not(kv ^ _MININT)
                return 0
            lax.fori_loop(0, _K // 16, cv, 0)

            for p, (sh, msk) in enumerate(_PASSES):
                src_k, src_i = (Ak, Ai) if p % 2 == 0 else (Bk, Bi)
                dst_k, dst_i = (Bk, Bi) if p % 2 == 0 else (Ak, Ai)

                def zero(j, _):
                    hist[pl.ds(j * 16, 16)] = jnp.zeros((16,), _i32)
                    return 0
                lax.fori_loop(0, 128, zero, 0)

                def hb(j, _, sh=sh, msk=msk, src_k=src_k):
                    d = _lsr(src_k[pl.ds(j * 16, 16)], sh) & msk
                    cnt, lm = plsc.scan_count(d)
                    plsc.addupdate_scatter(hist, [d], cnt, mask=lm)
                    return 0
                lax.fori_loop(0, _K // 16, hb, 0)

                def px(j, carry):
                    hv = hist[pl.ds(j * 16, 16)]
                    cs = plsc.cumsum(hv)
                    hist[pl.ds(j * 16, 16)] = cs - hv + carry
                    return carry + _smax(cs)
                lax.fori_loop(0, 128, px, _i32(0))

                def mv(j, _, sh=sh, msk=msk, src_k=src_k, src_i=src_i,
                       dst_k=dst_k, dst_i=dst_i):
                    kv = src_k[pl.ds(j * 16, 16)]
                    iv = src_i[pl.ds(j * 16, 16)]
                    d = _lsr(kv, sh) & msk
                    cnt, lm = plsc.scan_count(d)
                    bsv = plsc.load_gather(hist, [d])
                    pos = jnp.clip(bsv + cnt - 1, 0, _K - 1)
                    plsc.store_scatter(dst_k, [pos], kv)
                    plsc.store_scatter(dst_i, [pos], iv)
                    plsc.store_scatter(hist, [d], bsv + cnt, mask=lm)
                    return 0
                lax.fori_loop(0, _K // 16, mv, 0)

            pltpu.sync_copy(Bi, sidx_hbm)
        plsc.subcore_barrier()

        pltpu.sync_copy(sidx_hbm.at[pl.ds(w * 512, 512)], idx1d)
        for j in range(4):
            for j2 in range(8):
                idxv[j, pl.ds(j2 * 16, 16)] = idx1d[pl.ds(j * 128 + j2 * 16, 16)]
        descs = [
            pltpu.async_copy(probs_hbm.at[idxv.at[j]], pv.at[j], sem)
            for j in range(4)
        ]
        for d in descs:
            d.wait()
        pltpu.sync_copy(pv, sp_hbm.at[w])

    return pl.kernel(
        body, out_type=out_type,
        mesh=plsc.VectorSubcoreMesh(**_MESH),
        scratch_types=scratch,
        compiler_params=pltpu.CompilerParams(needs_layout_passes=False))


_call1 = _make_call1()
_call2 = _make_call2()


def kernel(sampling_probs, y):
    gumbel = jax.random.gumbel(jax.random.key(42), (_V,), dtype=_f32)
    scores = jnp.log(sampling_probs + 1e-20) + gumbel
    b = lax.bitcast_convert_type(scores, jnp.uint32)
    u = jnp.where(b >> 31 != 0, ~b, b | jnp.uint32(0x80000000))
    skey = lax.bitcast_convert_type(u ^ jnp.uint32(0x80000000), _i32)
    skey = jnp.concatenate(
        [skey, jnp.full((_VP - _V,), _MININT, _i32)])
    y3 = y.reshape(_NT, 8, 128)

    selk, seli, tp, _ = _call1(skey, sampling_probs, y3)
    sidx, sp = _call2(selk, seli, sampling_probs)

    return (sidx, tp.reshape(_B), sp.reshape(_K))

# --- scband reference (transcript-rebuilt; emitter-appended) ---
"""Pipeline reference for scband-popularity-sampler-19086834663947 (READ-ONLY COPY).

The authoritative reference and input builder live on the scoring server;
editing this copy changes nothing except your own understanding.
"""

import jax, jax.numpy as jnp
import numpy as np

V = 1000000
B = 16384
N_SAMPLES = 8192
SMOOTH = 0.75
MIX = 0.1


def setup_inputs(seed: int = 0) -> dict:
    key = jax.random.key(seed)
    k1, k2 = jax.random.split(key, 2)
    # emulate _build_popularity_sampling_distribution: counts -> smoothed, normalized, uniform-mixed probs
    counts = jax.random.uniform(k1, (V,), dtype=jnp.float32, minval=0.0, maxval=1000.0)
    probs = (counts + 1e-10) ** SMOOTH
    probs = probs / probs.sum()
    probs = (1.0 - MIX) * probs + MIX * (jnp.ones((V,), dtype=jnp.float32) / V)
    y = jax.random.randint(k2, (B,), 0, V, dtype=jnp.int32)
    return {"sampling_probs": probs, "y": y}


def reference(sampling_probs, y):
    # torch.multinomial(probs, n, replacement=False) == Gumbel-top-k over log-probs
    gumbel = jax.random.gumbel(jax.random.key(42), (V,), dtype=jnp.float32)
    scores = jnp.log(sampling_probs + 1e-20) + gumbel
    _, sampled_indices = jax.lax.top_k(scores, N_SAMPLES)
    true_probs = jnp.take(sampling_probs, y, axis=0)
    sample_probs = jnp.take(sampling_probs, sampled_indices, axis=0)
    return (sampled_indices, true_probs, sample_probs)

if __name__ == "__main__":
    import jax
    _d = setup_inputs()
    print(jax.jit(kernel)(*tuple(_d.values())))

</pallas_src>

<mosaic_0001>
#map = affine_map<(d0, d1) -> (0)>
#map1 = affine_map<(d0, d1) -> (0, 0, 0)>
#map2 = affine_map<(d0, d1) -> (0, 0)>
module attributes {stable_mosaic.version = 14 : i64} {
  func.func @body(%arg0: i32, %arg1: i32, %arg2: memref<1000448xi32, #tpu.memory_space<hbm>>, %arg3: memref<1000000xf32, #tpu.memory_space<hbm>>, %arg4: memref<16x8x128xi32, #tpu.memory_space<hbm>>, %arg5: memref<8448xi32, #tpu.memory_space<hbm>>, %arg6: memref<8448xi32, #tpu.memory_space<hbm>>, %arg7: memref<16x8x128xf32, #tpu.memory_space<hbm>>, %arg8: memref<18x2048xi32, #tpu.memory_space<hbm>>, %arg9: memref<62528xi32, #tpu.memory_space<vmem>>, %arg10: memref<8192xi32, #tpu.memory_space<vmem>>, %arg11: memref<2048xi32, #tpu.memory_space<vmem>>, %arg12: memref<2048xi32, #tpu.memory_space<vmem>>, %arg13: memref<16x128xi32, #tpu.memory_space<vmem>>, %arg14: memref<128xi32, #tpu.memory_space<vmem>>, %arg15: memref<8224xi32, #tpu.memory_space<vmem>>, %arg16: memref<8224xi32, #tpu.memory_space<vmem>>, %arg17: memref<8224xi32, #tpu.memory_space<vmem>>, %arg18: memref<65x128xi32, #tpu.memory_space<vmem>>, %arg19: memref<128xi32, #tpu.memory_space<vmem>>, %arg20: memref<8x128xi32, #tpu.memory_space<vmem>>, %arg21: memref<8x128xf32, #tpu.memory_space<vmem>>, %arg22: memref<16xi32, #tpu.memory_space<vmem>>, %arg23: memref<!tpu.dma_semaphore, #tpu.memory_space<semaphore_mem>>, %arg24: memref<!tpu.dma_semaphore, #tpu.memory_space<semaphore_mem>>) attributes {dimension_semantics = [#tpu.dimension_semantics<core_parallel>, #tpu.dimension_semantics<subcore_parallel>], iteration_bounds = array<i64: 1, 16>, scalar_prefetch = 0 : i64, scratch_operands = 16 : i64, tpu.core_type = #tpu.core_type<sc_vector_subcore>, window_params = [{transform_indices = #map}, {transform_indices = #map}, {transform_indices = #map1}, {transform_indices = #map}, {transform_indices = #map}, {transform_indices = #map1}, {transform_indices = #map2}]} {
    %iota3A = tpu.iota {dimensions = array<i32: 0>} : vector<16xi32>
    %mul3A = arith.constant 62528 : i32
    %mul3A_0 = arith.muli %arg1, %mul3A : i32
    "tpu.region"() ({
      %run_scoped3A_878 = tpu.sem_alloc : memref<!tpu.dma_semaphore, #tpu.memory_space<semaphore_mem>>
      %dma_start3A_879 = arith.constant 0 : i32
      %dma_start3A_880 = arith.constant 0 : i32
      %dma_start3A_881 = tpu.memref_slice %arg4[%arg1, %dma_start3A_879, %dma_start3A_880] : memref<16x8x128xi32, #tpu.memory_space<hbm>> -> memref<1x8x128xi32, #tpu.memory_space<hbm>>
      %dma_start3A_882 = tpu.memref_squeeze %dma_start3A_881 : memref<1x8x128xi32, #tpu.memory_space<hbm>> -> memref<8x128xi32, #tpu.memory_space<hbm>>
      %dma_start3A_883 = arith.constant 0 : i32
      %dma_start3A_884 = arith.constant 0 : i32
      %dma_start3A_885 = tpu.memref_slice %arg4[%arg1, %dma_start3A_883, %dma_start3A_884] : memref<16x8x128xi32, #tpu.memory_space<hbm>> -> memref<1x8x128xi32, #tpu.memory_space<hbm>>
      %dma_start3A_886 = tpu.memref_squeeze %dma_start3A_885 : memref<1x8x128xi32, #tpu.memory_space<hbm>> -> memref<8x128xi32, #tpu.memory_space<hbm>>
      tpu.enqueue_dma source(%dma_start3A_886 : memref<8x128xi32, #tpu.memory_space<hbm>>) target(%arg20 : memref<8x128xi32, #tpu.memory_space<vmem>>) target_semaphore(%run_scoped3A_878 : memref<!tpu.dma_semaphore, #tpu.memory_space<semaphore_mem>>)
      %dma_wait3A_887 = arith.constant 0 : i32
      %dma_wait3A_888 = arith.constant 0 : i32
      %dma_wait3A_889 = tpu.memref_slice %arg4[%arg1, %dma_wait3A_887, %dma_wait3A_888] : memref<16x8x128xi32, #tpu.memory_space<hbm>> -> memref<1x8x128xi32, #tpu.memory_space<hbm>>
      %dma_wait3A_890 = tpu.memref_squeeze %dma_wait3A_889 : memref<1x8x128xi32, #tpu.memory_space<hbm>> -> memref<8x128xi32, #tpu.memory_space<hbm>>
      %dma_wait3A_891 = arith.constant 0 : i32
      %dma_wait3A_892 = arith.constant 0 : i32
      %dma_wait3A_893 = tpu.memref_slice %arg4[%arg1, %dma_wait3A_891, %dma_wait3A_892] : memref<16x8x128xi32, #tpu.memory_space<hbm>> -> memref<1x8x128xi32, #tpu.memory_space<hbm>>
      %dma_wait3A_894 = tpu.memref_squeeze %dma_wait3A_893 : memref<1x8x128xi32, #tpu.memory_space<hbm>> -> memref<8x128xi32, #tpu.memory_space<hbm>>
      tpu.wait_dma2 semaphore(%run_scoped3A_878 : memref<!tpu.dma_semaphore, #tpu.memory_space<semaphore_mem>>) src(%dma_wait3A_894 : memref<8x128xi32, #tpu.memory_space<hbm>>) dst(%arg20 : memref<8x128xi32, #tpu.memory_space<vmem>>)
      tpu.yield
    }) : () -> ()
    %dma_start3A = arith.constant 0 : i32
    %dma_start3A_1 = arith.constant 0 : i32
    %dma_start3A_2 = arith.constant 0 : i32
    %dma_start3A_3 = tpu.memref_slice %arg21[%dma_start3A_1, %dma_start3A_2] : memref<8x128xf32, #tpu.memory_space<vmem>> -> memref<1x128xf32, #tpu.memory_space<vmem>>
    %dma_start3A_4 = tpu.memref_squeeze %dma_start3A_3 : memref<1x128xf32, #tpu.memory_space<vmem>> -> memref<128xf32, #tpu.memory_space<vmem>>
    %dma_start3A_5 = arith.constant 0 : i32
    %dma_start3A_6 = tpu.memref_slice %arg20[%dma_start3A, %dma_start3A_5] : memref<8x128xi32, #tpu.memory_space<vmem>> -> memref<1x128xi32, #tpu.memory_space<vmem>>
    %dma_start3A_7 = tpu.memref_squeeze %dma_start3A_6 : memref<1x128xi32, #tpu.memory_space<vmem>> -> memref<128xi32, #tpu.memory_space<vmem>>
    %dma_start3A_8 = arith.constant 0 : i32
    %dma_start3A_9 = tpu.memref_slice %arg3[%dma_start3A_8] : memref<1000000xf32, #tpu.memory_space<hbm>> -> memref<1000000xf32, #tpu.memory_space<hbm>>
    tpu.enqueue_indirect_dma source(%dma_start3A_9 : memref<1000000xf32, #tpu.memory_space<hbm>>) target(%dma_start3A_4 : memref<128xf32, #tpu.memory_space<vmem>>) offsets(%dma_start3A_7 : memref<128xi32, #tpu.memory_space<vmem>>) semaphore(%arg24 : memref<!tpu.dma_semaphore, #tpu.memory_space<semaphore_mem>>)
    %dma_start3A_10 = arith.constant 1 : i32
    %dma_start3A_11 = arith.constant 1 : i32
    %dma_start3A_12 = arith.constant 0 : i32
    %dma_start3A_13 = tpu.memref_slice %arg21[%dma_start3A_11, %dma_start3A_12] : memref<8x128xf32, #tpu.memory_space<vmem>> -> memref<1x128xf32, #tpu.memory_space<vmem>>
    %dma_start3A_14 = tpu.memref_squeeze %dma_start3A_13 : memref<1x128xf32, #tpu.memory_space<vmem>> -> memref<128xf32, #tpu.memory_space<vmem>>
    %dma_start3A_15 = arith.constant 0 : i32
    %dma_start3A_16 = tpu.memref_slice %arg20[%dma_start3A_10, %dma_start3A_15] : memref<8x128xi32, #tpu.memory_space<vmem>> -> memref<1x128xi32, #tpu.memory_space<vmem>>
    %dma_start3A_17 = tpu.memref_squeeze %dma_start3A_16 : memref<1x128xi32, #tpu.memory_space<vmem>> -> memref<128xi32, #tpu.memory_space<vmem>>
    %dma_start3A_18 = arith.constant 0 : i32
    %dma_start3A_19 = tpu.memref_slice %arg3[%dma_start3A_18] : memref<1000000xf32, #tpu.memory_space<hbm>> -> memref<1000000xf32, #tpu.memory_space<hbm>>
    tpu.enqueue_indirect_dma source(%dma_start3A_19 : memref<1000000xf32, #tpu.memory_space<hbm>>) target(%dma_start3A_14 : memref<128xf32, #tpu.memory_space<vmem>>) offsets(%dma_start3A_17 : memref<128xi32, #tpu.memory_space<vmem>>) semaphore(%arg24 : memref<!tpu.dma_semaphore, #tpu.memory_space<semaphore_mem>>)
    %dma_start3A_20 = arith.constant 2 : i32
    %dma_start3A_21 = arith.constant 2 : i32
    %dma_start3A_22 = arith.constant 0 : i32
    %dma_start3A_23 = tpu.memref_slice %arg21[%dma_start3A_21, %dma_start3A_22] : memref<8x128xf32, #tpu.memory_space<vmem>> -> memref<1x128xf32, #tpu.memory_space<vmem>>
    %dma_start3A_24 = tpu.memref_squeeze %dma_start3A_23 : memref<1x128xf32, #tpu.memory_space<vmem>> -> memref<128xf32, #tpu.memory_space<vmem>>
    %dma_start3A_25 = arith.constant 0 : i32
    %dma_start3A_26 = tpu.memref_slice %arg20[%dma_start3A_20, %dma_start3A_25] : memref<8x128xi32, #tpu.memory_space<vmem>> -> memref<1x128xi32, #tpu.memory_space<vmem>>
    %dma_start3A_27 = tpu.memref_squeeze %dma_start3A_26 : memref<1x128xi32, #tpu.memory_space<vmem>> -> memref<128xi32, #tpu.memory_space<vmem>>
    %dma_start3A_28 = arith.constant 0 : i32
    %dma_start3A_29 = tpu.memref_slice %arg3[%dma_start3A_28] : memref<1000000xf32, #tpu.memory_space<hbm>> -> memref<1000000xf32, #tpu.memory_space<hbm>>
    tpu.enqueue_indirect_dma source(%dma_start3A_29 : memref<1000000xf32, #tpu.memory_space<hbm>>) target(%dma_start3A_24 : memref<128xf32, #tpu.memory_space<vmem>>) offsets(%dma_start3A_27 : memref<128xi32, #tpu.memory_space<vmem>>) semaphore(%arg24 : memref<!tpu.dma_semaphore, #tpu.memory_space<semaphore_mem>>)
    %dma_start3A_30 = arith.constant 3 : i32
    %dma_start3A_31 = arith.constant 3 : i32
    %dma_start3A_32 = arith.constant 0 : i32
    %dma_start3A_33 = tpu.memref_slice %arg21[%dma_start3A_31, %dma_start3A_32] : memref<8x128xf32, #tpu.memory_space<vmem>> -> memref<1x128xf32, #tpu.memory_space<vmem>>
    %dma_start3A_34 = tpu.memref_squeeze %dma_start3A_33 : memref<1x128xf32, #tpu.memory_space<vmem>> -> memref<128xf32, #tpu.memory_space<vmem>>
    %dma_start3A_35 = arith.constant 0 : i32
    %dma_start3A_36 = tpu.memref_slice %arg20[%dma_start3A_30, %dma_start3A_35] : memref<8x128xi32, #tpu.memory_space<vmem>> -> memref<1x128xi32, #tpu.memory_space<vmem>>
    %dma_start3A_37 = tpu.memref_squeeze %dma_start3A_36 : memref<1x128xi32, #tpu.memory_space<vmem>> -> memref<128xi32, #tpu.memory_space<vmem>>
    %dma_start3A_38 = arith.constant 0 : i32
    %dma_start3A_39 = tpu.memref_slice %arg3[%dma_start3A_38] : memref<1000000xf32, #tpu.memory_space<hbm>> -> memref<1000000xf32, #tpu.memory_space<hbm>>
    tpu.enqueue_indirect_dma source(%dma_start3A_39 : memref<1000000xf32, #tpu.memory_space<hbm>>) target(%dma_start3A_34 : memref<128xf32, #tpu.memory_space<vmem>>) offsets(%dma_start3A_37 : memref<128xi32, #tpu.memory_space<vmem>>) semaphore(%arg24 : memref<!tpu.dma_semaphore, #tpu.memory_space<semaphore_mem>>)
    %dma_start3A_40 = arith.constant 4 : i32
    %dma_start3A_41 = arith.constant 4 : i32
    %dma_start3A_42 = arith.constant 0 : i32
    %dma_start3A_43 = tpu.memref_slice %arg21[%dma_start3A_41, %dma_start3A_42] : memref<8x128xf32, #tpu.memory_space<vmem>> -> memref<1x128xf32, #tpu.memory_space<vmem>>
    %dma_start3A_44 = tpu.memref_squeeze %dma_start3A_43 : memref<1x128xf32, #tpu.memory_space<vmem>> -> memref<128xf32, #tpu.memory_space<vmem>>
    %dma_start3A_45 = arith.constant 0 : i32
    %dma_start3A_46 = tpu.memref_slice %arg20[%dma_start3A_40, %dma_start3A_45] : memref<8x128xi32, #tpu.memory_space<vmem>> -> memref<1x128xi32, #tpu.memory_space<vmem>>
    %dma_start3A_47 = tpu.memref_squeeze %dma_start3A_46 : memref<1x128xi32, #tpu.memory_space<vmem>> -> memref<128xi32, #tpu.memory_space<vmem>>
    %dma_start3A_48 = arith.constant 0 : i32
    %dma_start3A_49 = tpu.memref_slice %arg3[%dma_start3A_48] : memref<1000000xf32, #tpu.memory_space<hbm>> -> memref<1000000xf32, #tpu.memory_space<hbm>>
    tpu.enqueue_indirect_dma source(%dma_start3A_49 : memref<1000000xf32, #tpu.memory_space<hbm>>) target(%dma_start3A_44 : memref<128xf32, #tpu.memory_space<vmem>>) offsets(%dma_start3A_47 : memref<128xi32, #tpu.memory_space<vmem>>) semaphore(%arg24 : memref<!tpu.dma_semaphore, #tpu.memory_space<semaphore_mem>>)
    %dma_start3A_50 = arith.constant 5 : i32
    %dma_start3A_51 = arith.constant 5 : i32
    %dma_start3A_52 = arith.constant 0 : i32
    %dma_start3A_53 = tpu.memref_slice %arg21[%dma_start3A_51, %dma_start3A_52] : memref<8x128xf32, #tpu.memory_space<vmem>> -> memref<1x128xf32, #tpu.memory_space<vmem>>
    %dma_start3A_54 = tpu.memref_squeeze %dma_start3A_53 : memref<1x128xf32, #tpu.memory_space<vmem>> -> memref<128xf32, #tpu.memory_space<vmem>>
    %dma_start3A_55 = arith.constant 0 : i32
    %dma_start3A_56 = tpu.memref_slice %arg20[%dma_start3A_50, %dma_start3A_55] : memref<8x128xi32, #tpu.memory_space<vmem>> -> memref<1x128xi32, #tpu.memory_space<vmem>>
    %dma_start3A_57 = tpu.memref_squeeze %dma_start3A_56 : memref<1x128xi32, #tpu.memory_space<vmem>> -> memref<128xi32, #tpu.memory_space<vmem>>
    %dma_start3A_58 = arith.constant 0 : i32
    %dma_start3A_59 = tpu.memref_slice %arg3[%dma_start3A_58] : memref<1000000xf32, #tpu.memory_space<hbm>> -> memref<1000000xf32, #tpu.memory_space<hbm>>
    tpu.enqueue_indirect_dma source(%dma_start3A_59 : memref<1000000xf32, #tpu.memory_space<hbm>>) target(%dma_start3A_54 : memref<128xf32, #tpu.memory_space<vmem>>) offsets(%dma_start3A_57 : memref<128xi32, #tpu.memory_space<vmem>>) semaphore(%arg24 : memref<!tpu.dma_semaphore, #tpu.memory_space<semaphore_mem>>)
    %dma_start3A_60 = arith.constant 6 : i32
    %dma_start3A_61 = arith.constant 6 : i32
    %dma_start3A_62 = arith.constant 0 : i32
    %dma_start3A_63 = tpu.memref_slice %arg21[%dma_start3A_61, %dma_start3A_62] : memref<8x128xf32, #tpu.memory_space<vmem>> -> memref<1x128xf32, #tpu.memory_space<vmem>>
    %dma_start3A_64 = tpu.memref_squeeze %dma_start3A_63 : memref<1x128xf32, #tpu.memory_space<vmem>> -> memref<128xf32, #tpu.memory_space<vmem>>
    %dma_start3A_65 = arith.constant 0 : i32
    %dma_start3A_66 = tpu.memref_slice %arg20[%dma_start3A_60, %dma_start3A_65] : memref<8x128xi32, #tpu.memory_space<vmem>> -> memref<1x128xi32, #tpu.memory_space<vmem>>
    %dma_start3A_67 = tpu.memref_squeeze %dma_start3A_66 : memref<1x128xi32, #tpu.memory_space<vmem>> -> memref<128xi32, #tpu.memory_space<vmem>>
    %dma_start3A_68 = arith.constant 0 : i32
    %dma_start3A_69 = tpu.memref_slice %arg3[%dma_start3A_68] : memref<1000000xf32, #tpu.memory_space<hbm>> -> memref<1000000xf32, #tpu.memory_space<hbm>>
    tpu.enqueue_indirect_dma source(%dma_start3A_69 : memref<1000000xf32, #tpu.memory_space<hbm>>) target(%dma_start3A_64 : memref<128xf32, #tpu.memory_space<vmem>>) offsets(%dma_start3A_67 : memref<128xi32, #tpu.memory_space<vmem>>) semaphore(%arg24 : memref<!tpu.dma_semaphore, #tpu.memory_space<semaphore_mem>>)
    %dma_start3A_70 = arith.constant 7 : i32
    %dma_start3A_71 = arith.constant 7 : i32
    %dma_start3A_72 = arith.constant 0 : i32
    %dma_start3A_73 = tpu.memref_slice %arg21[%dma_start3A_71, %dma_start3A_72] : memref<8x128xf32, #tpu.memory_space<vmem>> -> memref<1x128xf32, #tpu.memory_space<vmem>>
    %dma_start3A_74 = tpu.memref_squeeze %dma_start3A_73 : memref<1x128xf32, #tpu.memory_space<vmem>> -> memref<128xf32, #tpu.memory_space<vmem>>
    %dma_start3A_75 = arith.constant 0 : i32
    %dma_start3A_76 = tpu.memref_slice %arg20[%dma_start3A_70, %dma_start3A_75] : memref<8x128xi32, #tpu.memory_space<vmem>> -> memref<1x128xi32, #tpu.memory_space<vmem>>
    %dma_start3A_77 = tpu.memref_squeeze %dma_start3A_76 : memref<1x128xi32, #tpu.memory_space<vmem>> -> memref<128xi32, #tpu.memory_space<vmem>>
    %dma_start3A_78 = arith.constant 0 : i32
    %dma_start3A_79 = tpu.memref_slice %arg3[%dma_start3A_78] : memref<1000000xf32, #tpu.memory_space<hbm>> -> memref<1000000xf32, #tpu.memory_space<hbm>>
    tpu.enqueue_indirect_dma source(%dma_start3A_79 : memref<1000000xf32, #tpu.memory_space<hbm>>) target(%dma_start3A_74 : memref<128xf32, #tpu.memory_space<vmem>>) offsets(%dma_start3A_77 : memref<128xi32, #tpu.memory_space<vmem>>) semaphore(%arg24 : memref<!tpu.dma_semaphore, #tpu.memory_space<semaphore_mem>>)
    "tpu.region"() ({
      %run_scoped3A_878 = tpu.sem_alloc : memref<!tpu.dma_semaphore, #tpu.memory_space<semaphore_mem>>
      %dma_start3A_879 = tpu.memref_slice %arg2[%mul3A_0] : memref<1000448xi32, #tpu.memory_space<hbm>> -> memref<62528xi32, #tpu.memory_space<hbm>>
      %dma_start3A_880 = tpu.memref_slice %arg2[%mul3A_0] : memref<1000448xi32, #tpu.memory_space<hbm>> -> memref<62528xi32, #tpu.memory_space<hbm>>
      tpu.enqueue_dma source(%dma_start3A_880 : memref<62528xi32, #tpu.memory_space<hbm>>) target(%arg9 : memref<62528xi32, #tpu.memory_space<vmem>>) target_semaphore(%run_scoped3A_878 : memref<!tpu.dma_semaphore, #tpu.memory_space<semaphore_mem>>)
      %dma_wait3A_881 = tpu.memref_slice %arg2[%mul3A_0] : memref<1000448xi32, #tpu.memory_space<hbm>> -> memref<62528xi32, #tpu.memory_space<hbm>>
      %dma_wait3A_882 = tpu.memref_slice %arg2[%mul3A_0] : memref<1000448xi32, #tpu.memory_space<hbm>> -> memref<62528xi32, #tpu.memory_space<hbm>>
      tpu.wait_dma2 semaphore(%run_scoped3A_878 : memref<!tpu.dma_semaphore, #tpu.memory_space<semaphore_mem>>) src(%dma_wait3A_882 : memref<62528xi32, #tpu.memory_space<hbm>>) dst(%arg9 : memref<62528xi32, #tpu.memory_space<vmem>>)
      tpu.yield
    }) : () -> ()
    %scan3A = arith.constant 0 : i32
    %scan3A_80 = arith.constant 0 : i32
    %scan3A_81 = arith.constant 512 : i32
    %scan3A_82 = arith.addi %scan3A_80, %scan3A_81 : i32
    %scan3A_83 = arith.constant 1 : i32
    %scan3A_84 = scf.for %scan3A_878 = %scan3A_80 to %scan3A_82 step %scan3A_83 iter_args(%scan3A_879 = %scan3A) -> (i32)  : i32 {
      %broadcast_in_dim3A_880 = arith.constant 0 : i32
      %broadcast_in_dim3A_881 = vector.broadcast %broadcast_in_dim3A_880 : i32 to vector<16xi32>
      %mul3A_882 = arith.constant 16 : i32
      %mul3A_883 = arith.muli %scan3A_878, %mul3A_882 : i32
      %swap3A_884 = arith.index_cast %mul3A_883 : i32 to index
      %swap3A_885 = tpu.vector_load %arg10[%swap3A_884] {strides = array<i32>} : memref<8192xi32, #tpu.memory_space<vmem>>, vector<16xi32>,
      tpu.vector_store %arg10[%swap3A_884], %broadcast_in_dim3A_881 {strides = array<i32>} : memref<8192xi32, #tpu.memory_space<vmem>>, vector<16xi32>,
      %scan3A_886 = arith.constant 0 : i32
      scf.yield %scan3A_886 : i32
    }
    %scan3A_85 = arith.constant 512 : i32
    %scan3A_86 = arith.constant 0 : i32
    %scan3A_87 = arith.constant 0 : i32
    %scan3A_88 = arith.constant 977 : i32
    %scan3A_89 = arith.addi %scan3A_87, %scan3A_88 : i32
    %scan3A_90 = arith.constant 1 : i32
    %scan3A_91 = scf.for %scan3A_878 = %scan3A_87 to %scan3A_89 step %scan3A_90 iter_args(%scan3A_879 = %scan3A_86) -> (i32)  : i32 {
      %mul3A_880 = arith.constant 4 : i32
      %mul3A_881 = arith.muli %scan3A_878, %mul3A_880 : i32
      %add3A_882 = arith.constant 0 : i32
      %add3A_883 = arith.addi %mul3A_881, %add3A_882 : i32
      %mul3A_884 = arith.constant 16 : i32
      %mul3A_885 = arith.muli %add3A_883, %mul3A_884 : i32
      %get3A_886 = arith.index_cast %mul3A_885 : i32 to index
      %get3A_887 = tpu.vector_load %arg9[%get3A_886] {strides = array<i32>} : memref<62528xi32, #tpu.memory_space<vmem>>, vector<16xi32>,
      %xor3A_888 = arith.constant -2147483648 : i32
      %xor3A_889 = vector.broadcast %xor3A_888 : i32 to vector<16xi32>
      %xor3A_890 = arith.xori %get3A_887, %xor3A_889 : vector<16xi32>
      %bitcast3A = vector.bitcast %xor3A_890 : vector<16xi32> to vector<16xi32>
      %shift_right_logical3A = arith.constant 21 : i32
      %shift_right_logical3A_891 = vector.broadcast %shift_right_logical3A : i32 to vector<16xi32>
      %shift_right_logical3A_892 = arith.shrui %bitcast3A, %shift_right_logical3A_891 : vector<16xi32>
      %bitcast3A_893 = vector.bitcast %shift_right_logical3A_892 : vector<16xi32> to vector<16xi32>
      %and3A = arith.constant 2047 : i32
      %and3A_894 = vector.broadcast %and3A : i32 to vector<16xi32>
      %and3A_895 = arith.andi %bitcast3A_893, %and3A_894 : vector<16xi32>
      %add3A_896 = arith.constant 0 : i32
      %add3A_897 = vector.broadcast %add3A_896 : i32 to vector<16xi32>
      %add3A_898 = arith.addi %and3A_895, %add3A_897 : vector<16xi32>
      %broadcast_in_dim3A_899 = arith.constant true
      %broadcast_in_dim3A_900 = vector.broadcast %broadcast_in_dim3A_899 : i1 to vector<16xi1>
      %unique3A, %unique3A_901 = tpu.scan_count mask(%broadcast_in_dim3A_900 : vector<16xi1>) value(%add3A_898 : vector<16xi32>) : vector<16xi1>, vector<16xi32>
      tpu.vector_store_idx %arg10[%add3A_898], %unique3A_901 masked %unique3A {add = true} : memref<8192xi32, #tpu.memory_space<vmem>>[vector<16xi32>], vector<16xi32>, vector<16xi1>
      %mul3A_902 = arith.constant 4 : i32
      %mul3A_903 = arith.muli %scan3A_878, %mul3A_902 : i32
      %add3A_904 = arith.constant 1 : i32
      %add3A_905 = arith.addi %mul3A_903, %add3A_904 : i32
      %mul3A_906 = arith.constant 16 : i32
      %mul3A_907 = arith.muli %add3A_905, %mul3A_906 : i32
      %get3A_908 = arith.index_cast %mul3A_907 : i32 to index
      %get3A_909 = tpu.vector_load %arg9[%get3A_908] {strides = array<i32>} : memref<62528xi32, #tpu.memory_space<vmem>>, vector<16xi32>,
      %xor3A_910 = arith.constant -2147483648 : i32
      %xor3A_911 = vector.broadcast %xor3A_910 : i32 to vector<16xi32>
      %xor3A_912 = arith.xori %get3A_909, %xor3A_911 : vector<16xi32>
      %bitcast3A_913 = vector.bitcast %xor3A_912 : vector<16xi32> to vector<16xi32>
      %shift_right_logical3A_914 = arith.constant 21 : i32
      %shift_right_logical3A_915 = vector.broadcast %shift_right_logical3A_914 : i32 to vector<16xi32>
      %shift_right_logical3A_916 = arith.shrui %bitcast3A_913, %shift_right_logical3A_915 : vector<16xi32>
      %bitcast3A_917 = vector.bitcast %shift_right_logical3A_916 : vector<16xi32> to vector<16xi32>
      %and3A_918 = arith.constant 2047 : i32
      %and3A_919 = vector.broadcast %and3A_918 : i32 to vector<16xi32>
      %and3A_920 = arith.andi %bitcast3A_917, %and3A_919 : vector<16xi32>
      %add3A_921 = arith.constant 2048 : i32
      %add3A_922 = vector.broadcast %add3A_921 : i32 to vector<16xi32>
      %add3A_923 = arith.addi %and3A_920, %add3A_922 : vector<16xi32>
      %broadcast_in_dim3A_924 = arith.constant true
      %broadcast_in_dim3A_925 = vector.broadcast %broadcast_in_dim3A_924 : i1 to vector<16xi1>
      %unique3A_926, %unique3A_927 = tpu.scan_count mask(%broadcast_in_dim3A_925 : vector<16xi1>) value(%add3A_923 : vector<16xi32>) : vector<16xi1>, vector<16xi32>
      tpu.vector_store_idx %arg10[%add3A_923], %unique3A_927 masked %unique3A_926 {add = true} : memref<8192xi32, #tpu.memory_space<vmem>>[vector<16xi32>], vector<16xi32>, vector<16xi1>
      %mul3A_928 = arith.constant 4 : i32
      %mul3A_929 = arith.muli %scan3A_878, %mul3A_928 : i32
      %add3A_930 = arith.constant 2 : i32
      %add3A_931 = arith.addi %mul3A_929, %add3A_930 : i32
      %mul3A_932 = arith.constant 16 : i32
      %mul3A_933 = arith.muli %add3A_931, %mul3A_932 : i32
      %get3A_934 = arith.index_cast %mul3A_933 : i32 to index
      %get3A_935 = tpu.vector_load %arg9[%get3A_934] {strides = array<i32>} : memref<62528xi32, #tpu.memory_space<vmem>>, vector<16xi32>,
      %xor3A_936 = arith.constant -2147483648 : i32
      %xor3A_937 = vector.broadcast %xor3A_936 : i32 to vector<16xi32>
      %xor3A_938 = arith.xori %get3A_935, %xor3A_937 : vector<16xi32>
      %bitcast3A_939 = vector.bitcast %xor3A_938 : vector<16xi32> to vector<16xi32>
      %shift_right_logical3A_940 = arith.constant 21 : i32
      %shift_right_logical3A_941 = vector.broadcast %shift_right_logical3A_940 : i32 to vector<16xi32>
      %shift_right_logical3A_942 = arith.shrui %bitcast3A_939, %shift_right_logical3A_941 : vector<16xi32>
      %bitcast3A_943 = vector.bitcast %shift_right_logical3A_942 : vector<16xi32> to vector<16xi32>
      %and3A_944 = arith.constant 2047 : i32
      %and3A_945 = vector.broadcast %and3A_944 : i32 to vector<16xi32>
      %and3A_946 = arith.andi %bitcast3A_943, %and3A_945 : vector<16xi32>
      %add3A_947 = arith.constant 4096 : i32
      %add3A_948 = vector.broadcast %add3A_947 : i32 to vector<16xi32>
      %add3A_949 = arith.addi %and3A_946, %add3A_948 : vector<16xi32>
      %broadcast_in_dim3A_950 = arith.constant true
      %broadcast_in_dim3A_951 = vector.broadcast %broadcast_in_dim3A_950 : i1 to vector<16xi1>
      %unique3A_952, %unique3A_953 = tpu.scan_count mask(%broadcast_in_dim3A_951 : vector<16xi1>) value(%add3A_949 : vector<16xi32>) : vector<16xi1>, vector<16xi32>
      tpu.vector_store_idx %arg10[%add3A_949], %unique3A_953 masked %unique3A_952 {add = true} : memref<8192xi32, #tpu.memory_space<vmem>>[vector<16xi32>], vector<16xi32>, vector<16xi1>
      %mul3A_954 = arith.constant 4 : i32
      %mul3A_955 = arith.muli %scan3A_878, %mul3A_954 : i32
      %add3A_956 = arith.constant 3 : i32
      %add3A_957 = arith.addi %mul3A_955, %add3A_956 : i32
      %mul3A_958 = arith.constant 16 : i32
      %mul3A_959 = arith.muli %add3A_957, %mul3A_958 : i32
      %get3A_960 = arith.index_cast %mul3A_959 : i32 to index
      %get3A_961 = tpu.vector_load %arg9[%get3A_960] {strides = array<i32>} : memref<62528xi32, #tpu.memory_space<vmem>>, vector<16xi32>,
      %xor3A_962 = arith.constant -2147483648 : i32
      %xor3A_963 = vector.broadcast %xor3A_962 : i32 to vector<16xi32>
      %xor3A_964 = arith.xori %get3A_961, %xor3A_963 : vector<16xi32>
      %bitcast3A_965 = vector.bitcast %xor3A_964 : vector<16xi32> to vector<16xi32>
      %shift_right_logical3A_966 = arith.constant 21 : i32
      %shift_right_logical3A_967 = vector.broadcast %shift_right_logical3A_966 : i32 to vector<16xi32>
      %shift_right_logical3A_968 = arith.shrui %bitcast3A_965, %shift_right_logical3A_967 : vector<16xi32>
      %bitcast3A_969 = vector.bitcast %shift_right_logical3A_968 : vector<16xi32> to vector<16xi32>
      %and3A_970 = arith.constant 2047 : i32
      %and3A_971 = vector.broadcast %and3A_970 : i32 to vector<16xi32>
      %and3A_972 = arith.andi %bitcast3A_969, %and3A_971 : vector<16xi32>
      %add3A_973 = arith.constant 6144 : i32
      %add3A_974 = vector.broadcast %add3A_973 : i32 to vector<16xi32>
      %add3A_975 = arith.addi %and3A_972, %add3A_974 : vector<16xi32>
      %broadcast_in_dim3A_976 = arith.constant true
      %broadcast_in_dim3A_977 = vector.broadcast %broadcast_in_dim3A_976 : i1 to vector<16xi1>
      %unique3A_978, %unique3A_979 = tpu.scan_count mask(%broadcast_in_dim3A_977 : vector<16xi1>) value(%add3A_975 : vector<16xi32>) : vector<16xi1>, vector<16xi32>
      tpu.vector_store_idx %arg10[%add3A_975], %unique3A_979 masked %unique3A_978 {add = true} : memref<8192xi32, #tpu.memory_space<vmem>>[vector<16xi32>], vector<16xi32>, vector<16xi1>
      %scan3A_980 = arith.constant 0 : i32
      scf.yield %scan3A_980 : i32
    }
    %scan3A_92 = arith.constant 977 : i32
    %scan3A_93 = arith.constant 0 : i32
    %scan3A_94 = arith.constant 0 : i32
    %scan3A_95 = arith.constant 128 : i32
    %scan3A_96 = arith.addi %scan3A_94, %scan3A_95 : i32
    %scan3A_97 = arith.constant 1 : i32
    %scan3A_98 = scf.for %scan3A_878 = %scan3A_94 to %scan3A_96 step %scan3A_97 iter_args(%scan3A_879 = %scan3A_93) -> (i32)  : i32 {
      %mul3A_880 = arith.constant 16 : i32
      %mul3A_881 = arith.muli %scan3A_878, %mul3A_880 : i32
      %get3A_882 = arith.index_cast %mul3A_881 : i32 to index
      %get3A_883 = tpu.vector_load %arg10[%get3A_882] {strides = array<i32>} : memref<8192xi32, #tpu.memory_space<vmem>>, vector<16xi32>,
      %mul3A_884 = arith.constant 16 : i32
      %mul3A_885 = arith.muli %scan3A_878, %mul3A_884 : i32
      %add3A_886 = arith.constant 2048 : i32
      %add3A_887 = arith.addi %add3A_886, %mul3A_885 : i32
      %get3A_888 = arith.index_cast %add3A_887 : i32 to index
      %get3A_889 = tpu.vector_load %arg10[%get3A_888] {strides = array<i32>} : memref<8192xi32, #tpu.memory_space<vmem>>, vector<16xi32>,
      %add3A_890 = arith.addi %get3A_883, %get3A_889 : vector<16xi32>
      %mul3A_891 = arith.constant 16 : i32
      %mul3A_892 = arith.muli %scan3A_878, %mul3A_891 : i32
      %add3A_893 = arith.constant 4096 : i32
      %add3A_894 = arith.addi %add3A_893, %mul3A_892 : i32
      %get3A_895 = arith.index_cast %add3A_894 : i32 to index
      %get3A_896 = tpu.vector_load %arg10[%get3A_895] {strides = array<i32>} : memref<8192xi32, #tpu.memory_space<vmem>>, vector<16xi32>,
      %add3A_897 = arith.addi %add3A_890, %get3A_896 : vector<16xi32>
      %mul3A_898 = arith.constant 16 : i32
      %mul3A_899 = arith.muli %scan3A_878, %mul3A_898 : i32
      %add3A_900 = arith.constant 6144 : i32
      %add3A_901 = arith.addi %add3A_900, %mul3A_899 : i32
      %get3A_902 = arith.index_cast %add3A_901 : i32 to index
      %get3A_903 = tpu.vector_load %arg10[%get3A_902] {strides = array<i32>} : memref<8192xi32, #tpu.memory_space<vmem>>, vector<16xi32>,
      %add3A_904 = arith.addi %add3A_897, %get3A_903 : vector<16xi32>
      %mul3A_905 = arith.constant 16 : i32
      %mul3A_906 = arith.muli %scan3A_878, %mul3A_905 : i32
      %swap3A_907 = arith.index_cast %mul3A_906 : i32 to index
      %swap3A_908 = tpu.vector_load %arg11[%swap3A_907] {strides = array<i32>} : memref<2048xi32, #tpu.memory_space<vmem>>, vector<16xi32>,
      tpu.vector_store %arg11[%swap3A_907], %add3A_904 {strides = array<i32>} : memref<2048xi32, #tpu.memory_space<vmem>>, vector<16xi32>,
      %scan3A_909 = arith.constant 0 : i32
      scf.yield %scan3A_909 : i32
    }
    %scan3A_99 = arith.constant 128 : i32
    "tpu.region"() ({
      %run_scoped3A_878 = tpu.sem_alloc : memref<!tpu.dma_semaphore, #tpu.memory_space<semaphore_mem>>
      %dma_start3A_879 = arith.constant 0 : i32
      %dma_start3A_880 = tpu.memref_slice %arg8[%arg1, %dma_start3A_879] : memref<18x2048xi32, #tpu.memory_space<hbm>> -> memref<1x2048xi32, #tpu.memory_space<hbm>>
      %dma_start3A_881 = tpu.memref_squeeze %dma_start3A_880 : memref<1x2048xi32, #tpu.memory_space<hbm>> -> memref<2048xi32, #tpu.memory_space<hbm>>
      %dma_start3A_882 = arith.constant 0 : i32
      %dma_start3A_883 = tpu.memref_slice %arg8[%arg1, %dma_start3A_882] : memref<18x2048xi32, #tpu.memory_space<hbm>> -> memref<1x2048xi32, #tpu.memory_space<hbm>>
      %dma_start3A_884 = tpu.memref_squeeze %dma_start3A_883 : memref<1x2048xi32, #tpu.memory_space<hbm>> -> memref<2048xi32, #tpu.memory_space<hbm>>
      tpu.enqueue_dma source(%arg11 : memref<2048xi32, #tpu.memory_space<vmem>>) target(%dma_start3A_884 : memref<2048xi32, #tpu.memory_space<hbm>>) target_semaphore(%run_scoped3A_878 : memref<!tpu.dma_semaphore, #tpu.memory_space<semaphore_mem>>)
      %dma_wait3A_885 = arith.constant 0 : i32
      %dma_wait3A_886 = tpu.memref_slice %arg8[%arg1, %dma_wait3A_885] : memref<18x2048xi32, #tpu.memory_space<hbm>> -> memref<1x2048xi32, #tpu.memory_space<hbm>>
      %dma_wait3A_887 = tpu.memref_squeeze %dma_wait3A_886 : memref<1x2048xi32, #tpu.memory_space<hbm>> -> memref<2048xi32, #tpu.memory_space<hbm>>
      %dma_wait3A_888 = arith.constant 0 : i32
      %dma_wait3A_889 = tpu.memref_slice %arg8[%arg1, %dma_wait3A_888] : memref<18x2048xi32, #tpu.memory_space<hbm>> -> memref<1x2048xi32, #tpu.memory_space<hbm>>
      %dma_wait3A_890 = tpu.memref_squeeze %dma_wait3A_889 : memref<1x2048xi32, #tpu.memory_space<hbm>> -> memref<2048xi32, #tpu.memory_space<hbm>>
      tpu.wait_dma2 semaphore(%run_scoped3A_878 : memref<!tpu.dma_semaphore, #tpu.memory_space<semaphore_mem>>) src(%arg11 : memref<2048xi32, #tpu.memory_space<vmem>>) dst(%dma_wait3A_890 : memref<2048xi32, #tpu.memory_space<hbm>>)
      tpu.yield
    }) : () -> ()
    %barrier3A = arith.constant 0 : index
    tpu.barrier barrier_id(%barrier3A)
    %mul3A_100 = arith.constant 128 : i32
    %mul3A_101 = arith.muli %arg1, %mul3A_100 : i32
    "tpu.region"() ({
      %run_scoped3A_878 = tpu.sem_alloc : memref<!tpu.dma_semaphore, #tpu.memory_space<semaphore_mem>>
      %dma_start3A_879 = arith.constant 0 : i32
      %dma_start3A_880 = tpu.memref_slice %arg8[%dma_start3A_879, %mul3A_101] : memref<18x2048xi32, #tpu.memory_space<hbm>> -> memref<16x128xi32, #tpu.memory_space<hbm>>
      %dma_start3A_881 = arith.constant 0 : i32
      %dma_start3A_882 = tpu.memref_slice %arg8[%dma_start3A_881, %mul3A_101] : memref<18x2048xi32, #tpu.memory_space<hbm>> -> memref<16x128xi32, #tpu.memory_space<hbm>>
      tpu.enqueue_dma source(%dma_start3A_882 : memref<16x128xi32, #tpu.memory_space<hbm>>) target(%arg13 : memref<16x128xi32, #tpu.memory_space<vmem>>) target_semaphore(%run_scoped3A_878 : memref<!tpu.dma_semaphore, #tpu.memory_space<semaphore_mem>>)
      %dma_wait3A_883 = arith.constant 0 : i32
      %dma_wait3A_884 = tpu.memref_slice %arg8[%dma_wait3A_883, %mul3A_101] : memref<18x2048xi32, #tpu.memory_space<hbm>> -> memref<16x128xi32, #tpu.memory_space<hbm>>
      %dma_wait3A_885 = arith.constant 0 : i32
      %dma_wait3A_886 = tpu.memref_slice %arg8[%dma_wait3A_885, %mul3A_101] : memref<18x2048xi32, #tpu.memory_space<hbm>> -> memref<16x128xi32, #tpu.memory_space<hbm>>
      tpu.wait_dma2 semaphore(%run_scoped3A_878 : memref<!tpu.dma_semaphore, #tpu.memory_space<semaphore_mem>>) src(%dma_wait3A_886 : memref<16x128xi32, #tpu.memory_space<hbm>>) dst(%arg13 : memref<16x128xi32, #tpu.memory_space<vmem>>)
      tpu.yield
    }) : () -> ()
    %scan3A_102 = arith.constant 0 : i32
    %scan3A_103 = arith.constant 0 : i32
    %scan3A_104 = arith.constant 8 : i32
    %scan3A_105 = arith.addi %scan3A_103, %scan3A_104 : i32
    %scan3A_106 = arith.constant 1 : i32
    %scan3A_107 = scf.for %scan3A_878 = %scan3A_103 to %scan3A_105 step %scan3A_106 iter_args(%scan3A_879 = %scan3A_102) -> (i32)  : i32 {
      %mul3A_880 = arith.constant 16 : i32
      %mul3A_881 = arith.muli %scan3A_878, %mul3A_880 : i32
      %get3A_882 = arith.constant 0 : i32
      %get3A_883 = arith.index_cast %get3A_882 : i32 to index
      %get3A_884 = arith.index_cast %mul3A_881 : i32 to index
      %get3A_885 = tpu.vector_load %arg13[%get3A_883, %get3A_884] {strides = array<i32>} : memref<16x128xi32, #tpu.memory_space<vmem>>, vector<16xi32>,
      %mul3A_886 = arith.constant 16 : i32
      %mul3A_887 = arith.muli %scan3A_878, %mul3A_886 : i32
      %get3A_888 = arith.constant 1 : i32
      %get3A_889 = arith.index_cast %get3A_888 : i32 to index
      %get3A_890 = arith.index_cast %mul3A_887 : i32 to index
      %get3A_891 = tpu.vector_load %arg13[%get3A_889, %get3A_890] {strides = array<i32>} : memref<16x128xi32, #tpu.memory_space<vmem>>, vector<16xi32>,
      %add3A_892 = arith.addi %get3A_885, %get3A_891 : vector<16xi32>
      %mul3A_893 = arith.constant 16 : i32
      %mul3A_894 = arith.muli %scan3A_878, %mul3A_893 : i32
      %get3A_895 = arith.constant 2 : i32
      %get3A_896 = arith.index_cast %get3A_895 : i32 to index
      %get3A_897 = arith.index_cast %mul3A_894 : i32 to index
      %get3A_898 = tpu.vector_load %arg13[%get3A_896, %get3A_897] {strides = array<i32>} : memref<16x128xi32, #tpu.memory_space<vmem>>, vector<16xi32>,
      %add3A_899 = arith.addi %add3A_892, %get3A_898 : vector<16xi32>
      %mul3A_900 = arith.constant 16 : i32
      %mul3A_901 = arith.muli %scan3A_878, %mul3A_900 : i32
      %get3A_902 = arith.constant 3 : i32
      %get3A_903 = arith.index_cast %get3A_902 : i32 to index
      %get3A_904 = arith.index_cast %mul3A_901 : i32 to index
      %get3A_905 = tpu.vector_load %arg13[%get3A_903, %get3A_904] {strides = array<i32>} : memref<16x128xi32, #tpu.memory_space<vmem>>, vector<16xi32>,
      %add3A_906 = arith.addi %add3A_899, %get3A_905 : vector<16xi32>
      %mul3A_907 = arith.constant 16 : i32
      %mul3A_908 = arith.muli %scan3A_878, %mul3A_907 : i32
      %get3A_909 = arith.constant 4 : i32
      %get3A_910 = arith.index_cast %get3A_909 : i32 to index
      %get3A_911 = arith.index_cast %mul3A_908 : i32 to index
      %get3A_912 = tpu.vector_load %arg13[%get3A_910, %get3A_911] {strides = array<i32>} : memref<16x128xi32, #tpu.memory_space<vmem>>, vector<16xi32>,
      %add3A_913 = arith.addi %add3A_906, %get3A_912 : vector<16xi32>
      %mul3A_914 = arith.constant 16 : i32
      %mul3A_915 = arith.muli %scan3A_878, %mul3A_914 : i32
      %get3A_916 = arith.constant 5 : i32
      %get3A_917 = arith.index_cast %get3A_916 : i32 to index
      %get3A_918 = arith.index_cast %mul3A_915 : i32 to index
      %get3A_919 = tpu.vector_load %arg13[%get3A_917, %get3A_918] {strides = array<i32>} : memref<16x128xi32, #tpu.memory_space<vmem>>, vector<16xi32>,
      %add3A_920 = arith.addi %add3A_913, %get3A_919 : vector<16xi32>
      %mul3A_921 = arith.constant 16 : i32
      %mul3A_922 = arith.muli %scan3A_878, %mul3A_921 : i32
      %get3A_923 = arith.constant 6 : i32
      %get3A_924 = arith.index_cast %get3A_923 : i32 to index
      %get3A_925 = arith.index_cast %mul3A_922 : i32 to index
      %get3A_926 = tpu.vector_load %arg13[%get3A_924, %get3A_925] {strides = array<i32>} : memref<16x128xi32, #tpu.memory_space<vmem>>, vector<16xi32>,
      %add3A_927 = arith.addi %add3A_920, %get3A_926 : vector<16xi32>
      %mul3A_928 = arith.constant 16 : i32
      %mul3A_929 = arith.muli %scan3A_878, %mul3A_928 : i32
      %get3A_930 = arith.constant 7 : i32
      %get3A_931 = arith.index_cast %get3A_930 : i32 to index
      %get3A_932 = arith.index_cast %mul3A_929 : i32 to index
      %get3A_933 = tpu.vector_load %arg13[%get3A_931, %get3A_932] {strides = array<i32>} : memref<16x128xi32, #tpu.memory_space<vmem>>, vector<16xi32>,
      %add3A_934 = arith.addi %add3A_927, %get3A_933 : vector<16xi32>
      %mul3A_935 = arith.constant 16 : i32
      %mul3A_936 = arith.muli %scan3A_878, %mul3A_935 : i32
      %get3A_937 = arith.constant 8 : i32
      %get3A_938 = arith.index_cast %get3A_937 : i32 to index
      %get3A_939 = arith.index_cast %mul3A_936 : i32 to index
      %get3A_940 = tpu.vector_load %arg13[%get3A_938, %get3A_939] {strides = array<i32>} : memref<16x128xi32, #tpu.memory_space<vmem>>, vector<16xi32>,
      %add3A_941 = arith.addi %add3A_934, %get3A_940 : vector<16xi32>
      %mul3A_942 = arith.constant 16 : i32
      %mul3A_943 = arith.muli %scan3A_878, %mul3A_942 : i32
      %get3A_944 = arith.constant 9 : i32
      %get3A_945 = arith.index_cast %get3A_944 : i32 to index
      %get3A_946 = arith.index_cast %mul3A_943 : i32 to index
      %get3A_947 = tpu.vector_load %arg13[%get3A_945, %get3A_946] {strides = array<i32>} : memref<16x128xi32, #tpu.memory_space<vmem>>, vector<16xi32>,
      %add3A_948 = arith.addi %add3A_941, %get3A_947 : vector<16xi32>
      %mul3A_949 = arith.constant 16 : i32
      %mul3A_950 = arith.muli %scan3A_878, %mul3A_949 : i32
      %get3A_951 = arith.constant 10 : i32
      %get3A_952 = arith.index_cast %get3A_951 : i32 to index
      %get3A_953 = arith.index_cast %mul3A_950 : i32 to index
      %get3A_954 = tpu.vector_load %arg13[%get3A_952, %get3A_953] {strides = array<i32>} : memref<16x128xi32, #tpu.memory_space<vmem>>, vector<16xi32>,
      %add3A_955 = arith.addi %add3A_948, %get3A_954 : vector<16xi32>
      %mul3A_956 = arith.constant 16 : i32
      %mul3A_957 = arith.muli %scan3A_878, %mul3A_956 : i32
      %get3A_958 = arith.constant 11 : i32
      %get3A_959 = arith.index_cast %get3A_958 : i32 to index
      %get3A_960 = arith.index_cast %mul3A_957 : i32 to index
      %get3A_961 = tpu.vector_load %arg13[%get3A_959, %get3A_960] {strides = array<i32>} : memref<16x128xi32, #tpu.memory_space<vmem>>, vector<16xi32>,
      %add3A_962 = arith.addi %add3A_955, %get3A_961 : vector<16xi32>
      %mul3A_963 = arith.constant 16 : i32
      %mul3A_964 = arith.muli %scan3A_878, %mul3A_963 : i32
      %get3A_965 = arith.constant 12 : i32
      %get3A_966 = arith.index_cast %get3A_965 : i32 to index
      %get3A_967 = arith.index_cast %mul3A_964 : i32 to index
      %get3A_968 = tpu.vector_load %arg13[%get3A_966, %get3A_967] {strides = array<i32>} : memref<16x128xi32, #tpu.memory_space<vmem>>, vector<16xi32>,
      %add3A_969 = arith.addi %add3A_962, %get3A_968 : vector<16xi32>
      %mul3A_970 = arith.constant 16 : i32
      %mul3A_971 = arith.muli %scan3A_878, %mul3A_970 : i32
      %get3A_972 = arith.constant 13 : i32
      %get3A_973 = arith.index_cast %get3A_972 : i32 to index
      %get3A_974 = arith.index_cast %mul3A_971 : i32 to index
      %get3A_975 = tpu.vector_load %arg13[%get3A_973, %get3A_974] {strides = array<i32>} : memref<16x128xi32, #tpu.memory_space<vmem>>, vector<16xi32>,
      %add3A_976 = arith.addi %add3A_969, %get3A_975 : vector<16xi32>
      %mul3A_977 = arith.constant 16 : i32
      %mul3A_978 = arith.muli %scan3A_878, %mul3A_977 : i32
      %get3A_979 = arith.constant 14 : i32
      %get3A_980 = arith.index_cast %get3A_979 : i32 to index
      %get3A_981 = arith.index_cast %mul3A_978 : i32 to index
      %get3A_982 = tpu.vector_load %arg13[%get3A_980, %get3A_981] {strides = array<i32>} : memref<16x128xi32, #tpu.memory_space<vmem>>, vector<16xi32>,
      %add3A_983 = arith.addi %add3A_976, %get3A_982 : vector<16xi32>
      %mul3A_984 = arith.constant 16 : i32
      %mul3A_985 = arith.muli %scan3A_878, %mul3A_984 : i32
      %get3A_986 = arith.constant 15 : i32
      %get3A_987 = arith.index_cast %get3A_986 : i32 to index
      %get3A_988 = arith.index_cast %mul3A_985 : i32 to index
      %get3A_989 = tpu.vector_load %arg13[%get3A_987, %get3A_988] {strides = array<i32>} : memref<16x128xi32, #tpu.memory_space<vmem>>, vector<16xi32>,
      %add3A_990 = arith.addi %add3A_983, %get3A_989 : vector<16xi32>
      %mul3A_991 = arith.constant 16 : i32
      %mul3A_992 = arith.muli %scan3A_878, %mul3A_991 : i32
      %swap3A_993 = arith.index_cast %mul3A_992 : i32 to index
      %swap3A_994 = tpu.vector_load %arg14[%swap3A_993] {strides = array<i32>} : memref<128xi32, #tpu.memory_space<vmem>>, vector<16xi32>,
      tpu.vector_store %arg14[%swap3A_993], %add3A_990 {strides = array<i32>} : memref<128xi32, #tpu.memory_space<vmem>>, vector<16xi32>,
      %scan3A_995 = arith.constant 0 : i32
      scf.yield %scan3A_995 : i32
    }
    %scan3A_108 = arith.constant 8 : i32
    %mul3A_109 = arith.constant 128 : i32
    %mul3A_110 = arith.muli %arg1, %mul3A_109 : i32
    %run_scoped3A = arith.constant 16 : i32
    "tpu.region"() ({
      %run_scoped3A_878 = tpu.sem_alloc : memref<!tpu.dma_semaphore, #tpu.memory_space<semaphore_mem>>
      %dma_start3A_879 = tpu.memref_slice %arg8[%run_scoped3A, %mul3A_110] : memref<18x2048xi32, #tpu.memory_space<hbm>> -> memref<1x128xi32, #tpu.memory_space<hbm>>
      %dma_start3A_880 = tpu.memref_squeeze %dma_start3A_879 : memref<1x128xi32, #tpu.memory_space<hbm>> -> memref<128xi32, #tpu.memory_space<hbm>>
      %dma_start3A_881 = tpu.memref_slice %arg8[%run_scoped3A, %mul3A_110] : memref<18x2048xi32, #tpu.memory_space<hbm>> -> memref<1x128xi32, #tpu.memory_space<hbm>>
      %dma_start3A_882 = tpu.memref_squeeze %dma_start3A_881 : memref<1x128xi32, #tpu.memory_space<hbm>> -> memref<128xi32, #tpu.memory_space<hbm>>
      tpu.enqueue_dma source(%arg14 : memref<128xi32, #tpu.memory_space<vmem>>) target(%dma_start3A_882 : memref<128xi32, #tpu.memory_space<hbm>>) target_semaphore(%run_scoped3A_878 : memref<!tpu.dma_semaphore, #tpu.memory_space<semaphore_mem>>)
      %dma_wait3A_883 = tpu.memref_slice %arg8[%run_scoped3A, %mul3A_110] : memref<18x2048xi32, #tpu.memory_space<hbm>> -> memref<1x128xi32, #tpu.memory_space<hbm>>
      %dma_wait3A_884 = tpu.memref_squeeze %dma_wait3A_883 : memref<1x128xi32, #tpu.memory_space<hbm>> -> memref<128xi32, #tpu.memory_space<hbm>>
      %dma_wait3A_885 = tpu.memref_slice %arg8[%run_scoped3A, %mul3A_110] : memref<18x2048xi32, #tpu.memory_space<hbm>> -> memref<1x128xi32, #tpu.memory_space<hbm>>
      %dma_wait3A_886 = tpu.memref_squeeze %dma_wait3A_885 : memref<1x128xi32, #tpu.memory_space<hbm>> -> memref<128xi32, #tpu.memory_space<hbm>>
      tpu.wait_dma2 semaphore(%run_scoped3A_878 : memref<!tpu.dma_semaphore, #tpu.memory_space<semaphore_mem>>) src(%arg14 : memref<128xi32, #tpu.memory_space<vmem>>) dst(%dma_wait3A_886 : memref<128xi32, #tpu.memory_space<hbm>>)
      tpu.yield
    }) : () -> ()
    %barrier3A_111 = arith.constant 0 : index
    tpu.barrier barrier_id(%barrier3A_111)
    %run_scoped3A_112 = arith.constant 16 : i32
    "tpu.region"() ({
      %run_scoped3A_878 = tpu.sem_alloc : memref<!tpu.dma_semaphore, #tpu.memory_space<semaphore_mem>>
      %dma_start3A_879 = arith.constant 0 : i32
      %dma_start3A_880 = tpu.memref_slice %arg8[%run_scoped3A_112, %dma_start3A_879] : memref<18x2048xi32, #tpu.memory_space<hbm>> -> memref<1x2048xi32, #tpu.memory_space<hbm>>
      %dma_start3A_881 = tpu.memref_squeeze %dma_start3A_880 : memref<1x2048xi32, #tpu.memory_space<hbm>> -> memref<2048xi32, #tpu.memory_space<hbm>>
      %dma_start3A_882 = arith.constant 0 : i32
      %dma_start3A_883 = tpu.memref_slice %arg8[%run_scoped3A_112, %dma_start3A_882] : memref<18x2048xi32, #tpu.memory_space<hbm>> -> memref<1x2048xi32, #tpu.memory_space<hbm>>
      %dma_start3A_884 = tpu.memref_squeeze %dma_start3A_883 : memref<1x2048xi32, #tpu.memory_space<hbm>> -> memref<2048xi32, #tpu.memory_space<hbm>>
      tpu.enqueue_dma source(%dma_start3A_884 : memref<2048xi32, #tpu.memory_space<hbm>>) target(%arg12 : memref<2048xi32, #tpu.memory_space<vmem>>) target_semaphore(%run_scoped3A_878 : memref<!tpu.dma_semaphore, #tpu.memory_space<semaphore_mem>>)
      %dma_wait3A_885 = arith.constant 0 : i32
      %dma_wait3A_886 = tpu.memref_slice %arg8[%run_scoped3A_112, %dma_wait3A_885] : memref<18x2048xi32, #tpu.memory_space<hbm>> -> memref<1x2048xi32, #tpu.memory_space<hbm>>
      %dma_wait3A_887 = tpu.memref_squeeze %dma_wait3A_886 : memref<1x2048xi32, #tpu.memory_space<hbm>> -> memref<2048xi32, #tpu.memory_space<hbm>>
      %dma_wait3A_888 = arith.constant 0 : i32
      %dma_wait3A_889 = tpu.memref_slice %arg8[%run_scoped3A_112, %dma_wait3A_888] : memref<18x2048xi32, #tpu.memory_space<hbm>> -> memref<1x2048xi32, #tpu.memory_space<hbm>>
      %dma_wait3A_890 = tpu.memref_squeeze %dma_wait3A_889 : memref<1x2048xi32, #tpu.memory_space<hbm>> -> memref<2048xi32, #tpu.memory_space<hbm>>
      tpu.wait_dma2 semaphore(%run_scoped3A_878 : memref<!tpu.dma_semaphore, #tpu.memory_space<semaphore_mem>>) src(%dma_wait3A_890 : memref<2048xi32, #tpu.memory_space<hbm>>) dst(%arg12 : memref<2048xi32, #tpu.memory_space<vmem>>)
      tpu.yield
    }) : () -> ()
    %scan3A_113 = arith.constant 8192 : i32
    %scan3A_114 = arith.constant 0 : i32
    %scan3A_115 = arith.constant false
    %scan3A_116 = arith.constant 0 : i32
    %scan3A_117 = arith.constant 0 : i32
    %scan3A_118 = arith.constant 0 : i32
    %scan3A_119 = arith.constant 128 : i32
    %scan3A_120 = arith.addi %scan3A_118, %scan3A_119 : i32
    %scan3A_121 = arith.constant 1 : i32
    %scan3A_122:4 = scf.for %scan3A_878 = %scan3A_118 to %scan3A_120 step %scan3A_121 iter_args(%scan3A_879 = %scan3A_114, %scan3A_880 = %scan3A_115, %scan3A_881 = %scan3A_116, %scan3A_882 = %scan3A_117) -> (i32, i1, i32, i32)  : i32 {
      %sub3A_883 = arith.constant 127 : i32
      %sub3A_884 = arith.subi %sub3A_883, %scan3A_878 : i32
      %mul3A_885 = arith.constant 16 : i32
      %mul3A_886 = arith.muli %sub3A_884, %mul3A_885 : i32
      %get3A_887 = arith.index_cast %mul3A_886 : i32 to index
      %get3A_888 = tpu.vector_load %arg12[%get3A_887] {strides = array<i32>} : memref<2048xi32, #tpu.memory_space<vmem>>, vector<16xi32>,
      %rev3A = arith.constant 15 : i32
      %rev3A_889 = vector.broadcast %rev3A : i32 to vector<16xi32>
      %rev3A_890 = tpu.iota {dimensions = array<i32: 0>} : vector<16xi32>
      %rev3A_891 = arith.subi %rev3A_889, %rev3A_890 : vector<16xi32>
      %rev3A_892 = tpu.dynamic_gather %get3A_888[%rev3A_891] in [0] : vector<16xi32>, vector<16xi32> -> vector<16xi32>
      %broadcast_in_dim3A_893 = arith.constant true
      %broadcast_in_dim3A_894 = vector.broadcast %broadcast_in_dim3A_893 : i1 to vector<16xi1>
      %masked_cumsum3A = tpu.scan <sum>, %rev3A_892 masked %broadcast_in_dim3A_894 : vector<16xi32>, vector<16xi1> -> vector<16xi32>
      %add3A_895 = vector.broadcast %scan3A_879 : i32 to vector<16xi32>
      %add3A_896 = arith.addi %masked_cumsum3A, %add3A_895 : vector<16xi32>
      %reduce_max3A_897 = arith.constant true
      %reduce_max3A_898 = vector.broadcast %reduce_max3A_897 : i1 to vector<16xi1>
      %reduce_max3A_899 = arith.constant -2147483648 : i32
      %reduce_max3A_900 = vector.broadcast %reduce_max3A_899 : i32 to vector<16xi32>
      %reduce_max3A_901 = arith.xori %add3A_896, %reduce_max3A_900 : vector<16xi32>
      %reduce_max3A_902 = tpu.scan <max>, %reduce_max3A_901 masked %reduce_max3A_898 : vector<16xi32>, vector<16xi1> -> vector<16xi32>
      %reduce_max3A_903 = arith.xori %reduce_max3A_902, %reduce_max3A_900 : vector<16xi32>
      %reduce_max3A_904 = vector.extract %reduce_max3A_903[15] : i32 from vector<16xi32>
      %ge3A = vector.broadcast %scan3A_113 : i32 to vector<16xi32>
      %ge3A_905 = arith.cmpi sge, %add3A_896, %ge3A : vector<16xi32>
      %all_reduce_ffs3A = tpu.all_reduce %ge3A_905 {dim = 0 : i64, kind = #tpu.reduction_kind<find_first_set>} : vector<16xi1> -> vector<16xi32>
      %reduce_max3A_906 = arith.constant true
      %reduce_max3A_907 = vector.broadcast %reduce_max3A_906 : i1 to vector<16xi1>
      %reduce_max3A_908 = arith.constant -2147483648 : i32
      %reduce_max3A_909 = vector.broadcast %reduce_max3A_908 : i32 to vector<16xi32>
      %reduce_max3A_910 = arith.xori %all_reduce_ffs3A, %reduce_max3A_909 : vector<16xi32>
      %reduce_max3A_911 = tpu.scan <max>, %reduce_max3A_910 masked %reduce_max3A_907 : vector<16xi32>, vector<16xi1> -> vector<16xi32>
      %reduce_max3A_912 = arith.xori %reduce_max3A_911, %reduce_max3A_909 : vector<16xi32>
      %reduce_max3A_913 = vector.extract %reduce_max3A_912[15] : i32 from vector<16xi32>
      %gt3A = arith.constant 15 : i32
      %gt3A_914 = arith.cmpi sgt, %reduce_max3A_913, %gt3A : i32
      %jit3A_915 = arith.constant 15 : i32
      %select_n3A_916 = arith.select %gt3A_914, %jit3A_915, %reduce_max3A_913 : i32
      %eq3A_917 = vector.broadcast %select_n3A_916 : i32 to vector<16xi32>
      %eq3A_918 = arith.cmpi eq, %iota3A, %eq3A_917 : vector<16xi32>
      %jit3A_919 = arith.constant 0 : i32
      %broadcast_in_dim3A_920 = vector.broadcast %jit3A_919 : i32 to vector<16xi32>
      %select_n3A_921 = arith.select %eq3A_918, %add3A_896, %broadcast_in_dim3A_920 : vector<16xi1>, vector<16xi32>
      %reduce_sum3A_922 = arith.constant true
      %reduce_sum3A_923 = vector.broadcast %reduce_sum3A_922 : i1 to vector<16xi1>
      %reduce_sum3A_924 = tpu.scan <sum>, %select_n3A_921 masked %reduce_sum3A_923 : vector<16xi32>, vector<16xi1> -> vector<16xi32>
      %reduce_sum3A_925 = vector.extract %reduce_sum3A_924[15] : i32 from vector<16xi32>
      %jit3A_926 = arith.constant 0 : i32
      %broadcast_in_dim3A_927 = vector.broadcast %jit3A_926 : i32 to vector<16xi32>
      %select_n3A_928 = arith.select %eq3A_918, %rev3A_892, %broadcast_in_dim3A_927 : vector<16xi1>, vector<16xi32>
      %reduce_sum3A_929 = arith.constant true
      %reduce_sum3A_930 = vector.broadcast %reduce_sum3A_929 : i1 to vector<16xi1>
      %reduce_sum3A_931 = tpu.scan <sum>, %select_n3A_928 masked %reduce_sum3A_930 : vector<16xi32>, vector<16xi1> -> vector<16xi32>
      %reduce_sum3A_932 = vector.extract %reduce_sum3A_931[15] : i32 from vector<16xi32>
      %not3A = arith.constant true
      %not3A_933 = arith.xori %scan3A_880, %not3A : i1
      %ge3A_934 = arith.cmpi sge, %reduce_max3A_904, %scan3A_113 : i32
      %and3A = arith.andi %not3A_933, %ge3A_934 : i1
      %mul3A_935 = arith.constant 16 : i32
      %mul3A_936 = arith.muli %sub3A_884, %mul3A_935 : i32
      %add3A_937 = arith.constant 15 : i32
      %add3A_938 = arith.addi %mul3A_936, %add3A_937 : i32
      %sub3A_939 = arith.subi %add3A_938, %select_n3A_916 : i32
      %select_n3A_940 = arith.select %and3A, %sub3A_939, %scan3A_881 : i32
      %sub3A_941 = arith.subi %reduce_sum3A_925, %reduce_sum3A_932 : i32
      %select_n3A_942 = arith.select %and3A, %sub3A_941, %scan3A_882 : i32
      %or3A_943 = arith.ori %scan3A_880, %and3A : i1
      scf.yield %reduce_max3A_904, %or3A_943, %select_n3A_940, %select_n3A_942 : i32, i1, i32, i32
    }
    %scan3A_123 = arith.constant 128 : i32
    %sub3A = arith.constant 8192 : i32
    %sub3A_124 = arith.subi %sub3A, %scan3A_122#3 : i32
    %scan3A_125 = arith.constant 0 : i32
    %scan3A_126 = arith.constant 0 : i32
    %scan3A_127 = arith.constant 128 : i32
    %scan3A_128 = arith.addi %scan3A_126, %scan3A_127 : i32
    %scan3A_129 = arith.constant 1 : i32
    %scan3A_130 = scf.for %scan3A_878 = %scan3A_126 to %scan3A_128 step %scan3A_129 iter_args(%scan3A_879 = %scan3A_125) -> (i32)  : i32 {
      %broadcast_in_dim3A_880 = arith.constant 0 : i32
      %broadcast_in_dim3A_881 = vector.broadcast %broadcast_in_dim3A_880 : i32 to vector<16xi32>
      %mul3A_882 = arith.constant 16 : i32
      %mul3A_883 = arith.muli %scan3A_878, %mul3A_882 : i32
      %swap3A_884 = arith.index_cast %mul3A_883 : i32 to index
      %swap3A_885 = tpu.vector_load %arg11[%swap3A_884] {strides = array<i32>} : memref<2048xi32, #tpu.memory_space<vmem>>, vector<16xi32>,
      tpu.vector_store %arg11[%swap3A_884], %broadcast_in_dim3A_881 {strides = array<i32>} : memref<2048xi32, #tpu.memory_space<vmem>>, vector<16xi32>,
      %scan3A_886 = arith.constant 0 : i32
      scf.yield %scan3A_886 : i32
    }
    %scan3A_131 = arith.constant 128 : i32
    %scan3A_132 = arith.constant 0 : i32
    %scan3A_133 = arith.constant 0 : i32
    %scan3A_134 = arith.constant 977 : i32
    %scan3A_135 = arith.addi %scan3A_133, %scan3A_134 : i32
    %scan3A_136 = arith.constant 1 : i32
    %scan3A_137 = scf.for %scan3A_878 = %scan3A_133 to %scan3A_135 step %scan3A_136 iter_args(%scan3A_879 = %scan3A_132) -> (i32)  : i32 {
      %mul3A_880 = arith.constant 4 : i32
      %mul3A_881 = arith.muli %scan3A_878, %mul3A_880 : i32
      %add3A_882 = arith.constant 0 : i32
      %add3A_883 = arith.addi %mul3A_881, %add3A_882 : i32
      %mul3A_884 = arith.constant 16 : i32
      %mul3A_885 = arith.muli %add3A_883, %mul3A_884 : i32
      %get3A_886 = arith.index_cast %mul3A_885 : i32 to index
      %get3A_887 = tpu.vector_load %arg9[%get3A_886] {strides = array<i32>} : memref<62528xi32, #tpu.memory_space<vmem>>, vector<16xi32>,
      %xor3A_888 = arith.constant -2147483648 : i32
      %xor3A_889 = vector.broadcast %xor3A_888 : i32 to vector<16xi32>
      %xor3A_890 = arith.xori %get3A_887, %xor3A_889 : vector<16xi32>
      %bitcast3A = vector.bitcast %xor3A_890 : vector<16xi32> to vector<16xi32>
      %shift_right_logical3A = arith.constant 21 : i32
      %shift_right_logical3A_891 = vector.broadcast %shift_right_logical3A : i32 to vector<16xi32>
      %shift_right_logical3A_892 = arith.shrui %bitcast3A, %shift_right_logical3A_891 : vector<16xi32>
      %bitcast3A_893 = vector.bitcast %shift_right_logical3A_892 : vector<16xi32> to vector<16xi32>
      %eq3A_894 = vector.broadcast %scan3A_122#2 : i32 to vector<16xi32>
      %eq3A_895 = arith.cmpi eq, %bitcast3A_893, %eq3A_894 : vector<16xi32>
      %mul3A_896 = arith.constant 4 : i32
      %mul3A_897 = arith.muli %scan3A_878, %mul3A_896 : i32
      %add3A_898 = arith.constant 1 : i32
      %add3A_899 = arith.addi %mul3A_897, %add3A_898 : i32
      %mul3A_900 = arith.constant 16 : i32
      %mul3A_901 = arith.muli %add3A_899, %mul3A_900 : i32
      %get3A_902 = arith.index_cast %mul3A_901 : i32 to index
      %get3A_903 = tpu.vector_load %arg9[%get3A_902] {strides = array<i32>} : memref<62528xi32, #tpu.memory_space<vmem>>, vector<16xi32>,
      %xor3A_904 = arith.constant -2147483648 : i32
      %xor3A_905 = vector.broadcast %xor3A_904 : i32 to vector<16xi32>
      %xor3A_906 = arith.xori %get3A_903, %xor3A_905 : vector<16xi32>
      %bitcast3A_907 = vector.bitcast %xor3A_906 : vector<16xi32> to vector<16xi32>
      %shift_right_logical3A_908 = arith.constant 21 : i32
      %shift_right_logical3A_909 = vector.broadcast %shift_right_logical3A_908 : i32 to vector<16xi32>
      %shift_right_logical3A_910 = arith.shrui %bitcast3A_907, %shift_right_logical3A_909 : vector<16xi32>
      %bitcast3A_911 = vector.bitcast %shift_right_logical3A_910 : vector<16xi32> to vector<16xi32>
      %eq3A_912 = vector.broadcast %scan3A_122#2 : i32 to vector<16xi32>
      %eq3A_913 = arith.cmpi eq, %bitcast3A_911, %eq3A_912 : vector<16xi32>
      %mul3A_914 = arith.constant 4 : i32
      %mul3A_915 = arith.muli %scan3A_878, %mul3A_914 : i32
      %add3A_916 = arith.constant 2 : i32
      %add3A_917 = arith.addi %mul3A_915, %add3A_916 : i32
      %mul3A_918 = arith.constant 16 : i32
      %mul3A_919 = arith.muli %add3A_917, %mul3A_918 : i32
      %get3A_920 = arith.index_cast %mul3A_919 : i32 to index
      %get3A_921 = tpu.vector_load %arg9[%get3A_920] {strides = array<i32>} : memref<62528xi32, #tpu.memory_space<vmem>>, vector<16xi32>,
      %xor3A_922 = arith.constant -2147483648 : i32
      %xor3A_923 = vector.broadcast %xor3A_922 : i32 to vector<16xi32>
      %xor3A_924 = arith.xori %get3A_921, %xor3A_923 : vector<16xi32>
      %bitcast3A_925 = vector.bitcast %xor3A_924 : vector<16xi32> to vector<16xi32>
      %shift_right_logical3A_926 = arith.constant 21 : i32
      %shift_right_logical3A_927 = vector.broadcast %shift_right_logical3A_926 : i32 to vector<16xi32>
      %shift_right_logical3A_928 = arith.shrui %bitcast3A_925, %shift_right_logical3A_927 : vector<16xi32>
      %bitcast3A_929 = vector.bitcast %shift_right_logical3A_928 : vector<16xi32> to vector<16xi32>
      %eq3A_930 = vector.broadcast %scan3A_122#2 : i32 to vector<16xi32>
      %eq3A_931 = arith.cmpi eq, %bitcast3A_929, %eq3A_930 : vector<16xi32>
      %mul3A_932 = arith.constant 4 : i32
      %mul3A_933 = arith.muli %scan3A_878, %mul3A_932 : i32
      %add3A_934 = arith.constant 3 : i32
      %add3A_935 = arith.addi %mul3A_933, %add3A_934 : i32
      %mul3A_936 = arith.constant 16 : i32
      %mul3A_937 = arith.muli %add3A_935, %mul3A_936 : i32
      %get3A_938 = arith.index_cast %mul3A_937 : i32 to index
      %get3A_939 = tpu.vector_load %arg9[%get3A_938] {strides = array<i32>} : memref<62528xi32, #tpu.memory_space<vmem>>, vector<16xi32>,
      %xor3A_940 = arith.constant -2147483648 : i32
      %xor3A_941 = vector.broadcast %xor3A_940 : i32 to vector<16xi32>
      %xor3A_942 = arith.xori %get3A_939, %xor3A_941 : vector<16xi32>
      %bitcast3A_943 = vector.bitcast %xor3A_942 : vector<16xi32> to vector<16xi32>
      %shift_right_logical3A_944 = arith.constant 21 : i32
      %shift_right_logical3A_945 = vector.broadcast %shift_right_logical3A_944 : i32 to vector<16xi32>
      %shift_right_logical3A_946 = arith.shrui %bitcast3A_943, %shift_right_logical3A_945 : vector<16xi32>
      %bitcast3A_947 = vector.bitcast %shift_right_logical3A_946 : vector<16xi32> to vector<16xi32>
      %eq3A_948 = vector.broadcast %scan3A_122#2 : i32 to vector<16xi32>
      %eq3A_949 = arith.cmpi eq, %bitcast3A_947, %eq3A_948 : vector<16xi32>
      %or3A_950 = arith.ori %eq3A_895, %eq3A_913 : vector<16xi1>
      %or3A_951 = arith.ori %eq3A_931, %eq3A_949 : vector<16xi1>
      %or3A_952 = arith.ori %or3A_950, %or3A_951 : vector<16xi1>
      %all_reduce_population_count3A = tpu.all_reduce %or3A_952 {dim = 0 : i64, kind = #tpu.reduction_kind<sum>} : vector<16xi1> -> vector<16xi32>
      %reduce_max3A_953 = arith.constant true
      %reduce_max3A_954 = vector.broadcast %reduce_max3A_953 : i1 to vector<16xi1>
      %reduce_max3A_955 = arith.constant -2147483648 : i32
      %reduce_max3A_956 = vector.broadcast %reduce_max3A_955 : i32 to vector<16xi32>
      %reduce_max3A_957 = arith.xori %all_reduce_population_count3A, %reduce_max3A_956 : vector<16xi32>
      %reduce_max3A_958 = tpu.scan <max>, %reduce_max3A_957 masked %reduce_max3A_954 : vector<16xi32>, vector<16xi1> -> vector<16xi32>
      %reduce_max3A_959 = arith.xori %reduce_max3A_958, %reduce_max3A_956 : vector<16xi32>
      %reduce_max3A_960 = vector.extract %reduce_max3A_959[15] : i32 from vector<16xi32>
      %gt3A = arith.constant 0 : i32
      %gt3A_961 = arith.cmpi sgt, %reduce_max3A_960, %gt3A : i32
      %convert_element_type3A = arith.extui %gt3A_961 : i1 to i32
      %cond3A = arith.constant 0 : i32
      %cond3A_962 = arith.cmpi ne, %convert_element_type3A, %cond3A : i32
      scf.if %cond3A_962 {
        %bitcast3A_964 = vector.bitcast %xor3A_890 : vector<16xi32> to vector<16xi32>
        %shift_right_logical3A_965 = arith.constant 10 : i32
        %shift_right_logical3A_966 = vector.broadcast %shift_right_logical3A_965 : i32 to vector<16xi32>
        %shift_right_logical3A_967 = arith.shrui %bitcast3A_964, %shift_right_logical3A_966 : vector<16xi32>
        %bitcast3A_968 = vector.bitcast %shift_right_logical3A_967 : vector<16xi32> to vector<16xi32>
        %and3A = arith.constant 2047 : i32
        %and3A_969 = vector.broadcast %and3A : i32 to vector<16xi32>
        %and3A_970 = arith.andi %bitcast3A_968, %and3A_969 : vector<16xi32>
        %unique3A, %unique3A_971 = tpu.scan_count mask(%eq3A_895 : vector<16xi1>) value(%and3A_970 : vector<16xi32>) : vector<16xi1>, vector<16xi32>
        tpu.vector_store_idx %arg11[%and3A_970], %unique3A_971 masked %unique3A {add = true} : memref<2048xi32, #tpu.memory_space<vmem>>[vector<16xi32>], vector<16xi32>, vector<16xi1>
        %bitcast3A_972 = vector.bitcast %xor3A_906 : vector<16xi32> to vector<16xi32>
        %shift_right_logical3A_973 = arith.constant 10 : i32
        %shift_right_logical3A_974 = vector.broadcast %shift_right_logical3A_973 : i32 to vector<16xi32>
        %shift_right_logical3A_975 = arith.shrui %bitcast3A_972, %shift_right_logical3A_974 : vector<16xi32>
        %bitcast3A_976 = vector.bitcast %shift_right_logical3A_975 : vector<16xi32> to vector<16xi32>
        %and3A_977 = arith.constant 2047 : i32
        %and3A_978 = vector.broadcast %and3A_977 : i32 to vector<16xi32>
        %and3A_979 = arith.andi %bitcast3A_976, %and3A_978 : vector<16xi32>
        %unique3A_980, %unique3A_981 = tpu.scan_count mask(%eq3A_913 : vector<16xi1>) value(%and3A_979 : vector<16xi32>) : vector<16xi1>, vector<16xi32>
        tpu.vector_store_idx %arg11[%and3A_979], %unique3A_981 masked %unique3A_980 {add = true} : memref<2048xi32, #tpu.memory_space<vmem>>[vector<16xi32>], vector<16xi32>, vector<16xi1>
        %bitcast3A_982 = vector.bitcast %xor3A_924 : vector<16xi32> to vector<16xi32>
        %shift_right_logical3A_983 = arith.constant 10 : i32
        %shift_right_logical3A_984 = vector.broadcast %shift_right_logical3A_983 : i32 to vector<16xi32>
        %shift_right_logical3A_985 = arith.shrui %bitcast3A_982, %shift_right_logical3A_984 : vector<16xi32>
        %bitcast3A_986 = vector.bitcast %shift_right_logical3A_985 : vector<16xi32> to vector<16xi32>
        %and3A_987 = arith.constant 2047 : i32
        %and3A_988 = vector.broadcast %and3A_987 : i32 to vector<16xi32>
        %and3A_989 = arith.andi %bitcast3A_986, %and3A_988 : vector<16xi32>
        %unique3A_990, %unique3A_991 = tpu.scan_count mask(%eq3A_931 : vector<16xi1>) value(%and3A_989 : vector<16xi32>) : vector<16xi1>, vector<16xi32>
        tpu.vector_store_idx %arg11[%and3A_989], %unique3A_991 masked %unique3A_990 {add = true} : memref<2048xi32, #tpu.memory_space<vmem>>[vector<16xi32>], vector<16xi32>, vector<16xi1>
        %bitcast3A_992 = vector.bitcast %xor3A_942 : vector<16xi32> to vector<16xi32>
        %shift_right_logical3A_993 = arith.constant 10 : i32
        %shift_right_logical3A_994 = vector.broadcast %shift_right_logical3A_993 : i32 to vector<16xi32>
        %shift_right_logical3A_995 = arith.shrui %bitcast3A_992, %shift_right_logical3A_994 : vector<16xi32>
        %bitcast3A_996 = vector.bitcast %shift_right_logical3A_995 : vector<16xi32> to vector<16xi32>
        %and3A_997 = arith.constant 2047 : i32
        %and3A_998 = vector.broadcast %and3A_997 : i32 to vector<16xi32>
        %and3A_999 = arith.andi %bitcast3A_996, %and3A_998 : vector<16xi32>
        %unique3A_1000, %unique3A_1001 = tpu.scan_count mask(%eq3A_949 : vector<16xi1>) value(%and3A_999 : vector<16xi32>) : vector<16xi1>, vector<16xi32>
        tpu.vector_store_idx %arg11[%and3A_999], %unique3A_1001 masked %unique3A_1000 {add = true} : memref<2048xi32, #tpu.memory_space<vmem>>[vector<16xi32>], vector<16xi32>, vector<16xi1>
      } else {
      }
      %scan3A_963 = arith.constant 0 : i32
      scf.yield %scan3A_963 : i32
    }
    %scan3A_138 = arith.constant 977 : i32
    "tpu.region"() ({
      %run_scoped3A_878 = tpu.sem_alloc : memref<!tpu.dma_semaphore, #tpu.memory_space<semaphore_mem>>
      %dma_start3A_879 = arith.constant 0 : i32
      %dma_start3A_880 = tpu.memref_slice %arg8[%arg1, %dma_start3A_879] : memref<18x2048xi32, #tpu.memory_space<hbm>> -> memref<1x2048xi32, #tpu.memory_space<hbm>>
      %dma_start3A_881 = tpu.memref_squeeze %dma_start3A_880 : memref<1x2048xi32, #tpu.memory_space<hbm>> -> memref<2048xi32, #tpu.memory_space<hbm>>
      %dma_start3A_882 = arith.constant 0 : i32
      %dma_start3A_883 = tpu.memref_slice %arg8[%arg1, %dma_start3A_882] : memref<18x2048xi32, #tpu.memory_space<hbm>> -> memref<1x2048xi32, #tpu.memory_space<hbm>>
      %dma_start3A_884 = tpu.memref_squeeze %dma_start3A_883 : memref<1x2048xi32, #tpu.memory_space<hbm>> -> memref<2048xi32, #tpu.memory_space<hbm>>
      tpu.enqueue_dma source(%arg11 : memref<2048xi32, #tpu.memory_space<vmem>>) target(%dma_start3A_884 : memref<2048xi32, #tpu.memory_space<hbm>>) target_semaphore(%run_scoped3A_878 : memref<!tpu.dma_semaphore, #tpu.memory_space<semaphore_mem>>)
      %dma_wait3A_885 = arith.constant 0 : i32
      %dma_wait3A_886 = tpu.memref_slice %arg8[%arg1, %dma_wait3A_885] : memref<18x2048xi32, #tpu.memory_space<hbm>> -> memref<1x2048xi32, #tpu.memory_space<hbm>>
      %dma_wait3A_887 = tpu.memref_squeeze %dma_wait3A_886 : memref<1x2048xi32, #tpu.memory_space<hbm>> -> memref<2048xi32, #tpu.memory_space<hbm>>
      %dma_wait3A_888 = arith.constant 0 : i32
      %dma_wait3A_889 = tpu.memref_slice %arg8[%arg1, %dma_wait3A_888] : memref<18x2048xi32, #tpu.memory_space<hbm>> -> memref<1x2048xi32, #tpu.memory_space<hbm>>
      %dma_wait3A_890 = tpu.memref_squeeze %dma_wait3A_889 : memref<1x2048xi32, #tpu.memory_space<hbm>> -> memref<2048xi32, #tpu.memory_space<hbm>>
      tpu.wait_dma2 semaphore(%run_scoped3A_878 : memref<!tpu.dma_semaphore, #tpu.memory_space<semaphore_mem>>) src(%arg11 : memref<2048xi32, #tpu.memory_space<vmem>>) dst(%dma_wait3A_890 : memref<2048xi32, #tpu.memory_space<hbm>>)
      tpu.yield
    }) : () -> ()
    %barrier3A_139 = arith.constant 0 : index
    tpu.barrier barrier_id(%barrier3A_139)
    %mul3A_140 = arith.constant 128 : i32
    %mul3A_141 = arith.muli %arg1, %mul3A_140 : i32
    "tpu.region"() ({
      %run_scoped3A_878 = tpu.sem_alloc : memref<!tpu.dma_semaphore, #tpu.memory_space<semaphore_mem>>
      %dma_start3A_879 = arith.constant 0 : i32
      %dma_start3A_880 = tpu.memref_slice %arg8[%dma_start3A_879, %mul3A_141] : memref<18x2048xi32, #tpu.memory_space<hbm>> -> memref<16x128xi32, #tpu.memory_space<hbm>>
      %dma_start3A_881 = arith.constant 0 : i32
      %dma_start3A_882 = tpu.memref_slice %arg8[%dma_start3A_881, %mul3A_141] : memref<18x2048xi32, #tpu.memory_space<hbm>> -> memref<16x128xi32, #tpu.memory_space<hbm>>
      tpu.enqueue_dma source(%dma_start3A_882 : memref<16x128xi32, #tpu.memory_space<hbm>>) target(%arg13 : memref<16x128xi32, #tpu.memory_space<vmem>>) target_semaphore(%run_scoped3A_878 : memref<!tpu.dma_semaphore, #tpu.memory_space<semaphore_mem>>)
      %dma_wait3A_883 = arith.constant 0 : i32
      %dma_wait3A_884 = tpu.memref_slice %arg8[%dma_wait3A_883, %mul3A_141] : memref<18x2048xi32, #tpu.memory_space<hbm>> -> memref<16x128xi32, #tpu.memory_space<hbm>>
      %dma_wait3A_885 = arith.constant 0 : i32
      %dma_wait3A_886 = tpu.memref_slice %arg8[%dma_wait3A_885, %mul3A_141] : memref<18x2048xi32, #tpu.memory_space<hbm>> -> memref<16x128xi32, #tpu.memory_space<hbm>>
      tpu.wait_dma2 semaphore(%run_scoped3A_878 : memref<!tpu.dma_semaphore, #tpu.memory_space<semaphore_mem>>) src(%dma_wait3A_886 : memref<16x128xi32, #tpu.memory_space<hbm>>) dst(%arg13 : memref<16x128xi32, #tpu.memory_space<vmem>>)
      tpu.yield
    }) : () -> ()
    %scan3A_142 = arith.constant 0 : i32
    %scan3A_143 = arith.constant 0 : i32
    %scan3A_144 = arith.constant 8 : i32
    %scan3A_145 = arith.addi %scan3A_143, %scan3A_144 : i32
    %scan3A_146 = arith.constant 1 : i32
    %scan3A_147 = scf.for %scan3A_878 = %scan3A_143 to %scan3A_145 step %scan3A_146 iter_args(%scan3A_879 = %scan3A_142) -> (i32)  : i32 {
      %mul3A_880 = arith.constant 16 : i32
      %mul3A_881 = arith.muli %scan3A_878, %mul3A_880 : i32
      %get3A_882 = arith.constant 0 : i32
      %get3A_883 = arith.index_cast %get3A_882 : i32 to index
      %get3A_884 = arith.index_cast %mul3A_881 : i32 to index
      %get3A_885 = tpu.vector_load %arg13[%get3A_883, %get3A_884] {strides = array<i32>} : memref<16x128xi32, #tpu.memory_space<vmem>>, vector<16xi32>,
      %mul3A_886 = arith.constant 16 : i32
      %mul3A_887 = arith.muli %scan3A_878, %mul3A_886 : i32
      %get3A_888 = arith.constant 1 : i32
      %get3A_889 = arith.index_cast %get3A_888 : i32 to index
      %get3A_890 = arith.index_cast %mul3A_887 : i32 to index
      %get3A_891 = tpu.vector_load %arg13[%get3A_889, %get3A_890] {strides = array<i32>} : memref<16x128xi32, #tpu.memory_space<vmem>>, vector<16xi32>,
      %add3A_892 = arith.addi %get3A_885, %get3A_891 : vector<16xi32>
      %mul3A_893 = arith.constant 16 : i32
      %mul3A_894 = arith.muli %scan3A_878, %mul3A_893 : i32
      %get3A_895 = arith.constant 2 : i32
      %get3A_896 = arith.index_cast %get3A_895 : i32 to index
      %get3A_897 = arith.index_cast %mul3A_894 : i32 to index
      %get3A_898 = tpu.vector_load %arg13[%get3A_896, %get3A_897] {strides = array<i32>} : memref<16x128xi32, #tpu.memory_space<vmem>>, vector<16xi32>,
      %add3A_899 = arith.addi %add3A_892, %get3A_898 : vector<16xi32>
      %mul3A_900 = arith.constant 16 : i32
      %mul3A_901 = arith.muli %scan3A_878, %mul3A_900 : i32
      %get3A_902 = arith.constant 3 : i32
      %get3A_903 = arith.index_cast %get3A_902 : i32 to index
      %get3A_904 = arith.index_cast %mul3A_901 : i32 to index
      %get3A_905 = tpu.vector_load %arg13[%get3A_903, %get3A_904] {strides = array<i32>} : memref<16x128xi32, #tpu.memory_space<vmem>>, vector<16xi32>,
      %add3A_906 = arith.addi %add3A_899, %get3A_905 : vector<16xi32>
      %mul3A_907 = arith.constant 16 : i32
      %mul3A_908 = arith.muli %scan3A_878, %mul3A_907 : i32
      %get3A_909 = arith.constant 4 : i32
      %get3A_910 = arith.index_cast %get3A_909 : i32 to index
      %get3A_911 = arith.index_cast %mul3A_908 : i32 to index
      %get3A_912 = tpu.vector_load %arg13[%get3A_910, %get3A_911] {strides = array<i32>} : memref<16x128xi32, #tpu.memory_space<vmem>>, vector<16xi32>,
      %add3A_913 = arith.addi %add3A_906, %get3A_912 : vector<16xi32>
      %mul3A_914 = arith.constant 16 : i32
      %mul3A_915 = arith.muli %scan3A_878, %mul3A_914 : i32
      %get3A_916 = arith.constant 5 : i32
      %get3A_917 = arith.index_cast %get3A_916 : i32 to index
      %get3A_918 = arith.index_cast %mul3A_915 : i32 to index
      %get3A_919 = tpu.vector_load %arg13[%get3A_917, %get3A_918] {strides = array<i32>} : memref<16x128xi32, #tpu.memory_space<vmem>>, vector<16xi32>,
      %add3A_920 = arith.addi %add3A_913, %get3A_919 : vector<16xi32>
      %mul3A_921 = arith.constant 16 : i32
      %mul3A_922 = arith.muli %scan3A_878, %mul3A_921 : i32
      %get3A_923 = arith.constant 6 : i32
      %get3A_924 = arith.index_cast %get3A_923 : i32 to index
      %get3A_925 = arith.index_cast %mul3A_922 : i32 to index
      %get3A_926 = tpu.vector_load %arg13[%get3A_924, %get3A_925] {strides = array<i32>} : memref<16x128xi32, #tpu.memory_space<vmem>>, vector<16xi32>,
      %add3A_927 = arith.addi %add3A_920, %get3A_926 : vector<16xi32>
      %mul3A_928 = arith.constant 16 : i32
      %mul3A_929 = arith.muli %scan3A_878, %mul3A_928 : i32
      %get3A_930 = arith.constant 7 : i32
      %get3A_931 = arith.index_cast %get3A_930 : i32 to index
      %get3A_932 = arith.index_cast %mul3A_929 : i32 to index
      %get3A_933 = tpu.vector_load %arg13[%get3A_931, %get3A_932] {strides = array<i32>} : memref<16x128xi32, #tpu.memory_space<vmem>>, vector<16xi32>,
      %add3A_934 = arith.addi %add3A_927, %get3A_933 : vector<16xi32>
      %mul3A_935 = arith.constant 16 : i32
      %mul3A_936 = arith.muli %scan3A_878, %mul3A_935 : i32
      %get3A_937 = arith.constant 8 : i32
      %get3A_938 = arith.index_cast %get3A_937 : i32 to index
      %get3A_939 = arith.index_cast %mul3A_936 : i32 to index
      %get3A_940 = tpu.vector_load %arg13[%get3A_938, %get3A_939] {strides = array<i32>} : memref<16x128xi32, #tpu.memory_space<vmem>>, vector<16xi32>,
      %add3A_941 = arith.addi %add3A_934, %get3A_940 : vector<16xi32>
      %mul3A_942 = arith.constant 16 : i32
      %mul3A_943 = arith.muli %scan3A_878, %mul3A_942 : i32
      %get3A_944 = arith.constant 9 : i32
      %get3A_945 = arith.index_cast %get3A_944 : i32 to index
      %get3A_946 = arith.index_cast %mul3A_943 : i32 to index
      %get3A_947 = tpu.vector_load %arg13[%get3A_945, %get3A_946] {strides = array<i32>} : memref<16x128xi32, #tpu.memory_space<vmem>>, vector<16xi32>,
      %add3A_948 = arith.addi %add3A_941, %get3A_947 : vector<16xi32>
      %mul3A_949 = arith.constant 16 : i32
      %mul3A_950 = arith.muli %scan3A_878, %mul3A_949 : i32
      %get3A_951 = arith.constant 10 : i32
      %get3A_952 = arith.index_cast %get3A_951 : i32 to index
      %get3A_953 = arith.index_cast %mul3A_950 : i32 to index
      %get3A_954 = tpu.vector_load %arg13[%get3A_952, %get3A_953] {strides = array<i32>} : memref<16x128xi32, #tpu.memory_space<vmem>>, vector<16xi32>,
      %add3A_955 = arith.addi %add3A_948, %get3A_954 : vector<16xi32>
      %mul3A_956 = arith.constant 16 : i32
      %mul3A_957 = arith.muli %scan3A_878, %mul3A_956 : i32
      %get3A_958 = arith.constant 11 : i32
      %get3A_959 = arith.index_cast %get3A_958 : i32 to index
      %get3A_960 = arith.index_cast %mul3A_957 : i32 to index
      %get3A_961 = tpu.vector_load %arg13[%get3A_959, %get3A_960] {strides = array<i32>} : memref<16x128xi32, #tpu.memory_space<vmem>>, vector<16xi32>,
      %add3A_962 = arith.addi %add3A_955, %get3A_961 : vector<16xi32>
      %mul3A_963 = arith.constant 16 : i32
      %mul3A_964 = arith.muli %scan3A_878, %mul3A_963 : i32
      %get3A_965 = arith.constant 12 : i32
      %get3A_966 = arith.index_cast %get3A_965 : i32 to index
      %get3A_967 = arith.index_cast %mul3A_964 : i32 to index
      %get3A_968 = tpu.vector_load %arg13[%get3A_966, %get3A_967] {strides = array<i32>} : memref<16x128xi32, #tpu.memory_space<vmem>>, vector<16xi32>,
      %add3A_969 = arith.addi %add3A_962, %get3A_968 : vector<16xi32>
      %mul3A_970 = arith.constant 16 : i32
      %mul3A_971 = arith.muli %scan3A_878, %mul3A_970 : i32
      %get3A_972 = arith.constant 13 : i32
      %get3A_973 = arith.index_cast %get3A_972 : i32 to index
      %get3A_974 = arith.index_cast %mul3A_971 : i32 to index
      %get3A_975 = tpu.vector_load %arg13[%get3A_973, %get3A_974] {strides = array<i32>} : memref<16x128xi32, #tpu.memory_space<vmem>>, vector<16xi32>,
      %add3A_976 = arith.addi %add3A_969, %get3A_975 : vector<16xi32>
      %mul3A_977 = arith.constant 16 : i32
      %mul3A_978 = arith.muli %scan3A_878, %mul3A_977 : i32
      %get3A_979 = arith.constant 14 : i32
      %get3A_980 = arith.index_cast %get3A_979 : i32 to index
      %get3A_981 = arith.index_cast %mul3A_978 : i32 to index
      %get3A_982 = tpu.vector_load %arg13[%get3A_980, %get3A_981] {strides = array<i32>} : memref<16x128xi32, #tpu.memory_space<vmem>>, vector<16xi32>,
      %add3A_983 = arith.addi %add3A_976, %get3A_982 : vector<16xi32>
      %mul3A_984 = arith.constant 16 : i32
      %mul3A_985 = arith.muli %scan3A_878, %mul3A_984 : i32
      %get3A_986 = arith.constant 15 : i32
      %get3A_987 = arith.index_cast %get3A_986 : i32 to index
      %get3A_988 = arith.index_cast %mul3A_985 : i32 to index
      %get3A_989 = tpu.vector_load %arg13[%get3A_987, %get3A_988] {strides = array<i32>} : memref<16x128xi32, #tpu.memory_space<vmem>>, vector<16xi32>,
      %add3A_990 = arith.addi %add3A_983, %get3A_989 : vector<16xi32>
      %mul3A_991 = arith.constant 16 : i32
      %mul3A_992 = arith.muli %scan3A_878, %mul3A_991 : i32
      %swap3A_993 = arith.index_cast %mul3A_992 : i32 to index
      %swap3A_994 = tpu.vector_load %arg14[%swap3A_993] {strides = array<i32>} : memref<128xi32, #tpu.memory_space<vmem>>, vector<16xi32>,
      tpu.vector_store %arg14[%swap3A_993], %add3A_990 {strides = array<i32>} : memref<128xi32, #tpu.memory_space<vmem>>, vector<16xi32>,
      %scan3A_995 = arith.constant 0 : i32
      scf.yield %scan3A_995 : i32
    }
    %scan3A_148 = arith.constant 8 : i32
    %mul3A_149 = arith.constant 128 : i32
    %mul3A_150 = arith.muli %arg1, %mul3A_149 : i32
    %run_scoped3A_151 = arith.constant 16 : i32
    "tpu.region"() ({
      %run_scoped3A_878 = tpu.sem_alloc : memref<!tpu.dma_semaphore, #tpu.memory_space<semaphore_mem>>
      %dma_start3A_879 = tpu.memref_slice %arg8[%run_scoped3A_151, %mul3A_150] : memref<18x2048xi32, #tpu.memory_space<hbm>> -> memref<1x128xi32, #tpu.memory_space<hbm>>
      %dma_start3A_880 = tpu.memref_squeeze %dma_start3A_879 : memref<1x128xi32, #tpu.memory_space<hbm>> -> memref<128xi32, #tpu.memory_space<hbm>>
      %dma_start3A_881 = tpu.memref_slice %arg8[%run_scoped3A_151, %mul3A_150] : memref<18x2048xi32, #tpu.memory_space<hbm>> -> memref<1x128xi32, #tpu.memory_space<hbm>>
      %dma_start3A_882 = tpu.memref_squeeze %dma_start3A_881 : memref<1x128xi32, #tpu.memory_space<hbm>> -> memref<128xi32, #tpu.memory_space<hbm>>
      tpu.enqueue_dma source(%arg14 : memref<128xi32, #tpu.memory_space<vmem>>) target(%dma_start3A_882 : memref<128xi32, #tpu.memory_space<hbm>>) target_semaphore(%run_scoped3A_878 : memref<!tpu.dma_semaphore, #tpu.memory_space<semaphore_mem>>)
      %dma_wait3A_883 = tpu.memref_slice %arg8[%run_scoped3A_151, %mul3A_150] : memref<18x2048xi32, #tpu.memory_space<hbm>> -> memref<1x128xi32, #tpu.memory_space<hbm>>
      %dma_wait3A_884 = tpu.memref_squeeze %dma_wait3A_883 : memref<1x128xi32, #tpu.memory_space<hbm>> -> memref<128xi32, #tpu.memory_space<hbm>>
      %dma_wait3A_885 = tpu.memref_slice %arg8[%run_scoped3A_151, %mul3A_150] : memref<18x2048xi32, #tpu.memory_space<hbm>> -> memref<1x128xi32, #tpu.memory_space<hbm>>
      %dma_wait3A_886 = tpu.memref_squeeze %dma_wait3A_885 : memref<1x128xi32, #tpu.memory_space<hbm>> -> memref<128xi32, #tpu.memory_space<hbm>>
      tpu.wait_dma2 semaphore(%run_scoped3A_878 : memref<!tpu.dma_semaphore, #tpu.memory_space<semaphore_mem>>) src(%arg14 : memref<128xi32, #tpu.memory_space<vmem>>) dst(%dma_wait3A_886 : memref<128xi32, #tpu.memory_space<hbm>>)
      tpu.yield
    }) : () -> ()
    %barrier3A_152 = arith.constant 0 : index
    tpu.barrier barrier_id(%barrier3A_152)
    %run_scoped3A_153 = arith.constant 16 : i32
    "tpu.region"() ({
      %run_scoped3A_878 = tpu.sem_alloc : memref<!tpu.dma_semaphore, #tpu.memory_space<semaphore_mem>>
      %dma_start3A_879 = arith.constant 0 : i32
      %dma_start3A_880 = tpu.memref_slice %arg8[%run_scoped3A_153, %dma_start3A_879] : memref<18x2048xi32, #tpu.memory_space<hbm>> -> memref<1x2048xi32, #tpu.memory_space<hbm>>
      %dma_start3A_881 = tpu.memref_squeeze %dma_start3A_880 : memref<1x2048xi32, #tpu.memory_space<hbm>> -> memref<2048xi32, #tpu.memory_space<hbm>>
      %dma_start3A_882 = arith.constant 0 : i32
      %dma_start3A_883 = tpu.memref_slice %arg8[%run_scoped3A_153, %dma_start3A_882] : memref<18x2048xi32, #tpu.memory_space<hbm>> -> memref<1x2048xi32, #tpu.memory_space<hbm>>
      %dma_start3A_884 = tpu.memref_squeeze %dma_start3A_883 : memref<1x2048xi32, #tpu.memory_space<hbm>> -> memref<2048xi32, #tpu.memory_space<hbm>>
      tpu.enqueue_dma source(%dma_start3A_884 : memref<2048xi32, #tpu.memory_space<hbm>>) target(%arg12 : memref<2048xi32, #tpu.memory_space<vmem>>) target_semaphore(%run_scoped3A_878 : memref<!tpu.dma_semaphore, #tpu.memory_space<semaphore_mem>>)
      %dma_wait3A_885 = arith.constant 0 : i32
      %dma_wait3A_886 = tpu.memref_slice %arg8[%run_scoped3A_153, %dma_wait3A_885] : memref<18x2048xi32, #tpu.memory_space<hbm>> -> memref<1x2048xi32, #tpu.memory_space<hbm>>
      %dma_wait3A_887 = tpu.memref_squeeze %dma_wait3A_886 : memref<1x2048xi32, #tpu.memory_space<hbm>> -> memref<2048xi32, #tpu.memory_space<hbm>>
      %dma_wait3A_888 = arith.constant 0 : i32
      %dma_wait3A_889 = tpu.memref_slice %arg8[%run_scoped3A_153, %dma_wait3A_888] : memref<18x2048xi32, #tpu.memory_space<hbm>> -> memref<1x2048xi32, #tpu.memory_space<hbm>>
      %dma_wait3A_890 = tpu.memref_squeeze %dma_wait3A_889 : memref<1x2048xi32, #tpu.memory_space<hbm>> -> memref<2048xi32, #tpu.memory_space<hbm>>
      tpu.wait_dma2 semaphore(%run_scoped3A_878 : memref<!tpu.dma_semaphore, #tpu.memory_space<semaphore_mem>>) src(%dma_wait3A_890 : memref<2048xi32, #tpu.memory_space<hbm>>) dst(%arg12 : memref<2048xi32, #tpu.memory_space<vmem>>)
      tpu.yield
    }) : () -> ()
    %scan3A_154 = arith.constant 0 : i32
    %scan3A_155 = arith.constant false
    %scan3A_156 = arith.constant 0 : i32
    %scan3A_157 = arith.constant 0 : i32
    %scan3A_158 = arith.constant 0 : i32
    %scan3A_159 = arith.constant 128 : i32
    %scan3A_160 = arith.addi %scan3A_158, %scan3A_159 : i32
    %scan3A_161 = arith.constant 1 : i32
    %scan3A_162:4 = scf.for %scan3A_878 = %scan3A_158 to %scan3A_160 step %scan3A_161 iter_args(%scan3A_879 = %scan3A_154, %scan3A_880 = %scan3A_155, %scan3A_881 = %scan3A_156, %scan3A_882 = %scan3A_157) -> (i32, i1, i32, i32)  : i32 {
      %sub3A_883 = arith.constant 127 : i32
      %sub3A_884 = arith.subi %sub3A_883, %scan3A_878 : i32
      %mul3A_885 = arith.constant 16 : i32
      %mul3A_886 = arith.muli %sub3A_884, %mul3A_885 : i32
      %get3A_887 = arith.index_cast %mul3A_886 : i32 to index
      %get3A_888 = tpu.vector_load %arg12[%get3A_887] {strides = array<i32>} : memref<2048xi32, #tpu.memory_space<vmem>>, vector<16xi32>,
      %rev3A = arith.constant 15 : i32
      %rev3A_889 = vector.broadcast %rev3A : i32 to vector<16xi32>
      %rev3A_890 = tpu.iota {dimensions = array<i32: 0>} : vector<16xi32>
      %rev3A_891 = arith.subi %rev3A_889, %rev3A_890 : vector<16xi32>
      %rev3A_892 = tpu.dynamic_gather %get3A_888[%rev3A_891] in [0] : vector<16xi32>, vector<16xi32> -> vector<16xi32>
      %broadcast_in_dim3A_893 = arith.constant true
      %broadcast_in_dim3A_894 = vector.broadcast %broadcast_in_dim3A_893 : i1 to vector<16xi1>
      %masked_cumsum3A = tpu.scan <sum>, %rev3A_892 masked %broadcast_in_dim3A_894 : vector<16xi32>, vector<16xi1> -> vector<16xi32>
      %add3A_895 = vector.broadcast %scan3A_879 : i32 to vector<16xi32>
      %add3A_896 = arith.addi %masked_cumsum3A, %add3A_895 : vector<16xi32>
      %reduce_max3A_897 = arith.constant true
      %reduce_max3A_898 = vector.broadcast %reduce_max3A_897 : i1 to vector<16xi1>
      %reduce_max3A_899 = arith.constant -2147483648 : i32
      %reduce_max3A_900 = vector.broadcast %reduce_max3A_899 : i32 to vector<16xi32>
      %reduce_max3A_901 = arith.xori %add3A_896, %reduce_max3A_900 : vector<16xi32>
      %reduce_max3A_902 = tpu.scan <max>, %reduce_max3A_901 masked %reduce_max3A_898 : vector<16xi32>, vector<16xi1> -> vector<16xi32>
      %reduce_max3A_903 = arith.xori %reduce_max3A_902, %reduce_max3A_900 : vector<16xi32>
      %reduce_max3A_904 = vector.extract %reduce_max3A_903[15] : i32 from vector<16xi32>
      %ge3A = vector.broadcast %sub3A_124 : i32 to vector<16xi32>
      %ge3A_905 = arith.cmpi sge, %add3A_896, %ge3A : vector<16xi32>
      %all_reduce_ffs3A = tpu.all_reduce %ge3A_905 {dim = 0 : i64, kind = #tpu.reduction_kind<find_first_set>} : vector<16xi1> -> vector<16xi32>
      %reduce_max3A_906 = arith.constant true
      %reduce_max3A_907 = vector.broadcast %reduce_max3A_906 : i1 to vector<16xi1>
      %reduce_max3A_908 = arith.constant -2147483648 : i32
      %reduce_max3A_909 = vector.broadcast %reduce_max3A_908 : i32 to vector<16xi32>
      %reduce_max3A_910 = arith.xori %all_reduce_ffs3A, %reduce_max3A_909 : vector<16xi32>
      %reduce_max3A_911 = tpu.scan <max>, %reduce_max3A_910 masked %reduce_max3A_907 : vector<16xi32>, vector<16xi1> -> vector<16xi32>
      %reduce_max3A_912 = arith.xori %reduce_max3A_911, %reduce_max3A_909 : vector<16xi32>
      %reduce_max3A_913 = vector.extract %reduce_max3A_912[15] : i32 from vector<16xi32>
      %gt3A = arith.constant 15 : i32
      %gt3A_914 = arith.cmpi sgt, %reduce_max3A_913, %gt3A : i32
      %jit3A_915 = arith.constant 15 : i32
      %select_n3A_916 = arith.select %gt3A_914, %jit3A_915, %reduce_max3A_913 : i32
      %eq3A_917 = vector.broadcast %select_n3A_916 : i32 to vector<16xi32>
      %eq3A_918 = arith.cmpi eq, %iota3A, %eq3A_917 : vector<16xi32>
      %jit3A_919 = arith.constant 0 : i32
      %broadcast_in_dim3A_920 = vector.broadcast %jit3A_919 : i32 to vector<16xi32>
      %select_n3A_921 = arith.select %eq3A_918, %add3A_896, %broadcast_in_dim3A_920 : vector<16xi1>, vector<16xi32>
      %reduce_sum3A_922 = arith.constant true
      %reduce_sum3A_923 = vector.broadcast %reduce_sum3A_922 : i1 to vector<16xi1>
      %reduce_sum3A_924 = tpu.scan <sum>, %select_n3A_921 masked %reduce_sum3A_923 : vector<16xi32>, vector<16xi1> -> vector<16xi32>
      %reduce_sum3A_925 = vector.extract %reduce_sum3A_924[15] : i32 from vector<16xi32>
      %jit3A_926 = arith.constant 0 : i32
      %broadcast_in_dim3A_927 = vector.broadcast %jit3A_926 : i32 to vector<16xi32>
      %select_n3A_928 = arith.select %eq3A_918, %rev3A_892, %broadcast_in_dim3A_927 : vector<16xi1>, vector<16xi32>
      %reduce_sum3A_929 = arith.constant true
      %reduce_sum3A_930 = vector.broadcast %reduce_sum3A_929 : i1 to vector<16xi1>
      %reduce_sum3A_931 = tpu.scan <sum>, %select_n3A_928 masked %reduce_sum3A_930 : vector<16xi32>, vector<16xi1> -> vector<16xi32>
      %reduce_sum3A_932 = vector.extract %reduce_sum3A_931[15] : i32 from vector<16xi32>
      %not3A = arith.constant true
      %not3A_933 = arith.xori %scan3A_880, %not3A : i1
      %ge3A_934 = arith.cmpi sge, %reduce_max3A_904, %sub3A_124 : i32
      %and3A = arith.andi %not3A_933, %ge3A_934 : i1
      %mul3A_935 = arith.constant 16 : i32
      %mul3A_936 = arith.muli %sub3A_884, %mul3A_935 : i32
      %add3A_937 = arith.constant 15 : i32
      %add3A_938 = arith.addi %mul3A_936, %add3A_937 : i32
      %sub3A_939 = arith.subi %add3A_938, %select_n3A_916 : i32
      %select_n3A_940 = arith.select %and3A, %sub3A_939, %scan3A_881 : i32
      %sub3A_941 = arith.subi %reduce_sum3A_925, %reduce_sum3A_932 : i32
      %select_n3A_942 = arith.select %and3A, %sub3A_941, %scan3A_882 : i32
      %or3A_943 = arith.ori %scan3A_880, %and3A : i1
      scf.yield %reduce_max3A_904, %or3A_943, %select_n3A_940, %select_n3A_942 : i32, i1, i32, i32
    }
    %scan3A_163 = arith.constant 128 : i32
    %sub3A_164 = arith.subi %sub3A_124, %scan3A_162#3 : i32
    %shift_left3A = arith.constant 11 : i32
    %shift_left3A_165 = arith.shli %scan3A_122#2, %shift_left3A : i32
    %or3A = arith.ori %shift_left3A_165, %scan3A_162#2 : i32
    %scan3A_166 = arith.constant 0 : i32
    %scan3A_167 = arith.constant 0 : i32
    %scan3A_168 = arith.constant 128 : i32
    %scan3A_169 = arith.addi %scan3A_167, %scan3A_168 : i32
    %scan3A_170 = arith.constant 1 : i32
    %scan3A_171 = scf.for %scan3A_878 = %scan3A_167 to %scan3A_169 step %scan3A_170 iter_args(%scan3A_879 = %scan3A_166) -> (i32)  : i32 {
      %broadcast_in_dim3A_880 = arith.constant 0 : i32
      %broadcast_in_dim3A_881 = vector.broadcast %broadcast_in_dim3A_880 : i32 to vector<16xi32>
      %mul3A_882 = arith.constant 16 : i32
      %mul3A_883 = arith.muli %scan3A_878, %mul3A_882 : i32
      %swap3A_884 = arith.index_cast %mul3A_883 : i32 to index
      %swap3A_885 = tpu.vector_load %arg11[%swap3A_884] {strides = array<i32>} : memref<2048xi32, #tpu.memory_space<vmem>>, vector<16xi32>,
      tpu.vector_store %arg11[%swap3A_884], %broadcast_in_dim3A_881 {strides = array<i32>} : memref<2048xi32, #tpu.memory_space<vmem>>, vector<16xi32>,
      %scan3A_886 = arith.constant 0 : i32
      scf.yield %scan3A_886 : i32
    }
    %scan3A_172 = arith.constant 128 : i32
    %scan3A_173 = arith.constant 0 : i32
    %scan3A_174 = arith.constant 0 : i32
    %scan3A_175 = arith.constant 977 : i32
    %scan3A_176 = arith.addi %scan3A_174, %scan3A_175 : i32
    %scan3A_177 = arith.constant 1 : i32
    %scan3A_178 = scf.for %scan3A_878 = %scan3A_174 to %scan3A_176 step %scan3A_177 iter_args(%scan3A_879 = %scan3A_173) -> (i32)  : i32 {
      %mul3A_880 = arith.constant 4 : i32
      %mul3A_881 = arith.muli %scan3A_878, %mul3A_880 : i32
      %add3A_882 = arith.constant 0 : i32
      %add3A_883 = arith.addi %mul3A_881, %add3A_882 : i32
      %mul3A_884 = arith.constant 16 : i32
      %mul3A_885 = arith.muli %add3A_883, %mul3A_884 : i32
      %get3A_886 = arith.index_cast %mul3A_885 : i32 to index
      %get3A_887 = tpu.vector_load %arg9[%get3A_886] {strides = array<i32>} : memref<62528xi32, #tpu.memory_space<vmem>>, vector<16xi32>,
      %xor3A_888 = arith.constant -2147483648 : i32
      %xor3A_889 = vector.broadcast %xor3A_888 : i32 to vector<16xi32>
      %xor3A_890 = arith.xori %get3A_887, %xor3A_889 : vector<16xi32>
      %bitcast3A = vector.bitcast %xor3A_890 : vector<16xi32> to vector<16xi32>
      %shift_right_logical3A = arith.constant 10 : i32
      %shift_right_logical3A_891 = vector.broadcast %shift_right_logical3A : i32 to vector<16xi32>
      %shift_right_logical3A_892 = arith.shrui %bitcast3A, %shift_right_logical3A_891 : vector<16xi32>
      %bitcast3A_893 = vector.bitcast %shift_right_logical3A_892 : vector<16xi32> to vector<16xi32>
      %eq3A_894 = vector.broadcast %or3A : i32 to vector<16xi32>
      %eq3A_895 = arith.cmpi eq, %bitcast3A_893, %eq3A_894 : vector<16xi32>
      %mul3A_896 = arith.constant 4 : i32
      %mul3A_897 = arith.muli %scan3A_878, %mul3A_896 : i32
      %add3A_898 = arith.constant 1 : i32
      %add3A_899 = arith.addi %mul3A_897, %add3A_898 : i32
      %mul3A_900 = arith.constant 16 : i32
      %mul3A_901 = arith.muli %add3A_899, %mul3A_900 : i32
      %get3A_902 = arith.index_cast %mul3A_901 : i32 to index
      %get3A_903 = tpu.vector_load %arg9[%get3A_902] {strides = array<i32>} : memref<62528xi32, #tpu.memory_space<vmem>>, vector<16xi32>,
      %xor3A_904 = arith.constant -2147483648 : i32
      %xor3A_905 = vector.broadcast %xor3A_904 : i32 to vector<16xi32>
      %xor3A_906 = arith.xori %get3A_903, %xor3A_905 : vector<16xi32>
      %bitcast3A_907 = vector.bitcast %xor3A_906 : vector<16xi32> to vector<16xi32>
      %shift_right_logical3A_908 = arith.constant 10 : i32
      %shift_right_logical3A_909 = vector.broadcast %shift_right_logical3A_908 : i32 to vector<16xi32>
      %shift_right_logical3A_910 = arith.shrui %bitcast3A_907, %shift_right_logical3A_909 : vector<16xi32>
      %bitcast3A_911 = vector.bitcast %shift_right_logical3A_910 : vector<16xi32> to vector<16xi32>
      %eq3A_912 = vector.broadcast %or3A : i32 to vector<16xi32>
      %eq3A_913 = arith.cmpi eq, %bitcast3A_911, %eq3A_912 : vector<16xi32>
      %mul3A_914 = arith.constant 4 : i32
      %mul3A_915 = arith.muli %scan3A_878, %mul3A_914 : i32
      %add3A_916 = arith.constant 2 : i32
      %add3A_917 = arith.addi %mul3A_915, %add3A_916 : i32
      %mul3A_918 = arith.constant 16 : i32
      %mul3A_919 = arith.muli %add3A_917, %mul3A_918 : i32
      %get3A_920 = arith.index_cast %mul3A_919 : i32 to index
      %get3A_921 = tpu.vector_load %arg9[%get3A_920] {strides = array<i32>} : memref<62528xi32, #tpu.memory_space<vmem>>, vector<16xi32>,
      %xor3A_922 = arith.constant -2147483648 : i32
      %xor3A_923 = vector.broadcast %xor3A_922 : i32 to vector<16xi32>
      %xor3A_924 = arith.xori %get3A_921, %xor3A_923 : vector<16xi32>
      %bitcast3A_925 = vector.bitcast %xor3A_924 : vector<16xi32> to vector<16xi32>
      %shift_right_logical3A_926 = arith.constant 10 : i32
      %shift_right_logical3A_927 = vector.broadcast %shift_right_logical3A_926 : i32 to vector<16xi32>
      %shift_right_logical3A_928 = arith.shrui %bitcast3A_925, %shift_right_logical3A_927 : vector<16xi32>
      %bitcast3A_929 = vector.bitcast %shift_right_logical3A_928 : vector<16xi32> to vector<16xi32>
      %eq3A_930 = vector.broadcast %or3A : i32 to vector<16xi32>
      %eq3A_931 = arith.cmpi eq, %bitcast3A_929, %eq3A_930 : vector<16xi32>
      %mul3A_932 = arith.constant 4 : i32
      %mul3A_933 = arith.muli %scan3A_878, %mul3A_932 : i32
      %add3A_934 = arith.constant 3 : i32
      %add3A_935 = arith.addi %mul3A_933, %add3A_934 : i32
      %mul3A_936 = arith.constant 16 : i32
      %mul3A_937 = arith.muli %add3A_935, %mul3A_936 : i32
      %get3A_938 = arith.index_cast %mul3A_937 : i32 to index
      %get3A_939 = tpu.vector_load %arg9[%get3A_938] {strides = array<i32>} : memref<62528xi32, #tpu.memory_space<vmem>>, vector<16xi32>,
      %xor3A_940 = arith.constant -2147483648 : i32
      %xor3A_941 = vector.broadcast %xor3A_940 : i32 to vector<16xi32>
      %xor3A_942 = arith.xori %get3A_939, %xor3A_941 : vector<16xi32>
      %bitcast3A_943 = vector.bitcast %xor3A_942 : vector<16xi32> to vector<16xi32>
      %shift_right_logical3A_944 = arith.constant 10 : i32
      %shift_right_logical3A_945 = vector.broadcast %shift_right_logical3A_944 : i32 to vector<16xi32>
      %shift_right_logical3A_946 = arith.shrui %bitcast3A_943, %shift_right_logical3A_945 : vector<16xi32>
      %bitcast3A_947 = vector.bitcast %shift_right_logical3A_946 : vector<16xi32> to vector<16xi32>
      %eq3A_948 = vector.broadcast %or3A : i32 to vector<16xi32>
      %eq3A_949 = arith.cmpi eq, %bitcast3A_947, %eq3A_948 : vector<16xi32>
      %or3A_950 = arith.ori %eq3A_895, %eq3A_913 : vector<16xi1>
      %or3A_951 = arith.ori %eq3A_931, %eq3A_949 : vector<16xi1>
      %or3A_952 = arith.ori %or3A_950, %or3A_951 : vector<16xi1>
      %all_reduce_population_count3A = tpu.all_reduce %or3A_952 {dim = 0 : i64, kind = #tpu.reduction_kind<sum>} : vector<16xi1> -> vector<16xi32>
      %reduce_max3A_953 = arith.constant true
      %reduce_max3A_954 = vector.broadcast %reduce_max3A_953 : i1 to vector<16xi1>
      %reduce_max3A_955 = arith.constant -2147483648 : i32
      %reduce_max3A_956 = vector.broadcast %reduce_max3A_955 : i32 to vector<16xi32>
      %reduce_max3A_957 = arith.xori %all_reduce_population_count3A, %reduce_max3A_956 : vector<16xi32>
      %reduce_max3A_958 = tpu.scan <max>, %reduce_max3A_957 masked %reduce_max3A_954 : vector<16xi32>, vector<16xi1> -> vector<16xi32>
      %reduce_max3A_959 = arith.xori %reduce_max3A_958, %reduce_max3A_956 : vector<16xi32>
      %reduce_max3A_960 = vector.extract %reduce_max3A_959[15] : i32 from vector<16xi32>
      %gt3A = arith.constant 0 : i32
      %gt3A_961 = arith.cmpi sgt, %reduce_max3A_960, %gt3A : i32
      %convert_element_type3A = arith.extui %gt3A_961 : i1 to i32
      %cond3A = arith.constant 0 : i32
      %cond3A_962 = arith.cmpi ne, %convert_element_type3A, %cond3A : i32
      scf.if %cond3A_962 {
        %bitcast3A_964 = vector.bitcast %xor3A_890 : vector<16xi32> to vector<16xi32>
        %shift_right_logical3A_965 = arith.constant 0 : i32
        %shift_right_logical3A_966 = vector.broadcast %shift_right_logical3A_965 : i32 to vector<16xi32>
        %shift_right_logical3A_967 = arith.shrui %bitcast3A_964, %shift_right_logical3A_966 : vector<16xi32>
        %bitcast3A_968 = vector.bitcast %shift_right_logical3A_967 : vector<16xi32> to vector<16xi32>
        %and3A = arith.constant 1023 : i32
        %and3A_969 = vector.broadcast %and3A : i32 to vector<16xi32>
        %and3A_970 = arith.andi %bitcast3A_968, %and3A_969 : vector<16xi32>
        %unique3A, %unique3A_971 = tpu.scan_count mask(%eq3A_895 : vector<16xi1>) value(%and3A_970 : vector<16xi32>) : vector<16xi1>, vector<16xi32>
        tpu.vector_store_idx %arg11[%and3A_970], %unique3A_971 masked %unique3A {add = true} : memref<2048xi32, #tpu.memory_space<vmem>>[vector<16xi32>], vector<16xi32>, vector<16xi1>
        %bitcast3A_972 = vector.bitcast %xor3A_906 : vector<16xi32> to vector<16xi32>
        %shift_right_logical3A_973 = arith.constant 0 : i32
        %shift_right_logical3A_974 = vector.broadcast %shift_right_logical3A_973 : i32 to vector<16xi32>
        %shift_right_logical3A_975 = arith.shrui %bitcast3A_972, %shift_right_logical3A_974 : vector<16xi32>
        %bitcast3A_976 = vector.bitcast %shift_right_logical3A_975 : vector<16xi32> to vector<16xi32>
        %and3A_977 = arith.constant 1023 : i32
        %and3A_978 = vector.broadcast %and3A_977 : i32 to vector<16xi32>
        %and3A_979 = arith.andi %bitcast3A_976, %and3A_978 : vector<16xi32>
        %unique3A_980, %unique3A_981 = tpu.scan_count mask(%eq3A_913 : vector<16xi1>) value(%and3A_979 : vector<16xi32>) : vector<16xi1>, vector<16xi32>
        tpu.vector_store_idx %arg11[%and3A_979], %unique3A_981 masked %unique3A_980 {add = true} : memref<2048xi32, #tpu.memory_space<vmem>>[vector<16xi32>], vector<16xi32>, vector<16xi1>
        %bitcast3A_982 = vector.bitcast %xor3A_924 : vector<16xi32> to vector<16xi32>
        %shift_right_logical3A_983 = arith.constant 0 : i32
        %shift_right_logical3A_984 = vector.broadcast %shift_right_logical3A_983 : i32 to vector<16xi32>
        %shift_right_logical3A_985 = arith.shrui %bitcast3A_982, %shift_right_logical3A_984 : vector<16xi32>
        %bitcast3A_986 = vector.bitcast %shift_right_logical3A_985 : vector<16xi32> to vector<16xi32>
        %and3A_987 = arith.constant 1023 : i32
        %and3A_988 = vector.broadcast %and3A_987 : i32 to vector<16xi32>
        %and3A_989 = arith.andi %bitcast3A_986, %and3A_988 : vector<16xi32>
        %unique3A_990, %unique3A_991 = tpu.scan_count mask(%eq3A_931 : vector<16xi1>) value(%and3A_989 : vector<16xi32>) : vector<16xi1>, vector<16xi32>
        tpu.vector_store_idx %arg11[%and3A_989], %unique3A_991 masked %unique3A_990 {add = true} : memref<2048xi32, #tpu.memory_space<vmem>>[vector<16xi32>], vector<16xi32>, vector<16xi1>
        %bitcast3A_992 = vector.bitcast %xor3A_942 : vector<16xi32> to vector<16xi32>
        %shift_right_logical3A_993 = arith.constant 0 : i32
        %shift_right_logical3A_994 = vector.broadcast %shift_right_logical3A_993 : i32 to vector<16xi32>
        %shift_right_logical3A_995 = arith.shrui %bitcast3A_992, %shift_right_logical3A_994 : vector<16xi32>
        %bitcast3A_996 = vector.bitcast %shift_right_logical3A_995 : vector<16xi32> to vector<16xi32>
        %and3A_997 = arith.constant 1023 : i32
        %and3A_998 = vector.broadcast %and3A_997 : i32 to vector<16xi32>
        %and3A_999 = arith.andi %bitcast3A_996, %and3A_998 : vector<16xi32>
        %unique3A_1000, %unique3A_1001 = tpu.scan_count mask(%eq3A_949 : vector<16xi1>) value(%and3A_999 : vector<16xi32>) : vector<16xi1>, vector<16xi32>
        tpu.vector_store_idx %arg11[%and3A_999], %unique3A_1001 masked %unique3A_1000 {add = true} : memref<2048xi32, #tpu.memory_space<vmem>>[vector<16xi32>], vector<16xi32>, vector<16xi1>
      } else {
      }
      %scan3A_963 = arith.constant 0 : i32
      scf.yield %scan3A_963 : i32
    }
    %scan3A_179 = arith.constant 977 : i32
    "tpu.region"() ({
      %run_scoped3A_878 = tpu.sem_alloc : memref<!tpu.dma_semaphore, #tpu.memory_space<semaphore_mem>>
      %dma_start3A_879 = arith.constant 0 : i32
      %dma_start3A_880 = tpu.memref_slice %arg8[%arg1, %dma_start3A_879] : memref<18x2048xi32, #tpu.memory_space<hbm>> -> memref<1x2048xi32, #tpu.memory_space<hbm>>
      %dma_start3A_881 = tpu.memref_squeeze %dma_start3A_880 : memref<1x2048xi32, #tpu.memory_space<hbm>> -> memref<2048xi32, #tpu.memory_space<hbm>>
      %dma_start3A_882 = arith.constant 0 : i32
      %dma_start3A_883 = tpu.memref_slice %arg8[%arg1, %dma_start3A_882] : memref<18x2048xi32, #tpu.memory_space<hbm>> -> memref<1x2048xi32, #tpu.memory_space<hbm>>
      %dma_start3A_884 = tpu.memref_squeeze %dma_start3A_883 : memref<1x2048xi32, #tpu.memory_space<hbm>> -> memref<2048xi32, #tpu.memory_space<hbm>>
      tpu.enqueue_dma source(%arg11 : memref<2048xi32, #tpu.memory_space<vmem>>) target(%dma_start3A_884 : memref<2048xi32, #tpu.memory_space<hbm>>) target_semaphore(%run_scoped3A_878 : memref<!tpu.dma_semaphore, #tpu.memory_space<semaphore_mem>>)
      %dma_wait3A_885 = arith.constant 0 : i32
      %dma_wait3A_886 = tpu.memref_slice %arg8[%arg1, %dma_wait3A_885] : memref<18x2048xi32, #tpu.memory_space<hbm>> -> memref<1x2048xi32, #tpu.memory_space<hbm>>
      %dma_wait3A_887 = tpu.memref_squeeze %dma_wait3A_886 : memref<1x2048xi32, #tpu.memory_space<hbm>> -> memref<2048xi32, #tpu.memory_space<hbm>>
      %dma_wait3A_888 = arith.constant 0 : i32
      %dma_wait3A_889 = tpu.memref_slice %arg8[%arg1, %dma_wait3A_888] : memref<18x2048xi32, #tpu.memory_space<hbm>> -> memref<1x2048xi32, #tpu.memory_space<hbm>>
      %dma_wait3A_890 = tpu.memref_squeeze %dma_wait3A_889 : memref<1x2048xi32, #tpu.memory_space<hbm>> -> memref<2048xi32, #tpu.memory_space<hbm>>
      tpu.wait_dma2 semaphore(%run_scoped3A_878 : memref<!tpu.dma_semaphore, #tpu.memory_space<semaphore_mem>>) src(%arg11 : memref<2048xi32, #tpu.memory_space<vmem>>) dst(%dma_wait3A_890 : memref<2048xi32, #tpu.memory_space<hbm>>)
      tpu.yield
    }) : () -> ()
    %barrier3A_180 = arith.constant 0 : index
    tpu.barrier barrier_id(%barrier3A_180)
    %mul3A_181 = arith.constant 128 : i32
    %mul3A_182 = arith.muli %arg1, %mul3A_181 : i32
    "tpu.region"() ({
      %run_scoped3A_878 = tpu.sem_alloc : memref<!tpu.dma_semaphore, #tpu.memory_space<semaphore_mem>>
      %dma_start3A_879 = arith.constant 0 : i32
      %dma_start3A_880 = tpu.memref_slice %arg8[%dma_start3A_879, %mul3A_182] : memref<18x2048xi32, #tpu.memory_space<hbm>> -> memref<16x128xi32, #tpu.memory_space<hbm>>
      %dma_start3A_881 = arith.constant 0 : i32
      %dma_start3A_882 = tpu.memref_slice %arg8[%dma_start3A_881, %mul3A_182] : memref<18x2048xi32, #tpu.memory_space<hbm>> -> memref<16x128xi32, #tpu.memory_space<hbm>>
      tpu.enqueue_dma source(%dma_start3A_882 : memref<16x128xi32, #tpu.memory_space<hbm>>) target(%arg13 : memref<16x128xi32, #tpu.memory_space<vmem>>) target_semaphore(%run_scoped3A_878 : memref<!tpu.dma_semaphore, #tpu.memory_space<semaphore_mem>>)
      %dma_wait3A_883 = arith.constant 0 : i32
      %dma_wait3A_884 = tpu.memref_slice %arg8[%dma_wait3A_883, %mul3A_182] : memref<18x2048xi32, #tpu.memory_space<hbm>> -> memref<16x128xi32, #tpu.memory_space<hbm>>
      %dma_wait3A_885 = arith.constant 0 : i32
      %dma_wait3A_886 = tpu.memref_slice %arg8[%dma_wait3A_885, %mul3A_182] : memref<18x2048xi32, #tpu.memory_space<hbm>> -> memref<16x128xi32, #tpu.memory_space<hbm>>
      tpu.wait_dma2 semaphore(%run_scoped3A_878 : memref<!tpu.dma_semaphore, #tpu.memory_space<semaphore_mem>>) src(%dma_wait3A_886 : memref<16x128xi32, #tpu.memory_space<hbm>>) dst(%arg13 : memref<16x128xi32, #tpu.memory_space<vmem>>)
      tpu.yield
    }) : () -> ()
    %scan3A_183 = arith.constant 0 : i32
    %scan3A_184 = arith.constant 0 : i32
    %scan3A_185 = arith.constant 8 : i32
    %scan3A_186 = arith.addi %scan3A_184, %scan3A_185 : i32
    %scan3A_187 = arith.constant 1 : i32
    %scan3A_188 = scf.for %scan3A_878 = %scan3A_184 to %scan3A_186 step %scan3A_187 iter_args(%scan3A_879 = %scan3A_183) -> (i32)  : i32 {
      %mul3A_880 = arith.constant 16 : i32
      %mul3A_881 = arith.muli %scan3A_878, %mul3A_880 : i32
      %get3A_882 = arith.constant 0 : i32
      %get3A_883 = arith.index_cast %get3A_882 : i32 to index
      %get3A_884 = arith.index_cast %mul3A_881 : i32 to index
      %get3A_885 = tpu.vector_load %arg13[%get3A_883, %get3A_884] {strides = array<i32>} : memref<16x128xi32, #tpu.memory_space<vmem>>, vector<16xi32>,
      %mul3A_886 = arith.constant 16 : i32
      %mul3A_887 = arith.muli %scan3A_878, %mul3A_886 : i32
      %get3A_888 = arith.constant 1 : i32
      %get3A_889 = arith.index_cast %get3A_888 : i32 to index
      %get3A_890 = arith.index_cast %mul3A_887 : i32 to index
      %get3A_891 = tpu.vector_load %arg13[%get3A_889, %get3A_890] {strides = array<i32>} : memref<16x128xi32, #tpu.memory_space<vmem>>, vector<16xi32>,
      %add3A_892 = arith.addi %get3A_885, %get3A_891 : vector<16xi32>
      %mul3A_893 = arith.constant 16 : i32
      %mul3A_894 = arith.muli %scan3A_878, %mul3A_893 : i32
      %get3A_895 = arith.constant 2 : i32
      %get3A_896 = arith.index_cast %get3A_895 : i32 to index
      %get3A_897 = arith.index_cast %mul3A_894 : i32 to index
      %get3A_898 = tpu.vector_load %arg13[%get3A_896, %get3A_897] {strides = array<i32>} : memref<16x128xi32, #tpu.memory_space<vmem>>, vector<16xi32>,
      %add3A_899 = arith.addi %add3A_892, %get3A_898 : vector<16xi32>
      %mul3A_900 = arith.constant 16 : i32
      %mul3A_901 = arith.muli %scan3A_878, %mul3A_900 : i32
      %get3A_902 = arith.constant 3 : i32
      %get3A_903 = arith.index_cast %get3A_902 : i32 to index
      %get3A_904 = arith.index_cast %mul3A_901 : i32 to index
      %get3A_905 = tpu.vector_load %arg13[%get3A_903, %get3A_904] {strides = array<i32>} : memref<16x128xi32, #tpu.memory_space<vmem>>, vector<16xi32>,
      %add3A_906 = arith.addi %add3A_899, %get3A_905 : vector<16xi32>
      %mul3A_907 = arith.constant 16 : i32
      %mul3A_908 = arith.muli %scan3A_878, %mul3A_907 : i32
      %get3A_909 = arith.constant 4 : i32
      %get3A_910 = arith.index_cast %get3A_909 : i32 to index
      %get3A_911 = arith.index_cast %mul3A_908 : i32 to index
      %get3A_912 = tpu.vector_load %arg13[%get3A_910, %get3A_911] {strides = array<i32>} : memref<16x128xi32, #tpu.memory_space<vmem>>, vector<16xi32>,
      %add3A_913 = arith.addi %add3A_906, %get3A_912 : vector<16xi32>
      %mul3A_914 = arith.constant 16 : i32
      %mul3A_915 = arith.muli %scan3A_878, %mul3A_914 : i32
      %get3A_916 = arith.constant 5 : i32
      %get3A_917 = arith.index_cast %get3A_916 : i32 to index
      %get3A_918 = arith.index_cast %mul3A_915 : i32 to index
      %get3A_919 = tpu.vector_load %arg13[%get3A_917, %get3A_918] {strides = array<i32>} : memref<16x128xi32, #tpu.memory_space<vmem>>, vector<16xi32>,
      %add3A_920 = arith.addi %add3A_913, %get3A_919 : vector<16xi32>
      %mul3A_921 = arith.constant 16 : i32
      %mul3A_922 = arith.muli %scan3A_878, %mul3A_921 : i32
      %get3A_923 = arith.constant 6 : i32
      %get3A_924 = arith.index_cast %get3A_923 : i32 to index
      %get3A_925 = arith.index_cast %mul3A_922 : i32 to index
      %get3A_926 = tpu.vector_load %arg13[%get3A_924, %get3A_925] {strides = array<i32>} : memref<16x128xi32, #tpu.memory_space<vmem>>, vector<16xi32>,
      %add3A_927 = arith.addi %add3A_920, %get3A_926 : vector<16xi32>
      %mul3A_928 = arith.constant 16 : i32
      %mul3A_929 = arith.muli %scan3A_878, %mul3A_928 : i32
      %get3A_930 = arith.constant 7 : i32
      %get3A_931 = arith.index_cast %get3A_930 : i32 to index
      %get3A_932 = arith.index_cast %mul3A_929 : i32 to index
      %get3A_933 = tpu.vector_load %arg13[%get3A_931, %get3A_932] {strides = array<i32>} : memref<16x128xi32, #tpu.memory_space<vmem>>, vector<16xi32>,
      %add3A_934 = arith.addi %add3A_927, %get3A_933 : vector<16xi32>
      %mul3A_935 = arith.constant 16 : i32
      %mul3A_936 = arith.muli %scan3A_878, %mul3A_935 : i32
      %get3A_937 = arith.constant 8 : i32
      %get3A_938 = arith.index_cast %get3A_937 : i32 to index
      %get3A_939 = arith.index_cast %mul3A_936 : i32 to index
      %get3A_940 = tpu.vector_load %arg13[%get3A_938, %get3A_939] {strides = array<i32>} : memref<16x128xi32, #tpu.memory_space<vmem>>, vector<16xi32>,
      %add3A_941 = arith.addi %add3A_934, %get3A_940 : vector<16xi32>
      %mul3A_942 = arith.constant 16 : i32
      %mul3A_943 = arith.muli %scan3A_878, %mul3A_942 : i32
      %get3A_944 = arith.constant 9 : i32
      %get3A_945 = arith.index_cast %get3A_944 : i32 to index
      %get3A_946 = arith.index_cast %mul3A_943 : i32 to index
      %get3A_947 = tpu.vector_load %arg13[%get3A_945, %get3A_946] {strides = array<i32>} : memref<16x128xi32, #tpu.memory_space<vmem>>, vector<16xi32>,
      %add3A_948 = arith.addi %add3A_941, %get3A_947 : vector<16xi32>
      %mul3A_949 = arith.constant 16 : i32
      %mul3A_950 = arith.muli %scan3A_878, %mul3A_949 : i32
      %get3A_951 = arith.constant 10 : i32
      %get3A_952 = arith.index_cast %get3A_951 : i32 to index
      %get3A_953 = arith.index_cast %mul3A_950 : i32 to index
      %get3A_954 = tpu.vector_load %arg13[%get3A_952, %get3A_953] {strides = array<i32>} : memref<16x128xi32, #tpu.memory_space<vmem>>, vector<16xi32>,
      %add3A_955 = arith.addi %add3A_948, %get3A_954 : vector<16xi32>
      %mul3A_956 = arith.constant 16 : i32
      %mul3A_957 = arith.muli %scan3A_878, %mul3A_956 : i32
      %get3A_958 = arith.constant 11 : i32
      %get3A_959 = arith.index_cast %get3A_958 : i32 to index
      %get3A_960 = arith.index_cast %mul3A_957 : i32 to index
      %get3A_961 = tpu.vector_load %arg13[%get3A_959, %get3A_960] {strides = array<i32>} : memref<16x128xi32, #tpu.memory_space<vmem>>, vector<16xi32>,
      %add3A_962 = arith.addi %add3A_955, %get3A_961 : vector<16xi32>
      %mul3A_963 = arith.constant 16 : i32
      %mul3A_964 = arith.muli %scan3A_878, %mul3A_963 : i32
      %get3A_965 = arith.constant 12 : i32
      %get3A_966 = arith.index_cast %get3A_965 : i32 to index
      %get3A_967 = arith.index_cast %mul3A_964 : i32 to index
      %get3A_968 = tpu.vector_load %arg13[%get3A_966, %get3A_967] {strides = array<i32>} : memref<16x128xi32, #tpu.memory_space<vmem>>, vector<16xi32>,
      %add3A_969 = arith.addi %add3A_962, %get3A_968 : vector<16xi32>
      %mul3A_970 = arith.constant 16 : i32
      %mul3A_971 = arith.muli %scan3A_878, %mul3A_970 : i32
      %get3A_972 = arith.constant 13 : i32
      %get3A_973 = arith.index_cast %get3A_972 : i32 to index
      %get3A_974 = arith.index_cast %mul3A_971 : i32 to index
      %get3A_975 = tpu.vector_load %arg13[%get3A_973, %get3A_974] {strides = array<i32>} : memref<16x128xi32, #tpu.memory_space<vmem>>, vector<16xi32>,
      %add3A_976 = arith.addi %add3A_969, %get3A_975 : vector<16xi32>
      %mul3A_977 = arith.constant 16 : i32
      %mul3A_978 = arith.muli %scan3A_878, %mul3A_977 : i32
      %get3A_979 = arith.constant 14 : i32
      %get3A_980 = arith.index_cast %get3A_979 : i32 to index
      %get3A_981 = arith.index_cast %mul3A_978 : i32 to index
      %get3A_982 = tpu.vector_load %arg13[%get3A_980, %get3A_981] {strides = array<i32>} : memref<16x128xi32, #tpu.memory_space<vmem>>, vector<16xi32>,
      %add3A_983 = arith.addi %add3A_976, %get3A_982 : vector<16xi32>
      %mul3A_984 = arith.constant 16 : i32
      %mul3A_985 = arith.muli %scan3A_878, %mul3A_984 : i32
      %get3A_986 = arith.constant 15 : i32
      %get3A_987 = arith.index_cast %get3A_986 : i32 to index
      %get3A_988 = arith.index_cast %mul3A_985 : i32 to index
      %get3A_989 = tpu.vector_load %arg13[%get3A_987, %get3A_988] {strides = array<i32>} : memref<16x128xi32, #tpu.memory_space<vmem>>, vector<16xi32>,
      %add3A_990 = arith.addi %add3A_983, %get3A_989 : vector<16xi32>
      %mul3A_991 = arith.constant 16 : i32
      %mul3A_992 = arith.muli %scan3A_878, %mul3A_991 : i32
      %swap3A_993 = arith.index_cast %mul3A_992 : i32 to index
      %swap3A_994 = tpu.vector_load %arg14[%swap3A_993] {strides = array<i32>} : memref<128xi32, #tpu.memory_space<vmem>>, vector<16xi32>,
      tpu.vector_store %arg14[%swap3A_993], %add3A_990 {strides = array<i32>} : memref<128xi32, #tpu.memory_space<vmem>>, vector<16xi32>,
      %scan3A_995 = arith.constant 0 : i32
      scf.yield %scan3A_995 : i32
    }
    %scan3A_189 = arith.constant 8 : i32
    %mul3A_190 = arith.constant 128 : i32
    %mul3A_191 = arith.muli %arg1, %mul3A_190 : i32
    %run_scoped3A_192 = arith.constant 16 : i32
    "tpu.region"() ({
      %run_scoped3A_878 = tpu.sem_alloc : memref<!tpu.dma_semaphore, #tpu.memory_space<semaphore_mem>>
      %dma_start3A_879 = tpu.memref_slice %arg8[%run_scoped3A_192, %mul3A_191] : memref<18x2048xi32, #tpu.memory_space<hbm>> -> memref<1x128xi32, #tpu.memory_space<hbm>>
      %dma_start3A_880 = tpu.memref_squeeze %dma_start3A_879 : memref<1x128xi32, #tpu.memory_space<hbm>> -> memref<128xi32, #tpu.memory_space<hbm>>
      %dma_start3A_881 = tpu.memref_slice %arg8[%run_scoped3A_192, %mul3A_191] : memref<18x2048xi32, #tpu.memory_space<hbm>> -> memref<1x128xi32, #tpu.memory_space<hbm>>
      %dma_start3A_882 = tpu.memref_squeeze %dma_start3A_881 : memref<1x128xi32, #tpu.memory_space<hbm>> -> memref<128xi32, #tpu.memory_space<hbm>>
      tpu.enqueue_dma source(%arg14 : memref<128xi32, #tpu.memory_space<vmem>>) target(%dma_start3A_882 : memref<128xi32, #tpu.memory_space<hbm>>) target_semaphore(%run_scoped3A_878 : memref<!tpu.dma_semaphore, #tpu.memory_space<semaphore_mem>>)
      %dma_wait3A_883 = tpu.memref_slice %arg8[%run_scoped3A_192, %mul3A_191] : memref<18x2048xi32, #tpu.memory_space<hbm>> -> memref<1x128xi32, #tpu.memory_space<hbm>>
      %dma_wait3A_884 = tpu.memref_squeeze %dma_wait3A_883 : memref<1x128xi32, #tpu.memory_space<hbm>> -> memref<128xi32, #tpu.memory_space<hbm>>
      %dma_wait3A_885 = tpu.memref_slice %arg8[%run_scoped3A_192, %mul3A_191] : memref<18x2048xi32, #tpu.memory_space<hbm>> -> memref<1x128xi32, #tpu.memory_space<hbm>>
      %dma_wait3A_886 = tpu.memref_squeeze %dma_wait3A_885 : memref<1x128xi32, #tpu.memory_space<hbm>> -> memref<128xi32, #tpu.memory_space<hbm>>
      tpu.wait_dma2 semaphore(%run_scoped3A_878 : memref<!tpu.dma_semaphore, #tpu.memory_space<semaphore_mem>>) src(%arg14 : memref<128xi32, #tpu.memory_space<vmem>>) dst(%dma_wait3A_886 : memref<128xi32, #tpu.memory_space<hbm>>)
      tpu.yield
    }) : () -> ()
    %barrier3A_193 = arith.constant 0 : index
    tpu.barrier barrier_id(%barrier3A_193)
    %run_scoped3A_194 = arith.constant 16 : i32
    "tpu.region"() ({
      %run_scoped3A_878 = tpu.sem_alloc : memref<!tpu.dma_semaphore, #tpu.memory_space<semaphore_mem>>
      %dma_start3A_879 = arith.constant 0 : i32
      %dma_start3A_880 = tpu.memref_slice %arg8[%run_scoped3A_194, %dma_start3A_879] : memref<18x2048xi32, #tpu.memory_space<hbm>> -> memref<1x2048xi32, #tpu.memory_space<hbm>>
      %dma_start3A_881 = tpu.memref_squeeze %dma_start3A_880 : memref<1x2048xi32, #tpu.memory_space<hbm>> -> memref<2048xi32, #tpu.memory_space<hbm>>
      %dma_start3A_882 = arith.constant 0 : i32
      %dma_start3A_883 = tpu.memref_slice %arg8[%run_scoped3A_194, %dma_start3A_882] : memref<18x2048xi32, #tpu.memory_space<hbm>> -> memref<1x2048xi32, #tpu.memory_space<hbm>>
      %dma_start3A_884 = tpu.memref_squeeze %dma_start3A_883 : memref<1x2048xi32, #tpu.memory_space<hbm>> -> memref<2048xi32, #tpu.memory_space<hbm>>
      tpu.enqueue_dma source(%dma_start3A_884 : memref<2048xi32, #tpu.memory_space<hbm>>) target(%arg12 : memref<2048xi32, #tpu.memory_space<vmem>>) target_semaphore(%run_scoped3A_878 : memref<!tpu.dma_semaphore, #tpu.memory_space<semaphore_mem>>)
      %dma_wait3A_885 = arith.constant 0 : i32
      %dma_wait3A_886 = tpu.memref_slice %arg8[%run_scoped3A_194, %dma_wait3A_885] : memref<18x2048xi32, #tpu.memory_space<hbm>> -> memref<1x2048xi32, #tpu.memory_space<hbm>>
      %dma_wait3A_887 = tpu.memref_squeeze %dma_wait3A_886 : memref<1x2048xi32, #tpu.memory_space<hbm>> -> memref<2048xi32, #tpu.memory_space<hbm>>
      %dma_wait3A_888 = arith.constant 0 : i32
      %dma_wait3A_889 = tpu.memref_slice %arg8[%run_scoped3A_194, %dma_wait3A_888] : memref<18x2048xi32, #tpu.memory_space<hbm>> -> memref<1x2048xi32, #tpu.memory_space<hbm>>
      %dma_wait3A_890 = tpu.memref_squeeze %dma_wait3A_889 : memref<1x2048xi32, #tpu.memory_space<hbm>> -> memref<2048xi32, #tpu.memory_space<hbm>>
      tpu.wait_dma2 semaphore(%run_scoped3A_878 : memref<!tpu.dma_semaphore, #tpu.memory_space<semaphore_mem>>) src(%dma_wait3A_890 : memref<2048xi32, #tpu.memory_space<hbm>>) dst(%arg12 : memref<2048xi32, #tpu.memory_space<vmem>>)
      tpu.yield
    }) : () -> ()
    %scan3A_195 = arith.constant 0 : i32
    %scan3A_196 = arith.constant false
    %scan3A_197 = arith.constant 0 : i32
    %scan3A_198 = arith.constant 0 : i32
    %scan3A_199 = arith.constant 0 : i32
    %scan3A_200 = arith.constant 128 : i32
    %scan3A_201 = arith.addi %scan3A_199, %scan3A_200 : i32
    %scan3A_202 = arith.constant 1 : i32
    %scan3A_203:4 = scf.for %scan3A_878 = %scan3A_199 to %scan3A_201 step %scan3A_202 iter_args(%scan3A_879 = %scan3A_195, %scan3A_880 = %scan3A_196, %scan3A_881 = %scan3A_197, %scan3A_882 = %scan3A_198) -> (i32, i1, i32, i32)  : i32 {
      %sub3A_883 = arith.constant 127 : i32
      %sub3A_884 = arith.subi %sub3A_883, %scan3A_878 : i32
      %mul3A_885 = arith.constant 16 : i32
      %mul3A_886 = arith.muli %sub3A_884, %mul3A_885 : i32
      %get3A_887 = arith.index_cast %mul3A_886 : i32 to index
      %get3A_888 = tpu.vector_load %arg12[%get3A_887] {strides = array<i32>} : memref<2048xi32, #tpu.memory_space<vmem>>, vector<16xi32>,
      %rev3A = arith.constant 15 : i32
      %rev3A_889 = vector.broadcast %rev3A : i32 to vector<16xi32>
      %rev3A_890 = tpu.iota {dimensions = array<i32: 0>} : vector<16xi32>
      %rev3A_891 = arith.subi %rev3A_889, %rev3A_890 : vector<16xi32>
      %rev3A_892 = tpu.dynamic_gather %get3A_888[%rev3A_891] in [0] : vector<16xi32>, vector<16xi32> -> vector<16xi32>
      %broadcast_in_dim3A_893 = arith.constant true
      %broadcast_in_dim3A_894 = vector.broadcast %broadcast_in_dim3A_893 : i1 to vector<16xi1>
      %masked_cumsum3A = tpu.scan <sum>, %rev3A_892 masked %broadcast_in_dim3A_894 : vector<16xi32>, vector<16xi1> -> vector<16xi32>
      %add3A_895 = vector.broadcast %scan3A_879 : i32 to vector<16xi32>
      %add3A_896 = arith.addi %masked_cumsum3A, %add3A_895 : vector<16xi32>
      %reduce_max3A_897 = arith.constant true
      %reduce_max3A_898 = vector.broadcast %reduce_max3A_897 : i1 to vector<16xi1>
      %reduce_max3A_899 = arith.constant -2147483648 : i32
      %reduce_max3A_900 = vector.broadcast %reduce_max3A_899 : i32 to vector<16xi32>
      %reduce_max3A_901 = arith.xori %add3A_896, %reduce_max3A_900 : vector<16xi32>
      %reduce_max3A_902 = tpu.scan <max>, %reduce_max3A_901 masked %reduce_max3A_898 : vector<16xi32>, vector<16xi1> -> vector<16xi32>
      %reduce_max3A_903 = arith.xori %reduce_max3A_902, %reduce_max3A_900 : vector<16xi32>
      %reduce_max3A_904 = vector.extract %reduce_max3A_903[15] : i32 from vector<16xi32>
      %ge3A = vector.broadcast %sub3A_164 : i32 to vector<16xi32>
      %ge3A_905 = arith.cmpi sge, %add3A_896, %ge3A : vector<16xi32>
      %all_reduce_ffs3A = tpu.all_reduce %ge3A_905 {dim = 0 : i64, kind = #tpu.reduction_kind<find_first_set>} : vector<16xi1> -> vector<16xi32>
      %reduce_max3A_906 = arith.constant true
      %reduce_max3A_907 = vector.broadcast %reduce_max3A_906 : i1 to vector<16xi1>
      %reduce_max3A_908 = arith.constant -2147483648 : i32
      %reduce_max3A_909 = vector.broadcast %reduce_max3A_908 : i32 to vector<16xi32>
      %reduce_max3A_910 = arith.xori %all_reduce_ffs3A, %reduce_max3A_909 : vector<16xi32>
      %reduce_max3A_911 = tpu.scan <max>, %reduce_max3A_910 masked %reduce_max3A_907 : vector<16xi32>, vector<16xi1> -> vector<16xi32>
      %reduce_max3A_912 = arith.xori %reduce_max3A_911, %reduce_max3A_909 : vector<16xi32>
      %reduce_max3A_913 = vector.extract %reduce_max3A_912[15] : i32 from vector<16xi32>
      %gt3A = arith.constant 15 : i32
      %gt3A_914 = arith.cmpi sgt, %reduce_max3A_913, %gt3A : i32
      %jit3A_915 = arith.constant 15 : i32
      %select_n3A_916 = arith.select %gt3A_914, %jit3A_915, %reduce_max3A_913 : i32
      %eq3A_917 = vector.broadcast %select_n3A_916 : i32 to vector<16xi32>
      %eq3A_918 = arith.cmpi eq, %iota3A, %eq3A_917 : vector<16xi32>
      %jit3A_919 = arith.constant 0 : i32
      %broadcast_in_dim3A_920 = vector.broadcast %jit3A_919 : i32 to vector<16xi32>
      %select_n3A_921 = arith.select %eq3A_918, %add3A_896, %broadcast_in_dim3A_920 : vector<16xi1>, vector<16xi32>
      %reduce_sum3A_922 = arith.constant true
      %reduce_sum3A_923 = vector.broadcast %reduce_sum3A_922 : i1 to vector<16xi1>
      %reduce_sum3A_924 = tpu.scan <sum>, %select_n3A_921 masked %reduce_sum3A_923 : vector<16xi32>, vector<16xi1> -> vector<16xi32>
      %reduce_sum3A_925 = vector.extract %reduce_sum3A_924[15] : i32 from vector<16xi32>
      %jit3A_926 = arith.constant 0 : i32
      %broadcast_in_dim3A_927 = vector.broadcast %jit3A_926 : i32 to vector<16xi32>
      %select_n3A_928 = arith.select %eq3A_918, %rev3A_892, %broadcast_in_dim3A_927 : vector<16xi1>, vector<16xi32>
      %reduce_sum3A_929 = arith.constant true
      %reduce_sum3A_930 = vector.broadcast %reduce_sum3A_929 : i1 to vector<16xi1>
      %reduce_sum3A_931 = tpu.scan <sum>, %select_n3A_928 masked %reduce_sum3A_930 : vector<16xi32>, vector<16xi1> -> vector<16xi32>
      %reduce_sum3A_932 = vector.extract %reduce_sum3A_931[15] : i32 from vector<16xi32>
      %not3A = arith.constant true
      %not3A_933 = arith.xori %scan3A_880, %not3A : i1
      %ge3A_934 = arith.cmpi sge, %reduce_max3A_904, %sub3A_164 : i32
      %and3A = arith.andi %not3A_933, %ge3A_934 : i1
      %mul3A_935 = arith.constant 16 : i32
      %mul3A_936 = arith.muli %sub3A_884, %mul3A_935 : i32
      %add3A_937 = arith.constant 15 : i32
      %add3A_938 = arith.addi %mul3A_936, %add3A_937 : i32
      %sub3A_939 = arith.subi %add3A_938, %select_n3A_916 : i32
      %select_n3A_940 = arith.select %and3A, %sub3A_939, %scan3A_881 : i32
      %sub3A_941 = arith.subi %reduce_sum3A_925, %reduce_sum3A_932 : i32
      %select_n3A_942 = arith.select %and3A, %sub3A_941, %scan3A_882 : i32
      %or3A_943 = arith.ori %scan3A_880, %and3A : i1
      scf.yield %reduce_max3A_904, %or3A_943, %select_n3A_940, %select_n3A_942 : i32, i1, i32, i32
    }
    %scan3A_204 = arith.constant 128 : i32
    %sub3A_205 = arith.subi %sub3A_164, %scan3A_203#3 : i32
    %shift_left3A_206 = arith.constant 10 : i32
    %shift_left3A_207 = arith.shli %or3A, %shift_left3A_206 : i32
    %or3A_208 = arith.ori %shift_left3A_207, %scan3A_203#2 : i32
    %xor3A = arith.constant -2147483648 : i32
    %xor3A_209 = arith.xori %or3A_208, %xor3A : i32
    %broadcast_in_dim3A = arith.constant 0 : i32
    %broadcast_in_dim3A_210 = vector.broadcast %broadcast_in_dim3A : i32 to vector<16xi32>
    %swap3A = arith.constant 0 : index
    %swap3A_211 = tpu.vector_load %arg14[%swap3A] {strides = array<i32>} : memref<128xi32, #tpu.memory_space<vmem>>, vector<16xi32>,
    tpu.vector_store %arg14[%swap3A], %broadcast_in_dim3A_210 {strides = array<i32>} : memref<128xi32, #tpu.memory_space<vmem>>, vector<16xi32>,
    %swap3A_212 = arith.constant 16 : index
    %swap3A_213 = tpu.vector_load %arg14[%swap3A_212] {strides = array<i32>} : memref<128xi32, #tpu.memory_space<vmem>>, vector<16xi32>,
    tpu.vector_store %arg14[%swap3A_212], %broadcast_in_dim3A_210 {strides = array<i32>} : memref<128xi32, #tpu.memory_space<vmem>>, vector<16xi32>,
    %scan3A_214 = arith.constant 0 : i32
    %scan3A_215 = arith.constant 0 : i32
    %scan3A_216 = arith.constant 977 : i32
    %scan3A_217 = arith.addi %scan3A_215, %scan3A_216 : i32
    %scan3A_218 = arith.constant 1 : i32
    %scan3A_219 = scf.for %scan3A_878 = %scan3A_215 to %scan3A_217 step %scan3A_218 iter_args(%scan3A_879 = %scan3A_214) -> (i32)  : i32 {
      %mul3A_880 = arith.constant 4 : i32
      %mul3A_881 = arith.muli %scan3A_878, %mul3A_880 : i32
      %add3A_882 = arith.constant 0 : i32
      %add3A_883 = arith.addi %mul3A_881, %add3A_882 : i32
      %mul3A_884 = arith.constant 16 : i32
      %mul3A_885 = arith.muli %add3A_883, %mul3A_884 : i32
      %get3A_886 = arith.index_cast %mul3A_885 : i32 to index
      %get3A_887 = tpu.vector_load %arg9[%get3A_886] {strides = array<i32>} : memref<62528xi32, #tpu.memory_space<vmem>>, vector<16xi32>,
      %ge3A = vector.broadcast %xor3A_209 : i32 to vector<16xi32>
      %ge3A_888 = arith.cmpi sge, %get3A_887, %ge3A : vector<16xi32>
      %mul3A_889 = arith.constant 4 : i32
      %mul3A_890 = arith.muli %scan3A_878, %mul3A_889 : i32
      %add3A_891 = arith.constant 1 : i32
      %add3A_892 = arith.addi %mul3A_890, %add3A_891 : i32
      %mul3A_893 = arith.constant 16 : i32
      %mul3A_894 = arith.muli %add3A_892, %mul3A_893 : i32
      %get3A_895 = arith.index_cast %mul3A_894 : i32 to index
      %get3A_896 = tpu.vector_load %arg9[%get3A_895] {strides = array<i32>} : memref<62528xi32, #tpu.memory_space<vmem>>, vector<16xi32>,
      %ge3A_897 = vector.broadcast %xor3A_209 : i32 to vector<16xi32>
      %ge3A_898 = arith.cmpi sge, %get3A_896, %ge3A_897 : vector<16xi32>
      %mul3A_899 = arith.constant 4 : i32
      %mul3A_900 = arith.muli %scan3A_878, %mul3A_899 : i32
      %add3A_901 = arith.constant 2 : i32
      %add3A_902 = arith.addi %mul3A_900, %add3A_901 : i32
      %mul3A_903 = arith.constant 16 : i32
      %mul3A_904 = arith.muli %add3A_902, %mul3A_903 : i32
      %get3A_905 = arith.index_cast %mul3A_904 : i32 to index
      %get3A_906 = tpu.vector_load %arg9[%get3A_905] {strides = array<i32>} : memref<62528xi32, #tpu.memory_space<vmem>>, vector<16xi32>,
      %ge3A_907 = vector.broadcast %xor3A_209 : i32 to vector<16xi32>
      %ge3A_908 = arith.cmpi sge, %get3A_906, %ge3A_907 : vector<16xi32>
      %mul3A_909 = arith.constant 4 : i32
      %mul3A_910 = arith.muli %scan3A_878, %mul3A_909 : i32
      %add3A_911 = arith.constant 3 : i32
      %add3A_912 = arith.addi %mul3A_910, %add3A_911 : i32
      %mul3A_913 = arith.constant 16 : i32
      %mul3A_914 = arith.muli %add3A_912, %mul3A_913 : i32
      %get3A_915 = arith.index_cast %mul3A_914 : i32 to index
      %get3A_916 = tpu.vector_load %arg9[%get3A_915] {strides = array<i32>} : memref<62528xi32, #tpu.memory_space<vmem>>, vector<16xi32>,
      %ge3A_917 = vector.broadcast %xor3A_209 : i32 to vector<16xi32>
      %ge3A_918 = arith.cmpi sge, %get3A_916, %ge3A_917 : vector<16xi32>
      %or3A_919 = arith.ori %ge3A_888, %ge3A_898 : vector<16xi1>
      %or3A_920 = arith.ori %ge3A_908, %ge3A_918 : vector<16xi1>
      %or3A_921 = arith.ori %or3A_919, %or3A_920 : vector<16xi1>
      %all_reduce_population_count3A = tpu.all_reduce %or3A_921 {dim = 0 : i64, kind = #tpu.reduction_kind<sum>} : vector<16xi1> -> vector<16xi32>
      %reduce_max3A_922 = arith.constant true
      %reduce_max3A_923 = vector.broadcast %reduce_max3A_922 : i1 to vector<16xi1>
      %reduce_max3A_924 = arith.constant -2147483648 : i32
      %reduce_max3A_925 = vector.broadcast %reduce_max3A_924 : i32 to vector<16xi32>
      %reduce_max3A_926 = arith.xori %all_reduce_population_count3A, %reduce_max3A_925 : vector<16xi32>
      %reduce_max3A_927 = tpu.scan <max>, %reduce_max3A_926 masked %reduce_max3A_923 : vector<16xi32>, vector<16xi1> -> vector<16xi32>
      %reduce_max3A_928 = arith.xori %reduce_max3A_927, %reduce_max3A_925 : vector<16xi32>
      %reduce_max3A_929 = vector.extract %reduce_max3A_928[15] : i32 from vector<16xi32>
      %gt3A = arith.constant 0 : i32
      %gt3A_930 = arith.cmpi sgt, %reduce_max3A_929, %gt3A : i32
      %convert_element_type3A = arith.extui %gt3A_930 : i1 to i32
      %cond3A = arith.constant 0 : i32
      %cond3A_931 = arith.cmpi ne, %convert_element_type3A, %cond3A : i32
      scf.if %cond3A_931 {
        %get3A_933 = arith.constant 0 : index
        %get3A_934 = tpu.vector_load %arg14[%get3A_933] {strides = array<i32>} : memref<128xi32, #tpu.memory_space<vmem>>, vector<16xi32>,
        %reduce_max3A_935 = arith.constant true
        %reduce_max3A_936 = vector.broadcast %reduce_max3A_935 : i1 to vector<16xi1>
        %reduce_max3A_937 = arith.constant -2147483648 : i32
        %reduce_max3A_938 = vector.broadcast %reduce_max3A_937 : i32 to vector<16xi32>
        %reduce_max3A_939 = arith.xori %get3A_934, %reduce_max3A_938 : vector<16xi32>
        %reduce_max3A_940 = tpu.scan <max>, %reduce_max3A_939 masked %reduce_max3A_936 : vector<16xi32>, vector<16xi1> -> vector<16xi32>
        %reduce_max3A_941 = arith.xori %reduce_max3A_940, %reduce_max3A_938 : vector<16xi32>
        %reduce_max3A_942 = vector.extract %reduce_max3A_941[15] : i32 from vector<16xi32>
        %get3A_943 = arith.constant 16 : index
        %get3A_944 = tpu.vector_load %arg14[%get3A_943] {strides = array<i32>} : memref<128xi32, #tpu.memory_space<vmem>>, vector<16xi32>,
        %reduce_max3A_945 = arith.constant true
        %reduce_max3A_946 = vector.broadcast %reduce_max3A_945 : i1 to vector<16xi1>
        %reduce_max3A_947 = arith.constant -2147483648 : i32
        %reduce_max3A_948 = vector.broadcast %reduce_max3A_947 : i32 to vector<16xi32>
        %reduce_max3A_949 = arith.xori %get3A_944, %reduce_max3A_948 : vector<16xi32>
        %reduce_max3A_950 = tpu.scan <max>, %reduce_max3A_949 masked %reduce_max3A_946 : vector<16xi32>, vector<16xi1> -> vector<16xi32>
        %reduce_max3A_951 = arith.xori %reduce_max3A_950, %reduce_max3A_948 : vector<16xi32>
        %reduce_max3A_952 = vector.extract %reduce_max3A_951[15] : i32 from vector<16xi32>
        %gt3A_953 = vector.broadcast %xor3A_209 : i32 to vector<16xi32>
        %gt3A_954 = arith.cmpi sgt, %get3A_887, %gt3A_953 : vector<16xi32>
        %eq3A_955 = vector.broadcast %xor3A_209 : i32 to vector<16xi32>
        %eq3A_956 = arith.cmpi eq, %get3A_887, %eq3A_955 : vector<16xi32>
        %mul3A_957 = arith.constant 4 : i32
        %mul3A_958 = arith.muli %scan3A_878, %mul3A_957 : i32
        %add3A_959 = arith.constant 0 : i32
        %add3A_960 = arith.addi %mul3A_958, %add3A_959 : i32
        %mul3A_961 = arith.constant 16 : i32
        %mul3A_962 = arith.muli %add3A_960, %mul3A_961 : i32
        %add3A_963 = arith.addi %mul3A_0, %mul3A_962 : i32
        %add3A_964 = vector.broadcast %add3A_963 : i32 to vector<16xi32>
        %add3A_965 = arith.addi %add3A_964, %iota3A : vector<16xi32>
        %gt3A_966 = arith.constant 8192 : i32
        %gt3A_967 = arith.cmpi sgt, %reduce_max3A_942, %gt3A_966 : i32
        %jit3A_968 = arith.constant 8192 : i32
        %select_n3A_969 = arith.select %gt3A_967, %jit3A_968, %reduce_max3A_942 : i32
        %swap3A_970 = arith.index_cast %select_n3A_969 : i32 to index
        %swap3A_971 = tpu.vector_load %arg15[%swap3A_970] masked %gt3A_954 {strides = array<i32>} : memref<8224xi32, #tpu.memory_space<vmem>>, vector<16xi32>, vector<16xi1>
        tpu.vector_store %arg15[%swap3A_970], %get3A_887 masked %gt3A_954 {strides = array<i32>} : memref<8224xi32, #tpu.memory_space<vmem>>, vector<16xi32>, vector<16xi1>
        %swap3A_972 = arith.index_cast %select_n3A_969 : i32 to index
        %swap3A_973 = tpu.vector_load %arg16[%swap3A_972] masked %gt3A_954 {strides = array<i32>} : memref<8224xi32, #tpu.memory_space<vmem>>, vector<16xi32>, vector<16xi1>
        tpu.vector_store %arg16[%swap3A_972], %add3A_965 masked %gt3A_954 {strides = array<i32>} : memref<8224xi32, #tpu.memory_space<vmem>>, vector<16xi32>, vector<16xi1>
        %gt3A_974 = arith.constant 8192 : i32
        %gt3A_975 = arith.cmpi sgt, %reduce_max3A_952, %gt3A_974 : i32
        %jit3A_976 = arith.constant 8192 : i32
        %select_n3A_977 = arith.select %gt3A_975, %jit3A_976, %reduce_max3A_952 : i32
        %swap3A_978 = arith.index_cast %select_n3A_977 : i32 to index
        %swap3A_979 = tpu.vector_load %arg17[%swap3A_978] masked %eq3A_956 {strides = array<i32>} : memref<8224xi32, #tpu.memory_space<vmem>>, vector<16xi32>, vector<16xi1>
        tpu.vector_store %arg17[%swap3A_978], %add3A_965 masked %eq3A_956 {strides = array<i32>} : memref<8224xi32, #tpu.memory_space<vmem>>, vector<16xi32>, vector<16xi1>
        %all_reduce_population_count3A_980 = tpu.all_reduce %gt3A_954 {dim = 0 : i64, kind = #tpu.reduction_kind<sum>} : vector<16xi1> -> vector<16xi32>
        %reduce_max3A_981 = arith.constant true
        %reduce_max3A_982 = vector.broadcast %reduce_max3A_981 : i1 to vector<16xi1>
        %reduce_max3A_983 = arith.constant -2147483648 : i32
        %reduce_max3A_984 = vector.broadcast %reduce_max3A_983 : i32 to vector<16xi32>
        %reduce_max3A_985 = arith.xori %all_reduce_population_count3A_980, %reduce_max3A_984 : vector<16xi32>
        %reduce_max3A_986 = tpu.scan <max>, %reduce_max3A_985 masked %reduce_max3A_982 : vector<16xi32>, vector<16xi1> -> vector<16xi32>
        %reduce_max3A_987 = arith.xori %reduce_max3A_986, %reduce_max3A_984 : vector<16xi32>
        %reduce_max3A_988 = vector.extract %reduce_max3A_987[15] : i32 from vector<16xi32>
        %add3A_989 = arith.addi %reduce_max3A_942, %reduce_max3A_988 : i32
        %all_reduce_population_count3A_990 = tpu.all_reduce %eq3A_956 {dim = 0 : i64, kind = #tpu.reduction_kind<sum>} : vector<16xi1> -> vector<16xi32>
        %reduce_max3A_991 = arith.constant true
        %reduce_max3A_992 = vector.broadcast %reduce_max3A_991 : i1 to vector<16xi1>
        %reduce_max3A_993 = arith.constant -2147483648 : i32
        %reduce_max3A_994 = vector.broadcast %reduce_max3A_993 : i32 to vector<16xi32>
        %reduce_max3A_995 = arith.xori %all_reduce_population_count3A_990, %reduce_max3A_994 : vector<16xi32>
        %reduce_max3A_996 = tpu.scan <max>, %reduce_max3A_995 masked %reduce_max3A_992 : vector<16xi32>, vector<16xi1> -> vector<16xi32>
        %reduce_max3A_997 = arith.xori %reduce_max3A_996, %reduce_max3A_994 : vector<16xi32>
        %reduce_max3A_998 = vector.extract %reduce_max3A_997[15] : i32 from vector<16xi32>
        %add3A_999 = arith.addi %reduce_max3A_952, %reduce_max3A_998 : i32
        %gt3A_1000 = vector.broadcast %xor3A_209 : i32 to vector<16xi32>
        %gt3A_1001 = arith.cmpi sgt, %get3A_896, %gt3A_1000 : vector<16xi32>
        %eq3A_1002 = vector.broadcast %xor3A_209 : i32 to vector<16xi32>
        %eq3A_1003 = arith.cmpi eq, %get3A_896, %eq3A_1002 : vector<16xi32>
        %mul3A_1004 = arith.constant 4 : i32
        %mul3A_1005 = arith.muli %scan3A_878, %mul3A_1004 : i32
        %add3A_1006 = arith.constant 1 : i32
        %add3A_1007 = arith.addi %mul3A_1005, %add3A_1006 : i32
        %mul3A_1008 = arith.constant 16 : i32
        %mul3A_1009 = arith.muli %add3A_1007, %mul3A_1008 : i32
        %add3A_1010 = arith.addi %mul3A_0, %mul3A_1009 : i32
        %add3A_1011 = vector.broadcast %add3A_1010 : i32 to vector<16xi32>
        %add3A_1012 = arith.addi %add3A_1011, %iota3A : vector<16xi32>
        %gt3A_1013 = arith.constant 8192 : i32
        %gt3A_1014 = arith.cmpi sgt, %add3A_989, %gt3A_1013 : i32
        %jit3A_1015 = arith.constant 8192 : i32
        %select_n3A_1016 = arith.select %gt3A_1014, %jit3A_1015, %add3A_989 : i32
        %swap3A_1017 = arith.index_cast %select_n3A_1016 : i32 to index
        %swap3A_1018 = tpu.vector_load %arg15[%swap3A_1017] masked %gt3A_1001 {strides = array<i32>} : memref<8224xi32, #tpu.memory_space<vmem>>, vector<16xi32>, vector<16xi1>
        tpu.vector_store %arg15[%swap3A_1017], %get3A_896 masked %gt3A_1001 {strides = array<i32>} : memref<8224xi32, #tpu.memory_space<vmem>>, vector<16xi32>, vector<16xi1>
        %swap3A_1019 = arith.index_cast %select_n3A_1016 : i32 to index
        %swap3A_1020 = tpu.vector_load %arg16[%swap3A_1019] masked %gt3A_1001 {strides = array<i32>} : memref<8224xi32, #tpu.memory_space<vmem>>, vector<16xi32>, vector<16xi1>
        tpu.vector_store %arg16[%swap3A_1019], %add3A_1012 masked %gt3A_1001 {strides = array<i32>} : memref<8224xi32, #tpu.memory_space<vmem>>, vector<16xi32>, vector<16xi1>
        %gt3A_1021 = arith.constant 8192 : i32
        %gt3A_1022 = arith.cmpi sgt, %add3A_999, %gt3A_1021 : i32
        %jit3A_1023 = arith.constant 8192 : i32
        %select_n3A_1024 = arith.select %gt3A_1022, %jit3A_1023, %add3A_999 : i32
        %swap3A_1025 = arith.index_cast %select_n3A_1024 : i32 to index
        %swap3A_1026 = tpu.vector_load %arg17[%swap3A_1025] masked %eq3A_1003 {strides = array<i32>} : memref<8224xi32, #tpu.memory_space<vmem>>, vector<16xi32>, vector<16xi1>
        tpu.vector_store %arg17[%swap3A_1025], %add3A_1012 masked %eq3A_1003 {strides = array<i32>} : memref<8224xi32, #tpu.memory_space<vmem>>, vector<16xi32>, vector<16xi1>
        %all_reduce_population_count3A_1027 = tpu.all_reduce %gt3A_1001 {dim = 0 : i64, kind = #tpu.reduction_kind<sum>} : vector<16xi1> -> vector<16xi32>
        %reduce_max3A_1028 = arith.constant true
        %reduce_max3A_1029 = vector.broadcast %reduce_max3A_1028 : i1 to vector<16xi1>
        %reduce_max3A_1030 = arith.constant -2147483648 : i32
        %reduce_max3A_1031 = vector.broadcast %reduce_max3A_1030 : i32 to vector<16xi32>
        %reduce_max3A_1032 = arith.xori %all_reduce_population_count3A_1027, %reduce_max3A_1031 : vector<16xi32>
        %reduce_max3A_1033 = tpu.scan <max>, %reduce_max3A_1032 masked %reduce_max3A_1029 : vector<16xi32>, vector<16xi1> -> vector<16xi32>
        %reduce_max3A_1034 = arith.xori %reduce_max3A_1033, %reduce_max3A_1031 : vector<16xi32>
        %reduce_max3A_1035 = vector.extract %reduce_max3A_1034[15] : i32 from vector<16xi32>
        %add3A_1036 = arith.addi %add3A_989, %reduce_max3A_1035 : i32
        %all_reduce_population_count3A_1037 = tpu.all_reduce %eq3A_1003 {dim = 0 : i64, kind = #tpu.reduction_kind<sum>} : vector<16xi1> -> vector<16xi32>
        %reduce_max3A_1038 = arith.constant true
        %reduce_max3A_1039 = vector.broadcast %reduce_max3A_1038 : i1 to vector<16xi1>
        %reduce_max3A_1040 = arith.constant -2147483648 : i32
        %reduce_max3A_1041 = vector.broadcast %reduce_max3A_1040 : i32 to vector<16xi32>
        %reduce_max3A_1042 = arith.xori %all_reduce_population_count3A_1037, %reduce_max3A_1041 : vector<16xi32>
        %reduce_max3A_1043 = tpu.scan <max>, %reduce_max3A_1042 masked %reduce_max3A_1039 : vector<16xi32>, vector<16xi1> -> vector<16xi32>
        %reduce_max3A_1044 = arith.xori %reduce_max3A_1043, %reduce_max3A_1041 : vector<16xi32>
        %reduce_max3A_1045 = vector.extract %reduce_max3A_1044[15] : i32 from vector<16xi32>
        %add3A_1046 = arith.addi %add3A_999, %reduce_max3A_1045 : i32
        %gt3A_1047 = vector.broadcast %xor3A_209 : i32 to vector<16xi32>
        %gt3A_1048 = arith.cmpi sgt, %get3A_906, %gt3A_1047 : vector<16xi32>
        %eq3A_1049 = vector.broadcast %xor3A_209 : i32 to vector<16xi32>
        %eq3A_1050 = arith.cmpi eq, %get3A_906, %eq3A_1049 : vector<16xi32>
        %mul3A_1051 = arith.constant 4 : i32
        %mul3A_1052 = arith.muli %scan3A_878, %mul3A_1051 : i32
        %add3A_1053 = arith.constant 2 : i32
        %add3A_1054 = arith.addi %mul3A_1052, %add3A_1053 : i32
        %mul3A_1055 = arith.constant 16 : i32
        %mul3A_1056 = arith.muli %add3A_1054, %mul3A_1055 : i32
        %add3A_1057 = arith.addi %mul3A_0, %mul3A_1056 : i32
        %add3A_1058 = vector.broadcast %add3A_1057 : i32 to vector<16xi32>
        %add3A_1059 = arith.addi %add3A_1058, %iota3A : vector<16xi32>
        %gt3A_1060 = arith.constant 8192 : i32
        %gt3A_1061 = arith.cmpi sgt, %add3A_1036, %gt3A_1060 : i32
        %jit3A_1062 = arith.constant 8192 : i32
        %select_n3A_1063 = arith.select %gt3A_1061, %jit3A_1062, %add3A_1036 : i32
        %swap3A_1064 = arith.index_cast %select_n3A_1063 : i32 to index
        %swap3A_1065 = tpu.vector_load %arg15[%swap3A_1064] masked %gt3A_1048 {strides = array<i32>} : memref<8224xi32, #tpu.memory_space<vmem>>, vector<16xi32>, vector<16xi1>
        tpu.vector_store %arg15[%swap3A_1064], %get3A_906 masked %gt3A_1048 {strides = array<i32>} : memref<8224xi32, #tpu.memory_space<vmem>>, vector<16xi32>, vector<16xi1>
        %swap3A_1066 = arith.index_cast %select_n3A_1063 : i32 to index
        %swap3A_1067 = tpu.vector_load %arg16[%swap3A_1066] masked %gt3A_1048 {strides = array<i32>} : memref<8224xi32, #tpu.memory_space<vmem>>, vector<16xi32>, vector<16xi1>
        tpu.vector_store %arg16[%swap3A_1066], %add3A_1059 masked %gt3A_1048 {strides = array<i32>} : memref<8224xi32, #tpu.memory_space<vmem>>, vector<16xi32>, vector<16xi1>
        %gt3A_1068 = arith.constant 8192 : i32
        %gt3A_1069 = arith.cmpi sgt, %add3A_1046, %gt3A_1068 : i32
        %jit3A_1070 = arith.constant 8192 : i32
        %select_n3A_1071 = arith.select %gt3A_1069, %jit3A_1070, %add3A_1046 : i32
        %swap3A_1072 = arith.index_cast %select_n3A_1071 : i32 to index
        %swap3A_1073 = tpu.vector_load %arg17[%swap3A_1072] masked %eq3A_1050 {strides = array<i32>} : memref<8224xi32, #tpu.memory_space<vmem>>, vector<16xi32>, vector<16xi1>
        tpu.vector_store %arg17[%swap3A_1072], %add3A_1059 masked %eq3A_1050 {strides = array<i32>} : memref<8224xi32, #tpu.memory_space<vmem>>, vector<16xi32>, vector<16xi1>
        %all_reduce_population_count3A_1074 = tpu.all_reduce %gt3A_1048 {dim = 0 : i64, kind = #tpu.reduction_kind<sum>} : vector<16xi1> -> vector<16xi32>
        %reduce_max3A_1075 = arith.constant true
        %reduce_max3A_1076 = vector.broadcast %reduce_max3A_1075 : i1 to vector<16xi1>
        %reduce_max3A_1077 = arith.constant -2147483648 : i32
        %reduce_max3A_1078 = vector.broadcast %reduce_max3A_1077 : i32 to vector<16xi32>
        %reduce_max3A_1079 = arith.xori %all_reduce_population_count3A_1074, %reduce_max3A_1078 : vector<16xi32>
        %reduce_max3A_1080 = tpu.scan <max>, %reduce_max3A_1079 masked %reduce_max3A_1076 : vector<16xi32>, vector<16xi1> -> vector<16xi32>
        %reduce_max3A_1081 = arith.xori %reduce_max3A_1080, %reduce_max3A_1078 : vector<16xi32>
        %reduce_max3A_1082 = vector.extract %reduce_max3A_1081[15] : i32 from vector<16xi32>
        %add3A_1083 = arith.addi %add3A_1036, %reduce_max3A_1082 : i32
        %all_reduce_population_count3A_1084 = tpu.all_reduce %eq3A_1050 {dim = 0 : i64, kind = #tpu.reduction_kind<sum>} : vector<16xi1> -> vector<16xi32>
        %reduce_max3A_1085 = arith.constant true
        %reduce_max3A_1086 = vector.broadcast %reduce_max3A_1085 : i1 to vector<16xi1>
        %reduce_max3A_1087 = arith.constant -2147483648 : i32
        %reduce_max3A_1088 = vector.broadcast %reduce_max3A_1087 : i32 to vector<16xi32>
        %reduce_max3A_1089 = arith.xori %all_reduce_population_count3A_1084, %reduce_max3A_1088 : vector<16xi32>
        %reduce_max3A_1090 = tpu.scan <max>, %reduce_max3A_1089 masked %reduce_max3A_1086 : vector<16xi32>, vector<16xi1> -> vector<16xi32>
        %reduce_max3A_1091 = arith.xori %reduce_max3A_1090, %reduce_max3A_1088 : vector<16xi32>
        %reduce_max3A_1092 = vector.extract %reduce_max3A_1091[15] : i32 from vector<16xi32>
        %add3A_1093 = arith.addi %add3A_1046, %reduce_max3A_1092 : i32
        %gt3A_1094 = vector.broadcast %xor3A_209 : i32 to vector<16xi32>
        %gt3A_1095 = arith.cmpi sgt, %get3A_916, %gt3A_1094 : vector<16xi32>
        %eq3A_1096 = vector.broadcast %xor3A_209 : i32 to vector<16xi32>
        %eq3A_1097 = arith.cmpi eq, %get3A_916, %eq3A_1096 : vector<16xi32>
        %mul3A_1098 = arith.constant 4 : i32
        %mul3A_1099 = arith.muli %scan3A_878, %mul3A_1098 : i32
        %add3A_1100 = arith.constant 3 : i32
        %add3A_1101 = arith.addi %mul3A_1099, %add3A_1100 : i32
        %mul3A_1102 = arith.constant 16 : i32
        %mul3A_1103 = arith.muli %add3A_1101, %mul3A_1102 : i32
        %add3A_1104 = arith.addi %mul3A_0, %mul3A_1103 : i32
        %add3A_1105 = vector.broadcast %add3A_1104 : i32 to vector<16xi32>
        %add3A_1106 = arith.addi %add3A_1105, %iota3A : vector<16xi32>
        %gt3A_1107 = arith.constant 8192 : i32
        %gt3A_1108 = arith.cmpi sgt, %add3A_1083, %gt3A_1107 : i32
        %jit3A_1109 = arith.constant 8192 : i32
        %select_n3A_1110 = arith.select %gt3A_1108, %jit3A_1109, %add3A_1083 : i32
        %swap3A_1111 = arith.index_cast %select_n3A_1110 : i32 to index
        %swap3A_1112 = tpu.vector_load %arg15[%swap3A_1111] masked %gt3A_1095 {strides = array<i32>} : memref<8224xi32, #tpu.memory_space<vmem>>, vector<16xi32>, vector<16xi1>
        tpu.vector_store %arg15[%swap3A_1111], %get3A_916 masked %gt3A_1095 {strides = array<i32>} : memref<8224xi32, #tpu.memory_space<vmem>>, vector<16xi32>, vector<16xi1>
        %swap3A_1113 = arith.index_cast %select_n3A_1110 : i32 to index
        %swap3A_1114 = tpu.vector_load %arg16[%swap3A_1113] masked %gt3A_1095 {strides = array<i32>} : memref<8224xi32, #tpu.memory_space<vmem>>, vector<16xi32>, vector<16xi1>
        tpu.vector_store %arg16[%swap3A_1113], %add3A_1106 masked %gt3A_1095 {strides = array<i32>} : memref<8224xi32, #tpu.memory_space<vmem>>, vector<16xi32>, vector<16xi1>
        %gt3A_1115 = arith.constant 8192 : i32
        %gt3A_1116 = arith.cmpi sgt, %add3A_1093, %gt3A_1115 : i32
        %jit3A_1117 = arith.constant 8192 : i32
        %select_n3A_1118 = arith.select %gt3A_1116, %jit3A_1117, %add3A_1093 : i32
        %swap3A_1119 = arith.index_cast %select_n3A_1118 : i32 to index
        %swap3A_1120 = tpu.vector_load %arg17[%swap3A_1119] masked %eq3A_1097 {strides = array<i32>} : memref<8224xi32, #tpu.memory_space<vmem>>, vector<16xi32>, vector<16xi1>
        tpu.vector_store %arg17[%swap3A_1119], %add3A_1106 masked %eq3A_1097 {strides = array<i32>} : memref<8224xi32, #tpu.memory_space<vmem>>, vector<16xi32>, vector<16xi1>
        %all_reduce_population_count3A_1121 = tpu.all_reduce %gt3A_1095 {dim = 0 : i64, kind = #tpu.reduction_kind<sum>} : vector<16xi1> -> vector<16xi32>
        %reduce_max3A_1122 = arith.constant true
        %reduce_max3A_1123 = vector.broadcast %reduce_max3A_1122 : i1 to vector<16xi1>
        %reduce_max3A_1124 = arith.constant -2147483648 : i32
        %reduce_max3A_1125 = vector.broadcast %reduce_max3A_1124 : i32 to vector<16xi32>
        %reduce_max3A_1126 = arith.xori %all_reduce_population_count3A_1121, %reduce_max3A_1125 : vector<16xi32>
        %reduce_max3A_1127 = tpu.scan <max>, %reduce_max3A_1126 masked %reduce_max3A_1123 : vector<16xi32>, vector<16xi1> -> vector<16xi32>
        %reduce_max3A_1128 = arith.xori %reduce_max3A_1127, %reduce_max3A_1125 : vector<16xi32>
        %reduce_max3A_1129 = vector.extract %reduce_max3A_1128[15] : i32 from vector<16xi32>
        %add3A_1130 = arith.addi %add3A_1083, %reduce_max3A_1129 : i32
        %all_reduce_population_count3A_1131 = tpu.all_reduce %eq3A_1097 {dim = 0 : i64, kind = #tpu.reduction_kind<sum>} : vector<16xi1> -> vector<16xi32>
        %reduce_max3A_1132 = arith.constant true
        %reduce_max3A_1133 = vector.broadcast %reduce_max3A_1132 : i1 to vector<16xi1>
        %reduce_max3A_1134 = arith.constant -2147483648 : i32
        %reduce_max3A_1135 = vector.broadcast %reduce_max3A_1134 : i32 to vector<16xi32>
        %reduce_max3A_1136 = arith.xori %all_reduce_population_count3A_1131, %reduce_max3A_1135 : vector<16xi32>
        %reduce_max3A_1137 = tpu.scan <max>, %reduce_max3A_1136 masked %reduce_max3A_1133 : vector<16xi32>, vector<16xi1> -> vector<16xi32>
        %reduce_max3A_1138 = arith.xori %reduce_max3A_1137, %reduce_max3A_1135 : vector<16xi32>
        %reduce_max3A_1139 = vector.extract %reduce_max3A_1138[15] : i32 from vector<16xi32>
        %add3A_1140 = arith.addi %add3A_1093, %reduce_max3A_1139 : i32
        %add3A_1141 = vector.broadcast %add3A_1130 : i32 to vector<16xi32>
        %add3A_1142 = arith.addi %broadcast_in_dim3A_210, %add3A_1141 : vector<16xi32>
        %swap3A_1143 = arith.constant 0 : index
        %swap3A_1144 = tpu.vector_load %arg14[%swap3A_1143] {strides = array<i32>} : memref<128xi32, #tpu.memory_space<vmem>>, vector<16xi32>,
        tpu.vector_store %arg14[%swap3A_1143], %add3A_1142 {strides = array<i32>} : memref<128xi32, #tpu.memory_space<vmem>>, vector<16xi32>,
        %add3A_1145 = vector.broadcast %add3A_1140 : i32 to vector<16xi32>
        %add3A_1146 = arith.addi %broadcast_in_dim3A_210, %add3A_1145 : vector<16xi32>
        %swap3A_1147 = arith.constant 16 : index
        %swap3A_1148 = tpu.vector_load %arg14[%swap3A_1147] {strides = array<i32>} : memref<128xi32, #tpu.memory_space<vmem>>, vector<16xi32>,
        tpu.vector_store %arg14[%swap3A_1147], %add3A_1146 {strides = array<i32>} : memref<128xi32, #tpu.memory_space<vmem>>, vector<16xi32>,
      } else {
      }
      %scan3A_932 = arith.constant 0 : i32
      scf.yield %scan3A_932 : i32
    }
    %scan3A_220 = arith.constant 977 : i32
    %get3A = arith.constant 0 : index
    %get3A_221 = tpu.vector_load %arg14[%get3A] {strides = array<i32>} : memref<128xi32, #tpu.memory_space<vmem>>, vector<16xi32>,
    %reduce_max3A = arith.constant true
    %reduce_max3A_222 = vector.broadcast %reduce_max3A : i1 to vector<16xi1>
    %reduce_max3A_223 = arith.constant -2147483648 : i32
    %reduce_max3A_224 = vector.broadcast %reduce_max3A_223 : i32 to vector<16xi32>
    %reduce_max3A_225 = arith.xori %get3A_221, %reduce_max3A_224 : vector<16xi32>
    %reduce_max3A_226 = tpu.scan <max>, %reduce_max3A_225 masked %reduce_max3A_222 : vector<16xi32>, vector<16xi1> -> vector<16xi32>
    %reduce_max3A_227 = arith.xori %reduce_max3A_226, %reduce_max3A_224 : vector<16xi32>
    %reduce_max3A_228 = vector.extract %reduce_max3A_227[15] : i32 from vector<16xi32>
    %get3A_229 = arith.constant 16 : index
    %get3A_230 = tpu.vector_load %arg14[%get3A_229] {strides = array<i32>} : memref<128xi32, #tpu.memory_space<vmem>>, vector<16xi32>,
    %reduce_max3A_231 = arith.constant true
    %reduce_max3A_232 = vector.broadcast %reduce_max3A_231 : i1 to vector<16xi1>
    %reduce_max3A_233 = arith.constant -2147483648 : i32
    %reduce_max3A_234 = vector.broadcast %reduce_max3A_233 : i32 to vector<16xi32>
    %reduce_max3A_235 = arith.xori %get3A_230, %reduce_max3A_234 : vector<16xi32>
    %reduce_max3A_236 = tpu.scan <max>, %reduce_max3A_235 masked %reduce_max3A_232 : vector<16xi32>, vector<16xi1> -> vector<16xi32>
    %reduce_max3A_237 = arith.xori %reduce_max3A_236, %reduce_max3A_234 : vector<16xi32>
    %reduce_max3A_238 = vector.extract %reduce_max3A_237[15] : i32 from vector<16xi32>
    %eq3A = arith.constant 0 : i32
    %eq3A_239 = vector.broadcast %eq3A : i32 to vector<16xi32>
    %eq3A_240 = arith.cmpi eq, %iota3A, %eq3A_239 : vector<16xi32>
    %eq3A_241 = arith.constant 1 : i32
    %eq3A_242 = vector.broadcast %eq3A_241 : i32 to vector<16xi32>
    %eq3A_243 = arith.cmpi eq, %iota3A, %eq3A_242 : vector<16xi32>
    %jit3A = arith.constant 0 : i32
    %broadcast_in_dim3A_244 = vector.broadcast %reduce_max3A_238 : i32 to vector<16xi32>
    %broadcast_in_dim3A_245 = vector.broadcast %jit3A : i32 to vector<16xi32>
    %select_n3A = arith.select %eq3A_243, %broadcast_in_dim3A_244, %broadcast_in_dim3A_245 : vector<16xi1>, vector<16xi32>
    %broadcast_in_dim3A_246 = vector.broadcast %reduce_max3A_228 : i32 to vector<16xi32>
    %select_n3A_247 = arith.select %eq3A_240, %broadcast_in_dim3A_246, %select_n3A : vector<16xi1>, vector<16xi32>
    %swap3A_248 = arith.constant 0 : index
    %swap3A_249 = tpu.vector_load %arg22[%swap3A_248] {strides = array<i32>} : memref<16xi32, #tpu.memory_space<vmem>>, vector<16xi32>,
    tpu.vector_store %arg22[%swap3A_248], %select_n3A_247 {strides = array<i32>} : memref<16xi32, #tpu.memory_space<vmem>>, vector<16xi32>,
    %mul3A_250 = arith.constant 128 : i32
    %mul3A_251 = arith.muli %arg1, %mul3A_250 : i32
    %run_scoped3A_252 = arith.constant 17 : i32
    "tpu.region"() ({
      %run_scoped3A_878 = tpu.sem_alloc : memref<!tpu.dma_semaphore, #tpu.memory_space<semaphore_mem>>
      %dma_start3A_879 = tpu.memref_slice %arg8[%run_scoped3A_252, %mul3A_251] : memref<18x2048xi32, #tpu.memory_space<hbm>> -> memref<1x16xi32, #tpu.memory_space<hbm>>
      %dma_start3A_880 = tpu.memref_squeeze %dma_start3A_879 : memref<1x16xi32, #tpu.memory_space<hbm>> -> memref<16xi32, #tpu.memory_space<hbm>>
      %dma_start3A_881 = tpu.memref_slice %arg8[%run_scoped3A_252, %mul3A_251] : memref<18x2048xi32, #tpu.memory_space<hbm>> -> memref<1x16xi32, #tpu.memory_space<hbm>>
      %dma_start3A_882 = tpu.memref_squeeze %dma_start3A_881 : memref<1x16xi32, #tpu.memory_space<hbm>> -> memref<16xi32, #tpu.memory_space<hbm>>
      tpu.enqueue_dma source(%arg22 : memref<16xi32, #tpu.memory_space<vmem>>) target(%dma_start3A_882 : memref<16xi32, #tpu.memory_space<hbm>>) target_semaphore(%run_scoped3A_878 : memref<!tpu.dma_semaphore, #tpu.memory_space<semaphore_mem>>)
      %dma_wait3A_883 = tpu.memref_slice %arg8[%run_scoped3A_252, %mul3A_251] : memref<18x2048xi32, #tpu.memory_space<hbm>> -> memref<1x16xi32, #tpu.memory_space<hbm>>
      %dma_wait3A_884 = tpu.memref_squeeze %dma_wait3A_883 : memref<1x16xi32, #tpu.memory_space<hbm>> -> memref<16xi32, #tpu.memory_space<hbm>>
      %dma_wait3A_885 = tpu.memref_slice %arg8[%run_scoped3A_252, %mul3A_251] : memref<18x2048xi32, #tpu.memory_space<hbm>> -> memref<1x16xi32, #tpu.memory_space<hbm>>
      %dma_wait3A_886 = tpu.memref_squeeze %dma_wait3A_885 : memref<1x16xi32, #tpu.memory_space<hbm>> -> memref<16xi32, #tpu.memory_space<hbm>>
      tpu.wait_dma2 semaphore(%run_scoped3A_878 : memref<!tpu.dma_semaphore, #tpu.memory_space<semaphore_mem>>) src(%arg22 : memref<16xi32, #tpu.memory_space<vmem>>) dst(%dma_wait3A_886 : memref<16xi32, #tpu.memory_space<hbm>>)
      tpu.yield
    }) : () -> ()
    %barrier3A_253 = arith.constant 0 : index
    tpu.barrier barrier_id(%barrier3A_253)
    %run_scoped3A_254 = arith.constant 17 : i32
    "tpu.region"() ({
      %run_scoped3A_878 = tpu.sem_alloc : memref<!tpu.dma_semaphore, #tpu.memory_space<semaphore_mem>>
      %dma_start3A_879 = arith.constant 0 : i32
      %dma_start3A_880 = tpu.memref_slice %arg8[%run_scoped3A_254, %dma_start3A_879] : memref<18x2048xi32, #tpu.memory_space<hbm>> -> memref<1x2048xi32, #tpu.memory_space<hbm>>
      %dma_start3A_881 = tpu.memref_squeeze %dma_start3A_880 : memref<1x2048xi32, #tpu.memory_space<hbm>> -> memref<2048xi32, #tpu.memory_space<hbm>>
      %dma_start3A_882 = arith.constant 0 : i32
      %dma_start3A_883 = tpu.memref_slice %arg8[%run_scoped3A_254, %dma_start3A_882] : memref<18x2048xi32, #tpu.memory_space<hbm>> -> memref<1x2048xi32, #tpu.memory_space<hbm>>
      %dma_start3A_884 = tpu.memref_squeeze %dma_start3A_883 : memref<1x2048xi32, #tpu.memory_space<hbm>> -> memref<2048xi32, #tpu.memory_space<hbm>>
      tpu.enqueue_dma source(%dma_start3A_884 : memref<2048xi32, #tpu.memory_space<hbm>>) target(%arg11 : memref<2048xi32, #tpu.memory_space<vmem>>) target_semaphore(%run_scoped3A_878 : memref<!tpu.dma_semaphore, #tpu.memory_space<semaphore_mem>>)
      %dma_wait3A_885 = arith.constant 0 : i32
      %dma_wait3A_886 = tpu.memref_slice %arg8[%run_scoped3A_254, %dma_wait3A_885] : memref<18x2048xi32, #tpu.memory_space<hbm>> -> memref<1x2048xi32, #tpu.memory_space<hbm>>
      %dma_wait3A_887 = tpu.memref_squeeze %dma_wait3A_886 : memref<1x2048xi32, #tpu.memory_space<hbm>> -> memref<2048xi32, #tpu.memory_space<hbm>>
      %dma_wait3A_888 = arith.constant 0 : i32
      %dma_wait3A_889 = tpu.memref_slice %arg8[%run_scoped3A_254, %dma_wait3A_888] : memref<18x2048xi32, #tpu.memory_space<hbm>> -> memref<1x2048xi32, #tpu.memory_space<hbm>>
      %dma_wait3A_890 = tpu.memref_squeeze %dma_wait3A_889 : memref<1x2048xi32, #tpu.memory_space<hbm>> -> memref<2048xi32, #tpu.memory_space<hbm>>
      tpu.wait_dma2 semaphore(%run_scoped3A_878 : memref<!tpu.dma_semaphore, #tpu.memory_space<semaphore_mem>>) src(%dma_wait3A_890 : memref<2048xi32, #tpu.memory_space<hbm>>) dst(%arg11 : memref<2048xi32, #tpu.memory_space<vmem>>)
      tpu.yield
    }) : () -> ()
    %get3A_255 = arith.constant 0 : index
    %get3A_256 = tpu.vector_load %arg11[%get3A_255] {strides = array<i32>} : memref<2048xi32, #tpu.memory_space<vmem>>, vector<16xi32>,
    %eq3A_257 = arith.constant 0 : i32
    %eq3A_258 = vector.broadcast %eq3A_257 : i32 to vector<16xi32>
    %eq3A_259 = arith.cmpi eq, %iota3A, %eq3A_258 : vector<16xi32>
    %jit3A_260 = arith.constant 0 : i32
    %broadcast_in_dim3A_261 = vector.broadcast %jit3A_260 : i32 to vector<16xi32>
    %select_n3A_262 = arith.select %eq3A_259, %get3A_256, %broadcast_in_dim3A_261 : vector<16xi1>, vector<16xi32>
    %reduce_sum3A = arith.constant true
    %reduce_sum3A_263 = vector.broadcast %reduce_sum3A : i1 to vector<16xi1>
    %reduce_sum3A_264 = tpu.scan <sum>, %select_n3A_262 masked %reduce_sum3A_263 : vector<16xi32>, vector<16xi1> -> vector<16xi32>
    %reduce_sum3A_265 = vector.extract %reduce_sum3A_264[15] : i32 from vector<16xi32>
    %eq3A_266 = arith.constant 1 : i32
    %eq3A_267 = vector.broadcast %eq3A_266 : i32 to vector<16xi32>
    %eq3A_268 = arith.cmpi eq, %iota3A, %eq3A_267 : vector<16xi32>
    %jit3A_269 = arith.constant 0 : i32
    %broadcast_in_dim3A_270 = vector.broadcast %jit3A_269 : i32 to vector<16xi32>
    %select_n3A_271 = arith.select %eq3A_268, %get3A_256, %broadcast_in_dim3A_270 : vector<16xi1>, vector<16xi32>
    %reduce_sum3A_272 = arith.constant true
    %reduce_sum3A_273 = vector.broadcast %reduce_sum3A_272 : i1 to vector<16xi1>
    %reduce_sum3A_274 = tpu.scan <sum>, %select_n3A_271 masked %reduce_sum3A_273 : vector<16xi32>, vector<16xi1> -> vector<16xi32>
    %reduce_sum3A_275 = vector.extract %reduce_sum3A_274[15] : i32 from vector<16xi32>
    %lt3A = arith.constant 0 : i32
    %lt3A_276 = arith.cmpi slt, %lt3A, %arg1 : i32
    %jit3A_277 = arith.constant 0 : i32
    %select_n3A_278 = arith.select %lt3A_276, %reduce_sum3A_265, %jit3A_277 : i32
    %add3A = arith.constant 0 : i32
    %add3A_279 = arith.addi %add3A, %select_n3A_278 : i32
    %jit3A_280 = arith.constant 0 : i32
    %select_n3A_281 = arith.select %lt3A_276, %reduce_sum3A_275, %jit3A_280 : i32
    %add3A_282 = arith.constant 0 : i32
    %add3A_283 = arith.addi %add3A_282, %select_n3A_281 : i32
    %get3A_284 = arith.constant 128 : index
    %get3A_285 = tpu.vector_load %arg11[%get3A_284] {strides = array<i32>} : memref<2048xi32, #tpu.memory_space<vmem>>, vector<16xi32>,
    %eq3A_286 = arith.constant 0 : i32
    %eq3A_287 = vector.broadcast %eq3A_286 : i32 to vector<16xi32>
    %eq3A_288 = arith.cmpi eq, %iota3A, %eq3A_287 : vector<16xi32>
    %jit3A_289 = arith.constant 0 : i32
    %broadcast_in_dim3A_290 = vector.broadcast %jit3A_289 : i32 to vector<16xi32>
    %select_n3A_291 = arith.select %eq3A_288, %get3A_285, %broadcast_in_dim3A_290 : vector<16xi1>, vector<16xi32>
    %reduce_sum3A_292 = arith.constant true
    %reduce_sum3A_293 = vector.broadcast %reduce_sum3A_292 : i1 to vector<16xi1>
    %reduce_sum3A_294 = tpu.scan <sum>, %select_n3A_291 masked %reduce_sum3A_293 : vector<16xi32>, vector<16xi1> -> vector<16xi32>
    %reduce_sum3A_295 = vector.extract %reduce_sum3A_294[15] : i32 from vector<16xi32>
    %eq3A_296 = arith.constant 1 : i32
    %eq3A_297 = vector.broadcast %eq3A_296 : i32 to vector<16xi32>
    %eq3A_298 = arith.cmpi eq, %iota3A, %eq3A_297 : vector<16xi32>
    %jit3A_299 = arith.constant 0 : i32
    %broadcast_in_dim3A_300 = vector.broadcast %jit3A_299 : i32 to vector<16xi32>
    %select_n3A_301 = arith.select %eq3A_298, %get3A_285, %broadcast_in_dim3A_300 : vector<16xi1>, vector<16xi32>
    %reduce_sum3A_302 = arith.constant true
    %reduce_sum3A_303 = vector.broadcast %reduce_sum3A_302 : i1 to vector<16xi1>
    %reduce_sum3A_304 = tpu.scan <sum>, %select_n3A_301 masked %reduce_sum3A_303 : vector<16xi32>, vector<16xi1> -> vector<16xi32>
    %reduce_sum3A_305 = vector.extract %reduce_sum3A_304[15] : i32 from vector<16xi32>
    %lt3A_306 = arith.constant 1 : i32
    %lt3A_307 = arith.cmpi slt, %lt3A_306, %arg1 : i32
    %jit3A_308 = arith.constant 0 : i32
    %select_n3A_309 = arith.select %lt3A_307, %reduce_sum3A_295, %jit3A_308 : i32
    %add3A_310 = arith.addi %add3A_279, %select_n3A_309 : i32
    %jit3A_311 = arith.constant 0 : i32
    %select_n3A_312 = arith.select %lt3A_307, %reduce_sum3A_305, %jit3A_311 : i32
    %add3A_313 = arith.addi %add3A_283, %select_n3A_312 : i32
    %get3A_314 = arith.constant 256 : index
    %get3A_315 = tpu.vector_load %arg11[%get3A_314] {strides = array<i32>} : memref<2048xi32, #tpu.memory_space<vmem>>, vector<16xi32>,
    %eq3A_316 = arith.constant 0 : i32
    %eq3A_317 = vector.broadcast %eq3A_316 : i32 to vector<16xi32>
    %eq3A_318 = arith.cmpi eq, %iota3A, %eq3A_317 : vector<16xi32>
    %jit3A_319 = arith.constant 0 : i32
    %broadcast_in_dim3A_320 = vector.broadcast %jit3A_319 : i32 to vector<16xi32>
    %select_n3A_321 = arith.select %eq3A_318, %get3A_315, %broadcast_in_dim3A_320 : vector<16xi1>, vector<16xi32>
    %reduce_sum3A_322 = arith.constant true
    %reduce_sum3A_323 = vector.broadcast %reduce_sum3A_322 : i1 to vector<16xi1>
    %reduce_sum3A_324 = tpu.scan <sum>, %select_n3A_321 masked %reduce_sum3A_323 : vector<16xi32>, vector<16xi1> -> vector<16xi32>
    %reduce_sum3A_325 = vector.extract %reduce_sum3A_324[15] : i32 from vector<16xi32>
    %eq3A_326 = arith.constant 1 : i32
    %eq3A_327 = vector.broadcast %eq3A_326 : i32 to vector<16xi32>
    %eq3A_328 = arith.cmpi eq, %iota3A, %eq3A_327 : vector<16xi32>
    %jit3A_329 = arith.constant 0 : i32
    %broadcast_in_dim3A_330 = vector.broadcast %jit3A_329 : i32 to vector<16xi32>
    %select_n3A_331 = arith.select %eq3A_328, %get3A_315, %broadcast_in_dim3A_330 : vector<16xi1>, vector<16xi32>
    %reduce_sum3A_332 = arith.constant true
    %reduce_sum3A_333 = vector.broadcast %reduce_sum3A_332 : i1 to vector<16xi1>
    %reduce_sum3A_334 = tpu.scan <sum>, %select_n3A_331 masked %reduce_sum3A_333 : vector<16xi32>, vector<16xi1> -> vector<16xi32>
    %reduce_sum3A_335 = vector.extract %reduce_sum3A_334[15] : i32 from vector<16xi32>
    %lt3A_336 = arith.constant 2 : i32
    %lt3A_337 = arith.cmpi slt, %lt3A_336, %arg1 : i32
    %jit3A_338 = arith.constant 0 : i32
    %select_n3A_339 = arith.select %lt3A_337, %reduce_sum3A_325, %jit3A_338 : i32
    %add3A_340 = arith.addi %add3A_310, %select_n3A_339 : i32
    %jit3A_341 = arith.constant 0 : i32
    %select_n3A_342 = arith.select %lt3A_337, %reduce_sum3A_335, %jit3A_341 : i32
    %add3A_343 = arith.addi %add3A_313, %select_n3A_342 : i32
    %get3A_344 = arith.constant 384 : index
    %get3A_345 = tpu.vector_load %arg11[%get3A_344] {strides = array<i32>} : memref<2048xi32, #tpu.memory_space<vmem>>, vector<16xi32>,
    %eq3A_346 = arith.constant 0 : i32
    %eq3A_347 = vector.broadcast %eq3A_346 : i32 to vector<16xi32>
    %eq3A_348 = arith.cmpi eq, %iota3A, %eq3A_347 : vector<16xi32>
    %jit3A_349 = arith.constant 0 : i32
    %broadcast_in_dim3A_350 = vector.broadcast %jit3A_349 : i32 to vector<16xi32>
    %select_n3A_351 = arith.select %eq3A_348, %get3A_345, %broadcast_in_dim3A_350 : vector<16xi1>, vector<16xi32>
    %reduce_sum3A_352 = arith.constant true
    %reduce_sum3A_353 = vector.broadcast %reduce_sum3A_352 : i1 to vector<16xi1>
    %reduce_sum3A_354 = tpu.scan <sum>, %select_n3A_351 masked %reduce_sum3A_353 : vector<16xi32>, vector<16xi1> -> vector<16xi32>
    %reduce_sum3A_355 = vector.extract %reduce_sum3A_354[15] : i32 from vector<16xi32>
    %eq3A_356 = arith.constant 1 : i32
    %eq3A_357 = vector.broadcast %eq3A_356 : i32 to vector<16xi32>
    %eq3A_358 = arith.cmpi eq, %iota3A, %eq3A_357 : vector<16xi32>
    %jit3A_359 = arith.constant 0 : i32
    %broadcast_in_dim3A_360 = vector.broadcast %jit3A_359 : i32 to vector<16xi32>
    %select_n3A_361 = arith.select %eq3A_358, %get3A_345, %broadcast_in_dim3A_360 : vector<16xi1>, vector<16xi32>
    %reduce_sum3A_362 = arith.constant true
    %reduce_sum3A_363 = vector.broadcast %reduce_sum3A_362 : i1 to vector<16xi1>
    %reduce_sum3A_364 = tpu.scan <sum>, %select_n3A_361 masked %reduce_sum3A_363 : vector<16xi32>, vector<16xi1> -> vector<16xi32>
    %reduce_sum3A_365 = vector.extract %reduce_sum3A_364[15] : i32 from vector<16xi32>
    %lt3A_366 = arith.constant 3 : i32
    %lt3A_367 = arith.cmpi slt, %lt3A_366, %arg1 : i32
    %jit3A_368 = arith.constant 0 : i32
    %select_n3A_369 = arith.select %lt3A_367, %reduce_sum3A_355, %jit3A_368 : i32
    %add3A_370 = arith.addi %add3A_340, %select_n3A_369 : i32
    %jit3A_371 = arith.constant 0 : i32
    %select_n3A_372 = arith.select %lt3A_367, %reduce_sum3A_365, %jit3A_371 : i32
    %add3A_373 = arith.addi %add3A_343, %select_n3A_372 : i32
    %get3A_374 = arith.constant 512 : index
    %get3A_375 = tpu.vector_load %arg11[%get3A_374] {strides = array<i32>} : memref<2048xi32, #tpu.memory_space<vmem>>, vector<16xi32>,
    %eq3A_376 = arith.constant 0 : i32
    %eq3A_377 = vector.broadcast %eq3A_376 : i32 to vector<16xi32>
    %eq3A_378 = arith.cmpi eq, %iota3A, %eq3A_377 : vector<16xi32>
    %jit3A_379 = arith.constant 0 : i32
    %broadcast_in_dim3A_380 = vector.broadcast %jit3A_379 : i32 to vector<16xi32>
    %select_n3A_381 = arith.select %eq3A_378, %get3A_375, %broadcast_in_dim3A_380 : vector<16xi1>, vector<16xi32>
    %reduce_sum3A_382 = arith.constant true
    %reduce_sum3A_383 = vector.broadcast %reduce_sum3A_382 : i1 to vector<16xi1>
    %reduce_sum3A_384 = tpu.scan <sum>, %select_n3A_381 masked %reduce_sum3A_383 : vector<16xi32>, vector<16xi1> -> vector<16xi32>
    %reduce_sum3A_385 = vector.extract %reduce_sum3A_384[15] : i32 from vector<16xi32>
    %eq3A_386 = arith.constant 1 : i32
    %eq3A_387 = vector.broadcast %eq3A_386 : i32 to vector<16xi32>
    %eq3A_388 = arith.cmpi eq, %iota3A, %eq3A_387 : vector<16xi32>
    %jit3A_389 = arith.constant 0 : i32
    %broadcast_in_dim3A_390 = vector.broadcast %jit3A_389 : i32 to vector<16xi32>
    %select_n3A_391 = arith.select %eq3A_388, %get3A_375, %broadcast_in_dim3A_390 : vector<16xi1>, vector<16xi32>
    %reduce_sum3A_392 = arith.constant true
    %reduce_sum3A_393 = vector.broadcast %reduce_sum3A_392 : i1 to vector<16xi1>
    %reduce_sum3A_394 = tpu.scan <sum>, %select_n3A_391 masked %reduce_sum3A_393 : vector<16xi32>, vector<16xi1> -> vector<16xi32>
    %reduce_sum3A_395 = vector.extract %reduce_sum3A_394[15] : i32 from vector<16xi32>
    %lt3A_396 = arith.constant 4 : i32
    %lt3A_397 = arith.cmpi slt, %lt3A_396, %arg1 : i32
    %jit3A_398 = arith.constant 0 : i32
    %select_n3A_399 = arith.select %lt3A_397, %reduce_sum3A_385, %jit3A_398 : i32
    %add3A_400 = arith.addi %add3A_370, %select_n3A_399 : i32
    %jit3A_401 = arith.constant 0 : i32
    %select_n3A_402 = arith.select %lt3A_397, %reduce_sum3A_395, %jit3A_401 : i32
    %add3A_403 = arith.addi %add3A_373, %select_n3A_402 : i32
    %get3A_404 = arith.constant 640 : index
    %get3A_405 = tpu.vector_load %arg11[%get3A_404] {strides = array<i32>} : memref<2048xi32, #tpu.memory_space<vmem>>, vector<16xi32>,
    %eq3A_406 = arith.constant 0 : i32
    %eq3A_407 = vector.broadcast %eq3A_406 : i32 to vector<16xi32>
    %eq3A_408 = arith.cmpi eq, %iota3A, %eq3A_407 : vector<16xi32>
    %jit3A_409 = arith.constant 0 : i32
    %broadcast_in_dim3A_410 = vector.broadcast %jit3A_409 : i32 to vector<16xi32>
    %select_n3A_411 = arith.select %eq3A_408, %get3A_405, %broadcast_in_dim3A_410 : vector<16xi1>, vector<16xi32>
    %reduce_sum3A_412 = arith.constant true
    %reduce_sum3A_413 = vector.broadcast %reduce_sum3A_412 : i1 to vector<16xi1>
    %reduce_sum3A_414 = tpu.scan <sum>, %select_n3A_411 masked %reduce_sum3A_413 : vector<16xi32>, vector<16xi1> -> vector<16xi32>
    %reduce_sum3A_415 = vector.extract %reduce_sum3A_414[15] : i32 from vector<16xi32>
    %eq3A_416 = arith.constant 1 : i32
    %eq3A_417 = vector.broadcast %eq3A_416 : i32 to vector<16xi32>
    %eq3A_418 = arith.cmpi eq, %iota3A, %eq3A_417 : vector<16xi32>
    %jit3A_419 = arith.constant 0 : i32
    %broadcast_in_dim3A_420 = vector.broadcast %jit3A_419 : i32 to vector<16xi32>
    %select_n3A_421 = arith.select %eq3A_418, %get3A_405, %broadcast_in_dim3A_420 : vector<16xi1>, vector<16xi32>
    %reduce_sum3A_422 = arith.constant true
    %reduce_sum3A_423 = vector.broadcast %reduce_sum3A_422 : i1 to vector<16xi1>
    %reduce_sum3A_424 = tpu.scan <sum>, %select_n3A_421 masked %reduce_sum3A_423 : vector<16xi32>, vector<16xi1> -> vector<16xi32>
    %reduce_sum3A_425 = vector.extract %reduce_sum3A_424[15] : i32 from vector<16xi32>
    %lt3A_426 = arith.constant 5 : i32
    %lt3A_427 = arith.cmpi slt, %lt3A_426, %arg1 : i32
    %jit3A_428 = arith.constant 0 : i32
    %select_n3A_429 = arith.select %lt3A_427, %reduce_sum3A_415, %jit3A_428 : i32
    %add3A_430 = arith.addi %add3A_400, %select_n3A_429 : i32
    %jit3A_431 = arith.constant 0 : i32
    %select_n3A_432 = arith.select %lt3A_427, %reduce_sum3A_425, %jit3A_431 : i32
    %add3A_433 = arith.addi %add3A_403, %select_n3A_432 : i32
    %get3A_434 = arith.constant 768 : index
    %get3A_435 = tpu.vector_load %arg11[%get3A_434] {strides = array<i32>} : memref<2048xi32, #tpu.memory_space<vmem>>, vector<16xi32>,
    %eq3A_436 = arith.constant 0 : i32
    %eq3A_437 = vector.broadcast %eq3A_436 : i32 to vector<16xi32>
    %eq3A_438 = arith.cmpi eq, %iota3A, %eq3A_437 : vector<16xi32>
    %jit3A_439 = arith.constant 0 : i32
    %broadcast_in_dim3A_440 = vector.broadcast %jit3A_439 : i32 to vector<16xi32>
    %select_n3A_441 = arith.select %eq3A_438, %get3A_435, %broadcast_in_dim3A_440 : vector<16xi1>, vector<16xi32>
    %reduce_sum3A_442 = arith.constant true
    %reduce_sum3A_443 = vector.broadcast %reduce_sum3A_442 : i1 to vector<16xi1>
    %reduce_sum3A_444 = tpu.scan <sum>, %select_n3A_441 masked %reduce_sum3A_443 : vector<16xi32>, vector<16xi1> -> vector<16xi32>
    %reduce_sum3A_445 = vector.extract %reduce_sum3A_444[15] : i32 from vector<16xi32>
    %eq3A_446 = arith.constant 1 : i32
    %eq3A_447 = vector.broadcast %eq3A_446 : i32 to vector<16xi32>
    %eq3A_448 = arith.cmpi eq, %iota3A, %eq3A_447 : vector<16xi32>
    %jit3A_449 = arith.constant 0 : i32
    %broadcast_in_dim3A_450 = vector.broadcast %jit3A_449 : i32 to vector<16xi32>
    %select_n3A_451 = arith.select %eq3A_448, %get3A_435, %broadcast_in_dim3A_450 : vector<16xi1>, vector<16xi32>
    %reduce_sum3A_452 = arith.constant true
    %reduce_sum3A_453 = vector.broadcast %reduce_sum3A_452 : i1 to vector<16xi1>
    %reduce_sum3A_454 = tpu.scan <sum>, %select_n3A_451 masked %reduce_sum3A_453 : vector<16xi32>, vector<16xi1> -> vector<16xi32>
    %reduce_sum3A_455 = vector.extract %reduce_sum3A_454[15] : i32 from vector<16xi32>
    %lt3A_456 = arith.constant 6 : i32
    %lt3A_457 = arith.cmpi slt, %lt3A_456, %arg1 : i32
    %jit3A_458 = arith.constant 0 : i32
    %select_n3A_459 = arith.select %lt3A_457, %reduce_sum3A_445, %jit3A_458 : i32
    %add3A_460 = arith.addi %add3A_430, %select_n3A_459 : i32
    %jit3A_461 = arith.constant 0 : i32
    %select_n3A_462 = arith.select %lt3A_457, %reduce_sum3A_455, %jit3A_461 : i32
    %add3A_463 = arith.addi %add3A_433, %select_n3A_462 : i32
    %get3A_464 = arith.constant 896 : index
    %get3A_465 = tpu.vector_load %arg11[%get3A_464] {strides = array<i32>} : memref<2048xi32, #tpu.memory_space<vmem>>, vector<16xi32>,
    %eq3A_466 = arith.constant 0 : i32
    %eq3A_467 = vector.broadcast %eq3A_466 : i32 to vector<16xi32>
    %eq3A_468 = arith.cmpi eq, %iota3A, %eq3A_467 : vector<16xi32>
    %jit3A_469 = arith.constant 0 : i32
    %broadcast_in_dim3A_470 = vector.broadcast %jit3A_469 : i32 to vector<16xi32>
    %select_n3A_471 = arith.select %eq3A_468, %get3A_465, %broadcast_in_dim3A_470 : vector<16xi1>, vector<16xi32>
    %reduce_sum3A_472 = arith.constant true
    %reduce_sum3A_473 = vector.broadcast %reduce_sum3A_472 : i1 to vector<16xi1>
    %reduce_sum3A_474 = tpu.scan <sum>, %select_n3A_471 masked %reduce_sum3A_473 : vector<16xi32>, vector<16xi1> -> vector<16xi32>
    %reduce_sum3A_475 = vector.extract %reduce_sum3A_474[15] : i32 from vector<16xi32>
    %eq3A_476 = arith.constant 1 : i32
    %eq3A_477 = vector.broadcast %eq3A_476 : i32 to vector<16xi32>
    %eq3A_478 = arith.cmpi eq, %iota3A, %eq3A_477 : vector<16xi32>
    %jit3A_479 = arith.constant 0 : i32
    %broadcast_in_dim3A_480 = vector.broadcast %jit3A_479 : i32 to vector<16xi32>
    %select_n3A_481 = arith.select %eq3A_478, %get3A_465, %broadcast_in_dim3A_480 : vector<16xi1>, vector<16xi32>
    %reduce_sum3A_482 = arith.constant true
    %reduce_sum3A_483 = vector.broadcast %reduce_sum3A_482 : i1 to vector<16xi1>
    %reduce_sum3A_484 = tpu.scan <sum>, %select_n3A_481 masked %reduce_sum3A_483 : vector<16xi32>, vector<16xi1> -> vector<16xi32>
    %reduce_sum3A_485 = vector.extract %reduce_sum3A_484[15] : i32 from vector<16xi32>
    %lt3A_486 = arith.constant 7 : i32
    %lt3A_487 = arith.cmpi slt, %lt3A_486, %arg1 : i32
    %jit3A_488 = arith.constant 0 : i32
    %select_n3A_489 = arith.select %lt3A_487, %reduce_sum3A_475, %jit3A_488 : i32
    %add3A_490 = arith.addi %add3A_460, %select_n3A_489 : i32
    %jit3A_491 = arith.constant 0 : i32
    %select_n3A_492 = arith.select %lt3A_487, %reduce_sum3A_485, %jit3A_491 : i32
    %add3A_493 = arith.addi %add3A_463, %select_n3A_492 : i32
    %get3A_494 = arith.constant 1024 : index
    %get3A_495 = tpu.vector_load %arg11[%get3A_494] {strides = array<i32>} : memref<2048xi32, #tpu.memory_space<vmem>>, vector<16xi32>,
    %eq3A_496 = arith.constant 0 : i32
    %eq3A_497 = vector.broadcast %eq3A_496 : i32 to vector<16xi32>
    %eq3A_498 = arith.cmpi eq, %iota3A, %eq3A_497 : vector<16xi32>
    %jit3A_499 = arith.constant 0 : i32
    %broadcast_in_dim3A_500 = vector.broadcast %jit3A_499 : i32 to vector<16xi32>
    %select_n3A_501 = arith.select %eq3A_498, %get3A_495, %broadcast_in_dim3A_500 : vector<16xi1>, vector<16xi32>
    %reduce_sum3A_502 = arith.constant true
    %reduce_sum3A_503 = vector.broadcast %reduce_sum3A_502 : i1 to vector<16xi1>
    %reduce_sum3A_504 = tpu.scan <sum>, %select_n3A_501 masked %reduce_sum3A_503 : vector<16xi32>, vector<16xi1> -> vector<16xi32>
    %reduce_sum3A_505 = vector.extract %reduce_sum3A_504[15] : i32 from vector<16xi32>
    %eq3A_506 = arith.constant 1 : i32
    %eq3A_507 = vector.broadcast %eq3A_506 : i32 to vector<16xi32>
    %eq3A_508 = arith.cmpi eq, %iota3A, %eq3A_507 : vector<16xi32>
    %jit3A_509 = arith.constant 0 : i32
    %broadcast_in_dim3A_510 = vector.broadcast %jit3A_509 : i32 to vector<16xi32>
    %select_n3A_511 = arith.select %eq3A_508, %get3A_495, %broadcast_in_dim3A_510 : vector<16xi1>, vector<16xi32>
    %reduce_sum3A_512 = arith.constant true
    %reduce_sum3A_513 = vector.broadcast %reduce_sum3A_512 : i1 to vector<16xi1>
    %reduce_sum3A_514 = tpu.scan <sum>, %select_n3A_511 masked %reduce_sum3A_513 : vector<16xi32>, vector<16xi1> -> vector<16xi32>
    %reduce_sum3A_515 = vector.extract %reduce_sum3A_514[15] : i32 from vector<16xi32>
    %lt3A_516 = arith.constant 8 : i32
    %lt3A_517 = arith.cmpi slt, %lt3A_516, %arg1 : i32
    %jit3A_518 = arith.constant 0 : i32
    %select_n3A_519 = arith.select %lt3A_517, %reduce_sum3A_505, %jit3A_518 : i32
    %add3A_520 = arith.addi %add3A_490, %select_n3A_519 : i32
    %jit3A_521 = arith.constant 0 : i32
    %select_n3A_522 = arith.select %lt3A_517, %reduce_sum3A_515, %jit3A_521 : i32
    %add3A_523 = arith.addi %add3A_493, %select_n3A_522 : i32
    %get3A_524 = arith.constant 1152 : index
    %get3A_525 = tpu.vector_load %arg11[%get3A_524] {strides = array<i32>} : memref<2048xi32, #tpu.memory_space<vmem>>, vector<16xi32>,
    %eq3A_526 = arith.constant 0 : i32
    %eq3A_527 = vector.broadcast %eq3A_526 : i32 to vector<16xi32>
    %eq3A_528 = arith.cmpi eq, %iota3A, %eq3A_527 : vector<16xi32>
    %jit3A_529 = arith.constant 0 : i32
    %broadcast_in_dim3A_530 = vector.broadcast %jit3A_529 : i32 to vector<16xi32>
    %select_n3A_531 = arith.select %eq3A_528, %get3A_525, %broadcast_in_dim3A_530 : vector<16xi1>, vector<16xi32>
    %reduce_sum3A_532 = arith.constant true
    %reduce_sum3A_533 = vector.broadcast %reduce_sum3A_532 : i1 to vector<16xi1>
    %reduce_sum3A_534 = tpu.scan <sum>, %select_n3A_531 masked %reduce_sum3A_533 : vector<16xi32>, vector<16xi1> -> vector<16xi32>
    %reduce_sum3A_535 = vector.extract %reduce_sum3A_534[15] : i32 from vector<16xi32>
    %eq3A_536 = arith.constant 1 : i32
    %eq3A_537 = vector.broadcast %eq3A_536 : i32 to vector<16xi32>
    %eq3A_538 = arith.cmpi eq, %iota3A, %eq3A_537 : vector<16xi32>
    %jit3A_539 = arith.constant 0 : i32
    %broadcast_in_dim3A_540 = vector.broadcast %jit3A_539 : i32 to vector<16xi32>
    %select_n3A_541 = arith.select %eq3A_538, %get3A_525, %broadcast_in_dim3A_540 : vector<16xi1>, vector<16xi32>
    %reduce_sum3A_542 = arith.constant true
    %reduce_sum3A_543 = vector.broadcast %reduce_sum3A_542 : i1 to vector<16xi1>
    %reduce_sum3A_544 = tpu.scan <sum>, %select_n3A_541 masked %reduce_sum3A_543 : vector<16xi32>, vector<16xi1> -> vector<16xi32>
    %reduce_sum3A_545 = vector.extract %reduce_sum3A_544[15] : i32 from vector<16xi32>
    %lt3A_546 = arith.constant 9 : i32
    %lt3A_547 = arith.cmpi slt, %lt3A_546, %arg1 : i32
    %jit3A_548 = arith.constant 0 : i32
    %select_n3A_549 = arith.select %lt3A_547, %reduce_sum3A_535, %jit3A_548 : i32
    %add3A_550 = arith.addi %add3A_520, %select_n3A_549 : i32
    %jit3A_551 = arith.constant 0 : i32
    %select_n3A_552 = arith.select %lt3A_547, %reduce_sum3A_545, %jit3A_551 : i32
    %add3A_553 = arith.addi %add3A_523, %select_n3A_552 : i32
    %get3A_554 = arith.constant 1280 : index
    %get3A_555 = tpu.vector_load %arg11[%get3A_554] {strides = array<i32>} : memref<2048xi32, #tpu.memory_space<vmem>>, vector<16xi32>,
    %eq3A_556 = arith.constant 0 : i32
    %eq3A_557 = vector.broadcast %eq3A_556 : i32 to vector<16xi32>
    %eq3A_558 = arith.cmpi eq, %iota3A, %eq3A_557 : vector<16xi32>
    %jit3A_559 = arith.constant 0 : i32
    %broadcast_in_dim3A_560 = vector.broadcast %jit3A_559 : i32 to vector<16xi32>
    %select_n3A_561 = arith.select %eq3A_558, %get3A_555, %broadcast_in_dim3A_560 : vector<16xi1>, vector<16xi32>
    %reduce_sum3A_562 = arith.constant true
    %reduce_sum3A_563 = vector.broadcast %reduce_sum3A_562 : i1 to vector<16xi1>
    %reduce_sum3A_564 = tpu.scan <sum>, %select_n3A_561 masked %reduce_sum3A_563 : vector<16xi32>, vector<16xi1> -> vector<16xi32>
    %reduce_sum3A_565 = vector.extract %reduce_sum3A_564[15] : i32 from vector<16xi32>
    %eq3A_566 = arith.constant 1 : i32
    %eq3A_567 = vector.broadcast %eq3A_566 : i32 to vector<16xi32>
    %eq3A_568 = arith.cmpi eq, %iota3A, %eq3A_567 : vector<16xi32>
    %jit3A_569 = arith.constant 0 : i32
    %broadcast_in_dim3A_570 = vector.broadcast %jit3A_569 : i32 to vector<16xi32>
    %select_n3A_571 = arith.select %eq3A_568, %get3A_555, %broadcast_in_dim3A_570 : vector<16xi1>, vector<16xi32>
    %reduce_sum3A_572 = arith.constant true
    %reduce_sum3A_573 = vector.broadcast %reduce_sum3A_572 : i1 to vector<16xi1>
    %reduce_sum3A_574 = tpu.scan <sum>, %select_n3A_571 masked %reduce_sum3A_573 : vector<16xi32>, vector<16xi1> -> vector<16xi32>
    %reduce_sum3A_575 = vector.extract %reduce_sum3A_574[15] : i32 from vector<16xi32>
    %lt3A_576 = arith.constant 10 : i32
    %lt3A_577 = arith.cmpi slt, %lt3A_576, %arg1 : i32
    %jit3A_578 = arith.constant 0 : i32
    %select_n3A_579 = arith.select %lt3A_577, %reduce_sum3A_565, %jit3A_578 : i32
    %add3A_580 = arith.addi %add3A_550, %select_n3A_579 : i32
    %jit3A_581 = arith.constant 0 : i32
    %select_n3A_582 = arith.select %lt3A_577, %reduce_sum3A_575, %jit3A_581 : i32
    %add3A_583 = arith.addi %add3A_553, %select_n3A_582 : i32
    %get3A_584 = arith.constant 1408 : index
    %get3A_585 = tpu.vector_load %arg11[%get3A_584] {strides = array<i32>} : memref<2048xi32, #tpu.memory_space<vmem>>, vector<16xi32>,
    %eq3A_586 = arith.constant 0 : i32
    %eq3A_587 = vector.broadcast %eq3A_586 : i32 to vector<16xi32>
    %eq3A_588 = arith.cmpi eq, %iota3A, %eq3A_587 : vector<16xi32>
    %jit3A_589 = arith.constant 0 : i32
    %broadcast_in_dim3A_590 = vector.broadcast %jit3A_589 : i32 to vector<16xi32>
    %select_n3A_591 = arith.select %eq3A_588, %get3A_585, %broadcast_in_dim3A_590 : vector<16xi1>, vector<16xi32>
    %reduce_sum3A_592 = arith.constant true
    %reduce_sum3A_593 = vector.broadcast %reduce_sum3A_592 : i1 to vector<16xi1>
    %reduce_sum3A_594 = tpu.scan <sum>, %select_n3A_591 masked %reduce_sum3A_593 : vector<16xi32>, vector<16xi1> -> vector<16xi32>
    %reduce_sum3A_595 = vector.extract %reduce_sum3A_594[15] : i32 from vector<16xi32>
    %eq3A_596 = arith.constant 1 : i32
    %eq3A_597 = vector.broadcast %eq3A_596 : i32 to vector<16xi32>
    %eq3A_598 = arith.cmpi eq, %iota3A, %eq3A_597 : vector<16xi32>
    %jit3A_599 = arith.constant 0 : i32
    %broadcast_in_dim3A_600 = vector.broadcast %jit3A_599 : i32 to vector<16xi32>
    %select_n3A_601 = arith.select %eq3A_598, %get3A_585, %broadcast_in_dim3A_600 : vector<16xi1>, vector<16xi32>
    %reduce_sum3A_602 = arith.constant true
    %reduce_sum3A_603 = vector.broadcast %reduce_sum3A_602 : i1 to vector<16xi1>
    %reduce_sum3A_604 = tpu.scan <sum>, %select_n3A_601 masked %reduce_sum3A_603 : vector<16xi32>, vector<16xi1> -> vector<16xi32>
    %reduce_sum3A_605 = vector.extract %reduce_sum3A_604[15] : i32 from vector<16xi32>
    %lt3A_606 = arith.constant 11 : i32
    %lt3A_607 = arith.cmpi slt, %lt3A_606, %arg1 : i32
    %jit3A_608 = arith.constant 0 : i32
    %select_n3A_609 = arith.select %lt3A_607, %reduce_sum3A_595, %jit3A_608 : i32
    %add3A_610 = arith.addi %add3A_580, %select_n3A_609 : i32
    %jit3A_611 = arith.constant 0 : i32
    %select_n3A_612 = arith.select %lt3A_607, %reduce_sum3A_605, %jit3A_611 : i32
    %add3A_613 = arith.addi %add3A_583, %select_n3A_612 : i32
    %get3A_614 = arith.constant 1536 : index
    %get3A_615 = tpu.vector_load %arg11[%get3A_614] {strides = array<i32>} : memref<2048xi32, #tpu.memory_space<vmem>>, vector<16xi32>,
    %eq3A_616 = arith.constant 0 : i32
    %eq3A_617 = vector.broadcast %eq3A_616 : i32 to vector<16xi32>
    %eq3A_618 = arith.cmpi eq, %iota3A, %eq3A_617 : vector<16xi32>
    %jit3A_619 = arith.constant 0 : i32
    %broadcast_in_dim3A_620 = vector.broadcast %jit3A_619 : i32 to vector<16xi32>
    %select_n3A_621 = arith.select %eq3A_618, %get3A_615, %broadcast_in_dim3A_620 : vector<16xi1>, vector<16xi32>
    %reduce_sum3A_622 = arith.constant true
    %reduce_sum3A_623 = vector.broadcast %reduce_sum3A_622 : i1 to vector<16xi1>
    %reduce_sum3A_624 = tpu.scan <sum>, %select_n3A_621 masked %reduce_sum3A_623 : vector<16xi32>, vector<16xi1> -> vector<16xi32>
    %reduce_sum3A_625 = vector.extract %reduce_sum3A_624[15] : i32 from vector<16xi32>
    %eq3A_626 = arith.constant 1 : i32
    %eq3A_627 = vector.broadcast %eq3A_626 : i32 to vector<16xi32>
    %eq3A_628 = arith.cmpi eq, %iota3A, %eq3A_627 : vector<16xi32>
    %jit3A_629 = arith.constant 0 : i32
    %broadcast_in_dim3A_630 = vector.broadcast %jit3A_629 : i32 to vector<16xi32>
    %select_n3A_631 = arith.select %eq3A_628, %get3A_615, %broadcast_in_dim3A_630 : vector<16xi1>, vector<16xi32>
    %reduce_sum3A_632 = arith.constant true
    %reduce_sum3A_633 = vector.broadcast %reduce_sum3A_632 : i1 to vector<16xi1>
    %reduce_sum3A_634 = tpu.scan <sum>, %select_n3A_631 masked %reduce_sum3A_633 : vector<16xi32>, vector<16xi1> -> vector<16xi32>
    %reduce_sum3A_635 = vector.extract %reduce_sum3A_634[15] : i32 from vector<16xi32>
    %lt3A_636 = arith.constant 12 : i32
    %lt3A_637 = arith.cmpi slt, %lt3A_636, %arg1 : i32
    %jit3A_638 = arith.constant 0 : i32
    %select_n3A_639 = arith.select %lt3A_637, %reduce_sum3A_625, %jit3A_638 : i32
    %add3A_640 = arith.addi %add3A_610, %select_n3A_639 : i32
    %jit3A_641 = arith.constant 0 : i32
    %select_n3A_642 = arith.select %lt3A_637, %reduce_sum3A_635, %jit3A_641 : i32
    %add3A_643 = arith.addi %add3A_613, %select_n3A_642 : i32
    %get3A_644 = arith.constant 1664 : index
    %get3A_645 = tpu.vector_load %arg11[%get3A_644] {strides = array<i32>} : memref<2048xi32, #tpu.memory_space<vmem>>, vector<16xi32>,
    %eq3A_646 = arith.constant 0 : i32
    %eq3A_647 = vector.broadcast %eq3A_646 : i32 to vector<16xi32>
    %eq3A_648 = arith.cmpi eq, %iota3A, %eq3A_647 : vector<16xi32>
    %jit3A_649 = arith.constant 0 : i32
    %broadcast_in_dim3A_650 = vector.broadcast %jit3A_649 : i32 to vector<16xi32>
    %select_n3A_651 = arith.select %eq3A_648, %get3A_645, %broadcast_in_dim3A_650 : vector<16xi1>, vector<16xi32>
    %reduce_sum3A_652 = arith.constant true
    %reduce_sum3A_653 = vector.broadcast %reduce_sum3A_652 : i1 to vector<16xi1>
    %reduce_sum3A_654 = tpu.scan <sum>, %select_n3A_651 masked %reduce_sum3A_653 : vector<16xi32>, vector<16xi1> -> vector<16xi32>
    %reduce_sum3A_655 = vector.extract %reduce_sum3A_654[15] : i32 from vector<16xi32>
    %eq3A_656 = arith.constant 1 : i32
    %eq3A_657 = vector.broadcast %eq3A_656 : i32 to vector<16xi32>
    %eq3A_658 = arith.cmpi eq, %iota3A, %eq3A_657 : vector<16xi32>
    %jit3A_659 = arith.constant 0 : i32
    %broadcast_in_dim3A_660 = vector.broadcast %jit3A_659 : i32 to vector<16xi32>
    %select_n3A_661 = arith.select %eq3A_658, %get3A_645, %broadcast_in_dim3A_660 : vector<16xi1>, vector<16xi32>
    %reduce_sum3A_662 = arith.constant true
    %reduce_sum3A_663 = vector.broadcast %reduce_sum3A_662 : i1 to vector<16xi1>
    %reduce_sum3A_664 = tpu.scan <sum>, %select_n3A_661 masked %reduce_sum3A_663 : vector<16xi32>, vector<16xi1> -> vector<16xi32>
    %reduce_sum3A_665 = vector.extract %reduce_sum3A_664[15] : i32 from vector<16xi32>
    %lt3A_666 = arith.constant 13 : i32
    %lt3A_667 = arith.cmpi slt, %lt3A_666, %arg1 : i32
    %jit3A_668 = arith.constant 0 : i32
    %select_n3A_669 = arith.select %lt3A_667, %reduce_sum3A_655, %jit3A_668 : i32
    %add3A_670 = arith.addi %add3A_640, %select_n3A_669 : i32
    %jit3A_671 = arith.constant 0 : i32
    %select_n3A_672 = arith.select %lt3A_667, %reduce_sum3A_665, %jit3A_671 : i32
    %add3A_673 = arith.addi %add3A_643, %select_n3A_672 : i32
    %get3A_674 = arith.constant 1792 : index
    %get3A_675 = tpu.vector_load %arg11[%get3A_674] {strides = array<i32>} : memref<2048xi32, #tpu.memory_space<vmem>>, vector<16xi32>,
    %eq3A_676 = arith.constant 0 : i32
    %eq3A_677 = vector.broadcast %eq3A_676 : i32 to vector<16xi32>
    %eq3A_678 = arith.cmpi eq, %iota3A, %eq3A_677 : vector<16xi32>
    %jit3A_679 = arith.constant 0 : i32
    %broadcast_in_dim3A_680 = vector.broadcast %jit3A_679 : i32 to vector<16xi32>
    %select_n3A_681 = arith.select %eq3A_678, %get3A_675, %broadcast_in_dim3A_680 : vector<16xi1>, vector<16xi32>
    %reduce_sum3A_682 = arith.constant true
    %reduce_sum3A_683 = vector.broadcast %reduce_sum3A_682 : i1 to vector<16xi1>
    %reduce_sum3A_684 = tpu.scan <sum>, %select_n3A_681 masked %reduce_sum3A_683 : vector<16xi32>, vector<16xi1> -> vector<16xi32>
    %reduce_sum3A_685 = vector.extract %reduce_sum3A_684[15] : i32 from vector<16xi32>
    %eq3A_686 = arith.constant 1 : i32
    %eq3A_687 = vector.broadcast %eq3A_686 : i32 to vector<16xi32>
    %eq3A_688 = arith.cmpi eq, %iota3A, %eq3A_687 : vector<16xi32>
    %jit3A_689 = arith.constant 0 : i32
    %broadcast_in_dim3A_690 = vector.broadcast %jit3A_689 : i32 to vector<16xi32>
    %select_n3A_691 = arith.select %eq3A_688, %get3A_675, %broadcast_in_dim3A_690 : vector<16xi1>, vector<16xi32>
    %reduce_sum3A_692 = arith.constant true
    %reduce_sum3A_693 = vector.broadcast %reduce_sum3A_692 : i1 to vector<16xi1>
    %reduce_sum3A_694 = tpu.scan <sum>, %select_n3A_691 masked %reduce_sum3A_693 : vector<16xi32>, vector<16xi1> -> vector<16xi32>
    %reduce_sum3A_695 = vector.extract %reduce_sum3A_694[15] : i32 from vector<16xi32>
    %lt3A_696 = arith.constant 14 : i32
    %lt3A_697 = arith.cmpi slt, %lt3A_696, %arg1 : i32
    %jit3A_698 = arith.constant 0 : i32
    %select_n3A_699 = arith.select %lt3A_697, %reduce_sum3A_685, %jit3A_698 : i32
    %add3A_700 = arith.addi %add3A_670, %select_n3A_699 : i32
    %jit3A_701 = arith.constant 0 : i32
    %select_n3A_702 = arith.select %lt3A_697, %reduce_sum3A_695, %jit3A_701 : i32
    %add3A_703 = arith.addi %add3A_673, %select_n3A_702 : i32
    %get3A_704 = arith.constant 1920 : index
    %get3A_705 = tpu.vector_load %arg11[%get3A_704] {strides = array<i32>} : memref<2048xi32, #tpu.memory_space<vmem>>, vector<16xi32>,
    %eq3A_706 = arith.constant 0 : i32
    %eq3A_707 = vector.broadcast %eq3A_706 : i32 to vector<16xi32>
    %eq3A_708 = arith.cmpi eq, %iota3A, %eq3A_707 : vector<16xi32>
    %jit3A_709 = arith.constant 0 : i32
    %broadcast_in_dim3A_710 = vector.broadcast %jit3A_709 : i32 to vector<16xi32>
    %select_n3A_711 = arith.select %eq3A_708, %get3A_705, %broadcast_in_dim3A_710 : vector<16xi1>, vector<16xi32>
    %reduce_sum3A_712 = arith.constant true
    %reduce_sum3A_713 = vector.broadcast %reduce_sum3A_712 : i1 to vector<16xi1>
    %reduce_sum3A_714 = tpu.scan <sum>, %select_n3A_711 masked %reduce_sum3A_713 : vector<16xi32>, vector<16xi1> -> vector<16xi32>
    %reduce_sum3A_715 = vector.extract %reduce_sum3A_714[15] : i32 from vector<16xi32>
    %eq3A_716 = arith.constant 1 : i32
    %eq3A_717 = vector.broadcast %eq3A_716 : i32 to vector<16xi32>
    %eq3A_718 = arith.cmpi eq, %iota3A, %eq3A_717 : vector<16xi32>
    %jit3A_719 = arith.constant 0 : i32
    %broadcast_in_dim3A_720 = vector.broadcast %jit3A_719 : i32 to vector<16xi32>
    %select_n3A_721 = arith.select %eq3A_718, %get3A_705, %broadcast_in_dim3A_720 : vector<16xi1>, vector<16xi32>
    %reduce_sum3A_722 = arith.constant true
    %reduce_sum3A_723 = vector.broadcast %reduce_sum3A_722 : i1 to vector<16xi1>
    %reduce_sum3A_724 = tpu.scan <sum>, %select_n3A_721 masked %reduce_sum3A_723 : vector<16xi32>, vector<16xi1> -> vector<16xi32>
    %reduce_sum3A_725 = vector.extract %reduce_sum3A_724[15] : i32 from vector<16xi32>
    %lt3A_726 = arith.constant 15 : i32
    %lt3A_727 = arith.cmpi slt, %lt3A_726, %arg1 : i32
    %jit3A_728 = arith.constant 0 : i32
    %select_n3A_729 = arith.select %lt3A_727, %reduce_sum3A_715, %jit3A_728 : i32
    %add3A_730 = arith.addi %add3A_700, %select_n3A_729 : i32
    %jit3A_731 = arith.constant 0 : i32
    %select_n3A_732 = arith.select %lt3A_727, %reduce_sum3A_725, %jit3A_731 : i32
    %add3A_733 = arith.addi %add3A_703, %select_n3A_732 : i32
    %sub3A_734 = arith.subi %sub3A_205, %add3A_733 : i32
    %jit3A_735 = arith.constant 0 : i32
    %max3A = arith.maxsi %jit3A_735, %sub3A_734 : i32
    %min3A = arith.minsi %reduce_max3A_238, %max3A : i32
    %min3A_736 = arith.minsi %add3A_733, %sub3A_205 : i32
    %add3A_737 = arith.addi %add3A_730, %min3A_736 : i32
    %add3A_738 = arith.constant 127 : i32
    %add3A_739 = arith.addi %reduce_max3A_228, %add3A_738 : i32
    %shift_right_arithmetic3A = arith.constant 7 : i32
    %shift_right_arithmetic3A_740 = arith.shrsi %add3A_739, %shift_right_arithmetic3A : i32
    %while3A = arith.constant 0 : i32
    %while3A_741 = arith.constant 0 : i32
    %while3A_742 = arith.subi %shift_right_arithmetic3A_740, %while3A : i32
    %while3A_743 = arith.addi %while3A, %while3A_742 : i32
    %while3A_744 = arith.constant 1 : i32
    %while3A_745 = arith.divsi %while3A_742, %while3A_744 : i32
    %while3A_746 = arith.muli %while3A_745, %while3A_744 : i32
    %while3A_747 = arith.addi %while3A, %while3A_746 : i32
    %while3A_748 = arith.constant 1 : i32
    %while3A_749 = scf.for %while3A_878 = %while3A to %while3A_747 step %while3A_748 iter_args(%while3A_879 = %while3A_741) -> (i32)  : i32 {
      %mul3A_880 = arith.constant 128 : i32
      %mul3A_881 = arith.muli %while3A_878, %mul3A_880 : i32
      %add3A_882 = arith.constant 0 : i32
      %add3A_883 = arith.addi %mul3A_881, %add3A_882 : i32
      %add3A_884 = vector.broadcast %add3A_883 : i32 to vector<16xi32>
      %add3A_885 = arith.addi %add3A_884, %iota3A : vector<16xi32>
      %lt3A_886 = vector.broadcast %reduce_max3A_228 : i32 to vector<16xi32>
      %lt3A_887 = arith.cmpi slt, %add3A_885, %lt3A_886 : vector<16xi32>
      %add3A_888 = vector.broadcast %add3A_737 : i32 to vector<16xi32>
      %add3A_889 = arith.addi %add3A_888, %add3A_885 : vector<16xi32>
      %and3A = arith.constant 127 : i32
      %and3A_890 = vector.broadcast %and3A : i32 to vector<16xi32>
      %and3A_891 = arith.andi %add3A_885, %and3A_890 : vector<16xi32>
      %add3A_892 = arith.constant 8192 : i32
      %add3A_893 = vector.broadcast %add3A_892 : i32 to vector<16xi32>
      %add3A_894 = arith.addi %add3A_893, %and3A_891 : vector<16xi32>
      %select_n3A_895 = arith.select %lt3A_887, %add3A_889, %add3A_894 : vector<16xi1>, vector<16xi32>
      %jit3A_896 = arith.constant 0 : i32
      %jit3A_897 = arith.constant 8447 : i32
      %max3A_898 = vector.broadcast %jit3A_896 : i32 to vector<16xi32>
      %max3A_899 = arith.maxsi %max3A_898, %select_n3A_895 : vector<16xi32>
      %min3A_900 = vector.broadcast %jit3A_897 : i32 to vector<16xi32>
      %min3A_901 = arith.minsi %min3A_900, %max3A_899 : vector<16xi32>
      %swap3A_902 = arith.index_cast %while3A_878 : i32 to index
      %swap3A_903 = arith.constant 0 : index
      %swap3A_904 = tpu.vector_load %arg18[%swap3A_902, %swap3A_903] {strides = array<i32>} : memref<65x128xi32, #tpu.memory_space<vmem>>, vector<16xi32>,
      tpu.vector_store %arg18[%swap3A_902, %swap3A_903], %min3A_901 {strides = array<i32>} : memref<65x128xi32, #tpu.memory_space<vmem>>, vector<16xi32>,
      %mul3A_905 = arith.constant 128 : i32
      %mul3A_906 = arith.muli %while3A_878, %mul3A_905 : i32
      %add3A_907 = arith.constant 16 : i32
      %add3A_908 = arith.addi %mul3A_906, %add3A_907 : i32
      %add3A_909 = vector.broadcast %add3A_908 : i32 to vector<16xi32>
      %add3A_910 = arith.addi %add3A_909, %iota3A : vector<16xi32>
      %lt3A_911 = vector.broadcast %reduce_max3A_228 : i32 to vector<16xi32>
      %lt3A_912 = arith.cmpi slt, %add3A_910, %lt3A_911 : vector<16xi32>
      %add3A_913 = vector.broadcast %add3A_737 : i32 to vector<16xi32>
      %add3A_914 = arith.addi %add3A_913, %add3A_910 : vector<16xi32>
      %and3A_915 = arith.constant 127 : i32
      %and3A_916 = vector.broadcast %and3A_915 : i32 to vector<16xi32>
      %and3A_917 = arith.andi %add3A_910, %and3A_916 : vector<16xi32>
      %add3A_918 = arith.constant 8192 : i32
      %add3A_919 = vector.broadcast %add3A_918 : i32 to vector<16xi32>
      %add3A_920 = arith.addi %add3A_919, %and3A_917 : vector<16xi32>
      %select_n3A_921 = arith.select %lt3A_912, %add3A_914, %add3A_920 : vector<16xi1>, vector<16xi32>
      %jit3A_922 = arith.constant 0 : i32
      %jit3A_923 = arith.constant 8447 : i32
      %max3A_924 = vector.broadcast %jit3A_922 : i32 to vector<16xi32>
      %max3A_925 = arith.maxsi %max3A_924, %select_n3A_921 : vector<16xi32>
      %min3A_926 = vector.broadcast %jit3A_923 : i32 to vector<16xi32>
      %min3A_927 = arith.minsi %min3A_926, %max3A_925 : vector<16xi32>
      %swap3A_928 = arith.index_cast %while3A_878 : i32 to index
      %swap3A_929 = arith.constant 16 : index
      %swap3A_930 = tpu.vector_load %arg18[%swap3A_928, %swap3A_929] {strides = array<i32>} : memref<65x128xi32, #tpu.memory_space<vmem>>, vector<16xi32>,
      tpu.vector_store %arg18[%swap3A_928, %swap3A_929], %min3A_927 {strides = array<i32>} : memref<65x128xi32, #tpu.memory_space<vmem>>, vector<16xi32>,
      %mul3A_931 = arith.constant 128 : i32
      %mul3A_932 = arith.muli %while3A_878, %mul3A_931 : i32
      %add3A_933 = arith.constant 32 : i32
      %add3A_934 = arith.addi %mul3A_932, %add3A_933 : i32
      %add3A_935 = vector.broadcast %add3A_934 : i32 to vector<16xi32>
      %add3A_936 = arith.addi %add3A_935, %iota3A : vector<16xi32>
      %lt3A_937 = vector.broadcast %reduce_max3A_228 : i32 to vector<16xi32>
      %lt3A_938 = arith.cmpi slt, %add3A_936, %lt3A_937 : vector<16xi32>
      %add3A_939 = vector.broadcast %add3A_737 : i32 to vector<16xi32>
      %add3A_940 = arith.addi %add3A_939, %add3A_936 : vector<16xi32>
      %and3A_941 = arith.constant 127 : i32
      %and3A_942 = vector.broadcast %and3A_941 : i32 to vector<16xi32>
      %and3A_943 = arith.andi %add3A_936, %and3A_942 : vector<16xi32>
      %add3A_944 = arith.constant 8192 : i32
      %add3A_945 = vector.broadcast %add3A_944 : i32 to vector<16xi32>
      %add3A_946 = arith.addi %add3A_945, %and3A_943 : vector<16xi32>
      %select_n3A_947 = arith.select %lt3A_938, %add3A_940, %add3A_946 : vector<16xi1>, vector<16xi32>
      %jit3A_948 = arith.constant 0 : i32
      %jit3A_949 = arith.constant 8447 : i32
      %max3A_950 = vector.broadcast %jit3A_948 : i32 to vector<16xi32>
      %max3A_951 = arith.maxsi %max3A_950, %select_n3A_947 : vector<16xi32>
      %min3A_952 = vector.broadcast %jit3A_949 : i32 to vector<16xi32>
      %min3A_953 = arith.minsi %min3A_952, %max3A_951 : vector<16xi32>
      %swap3A_954 = arith.index_cast %while3A_878 : i32 to index
      %swap3A_955 = arith.constant 32 : index
      %swap3A_956 = tpu.vector_load %arg18[%swap3A_954, %swap3A_955] {strides = array<i32>} : memref<65x128xi32, #tpu.memory_space<vmem>>, vector<16xi32>,
      tpu.vector_store %arg18[%swap3A_954, %swap3A_955], %min3A_953 {strides = array<i32>} : memref<65x128xi32, #tpu.memory_space<vmem>>, vector<16xi32>,
      %mul3A_957 = arith.constant 128 : i32
      %mul3A_958 = arith.muli %while3A_878, %mul3A_957 : i32
      %add3A_959 = arith.constant 48 : i32
      %add3A_960 = arith.addi %mul3A_958, %add3A_959 : i32
      %add3A_961 = vector.broadcast %add3A_960 : i32 to vector<16xi32>
      %add3A_962 = arith.addi %add3A_961, %iota3A : vector<16xi32>
      %lt3A_963 = vector.broadcast %reduce_max3A_228 : i32 to vector<16xi32>
      %lt3A_964 = arith.cmpi slt, %add3A_962, %lt3A_963 : vector<16xi32>
      %add3A_965 = vector.broadcast %add3A_737 : i32 to vector<16xi32>
      %add3A_966 = arith.addi %add3A_965, %add3A_962 : vector<16xi32>
      %and3A_967 = arith.constant 127 : i32
      %and3A_968 = vector.broadcast %and3A_967 : i32 to vector<16xi32>
      %and3A_969 = arith.andi %add3A_962, %and3A_968 : vector<16xi32>
      %add3A_970 = arith.constant 8192 : i32
      %add3A_971 = vector.broadcast %add3A_970 : i32 to vector<16xi32>
      %add3A_972 = arith.addi %add3A_971, %and3A_969 : vector<16xi32>
      %select_n3A_973 = arith.select %lt3A_964, %add3A_966, %add3A_972 : vector<16xi1>, vector<16xi32>
      %jit3A_974 = arith.constant 0 : i32
      %jit3A_975 = arith.constant 8447 : i32
      %max3A_976 = vector.broadcast %jit3A_974 : i32 to vector<16xi32>
      %max3A_977 = arith.maxsi %max3A_976, %select_n3A_973 : vector<16xi32>
      %min3A_978 = vector.broadcast %jit3A_975 : i32 to vector<16xi32>
      %min3A_979 = arith.minsi %min3A_978, %max3A_977 : vector<16xi32>
      %swap3A_980 = arith.index_cast %while3A_878 : i32 to index
      %swap3A_981 = arith.constant 48 : index
      %swap3A_982 = tpu.vector_load %arg18[%swap3A_980, %swap3A_981] {strides = array<i32>} : memref<65x128xi32, #tpu.memory_space<vmem>>, vector<16xi32>,
      tpu.vector_store %arg18[%swap3A_980, %swap3A_981], %min3A_979 {strides = array<i32>} : memref<65x128xi32, #tpu.memory_space<vmem>>, vector<16xi32>,
      %mul3A_983 = arith.constant 128 : i32
      %mul3A_984 = arith.muli %while3A_878, %mul3A_983 : i32
      %add3A_985 = arith.constant 64 : i32
      %add3A_986 = arith.addi %mul3A_984, %add3A_985 : i32
      %add3A_987 = vector.broadcast %add3A_986 : i32 to vector<16xi32>
      %add3A_988 = arith.addi %add3A_987, %iota3A : vector<16xi32>
      %lt3A_989 = vector.broadcast %reduce_max3A_228 : i32 to vector<16xi32>
      %lt3A_990 = arith.cmpi slt, %add3A_988, %lt3A_989 : vector<16xi32>
      %add3A_991 = vector.broadcast %add3A_737 : i32 to vector<16xi32>
      %add3A_992 = arith.addi %add3A_991, %add3A_988 : vector<16xi32>
      %and3A_993 = arith.constant 127 : i32
      %and3A_994 = vector.broadcast %and3A_993 : i32 to vector<16xi32>
      %and3A_995 = arith.andi %add3A_988, %and3A_994 : vector<16xi32>
      %add3A_996 = arith.constant 8192 : i32
      %add3A_997 = vector.broadcast %add3A_996 : i32 to vector<16xi32>
      %add3A_998 = arith.addi %add3A_997, %and3A_995 : vector<16xi32>
      %select_n3A_999 = arith.select %lt3A_990, %add3A_992, %add3A_998 : vector<16xi1>, vector<16xi32>
      %jit3A_1000 = arith.constant 0 : i32
      %jit3A_1001 = arith.constant 8447 : i32
      %max3A_1002 = vector.broadcast %jit3A_1000 : i32 to vector<16xi32>
      %max3A_1003 = arith.maxsi %max3A_1002, %select_n3A_999 : vector<16xi32>
      %min3A_1004 = vector.broadcast %jit3A_1001 : i32 to vector<16xi32>
      %min3A_1005 = arith.minsi %min3A_1004, %max3A_1003 : vector<16xi32>
      %swap3A_1006 = arith.index_cast %while3A_878 : i32 to index
      %swap3A_1007 = arith.constant 64 : index
      %swap3A_1008 = tpu.vector_load %arg18[%swap3A_1006, %swap3A_1007] {strides = array<i32>} : memref<65x128xi32, #tpu.memory_space<vmem>>, vector<16xi32>,
      tpu.vector_store %arg18[%swap3A_1006, %swap3A_1007], %min3A_1005 {strides = array<i32>} : memref<65x128xi32, #tpu.memory_space<vmem>>, vector<16xi32>,
      %mul3A_1009 = arith.constant 128 : i32
      %mul3A_1010 = arith.muli %while3A_878, %mul3A_1009 : i32
      %add3A_1011 = arith.constant 80 : i32
      %add3A_1012 = arith.addi %mul3A_1010, %add3A_1011 : i32
      %add3A_1013 = vector.broadcast %add3A_1012 : i32 to vector<16xi32>
      %add3A_1014 = arith.addi %add3A_1013, %iota3A : vector<16xi32>
      %lt3A_1015 = vector.broadcast %reduce_max3A_228 : i32 to vector<16xi32>
      %lt3A_1016 = arith.cmpi slt, %add3A_1014, %lt3A_1015 : vector<16xi32>
      %add3A_1017 = vector.broadcast %add3A_737 : i32 to vector<16xi32>
      %add3A_1018 = arith.addi %add3A_1017, %add3A_1014 : vector<16xi32>
      %and3A_1019 = arith.constant 127 : i32
      %and3A_1020 = vector.broadcast %and3A_1019 : i32 to vector<16xi32>
      %and3A_1021 = arith.andi %add3A_1014, %and3A_1020 : vector<16xi32>
      %add3A_1022 = arith.constant 8192 : i32
      %add3A_1023 = vector.broadcast %add3A_1022 : i32 to vector<16xi32>
      %add3A_1024 = arith.addi %add3A_1023, %and3A_1021 : vector<16xi32>
      %select_n3A_1025 = arith.select %lt3A_1016, %add3A_1018, %add3A_1024 : vector<16xi1>, vector<16xi32>
      %jit3A_1026 = arith.constant 0 : i32
      %jit3A_1027 = arith.constant 8447 : i32
      %max3A_1028 = vector.broadcast %jit3A_1026 : i32 to vector<16xi32>
      %max3A_1029 = arith.maxsi %max3A_1028, %select_n3A_1025 : vector<16xi32>
      %min3A_1030 = vector.broadcast %jit3A_1027 : i32 to vector<16xi32>
      %min3A_1031 = arith.minsi %min3A_1030, %max3A_1029 : vector<16xi32>
      %swap3A_1032 = arith.index_cast %while3A_878 : i32 to index
      %swap3A_1033 = arith.constant 80 : index
      %swap3A_1034 = tpu.vector_load %arg18[%swap3A_1032, %swap3A_1033] {strides = array<i32>} : memref<65x128xi32, #tpu.memory_space<vmem>>, vector<16xi32>,
      tpu.vector_store %arg18[%swap3A_1032, %swap3A_1033], %min3A_1031 {strides = array<i32>} : memref<65x128xi32, #tpu.memory_space<vmem>>, vector<16xi32>,
      %mul3A_1035 = arith.constant 128 : i32
      %mul3A_1036 = arith.muli %while3A_878, %mul3A_1035 : i32
      %add3A_1037 = arith.constant 96 : i32
      %add3A_1038 = arith.addi %mul3A_1036, %add3A_1037 : i32
      %add3A_1039 = vector.broadcast %add3A_1038 : i32 to vector<16xi32>
      %add3A_1040 = arith.addi %add3A_1039, %iota3A : vector<16xi32>
      %lt3A_1041 = vector.broadcast %reduce_max3A_228 : i32 to vector<16xi32>
      %lt3A_1042 = arith.cmpi slt, %add3A_1040, %lt3A_1041 : vector<16xi32>
      %add3A_1043 = vector.broadcast %add3A_737 : i32 to vector<16xi32>
      %add3A_1044 = arith.addi %add3A_1043, %add3A_1040 : vector<16xi32>
      %and3A_1045 = arith.constant 127 : i32
      %and3A_1046 = vector.broadcast %and3A_1045 : i32 to vector<16xi32>
      %and3A_1047 = arith.andi %add3A_1040, %and3A_1046 : vector<16xi32>
      %add3A_1048 = arith.constant 8192 : i32
      %add3A_1049 = vector.broadcast %add3A_1048 : i32 to vector<16xi32>
      %add3A_1050 = arith.addi %add3A_1049, %and3A_1047 : vector<16xi32>
      %select_n3A_1051 = arith.select %lt3A_1042, %add3A_1044, %add3A_1050 : vector<16xi1>, vector<16xi32>
      %jit3A_1052 = arith.constant 0 : i32
      %jit3A_1053 = arith.constant 8447 : i32
      %max3A_1054 = vector.broadcast %jit3A_1052 : i32 to vector<16xi32>
      %max3A_1055 = arith.maxsi %max3A_1054, %select_n3A_1051 : vector<16xi32>
      %min3A_1056 = vector.broadcast %jit3A_1053 : i32 to vector<16xi32>
      %min3A_1057 = arith.minsi %min3A_1056, %max3A_1055 : vector<16xi32>
      %swap3A_1058 = arith.index_cast %while3A_878 : i32 to index
      %swap3A_1059 = arith.constant 96 : index
      %swap3A_1060 = tpu.vector_load %arg18[%swap3A_1058, %swap3A_1059] {strides = array<i32>} : memref<65x128xi32, #tpu.memory_space<vmem>>, vector<16xi32>,
      tpu.vector_store %arg18[%swap3A_1058, %swap3A_1059], %min3A_1057 {strides = array<i32>} : memref<65x128xi32, #tpu.memory_space<vmem>>, vector<16xi32>,
      %mul3A_1061 = arith.constant 128 : i32
      %mul3A_1062 = arith.muli %while3A_878, %mul3A_1061 : i32
      %add3A_1063 = arith.constant 112 : i32
      %add3A_1064 = arith.addi %mul3A_1062, %add3A_1063 : i32
      %add3A_1065 = vector.broadcast %add3A_1064 : i32 to vector<16xi32>
      %add3A_1066 = arith.addi %add3A_1065, %iota3A : vector<16xi32>
      %lt3A_1067 = vector.broadcast %reduce_max3A_228 : i32 to vector<16xi32>
      %lt3A_1068 = arith.cmpi slt, %add3A_1066, %lt3A_1067 : vector<16xi32>
      %add3A_1069 = vector.broadcast %add3A_737 : i32 to vector<16xi32>
      %add3A_1070 = arith.addi %add3A_1069, %add3A_1066 : vector<16xi32>
      %and3A_1071 = arith.constant 127 : i32
      %and3A_1072 = vector.broadcast %and3A_1071 : i32 to vector<16xi32>
      %and3A_1073 = arith.andi %add3A_1066, %and3A_1072 : vector<16xi32>
      %add3A_1074 = arith.constant 8192 : i32
      %add3A_1075 = vector.broadcast %add3A_1074 : i32 to vector<16xi32>
      %add3A_1076 = arith.addi %add3A_1075, %and3A_1073 : vector<16xi32>
      %select_n3A_1077 = arith.select %lt3A_1068, %add3A_1070, %add3A_1076 : vector<16xi1>, vector<16xi32>
      %jit3A_1078 = arith.constant 0 : i32
      %jit3A_1079 = arith.constant 8447 : i32
      %max3A_1080 = vector.broadcast %jit3A_1078 : i32 to vector<16xi32>
      %max3A_1081 = arith.maxsi %max3A_1080, %select_n3A_1077 : vector<16xi32>
      %min3A_1082 = vector.broadcast %jit3A_1079 : i32 to vector<16xi32>
      %min3A_1083 = arith.minsi %min3A_1082, %max3A_1081 : vector<16xi32>
      %swap3A_1084 = arith.index_cast %while3A_878 : i32 to index
      %swap3A_1085 = arith.constant 112 : index
      %swap3A_1086 = tpu.vector_load %arg18[%swap3A_1084, %swap3A_1085] {strides = array<i32>} : memref<65x128xi32, #tpu.memory_space<vmem>>, vector<16xi32>,
      tpu.vector_store %arg18[%swap3A_1084, %swap3A_1085], %min3A_1083 {strides = array<i32>} : memref<65x128xi32, #tpu.memory_space<vmem>>, vector<16xi32>,
      %while3A_1087 = arith.constant 0 : i32
      scf.yield %while3A_1087 : i32
    }
    %while3A_750 = arith.constant 1 : i32
    %while3A_751 = scf.for %while3A_878 = %while3A_747 to %while3A_743 step %while3A_750 iter_args(%while3A_879 = %while3A_749) -> (i32)  : i32 {
      %mul3A_880 = arith.constant 128 : i32
      %mul3A_881 = arith.muli %while3A_878, %mul3A_880 : i32
      %add3A_882 = arith.constant 0 : i32
      %add3A_883 = arith.addi %mul3A_881, %add3A_882 : i32
      %add3A_884 = vector.broadcast %add3A_883 : i32 to vector<16xi32>
      %add3A_885 = arith.addi %add3A_884, %iota3A : vector<16xi32>
      %lt3A_886 = vector.broadcast %reduce_max3A_228 : i32 to vector<16xi32>
      %lt3A_887 = arith.cmpi slt, %add3A_885, %lt3A_886 : vector<16xi32>
      %add3A_888 = vector.broadcast %add3A_737 : i32 to vector<16xi32>
      %add3A_889 = arith.addi %add3A_888, %add3A_885 : vector<16xi32>
      %and3A = arith.constant 127 : i32
      %and3A_890 = vector.broadcast %and3A : i32 to vector<16xi32>
      %and3A_891 = arith.andi %add3A_885, %and3A_890 : vector<16xi32>
      %add3A_892 = arith.constant 8192 : i32
      %add3A_893 = vector.broadcast %add3A_892 : i32 to vector<16xi32>
      %add3A_894 = arith.addi %add3A_893, %and3A_891 : vector<16xi32>
      %select_n3A_895 = arith.select %lt3A_887, %add3A_889, %add3A_894 : vector<16xi1>, vector<16xi32>
      %jit3A_896 = arith.constant 0 : i32
      %jit3A_897 = arith.constant 8447 : i32
      %max3A_898 = vector.broadcast %jit3A_896 : i32 to vector<16xi32>
      %max3A_899 = arith.maxsi %max3A_898, %select_n3A_895 : vector<16xi32>
      %min3A_900 = vector.broadcast %jit3A_897 : i32 to vector<16xi32>
      %min3A_901 = arith.minsi %min3A_900, %max3A_899 : vector<16xi32>
      %swap3A_902 = arith.index_cast %while3A_878 : i32 to index
      %swap3A_903 = arith.constant 0 : index
      %swap3A_904 = tpu.vector_load %arg18[%swap3A_902, %swap3A_903] {strides = array<i32>} : memref<65x128xi32, #tpu.memory_space<vmem>>, vector<16xi32>,
      tpu.vector_store %arg18[%swap3A_902, %swap3A_903], %min3A_901 {strides = array<i32>} : memref<65x128xi32, #tpu.memory_space<vmem>>, vector<16xi32>,
      %mul3A_905 = arith.constant 128 : i32
      %mul3A_906 = arith.muli %while3A_878, %mul3A_905 : i32
      %add3A_907 = arith.constant 16 : i32
      %add3A_908 = arith.addi %mul3A_906, %add3A_907 : i32
      %add3A_909 = vector.broadcast %add3A_908 : i32 to vector<16xi32>
      %add3A_910 = arith.addi %add3A_909, %iota3A : vector<16xi32>
      %lt3A_911 = vector.broadcast %reduce_max3A_228 : i32 to vector<16xi32>
      %lt3A_912 = arith.cmpi slt, %add3A_910, %lt3A_911 : vector<16xi32>
      %add3A_913 = vector.broadcast %add3A_737 : i32 to vector<16xi32>
      %add3A_914 = arith.addi %add3A_913, %add3A_910 : vector<16xi32>
      %and3A_915 = arith.constant 127 : i32
      %and3A_916 = vector.broadcast %and3A_915 : i32 to vector<16xi32>
      %and3A_917 = arith.andi %add3A_910, %and3A_916 : vector<16xi32>
      %add3A_918 = arith.constant 8192 : i32
      %add3A_919 = vector.broadcast %add3A_918 : i32 to vector<16xi32>
      %add3A_920 = arith.addi %add3A_919, %and3A_917 : vector<16xi32>
      %select_n3A_921 = arith.select %lt3A_912, %add3A_914, %add3A_920 : vector<16xi1>, vector<16xi32>
      %jit3A_922 = arith.constant 0 : i32
      %jit3A_923 = arith.constant 8447 : i32
      %max3A_924 = vector.broadcast %jit3A_922 : i32 to vector<16xi32>
      %max3A_925 = arith.maxsi %max3A_924, %select_n3A_921 : vector<16xi32>
      %min3A_926 = vector.broadcast %jit3A_923 : i32 to vector<16xi32>
      %min3A_927 = arith.minsi %min3A_926, %max3A_925 : vector<16xi32>
      %swap3A_928 = arith.index_cast %while3A_878 : i32 to index
      %swap3A_929 = arith.constant 16 : index
      %swap3A_930 = tpu.vector_load %arg18[%swap3A_928, %swap3A_929] {strides = array<i32>} : memref<65x128xi32, #tpu.memory_space<vmem>>, vector<16xi32>,
      tpu.vector_store %arg18[%swap3A_928, %swap3A_929], %min3A_927 {strides = array<i32>} : memref<65x128xi32, #tpu.memory_space<vmem>>, vector<16xi32>,
      %mul3A_931 = arith.constant 128 : i32
      %mul3A_932 = arith.muli %while3A_878, %mul3A_931 : i32
      %add3A_933 = arith.constant 32 : i32
      %add3A_934 = arith.addi %mul3A_932, %add3A_933 : i32
      %add3A_935 = vector.broadcast %add3A_934 : i32 to vector<16xi32>
      %add3A_936 = arith.addi %add3A_935, %iota3A : vector<16xi32>
      %lt3A_937 = vector.broadcast %reduce_max3A_228 : i32 to vector<16xi32>
      %lt3A_938 = arith.cmpi slt, %add3A_936, %lt3A_937 : vector<16xi32>
      %add3A_939 = vector.broadcast %add3A_737 : i32 to vector<16xi32>
      %add3A_940 = arith.addi %add3A_939, %add3A_936 : vector<16xi32>
      %and3A_941 = arith.constant 127 : i32
      %and3A_942 = vector.broadcast %and3A_941 : i32 to vector<16xi32>
      %and3A_943 = arith.andi %add3A_936, %and3A_942 : vector<16xi32>
      %add3A_944 = arith.constant 8192 : i32
      %add3A_945 = vector.broadcast %add3A_944 : i32 to vector<16xi32>
      %add3A_946 = arith.addi %add3A_945, %and3A_943 : vector<16xi32>
      %select_n3A_947 = arith.select %lt3A_938, %add3A_940, %add3A_946 : vector<16xi1>, vector<16xi32>
      %jit3A_948 = arith.constant 0 : i32
      %jit3A_949 = arith.constant 8447 : i32
      %max3A_950 = vector.broadcast %jit3A_948 : i32 to vector<16xi32>
      %max3A_951 = arith.maxsi %max3A_950, %select_n3A_947 : vector<16xi32>
      %min3A_952 = vector.broadcast %jit3A_949 : i32 to vector<16xi32>
      %min3A_953 = arith.minsi %min3A_952, %max3A_951 : vector<16xi32>
      %swap3A_954 = arith.index_cast %while3A_878 : i32 to index
      %swap3A_955 = arith.constant 32 : index
      %swap3A_956 = tpu.vector_load %arg18[%swap3A_954, %swap3A_955] {strides = array<i32>} : memref<65x128xi32, #tpu.memory_space<vmem>>, vector<16xi32>,
      tpu.vector_store %arg18[%swap3A_954, %swap3A_955], %min3A_953 {strides = array<i32>} : memref<65x128xi32, #tpu.memory_space<vmem>>, vector<16xi32>,
      %mul3A_957 = arith.constant 128 : i32
      %mul3A_958 = arith.muli %while3A_878, %mul3A_957 : i32
      %add3A_959 = arith.constant 48 : i32
      %add3A_960 = arith.addi %mul3A_958, %add3A_959 : i32
      %add3A_961 = vector.broadcast %add3A_960 : i32 to vector<16xi32>
      %add3A_962 = arith.addi %add3A_961, %iota3A : vector<16xi32>
      %lt3A_963 = vector.broadcast %reduce_max3A_228 : i32 to vector<16xi32>
      %lt3A_964 = arith.cmpi slt, %add3A_962, %lt3A_963 : vector<16xi32>
      %add3A_965 = vector.broadcast %add3A_737 : i32 to vector<16xi32>
      %add3A_966 = arith.addi %add3A_965, %add3A_962 : vector<16xi32>
      %and3A_967 = arith.constant 127 : i32
      %and3A_968 = vector.broadcast %and3A_967 : i32 to vector<16xi32>
      %and3A_969 = arith.andi %add3A_962, %and3A_968 : vector<16xi32>
      %add3A_970 = arith.constant 8192 : i32
      %add3A_971 = vector.broadcast %add3A_970 : i32 to vector<16xi32>
      %add3A_972 = arith.addi %add3A_971, %and3A_969 : vector<16xi32>
      %select_n3A_973 = arith.select %lt3A_964, %add3A_966, %add3A_972 : vector<16xi1>, vector<16xi32>
      %jit3A_974 = arith.constant 0 : i32
      %jit3A_975 = arith.constant 8447 : i32
      %max3A_976 = vector.broadcast %jit3A_974 : i32 to vector<16xi32>
      %max3A_977 = arith.maxsi %max3A_976, %select_n3A_973 : vector<16xi32>
      %min3A_978 = vector.broadcast %jit3A_975 : i32 to vector<16xi32>
      %min3A_979 = arith.minsi %min3A_978, %max3A_977 : vector<16xi32>
      %swap3A_980 = arith.index_cast %while3A_878 : i32 to index
      %swap3A_981 = arith.constant 48 : index
      %swap3A_982 = tpu.vector_load %arg18[%swap3A_980, %swap3A_981] {strides = array<i32>} : memref<65x128xi32, #tpu.memory_space<vmem>>, vector<16xi32>,
      tpu.vector_store %arg18[%swap3A_980, %swap3A_981], %min3A_979 {strides = array<i32>} : memref<65x128xi32, #tpu.memory_space<vmem>>, vector<16xi32>,
      %mul3A_983 = arith.constant 128 : i32
      %mul3A_984 = arith.muli %while3A_878, %mul3A_983 : i32
      %add3A_985 = arith.constant 64 : i32
      %add3A_986 = arith.addi %mul3A_984, %add3A_985 : i32
      %add3A_987 = vector.broadcast %add3A_986 : i32 to vector<16xi32>
      %add3A_988 = arith.addi %add3A_987, %iota3A : vector<16xi32>
      %lt3A_989 = vector.broadcast %reduce_max3A_228 : i32 to vector<16xi32>
      %lt3A_990 = arith.cmpi slt, %add3A_988, %lt3A_989 : vector<16xi32>
      %add3A_991 = vector.broadcast %add3A_737 : i32 to vector<16xi32>
      %add3A_992 = arith.addi %add3A_991, %add3A_988 : vector<16xi32>
      %and3A_993 = arith.constant 127 : i32
      %and3A_994 = vector.broadcast %and3A_993 : i32 to vector<16xi32>
      %and3A_995 = arith.andi %add3A_988, %and3A_994 : vector<16xi32>
      %add3A_996 = arith.constant 8192 : i32
      %add3A_997 = vector.broadcast %add3A_996 : i32 to vector<16xi32>
      %add3A_998 = arith.addi %add3A_997, %and3A_995 : vector<16xi32>
      %select_n3A_999 = arith.select %lt3A_990, %add3A_992, %add3A_998 : vector<16xi1>, vector<16xi32>
      %jit3A_1000 = arith.constant 0 : i32
      %jit3A_1001 = arith.constant 8447 : i32
      %max3A_1002 = vector.broadcast %jit3A_1000 : i32 to vector<16xi32>
      %max3A_1003 = arith.maxsi %max3A_1002, %select_n3A_999 : vector<16xi32>
      %min3A_1004 = vector.broadcast %jit3A_1001 : i32 to vector<16xi32>
      %min3A_1005 = arith.minsi %min3A_1004, %max3A_1003 : vector<16xi32>
      %swap3A_1006 = arith.index_cast %while3A_878 : i32 to index
      %swap3A_1007 = arith.constant 64 : index
      %swap3A_1008 = tpu.vector_load %arg18[%swap3A_1006, %swap3A_1007] {strides = array<i32>} : memref<65x128xi32, #tpu.memory_space<vmem>>, vector<16xi32>,
      tpu.vector_store %arg18[%swap3A_1006, %swap3A_1007], %min3A_1005 {strides = array<i32>} : memref<65x128xi32, #tpu.memory_space<vmem>>, vector<16xi32>,
      %mul3A_1009 = arith.constant 128 : i32
      %mul3A_1010 = arith.muli %while3A_878, %mul3A_1009 : i32
      %add3A_1011 = arith.constant 80 : i32
      %add3A_1012 = arith.addi %mul3A_1010, %add3A_1011 : i32
      %add3A_1013 = vector.broadcast %add3A_1012 : i32 to vector<16xi32>
      %add3A_1014 = arith.addi %add3A_1013, %iota3A : vector<16xi32>
      %lt3A_1015 = vector.broadcast %reduce_max3A_228 : i32 to vector<16xi32>
      %lt3A_1016 = arith.cmpi slt, %add3A_1014, %lt3A_1015 : vector<16xi32>
      %add3A_1017 = vector.broadcast %add3A_737 : i32 to vector<16xi32>
      %add3A_1018 = arith.addi %add3A_1017, %add3A_1014 : vector<16xi32>
      %and3A_1019 = arith.constant 127 : i32
      %and3A_1020 = vector.broadcast %and3A_1019 : i32 to vector<16xi32>
      %and3A_1021 = arith.andi %add3A_1014, %and3A_1020 : vector<16xi32>
      %add3A_1022 = arith.constant 8192 : i32
      %add3A_1023 = vector.broadcast %add3A_1022 : i32 to vector<16xi32>
      %add3A_1024 = arith.addi %add3A_1023, %and3A_1021 : vector<16xi32>
      %select_n3A_1025 = arith.select %lt3A_1016, %add3A_1018, %add3A_1024 : vector<16xi1>, vector<16xi32>
      %jit3A_1026 = arith.constant 0 : i32
      %jit3A_1027 = arith.constant 8447 : i32
      %max3A_1028 = vector.broadcast %jit3A_1026 : i32 to vector<16xi32>
      %max3A_1029 = arith.maxsi %max3A_1028, %select_n3A_1025 : vector<16xi32>
      %min3A_1030 = vector.broadcast %jit3A_1027 : i32 to vector<16xi32>
      %min3A_1031 = arith.minsi %min3A_1030, %max3A_1029 : vector<16xi32>
      %swap3A_1032 = arith.index_cast %while3A_878 : i32 to index
      %swap3A_1033 = arith.constant 80 : index
      %swap3A_1034 = tpu.vector_load %arg18[%swap3A_1032, %swap3A_1033] {strides = array<i32>} : memref<65x128xi32, #tpu.memory_space<vmem>>, vector<16xi32>,
      tpu.vector_store %arg18[%swap3A_1032, %swap3A_1033], %min3A_1031 {strides = array<i32>} : memref<65x128xi32, #tpu.memory_space<vmem>>, vector<16xi32>,
      %mul3A_1035 = arith.constant 128 : i32
      %mul3A_1036 = arith.muli %while3A_878, %mul3A_1035 : i32
      %add3A_1037 = arith.constant 96 : i32
      %add3A_1038 = arith.addi %mul3A_1036, %add3A_1037 : i32
      %add3A_1039 = vector.broadcast %add3A_1038 : i32 to vector<16xi32>
      %add3A_1040 = arith.addi %add3A_1039, %iota3A : vector<16xi32>
      %lt3A_1041 = vector.broadcast %reduce_max3A_228 : i32 to vector<16xi32>
      %lt3A_1042 = arith.cmpi slt, %add3A_1040, %lt3A_1041 : vector<16xi32>
      %add3A_1043 = vector.broadcast %add3A_737 : i32 to vector<16xi32>
      %add3A_1044 = arith.addi %add3A_1043, %add3A_1040 : vector<16xi32>
      %and3A_1045 = arith.constant 127 : i32
      %and3A_1046 = vector.broadcast %and3A_1045 : i32 to vector<16xi32>
      %and3A_1047 = arith.andi %add3A_1040, %and3A_1046 : vector<16xi32>
      %add3A_1048 = arith.constant 8192 : i32
      %add3A_1049 = vector.broadcast %add3A_1048 : i32 to vector<16xi32>
      %add3A_1050 = arith.addi %add3A_1049, %and3A_1047 : vector<16xi32>
      %select_n3A_1051 = arith.select %lt3A_1042, %add3A_1044, %add3A_1050 : vector<16xi1>, vector<16xi32>
      %jit3A_1052 = arith.constant 0 : i32
      %jit3A_1053 = arith.constant 8447 : i32
      %max3A_1054 = vector.broadcast %jit3A_1052 : i32 to vector<16xi32>
      %max3A_1055 = arith.maxsi %max3A_1054, %select_n3A_1051 : vector<16xi32>
      %min3A_1056 = vector.broadcast %jit3A_1053 : i32 to vector<16xi32>
      %min3A_1057 = arith.minsi %min3A_1056, %max3A_1055 : vector<16xi32>
      %swap3A_1058 = arith.index_cast %while3A_878 : i32 to index
      %swap3A_1059 = arith.constant 96 : index
      %swap3A_1060 = tpu.vector_load %arg18[%swap3A_1058, %swap3A_1059] {strides = array<i32>} : memref<65x128xi32, #tpu.memory_space<vmem>>, vector<16xi32>,
      tpu.vector_store %arg18[%swap3A_1058, %swap3A_1059], %min3A_1057 {strides = array<i32>} : memref<65x128xi32, #tpu.memory_space<vmem>>, vector<16xi32>,
      %mul3A_1061 = arith.constant 128 : i32
      %mul3A_1062 = arith.muli %while3A_878, %mul3A_1061 : i32
      %add3A_1063 = arith.constant 112 : i32
      %add3A_1064 = arith.addi %mul3A_1062, %add3A_1063 : i32
      %add3A_1065 = vector.broadcast %add3A_1064 : i32 to vector<16xi32>
      %add3A_1066 = arith.addi %add3A_1065, %iota3A : vector<16xi32>
      %lt3A_1067 = vector.broadcast %reduce_max3A_228 : i32 to vector<16xi32>
      %lt3A_1068 = arith.cmpi slt, %add3A_1066, %lt3A_1067 : vector<16xi32>
      %add3A_1069 = vector.broadcast %add3A_737 : i32 to vector<16xi32>
      %add3A_1070 = arith.addi %add3A_1069, %add3A_1066 : vector<16xi32>
      %and3A_1071 = arith.constant 127 : i32
      %and3A_1072 = vector.broadcast %and3A_1071 : i32 to vector<16xi32>
      %and3A_1073 = arith.andi %add3A_1066, %and3A_1072 : vector<16xi32>
      %add3A_1074 = arith.constant 8192 : i32
      %add3A_1075 = vector.broadcast %add3A_1074 : i32 to vector<16xi32>
      %add3A_1076 = arith.addi %add3A_1075, %and3A_1073 : vector<16xi32>
      %select_n3A_1077 = arith.select %lt3A_1068, %add3A_1070, %add3A_1076 : vector<16xi1>, vector<16xi32>
      %jit3A_1078 = arith.constant 0 : i32
      %jit3A_1079 = arith.constant 8447 : i32
      %max3A_1080 = vector.broadcast %jit3A_1078 : i32 to vector<16xi32>
      %max3A_1081 = arith.maxsi %max3A_1080, %select_n3A_1077 : vector<16xi32>
      %min3A_1082 = vector.broadcast %jit3A_1079 : i32 to vector<16xi32>
      %min3A_1083 = arith.minsi %min3A_1082, %max3A_1081 : vector<16xi32>
      %swap3A_1084 = arith.index_cast %while3A_878 : i32 to index
      %swap3A_1085 = arith.constant 112 : index
      %swap3A_1086 = tpu.vector_load %arg18[%swap3A_1084, %swap3A_1085] {strides = array<i32>} : memref<65x128xi32, #tpu.memory_space<vmem>>, vector<16xi32>,
      tpu.vector_store %arg18[%swap3A_1084, %swap3A_1085], %min3A_1083 {strides = array<i32>} : memref<65x128xi32, #tpu.memory_space<vmem>>, vector<16xi32>,
      %while3A_1087 = arith.constant 0 : i32
      scf.yield %while3A_1087 : i32
    }
    %while3A_752 = arith.constant 0 : i32
    %while3A_753 = arith.constant 0 : i32
    %while3A_754 = arith.subi %shift_right_arithmetic3A_740, %while3A_752 : i32
    %while3A_755 = arith.addi %while3A_752, %while3A_754 : i32
    %while3A_756 = arith.constant 1 : i32
    %while3A_757 = arith.divsi %while3A_754, %while3A_756 : i32
    %while3A_758 = arith.muli %while3A_757, %while3A_756 : i32
    %while3A_759 = arith.addi %while3A_752, %while3A_758 : i32
    %while3A_760 = arith.constant 1 : i32
    %while3A_761 = scf.for %while3A_878 = %while3A_752 to %while3A_759 step %while3A_760 iter_args(%while3A_879 = %while3A_753) -> (i32)  : i32 {
      %mul3A_880 = arith.constant 128 : i32
      %mul3A_881 = arith.muli %while3A_878, %mul3A_880 : i32
      %dma_start3A_882 = tpu.memref_slice %arg15[%mul3A_881] : memref<8224xi32, #tpu.memory_space<vmem>> -> memref<128xi32, #tpu.memory_space<vmem>>
      %dma_start3A_883 = arith.constant 0 : i32
      %dma_start3A_884 = tpu.memref_slice %arg18[%while3A_878, %dma_start3A_883] : memref<65x128xi32, #tpu.memory_space<vmem>> -> memref<1x128xi32, #tpu.memory_space<vmem>>
      %dma_start3A_885 = tpu.memref_squeeze %dma_start3A_884 : memref<1x128xi32, #tpu.memory_space<vmem>> -> memref<128xi32, #tpu.memory_space<vmem>>
      %dma_start3A_886 = arith.constant 0 : i32
      %dma_start3A_887 = tpu.memref_slice %arg5[%dma_start3A_886] : memref<8448xi32, #tpu.memory_space<hbm>> -> memref<8448xi32, #tpu.memory_space<hbm>>
      tpu.enqueue_indirect_dma source(%dma_start3A_882 : memref<128xi32, #tpu.memory_space<vmem>>) target(%dma_start3A_887 : memref<8448xi32, #tpu.memory_space<hbm>>) offsets(%dma_start3A_885 : memref<128xi32, #tpu.memory_space<vmem>>) semaphore(%arg23 : memref<!tpu.dma_semaphore, #tpu.memory_space<semaphore_mem>>)
      %mul3A_888 = arith.constant 128 : i32
      %mul3A_889 = arith.muli %while3A_878, %mul3A_888 : i32
      %dma_start3A_890 = tpu.memref_slice %arg16[%mul3A_889] : memref<8224xi32, #tpu.memory_space<vmem>> -> memref<128xi32, #tpu.memory_space<vmem>>
      %dma_start3A_891 = arith.constant 0 : i32
      %dma_start3A_892 = tpu.memref_slice %arg18[%while3A_878, %dma_start3A_891] : memref<65x128xi32, #tpu.memory_space<vmem>> -> memref<1x128xi32, #tpu.memory_space<vmem>>
      %dma_start3A_893 = tpu.memref_squeeze %dma_start3A_892 : memref<1x128xi32, #tpu.memory_space<vmem>> -> memref<128xi32, #tpu.memory_space<vmem>>
      %dma_start3A_894 = arith.constant 0 : i32
      %dma_start3A_895 = tpu.memref_slice %arg6[%dma_start3A_894] : memref<8448xi32, #tpu.memory_space<hbm>> -> memref<8448xi32, #tpu.memory_space<hbm>>
      tpu.enqueue_indirect_dma source(%dma_start3A_890 : memref<128xi32, #tpu.memory_space<vmem>>) target(%dma_start3A_895 : memref<8448xi32, #tpu.memory_space<hbm>>) offsets(%dma_start3A_893 : memref<128xi32, #tpu.memory_space<vmem>>) semaphore(%arg23 : memref<!tpu.dma_semaphore, #tpu.memory_space<semaphore_mem>>)
      %dma_wait3A_896 = tpu.memref_slice %arg15[%mul3A_881] : memref<8224xi32, #tpu.memory_space<vmem>> -> memref<128xi32, #tpu.memory_space<vmem>>
      %dma_wait3A_897 = arith.constant 0 : i32
      %dma_wait3A_898 = tpu.memref_slice %arg18[%while3A_878, %dma_wait3A_897] : memref<65x128xi32, #tpu.memory_space<vmem>> -> memref<1x128xi32, #tpu.memory_space<vmem>>
      %dma_wait3A_899 = tpu.memref_squeeze %dma_wait3A_898 : memref<1x128xi32, #tpu.memory_space<vmem>> -> memref<128xi32, #tpu.memory_space<vmem>>
      %dma_wait3A_900 = arith.constant 0 : i32
      %dma_wait3A_901 = tpu.memref_slice %arg5[%dma_wait3A_900] : memref<8448xi32, #tpu.memory_space<hbm>> -> memref<8448xi32, #tpu.memory_space<hbm>>
      tpu.wait_indirect_dma semaphore(%arg23 : memref<!tpu.dma_semaphore, #tpu.memory_space<semaphore_mem>>) src(%dma_wait3A_896 : memref<128xi32, #tpu.memory_space<vmem>>) dst(%dma_wait3A_901 : memref<8448xi32, #tpu.memory_space<hbm>>)
      %dma_wait3A_902 = tpu.memref_slice %arg16[%mul3A_889] : memref<8224xi32, #tpu.memory_space<vmem>> -> memref<128xi32, #tpu.memory_space<vmem>>
      %dma_wait3A_903 = arith.constant 0 : i32
      %dma_wait3A_904 = tpu.memref_slice %arg18[%while3A_878, %dma_wait3A_903] : memref<65x128xi32, #tpu.memory_space<vmem>> -> memref<1x128xi32, #tpu.memory_space<vmem>>
      %dma_wait3A_905 = tpu.memref_squeeze %dma_wait3A_904 : memref<1x128xi32, #tpu.memory_space<vmem>> -> memref<128xi32, #tpu.memory_space<vmem>>
      %dma_wait3A_906 = arith.constant 0 : i32
      %dma_wait3A_907 = tpu.memref_slice %arg6[%dma_wait3A_906] : memref<8448xi32, #tpu.memory_space<hbm>> -> memref<8448xi32, #tpu.memory_space<hbm>>
      tpu.wait_indirect_dma semaphore(%arg23 : memref<!tpu.dma_semaphore, #tpu.memory_space<semaphore_mem>>) src(%dma_wait3A_902 : memref<128xi32, #tpu.memory_space<vmem>>) dst(%dma_wait3A_907 : memref<8448xi32, #tpu.memory_space<hbm>>)
      %while3A_908 = arith.constant 0 : i32
      scf.yield %while3A_908 : i32
    }
    %while3A_762 = arith.constant 1 : i32
    %while3A_763 = scf.for %while3A_878 = %while3A_759 to %while3A_755 step %while3A_762 iter_args(%while3A_879 = %while3A_761) -> (i32)  : i32 {
      %mul3A_880 = arith.constant 128 : i32
      %mul3A_881 = arith.muli %while3A_878, %mul3A_880 : i32
      %dma_start3A_882 = tpu.memref_slice %arg15[%mul3A_881] : memref<8224xi32, #tpu.memory_space<vmem>> -> memref<128xi32, #tpu.memory_space<vmem>>
      %dma_start3A_883 = arith.constant 0 : i32
      %dma_start3A_884 = tpu.memref_slice %arg18[%while3A_878, %dma_start3A_883] : memref<65x128xi32, #tpu.memory_space<vmem>> -> memref<1x128xi32, #tpu.memory_space<vmem>>
      %dma_start3A_885 = tpu.memref_squeeze %dma_start3A_884 : memref<1x128xi32, #tpu.memory_space<vmem>> -> memref<128xi32, #tpu.memory_space<vmem>>
      %dma_start3A_886 = arith.constant 0 : i32
      %dma_start3A_887 = tpu.memref_slice %arg5[%dma_start3A_886] : memref<8448xi32, #tpu.memory_space<hbm>> -> memref<8448xi32, #tpu.memory_space<hbm>>
      tpu.enqueue_indirect_dma source(%dma_start3A_882 : memref<128xi32, #tpu.memory_space<vmem>>) target(%dma_start3A_887 : memref<8448xi32, #tpu.memory_space<hbm>>) offsets(%dma_start3A_885 : memref<128xi32, #tpu.memory_space<vmem>>) semaphore(%arg23 : memref<!tpu.dma_semaphore, #tpu.memory_space<semaphore_mem>>)
      %mul3A_888 = arith.constant 128 : i32
      %mul3A_889 = arith.muli %while3A_878, %mul3A_888 : i32
      %dma_start3A_890 = tpu.memref_slice %arg16[%mul3A_889] : memref<8224xi32, #tpu.memory_space<vmem>> -> memref<128xi32, #tpu.memory_space<vmem>>
      %dma_start3A_891 = arith.constant 0 : i32
      %dma_start3A_892 = tpu.memref_slice %arg18[%while3A_878, %dma_start3A_891] : memref<65x128xi32, #tpu.memory_space<vmem>> -> memref<1x128xi32, #tpu.memory_space<vmem>>
      %dma_start3A_893 = tpu.memref_squeeze %dma_start3A_892 : memref<1x128xi32, #tpu.memory_space<vmem>> -> memref<128xi32, #tpu.memory_space<vmem>>
      %dma_start3A_894 = arith.constant 0 : i32
      %dma_start3A_895 = tpu.memref_slice %arg6[%dma_start3A_894] : memref<8448xi32, #tpu.memory_space<hbm>> -> memref<8448xi32, #tpu.memory_space<hbm>>
      tpu.enqueue_indirect_dma source(%dma_start3A_890 : memref<128xi32, #tpu.memory_space<vmem>>) target(%dma_start3A_895 : memref<8448xi32, #tpu.memory_space<hbm>>) offsets(%dma_start3A_893 : memref<128xi32, #tpu.memory_space<vmem>>) semaphore(%arg23 : memref<!tpu.dma_semaphore, #tpu.memory_space<semaphore_mem>>)
      %dma_wait3A_896 = tpu.memref_slice %arg15[%mul3A_881] : memref<8224xi32, #tpu.memory_space<vmem>> -> memref<128xi32, #tpu.memory_space<vmem>>
      %dma_wait3A_897 = arith.constant 0 : i32
      %dma_wait3A_898 = tpu.memref_slice %arg18[%while3A_878, %dma_wait3A_897] : memref<65x128xi32, #tpu.memory_space<vmem>> -> memref<1x128xi32, #tpu.memory_space<vmem>>
      %dma_wait3A_899 = tpu.memref_squeeze %dma_wait3A_898 : memref<1x128xi32, #tpu.memory_space<vmem>> -> memref<128xi32, #tpu.memory_space<vmem>>
      %dma_wait3A_900 = arith.constant 0 : i32
      %dma_wait3A_901 = tpu.memref_slice %arg5[%dma_wait3A_900] : memref<8448xi32, #tpu.memory_space<hbm>> -> memref<8448xi32, #tpu.memory_space<hbm>>
      tpu.wait_indirect_dma semaphore(%arg23 : memref<!tpu.dma_semaphore, #tpu.memory_space<semaphore_mem>>) src(%dma_wait3A_896 : memref<128xi32, #tpu.memory_space<vmem>>) dst(%dma_wait3A_901 : memref<8448xi32, #tpu.memory_space<hbm>>)
      %dma_wait3A_902 = tpu.memref_slice %arg16[%mul3A_889] : memref<8224xi32, #tpu.memory_space<vmem>> -> memref<128xi32, #tpu.memory_space<vmem>>
      %dma_wait3A_903 = arith.constant 0 : i32
      %dma_wait3A_904 = tpu.memref_slice %arg18[%while3A_878, %dma_wait3A_903] : memref<65x128xi32, #tpu.memory_space<vmem>> -> memref<1x128xi32, #tpu.memory_space<vmem>>
      %dma_wait3A_905 = tpu.memref_squeeze %dma_wait3A_904 : memref<1x128xi32, #tpu.memory_space<vmem>> -> memref<128xi32, #tpu.memory_space<vmem>>
      %dma_wait3A_906 = arith.constant 0 : i32
      %dma_wait3A_907 = tpu.memref_slice %arg6[%dma_wait3A_906] : memref<8448xi32, #tpu.memory_space<hbm>> -> memref<8448xi32, #tpu.memory_space<hbm>>
      tpu.wait_indirect_dma semaphore(%arg23 : memref<!tpu.dma_semaphore, #tpu.memory_space<semaphore_mem>>) src(%dma_wait3A_902 : memref<128xi32, #tpu.memory_space<vmem>>) dst(%dma_wait3A_907 : memref<8448xi32, #tpu.memory_space<hbm>>)
      %while3A_908 = arith.constant 0 : i32
      scf.yield %while3A_908 : i32
    }
    %scan3A_764 = arith.constant 0 : i32
    %scan3A_765 = arith.constant 0 : i32
    %scan3A_766 = arith.constant 8 : i32
    %scan3A_767 = arith.addi %scan3A_765, %scan3A_766 : i32
    %scan3A_768 = arith.constant 1 : i32
    %scan3A_769 = scf.for %scan3A_878 = %scan3A_765 to %scan3A_767 step %scan3A_768 iter_args(%scan3A_879 = %scan3A_764) -> (i32)  : i32 {
      %broadcast_in_dim3A_880 = arith.constant 1 : i32
      %broadcast_in_dim3A_881 = vector.broadcast %broadcast_in_dim3A_880 : i32 to vector<16xi32>
      %mul3A_882 = vector.broadcast %xor3A_209 : i32 to vector<16xi32>
      %mul3A_883 = arith.muli %broadcast_in_dim3A_881, %mul3A_882 : vector<16xi32>
      %mul3A_884 = arith.constant 16 : i32
      %mul3A_885 = arith.muli %scan3A_878, %mul3A_884 : i32
      %swap3A_886 = arith.index_cast %mul3A_885 : i32 to index
      %swap3A_887 = tpu.vector_load %arg19[%swap3A_886] {strides = array<i32>} : memref<128xi32, #tpu.memory_space<vmem>>, vector<16xi32>,
      tpu.vector_store %arg19[%swap3A_886], %mul3A_883 {strides = array<i32>} : memref<128xi32, #tpu.memory_space<vmem>>, vector<16xi32>,
      %scan3A_888 = arith.constant 0 : i32
      scf.yield %scan3A_888 : i32
    }
    %scan3A_770 = arith.constant 8 : i32
    %add3A_771 = arith.constant 127 : i32
    %add3A_772 = arith.addi %min3A, %add3A_771 : i32
    %shift_right_arithmetic3A_773 = arith.constant 7 : i32
    %shift_right_arithmetic3A_774 = arith.shrsi %add3A_772, %shift_right_arithmetic3A_773 : i32
    %while3A_775 = arith.constant 0 : i32
    %while3A_776 = arith.constant 0 : i32
    %while3A_777 = arith.subi %shift_right_arithmetic3A_774, %while3A_775 : i32
    %while3A_778 = arith.addi %while3A_775, %while3A_777 : i32
    %while3A_779 = arith.constant 1 : i32
    %while3A_780 = arith.divsi %while3A_777, %while3A_779 : i32
    %while3A_781 = arith.muli %while3A_780, %while3A_779 : i32
    %while3A_782 = arith.addi %while3A_775, %while3A_781 : i32
    %while3A_783 = arith.constant 1 : i32
    %while3A_784 = scf.for %while3A_878 = %while3A_775 to %while3A_782 step %while3A_783 iter_args(%while3A_879 = %while3A_776) -> (i32)  : i32 {
      %mul3A_880 = arith.constant 128 : i32
      %mul3A_881 = arith.muli %while3A_878, %mul3A_880 : i32
      %add3A_882 = arith.constant 0 : i32
      %add3A_883 = arith.addi %mul3A_881, %add3A_882 : i32
      %add3A_884 = vector.broadcast %add3A_883 : i32 to vector<16xi32>
      %add3A_885 = arith.addi %add3A_884, %iota3A : vector<16xi32>
      %lt3A_886 = vector.broadcast %min3A : i32 to vector<16xi32>
      %lt3A_887 = arith.cmpi slt, %add3A_885, %lt3A_886 : vector<16xi32>
      %add3A_888 = arith.addi %add3A_737, %reduce_max3A_228 : i32
      %add3A_889 = vector.broadcast %add3A_888 : i32 to vector<16xi32>
      %add3A_890 = arith.addi %add3A_889, %add3A_885 : vector<16xi32>
      %and3A = arith.constant 127 : i32
      %and3A_891 = vector.broadcast %and3A : i32 to vector<16xi32>
      %and3A_892 = arith.andi %add3A_885, %and3A_891 : vector<16xi32>
      %add3A_893 = arith.constant 8192 : i32
      %add3A_894 = vector.broadcast %add3A_893 : i32 to vector<16xi32>
      %add3A_895 = arith.addi %add3A_894, %and3A_892 : vector<16xi32>
      %select_n3A_896 = arith.select %lt3A_887, %add3A_890, %add3A_895 : vector<16xi1>, vector<16xi32>
      %jit3A_897 = arith.constant 0 : i32
      %jit3A_898 = arith.constant 8447 : i32
      %max3A_899 = vector.broadcast %jit3A_897 : i32 to vector<16xi32>
      %max3A_900 = arith.maxsi %max3A_899, %select_n3A_896 : vector<16xi32>
      %min3A_901 = vector.broadcast %jit3A_898 : i32 to vector<16xi32>
      %min3A_902 = arith.minsi %min3A_901, %max3A_900 : vector<16xi32>
      %swap3A_903 = arith.index_cast %while3A_878 : i32 to index
      %swap3A_904 = arith.constant 0 : index
      %swap3A_905 = tpu.vector_load %arg18[%swap3A_903, %swap3A_904] {strides = array<i32>} : memref<65x128xi32, #tpu.memory_space<vmem>>, vector<16xi32>,
      tpu.vector_store %arg18[%swap3A_903, %swap3A_904], %min3A_902 {strides = array<i32>} : memref<65x128xi32, #tpu.memory_space<vmem>>, vector<16xi32>,
      %mul3A_906 = arith.constant 128 : i32
      %mul3A_907 = arith.muli %while3A_878, %mul3A_906 : i32
      %add3A_908 = arith.constant 16 : i32
      %add3A_909 = arith.addi %mul3A_907, %add3A_908 : i32
      %add3A_910 = vector.broadcast %add3A_909 : i32 to vector<16xi32>
      %add3A_911 = arith.addi %add3A_910, %iota3A : vector<16xi32>
      %lt3A_912 = vector.broadcast %min3A : i32 to vector<16xi32>
      %lt3A_913 = arith.cmpi slt, %add3A_911, %lt3A_912 : vector<16xi32>
      %add3A_914 = arith.addi %add3A_737, %reduce_max3A_228 : i32
      %add3A_915 = vector.broadcast %add3A_914 : i32 to vector<16xi32>
      %add3A_916 = arith.addi %add3A_915, %add3A_911 : vector<16xi32>
      %and3A_917 = arith.constant 127 : i32
      %and3A_918 = vector.broadcast %and3A_917 : i32 to vector<16xi32>
      %and3A_919 = arith.andi %add3A_911, %and3A_918 : vector<16xi32>
      %add3A_920 = arith.constant 8192 : i32
      %add3A_921 = vector.broadcast %add3A_920 : i32 to vector<16xi32>
      %add3A_922 = arith.addi %add3A_921, %and3A_919 : vector<16xi32>
      %select_n3A_923 = arith.select %lt3A_913, %add3A_916, %add3A_922 : vector<16xi1>, vector<16xi32>
      %jit3A_924 = arith.constant 0 : i32
      %jit3A_925 = arith.constant 8447 : i32
      %max3A_926 = vector.broadcast %jit3A_924 : i32 to vector<16xi32>
      %max3A_927 = arith.maxsi %max3A_926, %select_n3A_923 : vector<16xi32>
      %min3A_928 = vector.broadcast %jit3A_925 : i32 to vector<16xi32>
      %min3A_929 = arith.minsi %min3A_928, %max3A_927 : vector<16xi32>
      %swap3A_930 = arith.index_cast %while3A_878 : i32 to index
      %swap3A_931 = arith.constant 16 : index
      %swap3A_932 = tpu.vector_load %arg18[%swap3A_930, %swap3A_931] {strides = array<i32>} : memref<65x128xi32, #tpu.memory_space<vmem>>, vector<16xi32>,
      tpu.vector_store %arg18[%swap3A_930, %swap3A_931], %min3A_929 {strides = array<i32>} : memref<65x128xi32, #tpu.memory_space<vmem>>, vector<16xi32>,
      %mul3A_933 = arith.constant 128 : i32
      %mul3A_934 = arith.muli %while3A_878, %mul3A_933 : i32
      %add3A_935 = arith.constant 32 : i32
      %add3A_936 = arith.addi %mul3A_934, %add3A_935 : i32
      %add3A_937 = vector.broadcast %add3A_936 : i32 to vector<16xi32>
      %add3A_938 = arith.addi %add3A_937, %iota3A : vector<16xi32>
      %lt3A_939 = vector.broadcast %min3A : i32 to vector<16xi32>
      %lt3A_940 = arith.cmpi slt, %add3A_938, %lt3A_939 : vector<16xi32>
      %add3A_941 = arith.addi %add3A_737, %reduce_max3A_228 : i32
      %add3A_942 = vector.broadcast %add3A_941 : i32 to vector<16xi32>
      %add3A_943 = arith.addi %add3A_942, %add3A_938 : vector<16xi32>
      %and3A_944 = arith.constant 127 : i32
      %and3A_945 = vector.broadcast %and3A_944 : i32 to vector<16xi32>
      %and3A_946 = arith.andi %add3A_938, %and3A_945 : vector<16xi32>
      %add3A_947 = arith.constant 8192 : i32
      %add3A_948 = vector.broadcast %add3A_947 : i32 to vector<16xi32>
      %add3A_949 = arith.addi %add3A_948, %and3A_946 : vector<16xi32>
      %select_n3A_950 = arith.select %lt3A_940, %add3A_943, %add3A_949 : vector<16xi1>, vector<16xi32>
      %jit3A_951 = arith.constant 0 : i32
      %jit3A_952 = arith.constant 8447 : i32
      %max3A_953 = vector.broadcast %jit3A_951 : i32 to vector<16xi32>
      %max3A_954 = arith.maxsi %max3A_953, %select_n3A_950 : vector<16xi32>
      %min3A_955 = vector.broadcast %jit3A_952 : i32 to vector<16xi32>
      %min3A_956 = arith.minsi %min3A_955, %max3A_954 : vector<16xi32>
      %swap3A_957 = arith.index_cast %while3A_878 : i32 to index
      %swap3A_958 = arith.constant 32 : index
      %swap3A_959 = tpu.vector_load %arg18[%swap3A_957, %swap3A_958] {strides = array<i32>} : memref<65x128xi32, #tpu.memory_space<vmem>>, vector<16xi32>,
      tpu.vector_store %arg18[%swap3A_957, %swap3A_958], %min3A_956 {strides = array<i32>} : memref<65x128xi32, #tpu.memory_space<vmem>>, vector<16xi32>,
      %mul3A_960 = arith.constant 128 : i32
      %mul3A_961 = arith.muli %while3A_878, %mul3A_960 : i32
      %add3A_962 = arith.constant 48 : i32
      %add3A_963 = arith.addi %mul3A_961, %add3A_962 : i32
      %add3A_964 = vector.broadcast %add3A_963 : i32 to vector<16xi32>
      %add3A_965 = arith.addi %add3A_964, %iota3A : vector<16xi32>
      %lt3A_966 = vector.broadcast %min3A : i32 to vector<16xi32>
      %lt3A_967 = arith.cmpi slt, %add3A_965, %lt3A_966 : vector<16xi32>
      %add3A_968 = arith.addi %add3A_737, %reduce_max3A_228 : i32
      %add3A_969 = vector.broadcast %add3A_968 : i32 to vector<16xi32>
      %add3A_970 = arith.addi %add3A_969, %add3A_965 : vector<16xi32>
      %and3A_971 = arith.constant 127 : i32
      %and3A_972 = vector.broadcast %and3A_971 : i32 to vector<16xi32>
      %and3A_973 = arith.andi %add3A_965, %and3A_972 : vector<16xi32>
      %add3A_974 = arith.constant 8192 : i32
      %add3A_975 = vector.broadcast %add3A_974 : i32 to vector<16xi32>
      %add3A_976 = arith.addi %add3A_975, %and3A_973 : vector<16xi32>
      %select_n3A_977 = arith.select %lt3A_967, %add3A_970, %add3A_976 : vector<16xi1>, vector<16xi32>
      %jit3A_978 = arith.constant 0 : i32
      %jit3A_979 = arith.constant 8447 : i32
      %max3A_980 = vector.broadcast %jit3A_978 : i32 to vector<16xi32>
      %max3A_981 = arith.maxsi %max3A_980, %select_n3A_977 : vector<16xi32>
      %min3A_982 = vector.broadcast %jit3A_979 : i32 to vector<16xi32>
      %min3A_983 = arith.minsi %min3A_982, %max3A_981 : vector<16xi32>
      %swap3A_984 = arith.index_cast %while3A_878 : i32 to index
      %swap3A_985 = arith.constant 48 : index
      %swap3A_986 = tpu.vector_load %arg18[%swap3A_984, %swap3A_985] {strides = array<i32>} : memref<65x128xi32, #tpu.memory_space<vmem>>, vector<16xi32>,
      tpu.vector_store %arg18[%swap3A_984, %swap3A_985], %min3A_983 {strides = array<i32>} : memref<65x128xi32, #tpu.memory_space<vmem>>, vector<16xi32>,
      %mul3A_987 = arith.constant 128 : i32
      %mul3A_988 = arith.muli %while3A_878, %mul3A_987 : i32
      %add3A_989 = arith.constant 64 : i32
      %add3A_990 = arith.addi %mul3A_988, %add3A_989 : i32
      %add3A_991 = vector.broadcast %add3A_990 : i32 to vector<16xi32>
      %add3A_992 = arith.addi %add3A_991, %iota3A : vector<16xi32>
      %lt3A_993 = vector.broadcast %min3A : i32 to vector<16xi32>
      %lt3A_994 = arith.cmpi slt, %add3A_992, %lt3A_993 : vector<16xi32>
      %add3A_995 = arith.addi %add3A_737, %reduce_max3A_228 : i32
      %add3A_996 = vector.broadcast %add3A_995 : i32 to vector<16xi32>
      %add3A_997 = arith.addi %add3A_996, %add3A_992 : vector<16xi32>
      %and3A_998 = arith.constant 127 : i32
      %and3A_999 = vector.broadcast %and3A_998 : i32 to vector<16xi32>
      %and3A_1000 = arith.andi %add3A_992, %and3A_999 : vector<16xi32>
      %add3A_1001 = arith.constant 8192 : i32
      %add3A_1002 = vector.broadcast %add3A_1001 : i32 to vector<16xi32>
      %add3A_1003 = arith.addi %add3A_1002, %and3A_1000 : vector<16xi32>
      %select_n3A_1004 = arith.select %lt3A_994, %add3A_997, %add3A_1003 : vector<16xi1>, vector<16xi32>
      %jit3A_1005 = arith.constant 0 : i32
      %jit3A_1006 = arith.constant 8447 : i32
      %max3A_1007 = vector.broadcast %jit3A_1005 : i32 to vector<16xi32>
      %max3A_1008 = arith.maxsi %max3A_1007, %select_n3A_1004 : vector<16xi32>
      %min3A_1009 = vector.broadcast %jit3A_1006 : i32 to vector<16xi32>
      %min3A_1010 = arith.minsi %min3A_1009, %max3A_1008 : vector<16xi32>
      %swap3A_1011 = arith.index_cast %while3A_878 : i32 to index
      %swap3A_1012 = arith.constant 64 : index
      %swap3A_1013 = tpu.vector_load %arg18[%swap3A_1011, %swap3A_1012] {strides = array<i32>} : memref<65x128xi32, #tpu.memory_space<vmem>>, vector<16xi32>,
      tpu.vector_store %arg18[%swap3A_1011, %swap3A_1012], %min3A_1010 {strides = array<i32>} : memref<65x128xi32, #tpu.memory_space<vmem>>, vector<16xi32>,
      %mul3A_1014 = arith.constant 128 : i32
      %mul3A_1015 = arith.muli %while3A_878, %mul3A_1014 : i32
      %add3A_1016 = arith.constant 80 : i32
      %add3A_1017 = arith.addi %mul3A_1015, %add3A_1016 : i32
      %add3A_1018 = vector.broadcast %add3A_1017 : i32 to vector<16xi32>
      %add3A_1019 = arith.addi %add3A_1018, %iota3A : vector<16xi32>
      %lt3A_1020 = vector.broadcast %min3A : i32 to vector<16xi32>
      %lt3A_1021 = arith.cmpi slt, %add3A_1019, %lt3A_1020 : vector<16xi32>
      %add3A_1022 = arith.addi %add3A_737, %reduce_max3A_228 : i32
      %add3A_1023 = vector.broadcast %add3A_1022 : i32 to vector<16xi32>
      %add3A_1024 = arith.addi %add3A_1023, %add3A_1019 : vector<16xi32>
      %and3A_1025 = arith.constant 127 : i32
      %and3A_1026 = vector.broadcast %and3A_1025 : i32 to vector<16xi32>
      %and3A_1027 = arith.andi %add3A_1019, %and3A_1026 : vector<16xi32>
      %add3A_1028 = arith.constant 8192 : i32
      %add3A_1029 = vector.broadcast %add3A_1028 : i32 to vector<16xi32>
      %add3A_1030 = arith.addi %add3A_1029, %and3A_1027 : vector<16xi32>
      %select_n3A_1031 = arith.select %lt3A_1021, %add3A_1024, %add3A_1030 : vector<16xi1>, vector<16xi32>
      %jit3A_1032 = arith.constant 0 : i32
      %jit3A_1033 = arith.constant 8447 : i32
      %max3A_1034 = vector.broadcast %jit3A_1032 : i32 to vector<16xi32>
      %max3A_1035 = arith.maxsi %max3A_1034, %select_n3A_1031 : vector<16xi32>
      %min3A_1036 = vector.broadcast %jit3A_1033 : i32 to vector<16xi32>
      %min3A_1037 = arith.minsi %min3A_1036, %max3A_1035 : vector<16xi32>
      %swap3A_1038 = arith.index_cast %while3A_878 : i32 to index
      %swap3A_1039 = arith.constant 80 : index
      %swap3A_1040 = tpu.vector_load %arg18[%swap3A_1038, %swap3A_1039] {strides = array<i32>} : memref<65x128xi32, #tpu.memory_space<vmem>>, vector<16xi32>,
      tpu.vector_store %arg18[%swap3A_1038, %swap3A_1039], %min3A_1037 {strides = array<i32>} : memref<65x128xi32, #tpu.memory_space<vmem>>, vector<16xi32>,
      %mul3A_1041 = arith.constant 128 : i32
      %mul3A_1042 = arith.muli %while3A_878, %mul3A_1041 : i32
      %add3A_1043 = arith.constant 96 : i32
      %add3A_1044 = arith.addi %mul3A_1042, %add3A_1043 : i32
      %add3A_1045 = vector.broadcast %add3A_1044 : i32 to vector<16xi32>
      %add3A_1046 = arith.addi %add3A_1045, %iota3A : vector<16xi32>
      %lt3A_1047 = vector.broadcast %min3A : i32 to vector<16xi32>
      %lt3A_1048 = arith.cmpi slt, %add3A_1046, %lt3A_1047 : vector<16xi32>
      %add3A_1049 = arith.addi %add3A_737, %reduce_max3A_228 : i32
      %add3A_1050 = vector.broadcast %add3A_1049 : i32 to vector<16xi32>
      %add3A_1051 = arith.addi %add3A_1050, %add3A_1046 : vector<16xi32>
      %and3A_1052 = arith.constant 127 : i32
      %and3A_1053 = vector.broadcast %and3A_1052 : i32 to vector<16xi32>
      %and3A_1054 = arith.andi %add3A_1046, %and3A_1053 : vector<16xi32>
      %add3A_1055 = arith.constant 8192 : i32
      %add3A_1056 = vector.broadcast %add3A_1055 : i32 to vector<16xi32>
      %add3A_1057 = arith.addi %add3A_1056, %and3A_1054 : vector<16xi32>
      %select_n3A_1058 = arith.select %lt3A_1048, %add3A_1051, %add3A_1057 : vector<16xi1>, vector<16xi32>
      %jit3A_1059 = arith.constant 0 : i32
      %jit3A_1060 = arith.constant 8447 : i32
      %max3A_1061 = vector.broadcast %jit3A_1059 : i32 to vector<16xi32>
      %max3A_1062 = arith.maxsi %max3A_1061, %select_n3A_1058 : vector<16xi32>
      %min3A_1063 = vector.broadcast %jit3A_1060 : i32 to vector<16xi32>
      %min3A_1064 = arith.minsi %min3A_1063, %max3A_1062 : vector<16xi32>
      %swap3A_1065 = arith.index_cast %while3A_878 : i32 to index
      %swap3A_1066 = arith.constant 96 : index
      %swap3A_1067 = tpu.vector_load %arg18[%swap3A_1065, %swap3A_1066] {strides = array<i32>} : memref<65x128xi32, #tpu.memory_space<vmem>>, vector<16xi32>,
      tpu.vector_store %arg18[%swap3A_1065, %swap3A_1066], %min3A_1064 {strides = array<i32>} : memref<65x128xi32, #tpu.memory_space<vmem>>, vector<16xi32>,
      %mul3A_1068 = arith.constant 128 : i32
      %mul3A_1069 = arith.muli %while3A_878, %mul3A_1068 : i32
      %add3A_1070 = arith.constant 112 : i32
      %add3A_1071 = arith.addi %mul3A_1069, %add3A_1070 : i32
      %add3A_1072 = vector.broadcast %add3A_1071 : i32 to vector<16xi32>
      %add3A_1073 = arith.addi %add3A_1072, %iota3A : vector<16xi32>
      %lt3A_1074 = vector.broadcast %min3A : i32 to vector<16xi32>
      %lt3A_1075 = arith.cmpi slt, %add3A_1073, %lt3A_1074 : vector<16xi32>
      %add3A_1076 = arith.addi %add3A_737, %reduce_max3A_228 : i32
      %add3A_1077 = vector.broadcast %add3A_1076 : i32 to vector<16xi32>
      %add3A_1078 = arith.addi %add3A_1077, %add3A_1073 : vector<16xi32>
      %and3A_1079 = arith.constant 127 : i32
      %and3A_1080 = vector.broadcast %and3A_1079 : i32 to vector<16xi32>
      %and3A_1081 = arith.andi %add3A_1073, %and3A_1080 : vector<16xi32>
      %add3A_1082 = arith.constant 8192 : i32
      %add3A_1083 = vector.broadcast %add3A_1082 : i32 to vector<16xi32>
      %add3A_1084 = arith.addi %add3A_1083, %and3A_1081 : vector<16xi32>
      %select_n3A_1085 = arith.select %lt3A_1075, %add3A_1078, %add3A_1084 : vector<16xi1>, vector<16xi32>
      %jit3A_1086 = arith.constant 0 : i32
      %jit3A_1087 = arith.constant 8447 : i32
      %max3A_1088 = vector.broadcast %jit3A_1086 : i32 to vector<16xi32>
      %max3A_1089 = arith.maxsi %max3A_1088, %select_n3A_1085 : vector<16xi32>
      %min3A_1090 = vector.broadcast %jit3A_1087 : i32 to vector<16xi32>
      %min3A_1091 = arith.minsi %min3A_1090, %max3A_1089 : vector<16xi32>
      %swap3A_1092 = arith.index_cast %while3A_878 : i32 to index
      %swap3A_1093 = arith.constant 112 : index
      %swap3A_1094 = tpu.vector_load %arg18[%swap3A_1092, %swap3A_1093] {strides = array<i32>} : memref<65x128xi32, #tpu.memory_space<vmem>>, vector<16xi32>,
      tpu.vector_store %arg18[%swap3A_1092, %swap3A_1093], %min3A_1091 {strides = array<i32>} : memref<65x128xi32, #tpu.memory_space<vmem>>, vector<16xi32>,
      %while3A_1095 = arith.constant 0 : i32
      scf.yield %while3A_1095 : i32
    }
    %while3A_785 = arith.constant 1 : i32
    %while3A_786 = scf.for %while3A_878 = %while3A_782 to %while3A_778 step %while3A_785 iter_args(%while3A_879 = %while3A_784) -> (i32)  : i32 {
      %mul3A_880 = arith.constant 128 : i32
      %mul3A_881 = arith.muli %while3A_878, %mul3A_880 : i32
      %add3A_882 = arith.constant 0 : i32
      %add3A_883 = arith.addi %mul3A_881, %add3A_882 : i32
      %add3A_884 = vector.broadcast %add3A_883 : i32 to vector<16xi32>
      %add3A_885 = arith.addi %add3A_884, %iota3A : vector<16xi32>
      %lt3A_886 = vector.broadcast %min3A : i32 to vector<16xi32>
      %lt3A_887 = arith.cmpi slt, %add3A_885, %lt3A_886 : vector<16xi32>
      %add3A_888 = arith.addi %add3A_737, %reduce_max3A_228 : i32
      %add3A_889 = vector.broadcast %add3A_888 : i32 to vector<16xi32>
      %add3A_890 = arith.addi %add3A_889, %add3A_885 : vector<16xi32>
      %and3A = arith.constant 127 : i32
      %and3A_891 = vector.broadcast %and3A : i32 to vector<16xi32>
      %and3A_892 = arith.andi %add3A_885, %and3A_891 : vector<16xi32>
      %add3A_893 = arith.constant 8192 : i32
      %add3A_894 = vector.broadcast %add3A_893 : i32 to vector<16xi32>
      %add3A_895 = arith.addi %add3A_894, %and3A_892 : vector<16xi32>
      %select_n3A_896 = arith.select %lt3A_887, %add3A_890, %add3A_895 : vector<16xi1>, vector<16xi32>
      %jit3A_897 = arith.constant 0 : i32
      %jit3A_898 = arith.constant 8447 : i32
      %max3A_899 = vector.broadcast %jit3A_897 : i32 to vector<16xi32>
      %max3A_900 = arith.maxsi %max3A_899, %select_n3A_896 : vector<16xi32>
      %min3A_901 = vector.broadcast %jit3A_898 : i32 to vector<16xi32>
      %min3A_902 = arith.minsi %min3A_901, %max3A_900 : vector<16xi32>
      %swap3A_903 = arith.index_cast %while3A_878 : i32 to index
      %swap3A_904 = arith.constant 0 : index
      %swap3A_905 = tpu.vector_load %arg18[%swap3A_903, %swap3A_904] {strides = array<i32>} : memref<65x128xi32, #tpu.memory_space<vmem>>, vector<16xi32>,
      tpu.vector_store %arg18[%swap3A_903, %swap3A_904], %min3A_902 {strides = array<i32>} : memref<65x128xi32, #tpu.memory_space<vmem>>, vector<16xi32>,
      %mul3A_906 = arith.constant 128 : i32
      %mul3A_907 = arith.muli %while3A_878, %mul3A_906 : i32
      %add3A_908 = arith.constant 16 : i32
      %add3A_909 = arith.addi %mul3A_907, %add3A_908 : i32
      %add3A_910 = vector.broadcast %add3A_909 : i32 to vector<16xi32>
      %add3A_911 = arith.addi %add3A_910, %iota3A : vector<16xi32>
      %lt3A_912 = vector.broadcast %min3A : i32 to vector<16xi32>
      %lt3A_913 = arith.cmpi slt, %add3A_911, %lt3A_912 : vector<16xi32>
      %add3A_914 = arith.addi %add3A_737, %reduce_max3A_228 : i32
      %add3A_915 = vector.broadcast %add3A_914 : i32 to vector<16xi32>
      %add3A_916 = arith.addi %add3A_915, %add3A_911 : vector<16xi32>
      %and3A_917 = arith.constant 127 : i32
      %and3A_918 = vector.broadcast %and3A_917 : i32 to vector<16xi32>
      %and3A_919 = arith.andi %add3A_911, %and3A_918 : vector<16xi32>
      %add3A_920 = arith.constant 8192 : i32
      %add3A_921 = vector.broadcast %add3A_920 : i32 to vector<16xi32>
      %add3A_922 = arith.addi %add3A_921, %and3A_919 : vector<16xi32>
      %select_n3A_923 = arith.select %lt3A_913, %add3A_916, %add3A_922 : vector<16xi1>, vector<16xi32>
      %jit3A_924 = arith.constant 0 : i32
      %jit3A_925 = arith.constant 8447 : i32
      %max3A_926 = vector.broadcast %jit3A_924 : i32 to vector<16xi32>
      %max3A_927 = arith.maxsi %max3A_926, %select_n3A_923 : vector<16xi32>
      %min3A_928 = vector.broadcast %jit3A_925 : i32 to vector<16xi32>
      %min3A_929 = arith.minsi %min3A_928, %max3A_927 : vector<16xi32>
      %swap3A_930 = arith.index_cast %while3A_878 : i32 to index
      %swap3A_931 = arith.constant 16 : index
      %swap3A_932 = tpu.vector_load %arg18[%swap3A_930, %swap3A_931] {strides = array<i32>} : memref<65x128xi32, #tpu.memory_space<vmem>>, vector<16xi32>,
      tpu.vector_store %arg18[%swap3A_930, %swap3A_931], %min3A_929 {strides = array<i32>} : memref<65x128xi32, #tpu.memory_space<vmem>>, vector<16xi32>,
      %mul3A_933 = arith.constant 128 : i32
      %mul3A_934 = arith.muli %while3A_878, %mul3A_933 : i32
      %add3A_935 = arith.constant 32 : i32
      %add3A_936 = arith.addi %mul3A_934, %add3A_935 : i32
      %add3A_937 = vector.broadcast %add3A_936 : i32 to vector<16xi32>
      %add3A_938 = arith.addi %add3A_937, %iota3A : vector<16xi32>
      %lt3A_939 = vector.broadcast %min3A : i32 to vector<16xi32>
      %lt3A_940 = arith.cmpi slt, %add3A_938, %lt3A_939 : vector<16xi32>
      %add3A_941 = arith.addi %add3A_737, %reduce_max3A_228 : i32
      %add3A_942 = vector.broadcast %add3A_941 : i32 to vector<16xi32>
      %add3A_943 = arith.addi %add3A_942, %add3A_938 : vector<16xi32>
      %and3A_944 = arith.constant 127 : i32
      %and3A_945 = vector.broadcast %and3A_944 : i32 to vector<16xi32>
      %and3A_946 = arith.andi %add3A_938, %and3A_945 : vector<16xi32>
      %add3A_947 = arith.constant 8192 : i32
      %add3A_948 = vector.broadcast %add3A_947 : i32 to vector<16xi32>
      %add3A_949 = arith.addi %add3A_948, %and3A_946 : vector<16xi32>
      %select_n3A_950 = arith.select %lt3A_940, %add3A_943, %add3A_949 : vector<16xi1>, vector<16xi32>
      %jit3A_951 = arith.constant 0 : i32
      %jit3A_952 = arith.constant 8447 : i32
      %max3A_953 = vector.broadcast %jit3A_951 : i32 to vector<16xi32>
      %max3A_954 = arith.maxsi %max3A_953, %select_n3A_950 : vector<16xi32>
      %min3A_955 = vector.broadcast %jit3A_952 : i32 to vector<16xi32>
      %min3A_956 = arith.minsi %min3A_955, %max3A_954 : vector<16xi32>
      %swap3A_957 = arith.index_cast %while3A_878 : i32 to index
      %swap3A_958 = arith.constant 32 : index
      %swap3A_959 = tpu.vector_load %arg18[%swap3A_957, %swap3A_958] {strides = array<i32>} : memref<65x128xi32, #tpu.memory_space<vmem>>, vector<16xi32>,
      tpu.vector_store %arg18[%swap3A_957, %swap3A_958], %min3A_956 {strides = array<i32>} : memref<65x128xi32, #tpu.memory_space<vmem>>, vector<16xi32>,
      %mul3A_960 = arith.constant 128 : i32
      %mul3A_961 = arith.muli %while3A_878, %mul3A_960 : i32
      %add3A_962 = arith.constant 48 : i32
      %add3A_963 = arith.addi %mul3A_961, %add3A_962 : i32
      %add3A_964 = vector.broadcast %add3A_963 : i32 to vector<16xi32>
      %add3A_965 = arith.addi %add3A_964, %iota3A : vector<16xi32>
      %lt3A_966 = vector.broadcast %min3A : i32 to vector<16xi32>
      %lt3A_967 = arith.cmpi slt, %add3A_965, %lt3A_966 : vector<16xi32>
      %add3A_968 = arith.addi %add3A_737, %reduce_max3A_228 : i32
      %add3A_969 = vector.broadcast %add3A_968 : i32 to vector<16xi32>
      %add3A_970 = arith.addi %add3A_969, %add3A_965 : vector<16xi32>
      %and3A_971 = arith.constant 127 : i32
      %and3A_972 = vector.broadcast %and3A_971 : i32 to vector<16xi32>
      %and3A_973 = arith.andi %add3A_965, %and3A_972 : vector<16xi32>
      %add3A_974 = arith.constant 8192 : i32
      %add3A_975 = vector.broadcast %add3A_974 : i32 to vector<16xi32>
      %add3A_976 = arith.addi %add3A_975, %and3A_973 : vector<16xi32>
      %select_n3A_977 = arith.select %lt3A_967, %add3A_970, %add3A_976 : vector<16xi1>, vector<16xi32>
      %jit3A_978 = arith.constant 0 : i32
      %jit3A_979 = arith.constant 8447 : i32
      %max3A_980 = vector.broadcast %jit3A_978 : i32 to vector<16xi32>
      %max3A_981 = arith.maxsi %max3A_980, %select_n3A_977 : vector<16xi32>
      %min3A_982 = vector.broadcast %jit3A_979 : i32 to vector<16xi32>
      %min3A_983 = arith.minsi %min3A_982, %max3A_981 : vector<16xi32>
      %swap3A_984 = arith.index_cast %while3A_878 : i32 to index
      %swap3A_985 = arith.constant 48 : index
      %swap3A_986 = tpu.vector_load %arg18[%swap3A_984, %swap3A_985] {strides = array<i32>} : memref<65x128xi32, #tpu.memory_space<vmem>>, vector<16xi32>,
      tpu.vector_store %arg18[%swap3A_984, %swap3A_985], %min3A_983 {strides = array<i32>} : memref<65x128xi32, #tpu.memory_space<vmem>>, vector<16xi32>,
      %mul3A_987 = arith.constant 128 : i32
      %mul3A_988 = arith.muli %while3A_878, %mul3A_987 : i32
      %add3A_989 = arith.constant 64 : i32
      %add3A_990 = arith.addi %mul3A_988, %add3A_989 : i32
      %add3A_991 = vector.broadcast %add3A_990 : i32 to vector<16xi32>
      %add3A_992 = arith.addi %add3A_991, %iota3A : vector<16xi32>
      %lt3A_993 = vector.broadcast %min3A : i32 to vector<16xi32>
      %lt3A_994 = arith.cmpi slt, %add3A_992, %lt3A_993 : vector<16xi32>
      %add3A_995 = arith.addi %add3A_737, %reduce_max3A_228 : i32
      %add3A_996 = vector.broadcast %add3A_995 : i32 to vector<16xi32>
      %add3A_997 = arith.addi %add3A_996, %add3A_992 : vector<16xi32>
      %and3A_998 = arith.constant 127 : i32
      %and3A_999 = vector.broadcast %and3A_998 : i32 to vector<16xi32>
      %and3A_1000 = arith.andi %add3A_992, %and3A_999 : vector<16xi32>
      %add3A_1001 = arith.constant 8192 : i32
      %add3A_1002 = vector.broadcast %add3A_1001 : i32 to vector<16xi32>
      %add3A_1003 = arith.addi %add3A_1002, %and3A_1000 : vector<16xi32>
      %select_n3A_1004 = arith.select %lt3A_994, %add3A_997, %add3A_1003 : vector<16xi1>, vector<16xi32>
      %jit3A_1005 = arith.constant 0 : i32
      %jit3A_1006 = arith.constant 8447 : i32
      %max3A_1007 = vector.broadcast %jit3A_1005 : i32 to vector<16xi32>
      %max3A_1008 = arith.maxsi %max3A_1007, %select_n3A_1004 : vector<16xi32>
      %min3A_1009 = vector.broadcast %jit3A_1006 : i32 to vector<16xi32>
      %min3A_1010 = arith.minsi %min3A_1009, %max3A_1008 : vector<16xi32>
      %swap3A_1011 = arith.index_cast %while3A_878 : i32 to index
      %swap3A_1012 = arith.constant 64 : index
      %swap3A_1013 = tpu.vector_load %arg18[%swap3A_1011, %swap3A_1012] {strides = array<i32>} : memref<65x128xi32, #tpu.memory_space<vmem>>, vector<16xi32>,
      tpu.vector_store %arg18[%swap3A_1011, %swap3A_1012], %min3A_1010 {strides = array<i32>} : memref<65x128xi32, #tpu.memory_space<vmem>>, vector<16xi32>,
      %mul3A_1014 = arith.constant 128 : i32
      %mul3A_1015 = arith.muli %while3A_878, %mul3A_1014 : i32
      %add3A_1016 = arith.constant 80 : i32
      %add3A_1017 = arith.addi %mul3A_1015, %add3A_1016 : i32
      %add3A_1018 = vector.broadcast %add3A_1017 : i32 to vector<16xi32>
      %add3A_1019 = arith.addi %add3A_1018, %iota3A : vector<16xi32>
      %lt3A_1020 = vector.broadcast %min3A : i32 to vector<16xi32>
      %lt3A_1021 = arith.cmpi slt, %add3A_1019, %lt3A_1020 : vector<16xi32>
      %add3A_1022 = arith.addi %add3A_737, %reduce_max3A_228 : i32
      %add3A_1023 = vector.broadcast %add3A_1022 : i32 to vector<16xi32>
      %add3A_1024 = arith.addi %add3A_1023, %add3A_1019 : vector<16xi32>
      %and3A_1025 = arith.constant 127 : i32
      %and3A_1026 = vector.broadcast %and3A_1025 : i32 to vector<16xi32>
      %and3A_1027 = arith.andi %add3A_1019, %and3A_1026 : vector<16xi32>
      %add3A_1028 = arith.constant 8192 : i32
      %add3A_1029 = vector.broadcast %add3A_1028 : i32 to vector<16xi32>
      %add3A_1030 = arith.addi %add3A_1029, %and3A_1027 : vector<16xi32>
      %select_n3A_1031 = arith.select %lt3A_1021, %add3A_1024, %add3A_1030 : vector<16xi1>, vector<16xi32>
      %jit3A_1032 = arith.constant 0 : i32
      %jit3A_1033 = arith.constant 8447 : i32
      %max3A_1034 = vector.broadcast %jit3A_1032 : i32 to vector<16xi32>
      %max3A_1035 = arith.maxsi %max3A_1034, %select_n3A_1031 : vector<16xi32>
      %min3A_1036 = vector.broadcast %jit3A_1033 : i32 to vector<16xi32>
      %min3A_1037 = arith.minsi %min3A_1036, %max3A_1035 : vector<16xi32>
      %swap3A_1038 = arith.index_cast %while3A_878 : i32 to index
      %swap3A_1039 = arith.constant 80 : index
      %swap3A_1040 = tpu.vector_load %arg18[%swap3A_1038, %swap3A_1039] {strides = array<i32>} : memref<65x128xi32, #tpu.memory_space<vmem>>, vector<16xi32>,
      tpu.vector_store %arg18[%swap3A_1038, %swap3A_1039], %min3A_1037 {strides = array<i32>} : memref<65x128xi32, #tpu.memory_space<vmem>>, vector<16xi32>,
      %mul3A_1041 = arith.constant 128 : i32
      %mul3A_1042 = arith.muli %while3A_878, %mul3A_1041 : i32
      %add3A_1043 = arith.constant 96 : i32
      %add3A_1044 = arith.addi %mul3A_1042, %add3A_1043 : i32
      %add3A_1045 = vector.broadcast %add3A_1044 : i32 to vector<16xi32>
      %add3A_1046 = arith.addi %add3A_1045, %iota3A : vector<16xi32>
      %lt3A_1047 = vector.broadcast %min3A : i32 to vector<16xi32>
      %lt3A_1048 = arith.cmpi slt, %add3A_1046, %lt3A_1047 : vector<16xi32>
      %add3A_1049 = arith.addi %add3A_737, %reduce_max3A_228 : i32
      %add3A_1050 = vector.broadcast %add3A_1049 : i32 to vector<16xi32>
      %add3A_1051 = arith.addi %add3A_1050, %add3A_1046 : vector<16xi32>
      %and3A_1052 = arith.constant 127 : i32
      %and3A_1053 = vector.broadcast %and3A_1052 : i32 to vector<16xi32>
      %and3A_1054 = arith.andi %add3A_1046, %and3A_1053 : vector<16xi32>
      %add3A_1055 = arith.constant 8192 : i32
      %add3A_1056 = vector.broadcast %add3A_1055 : i32 to vector<16xi32>
      %add3A_1057 = arith.addi %add3A_1056, %and3A_1054 : vector<16xi32>
      %select_n3A_1058 = arith.select %lt3A_1048, %add3A_1051, %add3A_1057 : vector<16xi1>, vector<16xi32>
      %jit3A_1059 = arith.constant 0 : i32
      %jit3A_1060 = arith.constant 8447 : i32
      %max3A_1061 = vector.broadcast %jit3A_1059 : i32 to vector<16xi32>
      %max3A_1062 = arith.maxsi %max3A_1061, %select_n3A_1058 : vector<16xi32>
      %min3A_1063 = vector.broadcast %jit3A_1060 : i32 to vector<16xi32>
      %min3A_1064 = arith.minsi %min3A_1063, %max3A_1062 : vector<16xi32>
      %swap3A_1065 = arith.index_cast %while3A_878 : i32 to index
      %swap3A_1066 = arith.constant 96 : index
      %swap3A_1067 = tpu.vector_load %arg18[%swap3A_1065, %swap3A_1066] {strides = array<i32>} : memref<65x128xi32, #tpu.memory_space<vmem>>, vector<16xi32>,
      tpu.vector_store %arg18[%swap3A_1065, %swap3A_1066], %min3A_1064 {strides = array<i32>} : memref<65x128xi32, #tpu.memory_space<vmem>>, vector<16xi32>,
      %mul3A_1068 = arith.constant 128 : i32
      %mul3A_1069 = arith.muli %while3A_878, %mul3A_1068 : i32
      %add3A_1070 = arith.constant 112 : i32
      %add3A_1071 = arith.addi %mul3A_1069, %add3A_1070 : i32
      %add3A_1072 = vector.broadcast %add3A_1071 : i32 to vector<16xi32>
      %add3A_1073 = arith.addi %add3A_1072, %iota3A : vector<16xi32>
      %lt3A_1074 = vector.broadcast %min3A : i32 to vector<16xi32>
      %lt3A_1075 = arith.cmpi slt, %add3A_1073, %lt3A_1074 : vector<16xi32>
      %add3A_1076 = arith.addi %add3A_737, %reduce_max3A_228 : i32
      %add3A_1077 = vector.broadcast %add3A_1076 : i32 to vector<16xi32>
      %add3A_1078 = arith.addi %add3A_1077, %add3A_1073 : vector<16xi32>
      %and3A_1079 = arith.constant 127 : i32
      %and3A_1080 = vector.broadcast %and3A_1079 : i32 to vector<16xi32>
      %and3A_1081 = arith.andi %add3A_1073, %and3A_1080 : vector<16xi32>
      %add3A_1082 = arith.constant 8192 : i32
      %add3A_1083 = vector.broadcast %add3A_1082 : i32 to vector<16xi32>
      %add3A_1084 = arith.addi %add3A_1083, %and3A_1081 : vector<16xi32>
      %select_n3A_1085 = arith.select %lt3A_1075, %add3A_1078, %add3A_1084 : vector<16xi1>, vector<16xi32>
      %jit3A_1086 = arith.constant 0 : i32
      %jit3A_1087 = arith.constant 8447 : i32
      %max3A_1088 = vector.broadcast %jit3A_1086 : i32 to vector<16xi32>
      %max3A_1089 = arith.maxsi %max3A_1088, %select_n3A_1085 : vector<16xi32>
      %min3A_1090 = vector.broadcast %jit3A_1087 : i32 to vector<16xi32>
      %min3A_1091 = arith.minsi %min3A_1090, %max3A_1089 : vector<16xi32>
      %swap3A_1092 = arith.index_cast %while3A_878 : i32 to index
      %swap3A_1093 = arith.constant 112 : index
      %swap3A_1094 = tpu.vector_load %arg18[%swap3A_1092, %swap3A_1093] {strides = array<i32>} : memref<65x128xi32, #tpu.memory_space<vmem>>, vector<16xi32>,
      tpu.vector_store %arg18[%swap3A_1092, %swap3A_1093], %min3A_1091 {strides = array<i32>} : memref<65x128xi32, #tpu.memory_space<vmem>>, vector<16xi32>,
      %while3A_1095 = arith.constant 0 : i32
      scf.yield %while3A_1095 : i32
    }
    %while3A_787 = arith.constant 0 : i32
    %while3A_788 = arith.constant 0 : i32
    %while3A_789 = arith.subi %shift_right_arithmetic3A_774, %while3A_787 : i32
    %while3A_790 = arith.addi %while3A_787, %while3A_789 : i32
    %while3A_791 = arith.constant 1 : i32
    %while3A_792 = arith.divsi %while3A_789, %while3A_791 : i32
    %while3A_793 = arith.muli %while3A_792, %while3A_791 : i32
    %while3A_794 = arith.addi %while3A_787, %while3A_793 : i32
    %while3A_795 = arith.constant 1 : i32
    %while3A_796 = scf.for %while3A_878 = %while3A_787 to %while3A_794 step %while3A_795 iter_args(%while3A_879 = %while3A_788) -> (i32)  : i32 {
      %dma_start3A_880 = arith.constant 0 : i32
      %dma_start3A_881 = tpu.memref_slice %arg18[%while3A_878, %dma_start3A_880] : memref<65x128xi32, #tpu.memory_space<vmem>> -> memref<1x128xi32, #tpu.memory_space<vmem>>
      %dma_start3A_882 = tpu.memref_squeeze %dma_start3A_881 : memref<1x128xi32, #tpu.memory_space<vmem>> -> memref<128xi32, #tpu.memory_space<vmem>>
      %dma_start3A_883 = arith.constant 0 : i32
      %dma_start3A_884 = tpu.memref_slice %arg5[%dma_start3A_883] : memref<8448xi32, #tpu.memory_space<hbm>> -> memref<8448xi32, #tpu.memory_space<hbm>>
      tpu.enqueue_indirect_dma source(%arg19 : memref<128xi32, #tpu.memory_space<vmem>>) target(%dma_start3A_884 : memref<8448xi32, #tpu.memory_space<hbm>>) offsets(%dma_start3A_882 : memref<128xi32, #tpu.memory_space<vmem>>) semaphore(%arg23 : memref<!tpu.dma_semaphore, #tpu.memory_space<semaphore_mem>>)
      %mul3A_885 = arith.constant 128 : i32
      %mul3A_886 = arith.muli %while3A_878, %mul3A_885 : i32
      %dma_start3A_887 = tpu.memref_slice %arg17[%mul3A_886] : memref<8224xi32, #tpu.memory_space<vmem>> -> memref<128xi32, #tpu.memory_space<vmem>>
      %dma_start3A_888 = arith.constant 0 : i32
      %dma_start3A_889 = tpu.memref_slice %arg18[%while3A_878, %dma_start3A_888] : memref<65x128xi32, #tpu.memory_space<vmem>> -> memref<1x128xi32, #tpu.memory_space<vmem>>
      %dma_start3A_890 = tpu.memref_squeeze %dma_start3A_889 : memref<1x128xi32, #tpu.memory_space<vmem>> -> memref<128xi32, #tpu.memory_space<vmem>>
      %dma_start3A_891 = arith.constant 0 : i32
      %dma_start3A_892 = tpu.memref_slice %arg6[%dma_start3A_891] : memref<8448xi32, #tpu.memory_space<hbm>> -> memref<8448xi32, #tpu.memory_space<hbm>>
      tpu.enqueue_indirect_dma source(%dma_start3A_887 : memref<128xi32, #tpu.memory_space<vmem>>) target(%dma_start3A_892 : memref<8448xi32, #tpu.memory_space<hbm>>) offsets(%dma_start3A_890 : memref<128xi32, #tpu.memory_space<vmem>>) semaphore(%arg23 : memref<!tpu.dma_semaphore, #tpu.memory_space<semaphore_mem>>)
      %dma_wait3A_893 = arith.constant 0 : i32
      %dma_wait3A_894 = tpu.memref_slice %arg18[%while3A_878, %dma_wait3A_893] : memref<65x128xi32, #tpu.memory_space<vmem>> -> memref<1x128xi32, #tpu.memory_space<vmem>>
      %dma_wait3A_895 = tpu.memref_squeeze %dma_wait3A_894 : memref<1x128xi32, #tpu.memory_space<vmem>> -> memref<128xi32, #tpu.memory_space<vmem>>
      %dma_wait3A_896 = arith.constant 0 : i32
      %dma_wait3A_897 = tpu.memref_slice %arg5[%dma_wait3A_896] : memref<8448xi32, #tpu.memory_space<hbm>> -> memref<8448xi32, #tpu.memory_space<hbm>>
      tpu.wait_indirect_dma semaphore(%arg23 : memref<!tpu.dma_semaphore, #tpu.memory_space<semaphore_mem>>) src(%arg19 : memref<128xi32, #tpu.memory_space<vmem>>) dst(%dma_wait3A_897 : memref<8448xi32, #tpu.memory_space<hbm>>)
      %dma_wait3A_898 = tpu.memref_slice %arg17[%mul3A_886] : memref<8224xi32, #tpu.memory_space<vmem>> -> memref<128xi32, #tpu.memory_space<vmem>>
      %dma_wait3A_899 = arith.constant 0 : i32
      %dma_wait3A_900 = tpu.memref_slice %arg18[%while3A_878, %dma_wait3A_899] : memref<65x128xi32, #tpu.memory_space<vmem>> -> memref<1x128xi32, #tpu.memory_space<vmem>>
      %dma_wait3A_901 = tpu.memref_squeeze %dma_wait3A_900 : memref<1x128xi32, #tpu.memory_space<vmem>> -> memref<128xi32, #tpu.memory_space<vmem>>
      %dma_wait3A_902 = arith.constant 0 : i32
      %dma_wait3A_903 = tpu.memref_slice %arg6[%dma_wait3A_902] : memref<8448xi32, #tpu.memory_space<hbm>> -> memref<8448xi32, #tpu.memory_space<hbm>>
      tpu.wait_indirect_dma semaphore(%arg23 : memref<!tpu.dma_semaphore, #tpu.memory_space<semaphore_mem>>) src(%dma_wait3A_898 : memref<128xi32, #tpu.memory_space<vmem>>) dst(%dma_wait3A_903 : memref<8448xi32, #tpu.memory_space<hbm>>)
      %while3A_904 = arith.constant 0 : i32
      scf.yield %while3A_904 : i32
    }
    %while3A_797 = arith.constant 1 : i32
    %while3A_798 = scf.for %while3A_878 = %while3A_794 to %while3A_790 step %while3A_797 iter_args(%while3A_879 = %while3A_796) -> (i32)  : i32 {
      %dma_start3A_880 = arith.constant 0 : i32
      %dma_start3A_881 = tpu.memref_slice %arg18[%while3A_878, %dma_start3A_880] : memref<65x128xi32, #tpu.memory_space<vmem>> -> memref<1x128xi32, #tpu.memory_space<vmem>>
      %dma_start3A_882 = tpu.memref_squeeze %dma_start3A_881 : memref<1x128xi32, #tpu.memory_space<vmem>> -> memref<128xi32, #tpu.memory_space<vmem>>
      %dma_start3A_883 = arith.constant 0 : i32
      %dma_start3A_884 = tpu.memref_slice %arg5[%dma_start3A_883] : memref<8448xi32, #tpu.memory_space<hbm>> -> memref<8448xi32, #tpu.memory_space<hbm>>
      tpu.enqueue_indirect_dma source(%arg19 : memref<128xi32, #tpu.memory_space<vmem>>) target(%dma_start3A_884 : memref<8448xi32, #tpu.memory_space<hbm>>) offsets(%dma_start3A_882 : memref<128xi32, #tpu.memory_space<vmem>>) semaphore(%arg23 : memref<!tpu.dma_semaphore, #tpu.memory_space<semaphore_mem>>)
      %mul3A_885 = arith.constant 128 : i32
      %mul3A_886 = arith.muli %while3A_878, %mul3A_885 : i32
      %dma_start3A_887 = tpu.memref_slice %arg17[%mul3A_886] : memref<8224xi32, #tpu.memory_space<vmem>> -> memref<128xi32, #tpu.memory_space<vmem>>
      %dma_start3A_888 = arith.constant 0 : i32
      %dma_start3A_889 = tpu.memref_slice %arg18[%while3A_878, %dma_start3A_888] : memref<65x128xi32, #tpu.memory_space<vmem>> -> memref<1x128xi32, #tpu.memory_space<vmem>>
      %dma_start3A_890 = tpu.memref_squeeze %dma_start3A_889 : memref<1x128xi32, #tpu.memory_space<vmem>> -> memref<128xi32, #tpu.memory_space<vmem>>
      %dma_start3A_891 = arith.constant 0 : i32
      %dma_start3A_892 = tpu.memref_slice %arg6[%dma_start3A_891] : memref<8448xi32, #tpu.memory_space<hbm>> -> memref<8448xi32, #tpu.memory_space<hbm>>
      tpu.enqueue_indirect_dma source(%dma_start3A_887 : memref<128xi32, #tpu.memory_space<vmem>>) target(%dma_start3A_892 : memref<8448xi32, #tpu.memory_space<hbm>>) offsets(%dma_start3A_890 : memref<128xi32, #tpu.memory_space<vmem>>) semaphore(%arg23 : memref<!tpu.dma_semaphore, #tpu.memory_space<semaphore_mem>>)
      %dma_wait3A_893 = arith.constant 0 : i32
      %dma_wait3A_894 = tpu.memref_slice %arg18[%while3A_878, %dma_wait3A_893] : memref<65x128xi32, #tpu.memory_space<vmem>> -> memref<1x128xi32, #tpu.memory_space<vmem>>
      %dma_wait3A_895 = tpu.memref_squeeze %dma_wait3A_894 : memref<1x128xi32, #tpu.memory_space<vmem>> -> memref<128xi32, #tpu.memory_space<vmem>>
      %dma_wait3A_896 = arith.constant 0 : i32
      %dma_wait3A_897 = tpu.memref_slice %arg5[%dma_wait3A_896] : memref<8448xi32, #tpu.memory_space<hbm>> -> memref<8448xi32, #tpu.memory_space<hbm>>
      tpu.wait_indirect_dma semaphore(%arg23 : memref<!tpu.dma_semaphore, #tpu.memory_space<semaphore_mem>>) src(%arg19 : memref<128xi32, #tpu.memory_space<vmem>>) dst(%dma_wait3A_897 : memref<8448xi32, #tpu.memory_space<hbm>>)
      %dma_wait3A_898 = tpu.memref_slice %arg17[%mul3A_886] : memref<8224xi32, #tpu.memory_space<vmem>> -> memref<128xi32, #tpu.memory_space<vmem>>
      %dma_wait3A_899 = arith.constant 0 : i32
      %dma_wait3A_900 = tpu.memref_slice %arg18[%while3A_878, %dma_wait3A_899] : memref<65x128xi32, #tpu.memory_space<vmem>> -> memref<1x128xi32, #tpu.memory_space<vmem>>
      %dma_wait3A_901 = tpu.memref_squeeze %dma_wait3A_900 : memref<1x128xi32, #tpu.memory_space<vmem>> -> memref<128xi32, #tpu.memory_space<vmem>>
      %dma_wait3A_902 = arith.constant 0 : i32
      %dma_wait3A_903 = tpu.memref_slice %arg6[%dma_wait3A_902] : memref<8448xi32, #tpu.memory_space<hbm>> -> memref<8448xi32, #tpu.memory_space<hbm>>
      tpu.wait_indirect_dma semaphore(%arg23 : memref<!tpu.dma_semaphore, #tpu.memory_space<semaphore_mem>>) src(%dma_wait3A_898 : memref<128xi32, #tpu.memory_space<vmem>>) dst(%dma_wait3A_903 : memref<8448xi32, #tpu.memory_space<hbm>>)
      %while3A_904 = arith.constant 0 : i32
      scf.yield %while3A_904 : i32
    }
    %dma_wait3A = arith.constant 0 : i32
    %dma_wait3A_799 = arith.constant 0 : i32
    %dma_wait3A_800 = arith.constant 0 : i32
    %dma_wait3A_801 = tpu.memref_slice %arg21[%dma_wait3A_799, %dma_wait3A_800] : memref<8x128xf32, #tpu.memory_space<vmem>> -> memref<1x128xf32, #tpu.memory_space<vmem>>
    %dma_wait3A_802 = tpu.memref_squeeze %dma_wait3A_801 : memref<1x128xf32, #tpu.memory_space<vmem>> -> memref<128xf32, #tpu.memory_space<vmem>>
    %dma_wait3A_803 = arith.constant 0 : i32
    %dma_wait3A_804 = tpu.memref_slice %arg20[%dma_wait3A, %dma_wait3A_803] : memref<8x128xi32, #tpu.memory_space<vmem>> -> memref<1x128xi32, #tpu.memory_space<vmem>>
    %dma_wait3A_805 = tpu.memref_squeeze %dma_wait3A_804 : memref<1x128xi32, #tpu.memory_space<vmem>> -> memref<128xi32, #tpu.memory_space<vmem>>
    %dma_wait3A_806 = arith.constant 0 : i32
    %dma_wait3A_807 = tpu.memref_slice %arg3[%dma_wait3A_806] : memref<1000000xf32, #tpu.memory_space<hbm>> -> memref<1000000xf32, #tpu.memory_space<hbm>>
    tpu.wait_indirect_dma semaphore(%arg24 : memref<!tpu.dma_semaphore, #tpu.memory_space<semaphore_mem>>) src(%dma_wait3A_807 : memref<1000000xf32, #tpu.memory_space<hbm>>) dst(%dma_wait3A_802 : memref<128xf32, #tpu.memory_space<vmem>>)
    %dma_wait3A_808 = arith.constant 1 : i32
    %dma_wait3A_809 = arith.constant 1 : i32
    %dma_wait3A_810 = arith.constant 0 : i32
    %dma_wait3A_811 = tpu.memref_slice %arg21[%dma_wait3A_809, %dma_wait3A_810] : memref<8x128xf32, #tpu.memory_space<vmem>> -> memref<1x128xf32, #tpu.memory_space<vmem>>
    %dma_wait3A_812 = tpu.memref_squeeze %dma_wait3A_811 : memref<1x128xf32, #tpu.memory_space<vmem>> -> memref<128xf32, #tpu.memory_space<vmem>>
    %dma_wait3A_813 = arith.constant 0 : i32
    %dma_wait3A_814 = tpu.memref_slice %arg20[%dma_wait3A_808, %dma_wait3A_813] : memref<8x128xi32, #tpu.memory_space<vmem>> -> memref<1x128xi32, #tpu.memory_space<vmem>>
    %dma_wait3A_815 = tpu.memref_squeeze %dma_wait3A_814 : memref<1x128xi32, #tpu.memory_space<vmem>> -> memref<128xi32, #tpu.memory_space<vmem>>
    %dma_wait3A_816 = arith.constant 0 : i32
    %dma_wait3A_817 = tpu.memref_slice %arg3[%dma_wait3A_816] : memref<1000000xf32, #tpu.memory_space<hbm>> -> memref<1000000xf32, #tpu.memory_space<hbm>>
    tpu.wait_indirect_dma semaphore(%arg24 : memref<!tpu.dma_semaphore, #tpu.memory_space<semaphore_mem>>) src(%dma_wait3A_817 : memref<1000000xf32, #tpu.memory_space<hbm>>) dst(%dma_wait3A_812 : memref<128xf32, #tpu.memory_space<vmem>>)
    %dma_wait3A_818 = arith.constant 2 : i32
    %dma_wait3A_819 = arith.constant 2 : i32
    %dma_wait3A_820 = arith.constant 0 : i32
    %dma_wait3A_821 = tpu.memref_slice %arg21[%dma_wait3A_819, %dma_wait3A_820] : memref<8x128xf32, #tpu.memory_space<vmem>> -> memref<1x128xf32, #tpu.memory_space<vmem>>
    %dma_wait3A_822 = tpu.memref_squeeze %dma_wait3A_821 : memref<1x128xf32, #tpu.memory_space<vmem>> -> memref<128xf32, #tpu.memory_space<vmem>>
    %dma_wait3A_823 = arith.constant 0 : i32
    %dma_wait3A_824 = tpu.memref_slice %arg20[%dma_wait3A_818, %dma_wait3A_823] : memref<8x128xi32, #tpu.memory_space<vmem>> -> memref<1x128xi32, #tpu.memory_space<vmem>>
    %dma_wait3A_825 = tpu.memref_squeeze %dma_wait3A_824 : memref<1x128xi32, #tpu.memory_space<vmem>> -> memref<128xi32, #tpu.memory_space<vmem>>
    %dma_wait3A_826 = arith.constant 0 : i32
    %dma_wait3A_827 = tpu.memref_slice %arg3[%dma_wait3A_826] : memref<1000000xf32, #tpu.memory_space<hbm>> -> memref<1000000xf32, #tpu.memory_space<hbm>>
    tpu.wait_indirect_dma semaphore(%arg24 : memref<!tpu.dma_semaphore, #tpu.memory_space<semaphore_mem>>) src(%dma_wait3A_827 : memref<1000000xf32, #tpu.memory_space<hbm>>) dst(%dma_wait3A_822 : memref<128xf32, #tpu.memory_space<vmem>>)
    %dma_wait3A_828 = arith.constant 3 : i32
    %dma_wait3A_829 = arith.constant 3 : i32
    %dma_wait3A_830 = arith.constant 0 : i32
    %dma_wait3A_831 = tpu.memref_slice %arg21[%dma_wait3A_829, %dma_wait3A_830] : memref<8x128xf32, #tpu.memory_space<vmem>> -> memref<1x128xf32, #tpu.memory_space<vmem>>
    %dma_wait3A_832 = tpu.memref_squeeze %dma_wait3A_831 : memref<1x128xf32, #tpu.memory_space<vmem>> -> memref<128xf32, #tpu.memory_space<vmem>>
    %dma_wait3A_833 = arith.constant 0 : i32
    %dma_wait3A_834 = tpu.memref_slice %arg20[%dma_wait3A_828, %dma_wait3A_833] : memref<8x128xi32, #tpu.memory_space<vmem>> -> memref<1x128xi32, #tpu.memory_space<vmem>>
    %dma_wait3A_835 = tpu.memref_squeeze %dma_wait3A_834 : memref<1x128xi32, #tpu.memory_space<vmem>> -> memref<128xi32, #tpu.memory_space<vmem>>
    %dma_wait3A_836 = arith.constant 0 : i32
    %dma_wait3A_837 = tpu.memref_slice %arg3[%dma_wait3A_836] : memref<1000000xf32, #tpu.memory_space<hbm>> -> memref<1000000xf32, #tpu.memory_space<hbm>>
    tpu.wait_indirect_dma semaphore(%arg24 : memref<!tpu.dma_semaphore, #tpu.memory_space<semaphore_mem>>) src(%dma_wait3A_837 : memref<1000000xf32, #tpu.memory_space<hbm>>) dst(%dma_wait3A_832 : memref<128xf32, #tpu.memory_space<vmem>>)
    %dma_wait3A_838 = arith.constant 4 : i32
    %dma_wait3A_839 = arith.constant 4 : i32
    %dma_wait3A_840 = arith.constant 0 : i32
    %dma_wait3A_841 = tpu.memref_slice %arg21[%dma_wait3A_839, %dma_wait3A_840] : memref<8x128xf32, #tpu.memory_space<vmem>> -> memref<1x128xf32, #tpu.memory_space<vmem>>
    %dma_wait3A_842 = tpu.memref_squeeze %dma_wait3A_841 : memref<1x128xf32, #tpu.memory_space<vmem>> -> memref<128xf32, #tpu.memory_space<vmem>>
    %dma_wait3A_843 = arith.constant 0 : i32
    %dma_wait3A_844 = tpu.memref_slice %arg20[%dma_wait3A_838, %dma_wait3A_843] : memref<8x128xi32, #tpu.memory_space<vmem>> -> memref<1x128xi32, #tpu.memory_space<vmem>>
    %dma_wait3A_845 = tpu.memref_squeeze %dma_wait3A_844 : memref<1x128xi32, #tpu.memory_space<vmem>> -> memref<128xi32, #tpu.memory_space<vmem>>
    %dma_wait3A_846 = arith.constant 0 : i32
    %dma_wait3A_847 = tpu.memref_slice %arg3[%dma_wait3A_846] : memref<1000000xf32, #tpu.memory_space<hbm>> -> memref<1000000xf32, #tpu.memory_space<hbm>>
    tpu.wait_indirect_dma semaphore(%arg24 : memref<!tpu.dma_semaphore, #tpu.memory_space<semaphore_mem>>) src(%dma_wait3A_847 : memref<1000000xf32, #tpu.memory_space<hbm>>) dst(%dma_wait3A_842 : memref<128xf32, #tpu.memory_space<vmem>>)
    %dma_wait3A_848 = arith.constant 5 : i32
    %dma_wait3A_849 = arith.constant 5 : i32
    %dma_wait3A_850 = arith.constant 0 : i32
    %dma_wait3A_851 = tpu.memref_slice %arg21[%dma_wait3A_849, %dma_wait3A_850] : memref<8x128xf32, #tpu.memory_space<vmem>> -> memref<1x128xf32, #tpu.memory_space<vmem>>
    %dma_wait3A_852 = tpu.memref_squeeze %dma_wait3A_851 : memref<1x128xf32, #tpu.memory_space<vmem>> -> memref<128xf32, #tpu.memory_space<vmem>>
    %dma_wait3A_853 = arith.constant 0 : i32
    %dma_wait3A_854 = tpu.memref_slice %arg20[%dma_wait3A_848, %dma_wait3A_853] : memref<8x128xi32, #tpu.memory_space<vmem>> -> memref<1x128xi32, #tpu.memory_space<vmem>>
    %dma_wait3A_855 = tpu.memref_squeeze %dma_wait3A_854 : memref<1x128xi32, #tpu.memory_space<vmem>> -> memref<128xi32, #tpu.memory_space<vmem>>
    %dma_wait3A_856 = arith.constant 0 : i32
    %dma_wait3A_857 = tpu.memref_slice %arg3[%dma_wait3A_856] : memref<1000000xf32, #tpu.memory_space<hbm>> -> memref<1000000xf32, #tpu.memory_space<hbm>>
    tpu.wait_indirect_dma semaphore(%arg24 : memref<!tpu.dma_semaphore, #tpu.memory_space<semaphore_mem>>) src(%dma_wait3A_857 : memref<1000000xf32, #tpu.memory_space<hbm>>) dst(%dma_wait3A_852 : memref<128xf32, #tpu.memory_space<vmem>>)
    %dma_wait3A_858 = arith.constant 6 : i32
    %dma_wait3A_859 = arith.constant 6 : i32
    %dma_wait3A_860 = arith.constant 0 : i32
    %dma_wait3A_861 = tpu.memref_slice %arg21[%dma_wait3A_859, %dma_wait3A_860] : memref<8x128xf32, #tpu.memory_space<vmem>> -> memref<1x128xf32, #tpu.memory_space<vmem>>
    %dma_wait3A_862 = tpu.memref_squeeze %dma_wait3A_861 : memref<1x128xf32, #tpu.memory_space<vmem>> -> memref<128xf32, #tpu.memory_space<vmem>>
    %dma_wait3A_863 = arith.constant 0 : i32
    %dma_wait3A_864 = tpu.memref_slice %arg20[%dma_wait3A_858, %dma_wait3A_863] : memref<8x128xi32, #tpu.memory_space<vmem>> -> memref<1x128xi32, #tpu.memory_space<vmem>>
    %dma_wait3A_865 = tpu.memref_squeeze %dma_wait3A_864 : memref<1x128xi32, #tpu.memory_space<vmem>> -> memref<128xi32, #tpu.memory_space<vmem>>
    %dma_wait3A_866 = arith.constant 0 : i32
    %dma_wait3A_867 = tpu.memref_slice %arg3[%dma_wait3A_866] : memref<1000000xf32, #tpu.memory_space<hbm>> -> memref<1000000xf32, #tpu.memory_space<hbm>>
    tpu.wait_indirect_dma semaphore(%arg24 : memref<!tpu.dma_semaphore, #tpu.memory_space<semaphore_mem>>) src(%dma_wait3A_867 : memref<1000000xf32, #tpu.memory_space<hbm>>) dst(%dma_wait3A_862 : memref<128xf32, #tpu.memory_space<vmem>>)
    %dma_wait3A_868 = arith.constant 7 : i32
    %dma_wait3A_869 = arith.constant 7 : i32
    %dma_wait3A_870 = arith.constant 0 : i32
    %dma_wait3A_871 = tpu.memref_slice %arg21[%dma_wait3A_869, %dma_wait3A_870] : memref<8x128xf32, #tpu.memory_space<vmem>> -> memref<1x128xf32, #tpu.memory_space<vmem>>
    %dma_wait3A_872 = tpu.memref_squeeze %dma_wait3A_871 : memref<1x128xf32, #tpu.memory_space<vmem>> -> memref<128xf32, #tpu.memory_space<vmem>>
    %dma_wait3A_873 = arith.constant 0 : i32
    %dma_wait3A_874 = tpu.memref_slice %arg20[%dma_wait3A_868, %dma_wait3A_873] : memref<8x128xi32, #tpu.memory_space<vmem>> -> memref<1x128xi32, #tpu.memory_space<vmem>>
    %dma_wait3A_875 = tpu.memref_squeeze %dma_wait3A_874 : memref<1x128xi32, #tpu.memory_space<vmem>> -> memref<128xi32, #tpu.memory_space<vmem>>
    %dma_wait3A_876 = arith.constant 0 : i32
    %dma_wait3A_877 = tpu.memref_slice %arg3[%dma_wait3A_876] : memref<1000000xf32, #tpu.memory_space<hbm>> -> memref<1000000xf32, #tpu.memory_space<hbm>>
    tpu.wait_indirect_dma semaphore(%arg24 : memref<!tpu.dma_semaphore, #tpu.memory_space<semaphore_mem>>) src(%dma_wait3A_877 : memref<1000000xf32, #tpu.memory_space<hbm>>) dst(%dma_wait3A_872 : memref<128xf32, #tpu.memory_space<vmem>>)
    "tpu.region"() ({
      %run_scoped3A_878 = tpu.sem_alloc : memref<!tpu.dma_semaphore, #tpu.memory_space<semaphore_mem>>
      %dma_start3A_879 = arith.constant 0 : i32
      %dma_start3A_880 = arith.constant 0 : i32
      %dma_start3A_881 = tpu.memref_slice %arg7[%arg1, %dma_start3A_879, %dma_start3A_880] : memref<16x8x128xf32, #tpu.memory_space<hbm>> -> memref<1x8x128xf32, #tpu.memory_space<hbm>>
      %dma_start3A_882 = tpu.memref_squeeze %dma_start3A_881 : memref<1x8x128xf32, #tpu.memory_space<hbm>> -> memref<8x128xf32, #tpu.memory_space<hbm>>
      %dma_start3A_883 = arith.constant 0 : i32
      %dma_start3A_884 = arith.constant 0 : i32
      %dma_start3A_885 = tpu.memref_slice %arg7[%arg1, %dma_start3A_883, %dma_start3A_884] : memref<16x8x128xf32, #tpu.memory_space<hbm>> -> memref<1x8x128xf32, #tpu.memory_space<hbm>>
      %dma_start3A_886 = tpu.memref_squeeze %dma_start3A_885 : memref<1x8x128xf32, #tpu.memory_space<hbm>> -> memref<8x128xf32, #tpu.memory_space<hbm>>
      tpu.enqueue_dma source(%arg21 : memref<8x128xf32, #tpu.memory_space<vmem>>) target(%dma_start3A_886 : memref<8x128xf32, #tpu.memory_space<hbm>>) target_semaphore(%run_scoped3A_878 : memref<!tpu.dma_semaphore, #tpu.memory_space<semaphore_mem>>)
      %dma_wait3A_887 = arith.constant 0 : i32
      %dma_wait3A_888 = arith.constant 0 : i32
      %dma_wait3A_889 = tpu.memref_slice %arg7[%arg1, %dma_wait3A_887, %dma_wait3A_888] : memref<16x8x128xf32, #tpu.memory_space<hbm>> -> memref<1x8x128xf32, #tpu.memory_space<hbm>>
      %dma_wait3A_890 = tpu.memref_squeeze %dma_wait3A_889 : memref<1x8x128xf32, #tpu.memory_space<hbm>> -> memref<8x128xf32, #tpu.memory_space<hbm>>
      %dma_wait3A_891 = arith.constant 0 : i32
      %dma_wait3A_892 = arith.constant 0 : i32
      %dma_wait3A_893 = tpu.memref_slice %arg7[%arg1, %dma_wait3A_891, %dma_wait3A_892] : memref<16x8x128xf32, #tpu.memory_space<hbm>> -> memref<1x8x128xf32, #tpu.memory_space<hbm>>
      %dma_wait3A_894 = tpu.memref_squeeze %dma_wait3A_893 : memref<1x8x128xf32, #tpu.memory_space<hbm>> -> memref<8x128xf32, #tpu.memory_space<hbm>>
      tpu.wait_dma2 semaphore(%run_scoped3A_878 : memref<!tpu.dma_semaphore, #tpu.memory_space<semaphore_mem>>) src(%arg21 : memref<8x128xf32, #tpu.memory_space<vmem>>) dst(%dma_wait3A_894 : memref<8x128xf32, #tpu.memory_space<hbm>>)
      tpu.yield
    }) : () -> ()
    return
  }
}

#map = affine_map<(d0, d1) -> (0)>
#map1 = affine_map<(d0, d1) -> (0, 0, 0)>
module attributes {stable_mosaic.version = 14 : i64} {
  func.func @body(%arg0: i32, %arg1: i32, %arg2: memref<8448xi32, #tpu.memory_space<hbm>>, %arg3: memref<8448xi32, #tpu.memory_space<hbm>>, %arg4: memref<1000000xf32, #tpu.memory_space<hbm>>, %arg5: memref<8192xi32, #tpu.memory_space<hbm>>, %arg6: memref<16x4x128xf32, #tpu.memory_space<hbm>>, %arg7: memref<8192xi32, #tpu.memory_space<vmem>>, %arg8: memref<8192xi32, #tpu.memory_space<vmem>>, %arg9: memref<8192xi32, #tpu.memory_space<vmem>>, %arg10: memref<8192xi32, #tpu.memory_space<vmem>>, %arg11: memref<2048xi32, #tpu.memory_space<vmem>>, %arg12: memref<512xi32, #tpu.memory_space<vmem>>, %arg13: memref<4x128xi32, #tpu.memory_space<vmem>>, %arg14: memref<4x128xf32, #tpu.memory_space<vmem>>, %arg15: memref<!tpu.dma_semaphore, #tpu.memory_space<semaphore_mem>>) attributes {dimension_semantics = [#tpu.dimension_semantics<core_parallel>, #tpu.dimension_semantics<subcore_parallel>], iteration_bounds = array<i64: 1, 16>, scalar_prefetch = 0 : i64, scratch_operands = 9 : i64, tpu.core_type = #tpu.core_type<sc_vector_subcore>, window_params = [{transform_indices = #map}, {transform_indices = #map}, {transform_indices = #map}, {transform_indices = #map}, {transform_indices = #map1}]} {
    %eq3A = arith.constant 0 : i32
    %eq3A_0 = arith.cmpi eq, %arg1, %eq3A : i32
    %convert_element_type3A = arith.extui %eq3A_0 : i1 to i32
    %cond3A = arith.constant 0 : i32
    %cond3A_1 = arith.cmpi ne, %convert_element_type3A, %cond3A : i32
    scf.if %cond3A_1 {
      "tpu.region"() ({
        %run_scoped3A = tpu.sem_alloc : memref<!tpu.dma_semaphore, #tpu.memory_space<semaphore_mem>>
        %dma_start3A_361 = arith.constant 0 : i32
        %dma_start3A_362 = tpu.memref_slice %arg2[%dma_start3A_361] : memref<8448xi32, #tpu.memory_space<hbm>> -> memref<8192xi32, #tpu.memory_space<hbm>>
        %dma_start3A_363 = arith.constant 0 : i32
        %dma_start3A_364 = tpu.memref_slice %arg2[%dma_start3A_363] : memref<8448xi32, #tpu.memory_space<hbm>> -> memref<8192xi32, #tpu.memory_space<hbm>>
        tpu.enqueue_dma source(%dma_start3A_364 : memref<8192xi32, #tpu.memory_space<hbm>>) target(%arg7 : memref<8192xi32, #tpu.memory_space<vmem>>) target_semaphore(%run_scoped3A : memref<!tpu.dma_semaphore, #tpu.memory_space<semaphore_mem>>)
        %dma_wait3A_365 = arith.constant 0 : i32
        %dma_wait3A_366 = tpu.memref_slice %arg2[%dma_wait3A_365] : memref<8448xi32, #tpu.memory_space<hbm>> -> memref<8192xi32, #tpu.memory_space<hbm>>
        %dma_wait3A_367 = arith.constant 0 : i32
        %dma_wait3A_368 = tpu.memref_slice %arg2[%dma_wait3A_367] : memref<8448xi32, #tpu.memory_space<hbm>> -> memref<8192xi32, #tpu.memory_space<hbm>>
        tpu.wait_dma2 semaphore(%run_scoped3A : memref<!tpu.dma_semaphore, #tpu.memory_space<semaphore_mem>>) src(%dma_wait3A_368 : memref<8192xi32, #tpu.memory_space<hbm>>) dst(%arg7 : memref<8192xi32, #tpu.memory_space<vmem>>)
        tpu.yield
      }) : () -> ()
      "tpu.region"() ({
        %run_scoped3A = tpu.sem_alloc : memref<!tpu.dma_semaphore, #tpu.memory_space<semaphore_mem>>
        %dma_start3A_361 = arith.constant 0 : i32
        %dma_start3A_362 = tpu.memref_slice %arg3[%dma_start3A_361] : memref<8448xi32, #tpu.memory_space<hbm>> -> memref<8192xi32, #tpu.memory_space<hbm>>
        %dma_start3A_363 = arith.constant 0 : i32
        %dma_start3A_364 = tpu.memref_slice %arg3[%dma_start3A_363] : memref<8448xi32, #tpu.memory_space<hbm>> -> memref<8192xi32, #tpu.memory_space<hbm>>
        tpu.enqueue_dma source(%dma_start3A_364 : memref<8192xi32, #tpu.memory_space<hbm>>) target(%arg8 : memref<8192xi32, #tpu.memory_space<vmem>>) target_semaphore(%run_scoped3A : memref<!tpu.dma_semaphore, #tpu.memory_space<semaphore_mem>>)
        %dma_wait3A_365 = arith.constant 0 : i32
        %dma_wait3A_366 = tpu.memref_slice %arg3[%dma_wait3A_365] : memref<8448xi32, #tpu.memory_space<hbm>> -> memref<8192xi32, #tpu.memory_space<hbm>>
        %dma_wait3A_367 = arith.constant 0 : i32
        %dma_wait3A_368 = tpu.memref_slice %arg3[%dma_wait3A_367] : memref<8448xi32, #tpu.memory_space<hbm>> -> memref<8192xi32, #tpu.memory_space<hbm>>
        tpu.wait_dma2 semaphore(%run_scoped3A : memref<!tpu.dma_semaphore, #tpu.memory_space<semaphore_mem>>) src(%dma_wait3A_368 : memref<8192xi32, #tpu.memory_space<hbm>>) dst(%arg8 : memref<8192xi32, #tpu.memory_space<vmem>>)
        tpu.yield
      }) : () -> ()
      %scan3A = arith.constant 0 : i32
      %scan3A_271 = arith.constant 0 : i32
      %scan3A_272 = arith.constant 512 : i32
      %scan3A_273 = arith.addi %scan3A_271, %scan3A_272 : i32
      %scan3A_274 = arith.constant 1 : i32
      %scan3A_275 = scf.for %scan3A_361 = %scan3A_271 to %scan3A_273 step %scan3A_274 iter_args(%scan3A_362 = %scan3A) -> (i32)  : i32 {
        %mul3A_363 = arith.constant 16 : i32
        %mul3A_364 = arith.muli %scan3A_361, %mul3A_363 : i32
        %get3A_365 = arith.index_cast %mul3A_364 : i32 to index
        %get3A_366 = tpu.vector_load %arg7[%get3A_365] {strides = array<i32>} : memref<8192xi32, #tpu.memory_space<vmem>>, vector<16xi32>,
        %xor3A = arith.constant -2147483648 : i32
        %xor3A_367 = vector.broadcast %xor3A : i32 to vector<16xi32>
        %xor3A_368 = arith.xori %get3A_366, %xor3A_367 : vector<16xi32>
        %not3A = arith.constant dense<-1> : vector<16xi32>
        %not3A_369 = arith.xori %xor3A_368, %not3A : vector<16xi32>
        %mul3A_370 = arith.constant 16 : i32
        %mul3A_371 = arith.muli %scan3A_361, %mul3A_370 : i32
        %swap3A_372 = arith.index_cast %mul3A_371 : i32 to index
        %swap3A_373 = tpu.vector_load %arg7[%swap3A_372] {strides = array<i32>} : memref<8192xi32, #tpu.memory_space<vmem>>, vector<16xi32>,
        tpu.vector_store %arg7[%swap3A_372], %not3A_369 {strides = array<i32>} : memref<8192xi32, #tpu.memory_space<vmem>>, vector<16xi32>,
        %scan3A_374 = arith.constant 0 : i32
        scf.yield %scan3A_374 : i32
      }
      %scan3A_276 = arith.constant 512 : i32
      %scan3A_277 = arith.constant 0 : i32
      %scan3A_278 = arith.constant 0 : i32
      %scan3A_279 = arith.constant 128 : i32
      %scan3A_280 = arith.addi %scan3A_278, %scan3A_279 : i32
      %scan3A_281 = arith.constant 1 : i32
      %scan3A_282 = scf.for %scan3A_361 = %scan3A_278 to %scan3A_280 step %scan3A_281 iter_args(%scan3A_362 = %scan3A_277) -> (i32)  : i32 {
        %broadcast_in_dim3A = arith.constant 0 : i32
        %broadcast_in_dim3A_363 = vector.broadcast %broadcast_in_dim3A : i32 to vector<16xi32>
        %mul3A_364 = arith.constant 16 : i32
        %mul3A_365 = arith.muli %scan3A_361, %mul3A_364 : i32
        %swap3A_366 = arith.index_cast %mul3A_365 : i32 to index
        %swap3A_367 = tpu.vector_load %arg11[%swap3A_366] {strides = array<i32>} : memref<2048xi32, #tpu.memory_space<vmem>>, vector<16xi32>,
        tpu.vector_store %arg11[%swap3A_366], %broadcast_in_dim3A_363 {strides = array<i32>} : memref<2048xi32, #tpu.memory_space<vmem>>, vector<16xi32>,
        %scan3A_368 = arith.constant 0 : i32
        scf.yield %scan3A_368 : i32
      }
      %scan3A_283 = arith.constant 128 : i32
      %scan3A_284 = arith.constant 0 : i32
      %scan3A_285 = arith.constant 0 : i32
      %scan3A_286 = arith.constant 512 : i32
      %scan3A_287 = arith.addi %scan3A_285, %scan3A_286 : i32
      %scan3A_288 = arith.constant 1 : i32
      %scan3A_289 = scf.for %scan3A_361 = %scan3A_285 to %scan3A_287 step %scan3A_288 iter_args(%scan3A_362 = %scan3A_284) -> (i32)  : i32 {
        %mul3A_363 = arith.constant 16 : i32
        %mul3A_364 = arith.muli %scan3A_361, %mul3A_363 : i32
        %get3A_365 = arith.index_cast %mul3A_364 : i32 to index
        %get3A_366 = tpu.vector_load %arg7[%get3A_365] {strides = array<i32>} : memref<8192xi32, #tpu.memory_space<vmem>>, vector<16xi32>,
        %bitcast3A = vector.bitcast %get3A_366 : vector<16xi32> to vector<16xi32>
        %shift_right_logical3A = arith.constant 0 : i32
        %shift_right_logical3A_367 = vector.broadcast %shift_right_logical3A : i32 to vector<16xi32>
        %shift_right_logical3A_368 = arith.shrui %bitcast3A, %shift_right_logical3A_367 : vector<16xi32>
        %bitcast3A_369 = vector.bitcast %shift_right_logical3A_368 : vector<16xi32> to vector<16xi32>
        %and3A = arith.constant 2047 : i32
        %and3A_370 = vector.broadcast %and3A : i32 to vector<16xi32>
        %and3A_371 = arith.andi %bitcast3A_369, %and3A_370 : vector<16xi32>
        %broadcast_in_dim3A = arith.constant true
        %broadcast_in_dim3A_372 = vector.broadcast %broadcast_in_dim3A : i1 to vector<16xi1>
        %unique3A, %unique3A_373 = tpu.scan_count mask(%broadcast_in_dim3A_372 : vector<16xi1>) value(%and3A_371 : vector<16xi32>) : vector<16xi1>, vector<16xi32>
        tpu.vector_store_idx %arg11[%and3A_371], %unique3A_373 masked %unique3A {add = true} : memref<2048xi32, #tpu.memory_space<vmem>>[vector<16xi32>], vector<16xi32>, vector<16xi1>
        %scan3A_374 = arith.constant 0 : i32
        scf.yield %scan3A_374 : i32
      }
      %scan3A_290 = arith.constant 512 : i32
      %scan3A_291 = arith.constant 0 : i32
      %scan3A_292 = arith.constant 0 : i32
      %scan3A_293 = arith.constant 128 : i32
      %scan3A_294 = arith.addi %scan3A_292, %scan3A_293 : i32
      %scan3A_295 = arith.constant 1 : i32
      %scan3A_296 = scf.for %scan3A_361 = %scan3A_292 to %scan3A_294 step %scan3A_295 iter_args(%scan3A_362 = %scan3A_291) -> (i32)  : i32 {
        %mul3A_363 = arith.constant 16 : i32
        %mul3A_364 = arith.muli %scan3A_361, %mul3A_363 : i32
        %get3A_365 = arith.index_cast %mul3A_364 : i32 to index
        %get3A_366 = tpu.vector_load %arg11[%get3A_365] {strides = array<i32>} : memref<2048xi32, #tpu.memory_space<vmem>>, vector<16xi32>,
        %broadcast_in_dim3A = arith.constant true
        %broadcast_in_dim3A_367 = vector.broadcast %broadcast_in_dim3A : i1 to vector<16xi1>
        %masked_cumsum3A = tpu.scan <sum>, %get3A_366 masked %broadcast_in_dim3A_367 : vector<16xi32>, vector<16xi1> -> vector<16xi32>
        %sub3A = arith.subi %masked_cumsum3A, %get3A_366 : vector<16xi32>
        %add3A = vector.broadcast %scan3A_362 : i32 to vector<16xi32>
        %add3A_368 = arith.addi %sub3A, %add3A : vector<16xi32>
        %mul3A_369 = arith.constant 16 : i32
        %mul3A_370 = arith.muli %scan3A_361, %mul3A_369 : i32
        %swap3A_371 = arith.index_cast %mul3A_370 : i32 to index
        %swap3A_372 = tpu.vector_load %arg11[%swap3A_371] {strides = array<i32>} : memref<2048xi32, #tpu.memory_space<vmem>>, vector<16xi32>,
        tpu.vector_store %arg11[%swap3A_371], %add3A_368 {strides = array<i32>} : memref<2048xi32, #tpu.memory_space<vmem>>, vector<16xi32>,
        %reduce_max3A = arith.constant true
        %reduce_max3A_373 = vector.broadcast %reduce_max3A : i1 to vector<16xi1>
        %reduce_max3A_374 = arith.constant -2147483648 : i32
        %reduce_max3A_375 = vector.broadcast %reduce_max3A_374 : i32 to vector<16xi32>
        %reduce_max3A_376 = arith.xori %masked_cumsum3A, %reduce_max3A_375 : vector<16xi32>
        %reduce_max3A_377 = tpu.scan <max>, %reduce_max3A_376 masked %reduce_max3A_373 : vector<16xi32>, vector<16xi1> -> vector<16xi32>
        %reduce_max3A_378 = arith.xori %reduce_max3A_377, %reduce_max3A_375 : vector<16xi32>
        %reduce_max3A_379 = vector.extract %reduce_max3A_378[15] : i32 from vector<16xi32>
        %add3A_380 = arith.addi %scan3A_362, %reduce_max3A_379 : i32
        scf.yield %add3A_380 : i32
      }
      %scan3A_297 = arith.constant 128 : i32
      %scan3A_298 = arith.constant 0 : i32
      %scan3A_299 = arith.constant 0 : i32
      %scan3A_300 = arith.constant 512 : i32
      %scan3A_301 = arith.addi %scan3A_299, %scan3A_300 : i32
      %scan3A_302 = arith.constant 1 : i32
      %scan3A_303 = scf.for %scan3A_361 = %scan3A_299 to %scan3A_301 step %scan3A_302 iter_args(%scan3A_362 = %scan3A_298) -> (i32)  : i32 {
        %mul3A_363 = arith.constant 16 : i32
        %mul3A_364 = arith.muli %scan3A_361, %mul3A_363 : i32
        %get3A_365 = arith.index_cast %mul3A_364 : i32 to index
        %get3A_366 = tpu.vector_load %arg7[%get3A_365] {strides = array<i32>} : memref<8192xi32, #tpu.memory_space<vmem>>, vector<16xi32>,
        %mul3A_367 = arith.constant 16 : i32
        %mul3A_368 = arith.muli %scan3A_361, %mul3A_367 : i32
        %get3A_369 = arith.index_cast %mul3A_368 : i32 to index
        %get3A_370 = tpu.vector_load %arg8[%get3A_369] {strides = array<i32>} : memref<8192xi32, #tpu.memory_space<vmem>>, vector<16xi32>,
        %bitcast3A = vector.bitcast %get3A_366 : vector<16xi32> to vector<16xi32>
        %shift_right_logical3A = arith.constant 0 : i32
        %shift_right_logical3A_371 = vector.broadcast %shift_right_logical3A : i32 to vector<16xi32>
        %shift_right_logical3A_372 = arith.shrui %bitcast3A, %shift_right_logical3A_371 : vector<16xi32>
        %bitcast3A_373 = vector.bitcast %shift_right_logical3A_372 : vector<16xi32> to vector<16xi32>
        %and3A = arith.constant 2047 : i32
        %and3A_374 = vector.broadcast %and3A : i32 to vector<16xi32>
        %and3A_375 = arith.andi %bitcast3A_373, %and3A_374 : vector<16xi32>
        %broadcast_in_dim3A = arith.constant true
        %broadcast_in_dim3A_376 = vector.broadcast %broadcast_in_dim3A : i1 to vector<16xi1>
        %unique3A, %unique3A_377 = tpu.scan_count mask(%broadcast_in_dim3A_376 : vector<16xi1>) value(%and3A_375 : vector<16xi32>) : vector<16xi1>, vector<16xi32>
        %gather3A = tpu.vector_load_idx %arg11[%and3A_375] : memref<2048xi32, #tpu.memory_space<vmem>>[vector<16xi32>], vector<16xi32>,
        %add3A = arith.addi %gather3A, %unique3A_377 : vector<16xi32>
        %sub3A = arith.constant 1 : i32
        %sub3A_378 = vector.broadcast %sub3A : i32 to vector<16xi32>
        %sub3A_379 = arith.subi %add3A, %sub3A_378 : vector<16xi32>
        %jit3A = arith.constant 0 : i32
        %jit3A_380 = arith.constant 8191 : i32
        %max3A = vector.broadcast %jit3A : i32 to vector<16xi32>
        %max3A_381 = arith.maxsi %max3A, %sub3A_379 : vector<16xi32>
        %min3A = vector.broadcast %jit3A_380 : i32 to vector<16xi32>
        %min3A_382 = arith.minsi %min3A, %max3A_381 : vector<16xi32>
        tpu.vector_store_idx %arg9[%min3A_382], %get3A_366 : memref<8192xi32, #tpu.memory_space<vmem>>[vector<16xi32>], vector<16xi32>,
        tpu.vector_store_idx %arg10[%min3A_382], %get3A_370 : memref<8192xi32, #tpu.memory_space<vmem>>[vector<16xi32>], vector<16xi32>,
        %add3A_383 = arith.addi %gather3A, %unique3A_377 : vector<16xi32>
        tpu.vector_store_idx %arg11[%and3A_375], %add3A_383 masked %unique3A : memref<2048xi32, #tpu.memory_space<vmem>>[vector<16xi32>], vector<16xi32>, vector<16xi1>
        %scan3A_384 = arith.constant 0 : i32
        scf.yield %scan3A_384 : i32
      }
      %scan3A_304 = arith.constant 512 : i32
      %scan3A_305 = arith.constant 0 : i32
      %scan3A_306 = arith.constant 0 : i32
      %scan3A_307 = arith.constant 128 : i32
      %scan3A_308 = arith.addi %scan3A_306, %scan3A_307 : i32
      %scan3A_309 = arith.constant 1 : i32
      %scan3A_310 = scf.for %scan3A_361 = %scan3A_306 to %scan3A_308 step %scan3A_309 iter_args(%scan3A_362 = %scan3A_305) -> (i32)  : i32 {
        %broadcast_in_dim3A = arith.constant 0 : i32
        %broadcast_in_dim3A_363 = vector.broadcast %broadcast_in_dim3A : i32 to vector<16xi32>
        %mul3A_364 = arith.constant 16 : i32
        %mul3A_365 = arith.muli %scan3A_361, %mul3A_364 : i32
        %swap3A_366 = arith.index_cast %mul3A_365 : i32 to index
        %swap3A_367 = tpu.vector_load %arg11[%swap3A_366] {strides = array<i32>} : memref<2048xi32, #tpu.memory_space<vmem>>, vector<16xi32>,
        tpu.vector_store %arg11[%swap3A_366], %broadcast_in_dim3A_363 {strides = array<i32>} : memref<2048xi32, #tpu.memory_space<vmem>>, vector<16xi32>,
        %scan3A_368 = arith.constant 0 : i32
        scf.yield %scan3A_368 : i32
      }
      %scan3A_311 = arith.constant 128 : i32
      %scan3A_312 = arith.constant 0 : i32
      %scan3A_313 = arith.constant 0 : i32
      %scan3A_314 = arith.constant 512 : i32
      %scan3A_315 = arith.addi %scan3A_313, %scan3A_314 : i32
      %scan3A_316 = arith.constant 1 : i32
      %scan3A_317 = scf.for %scan3A_361 = %scan3A_313 to %scan3A_315 step %scan3A_316 iter_args(%scan3A_362 = %scan3A_312) -> (i32)  : i32 {
        %mul3A_363 = arith.constant 16 : i32
        %mul3A_364 = arith.muli %scan3A_361, %mul3A_363 : i32
        %get3A_365 = arith.index_cast %mul3A_364 : i32 to index
        %get3A_366 = tpu.vector_load %arg9[%get3A_365] {strides = array<i32>} : memref<8192xi32, #tpu.memory_space<vmem>>, vector<16xi32>,
        %bitcast3A = vector.bitcast %get3A_366 : vector<16xi32> to vector<16xi32>
        %shift_right_logical3A = arith.constant 11 : i32
        %shift_right_logical3A_367 = vector.broadcast %shift_right_logical3A : i32 to vector<16xi32>
        %shift_right_logical3A_368 = arith.shrui %bitcast3A, %shift_right_logical3A_367 : vector<16xi32>
        %bitcast3A_369 = vector.bitcast %shift_right_logical3A_368 : vector<16xi32> to vector<16xi32>
        %and3A = arith.constant 2047 : i32
        %and3A_370 = vector.broadcast %and3A : i32 to vector<16xi32>
        %and3A_371 = arith.andi %bitcast3A_369, %and3A_370 : vector<16xi32>
        %broadcast_in_dim3A = arith.constant true
        %broadcast_in_dim3A_372 = vector.broadcast %broadcast_in_dim3A : i1 to vector<16xi1>
        %unique3A, %unique3A_373 = tpu.scan_count mask(%broadcast_in_dim3A_372 : vector<16xi1>) value(%and3A_371 : vector<16xi32>) : vector<16xi1>, vector<16xi32>
        tpu.vector_store_idx %arg11[%and3A_371], %unique3A_373 masked %unique3A {add = true} : memref<2048xi32, #tpu.memory_space<vmem>>[vector<16xi32>], vector<16xi32>, vector<16xi1>
        %scan3A_374 = arith.constant 0 : i32
        scf.yield %scan3A_374 : i32
      }
      %scan3A_318 = arith.constant 512 : i32
      %scan3A_319 = arith.constant 0 : i32
      %scan3A_320 = arith.constant 0 : i32
      %scan3A_321 = arith.constant 128 : i32
      %scan3A_322 = arith.addi %scan3A_320, %scan3A_321 : i32
      %scan3A_323 = arith.constant 1 : i32
      %scan3A_324 = scf.for %scan3A_361 = %scan3A_320 to %scan3A_322 step %scan3A_323 iter_args(%scan3A_362 = %scan3A_319) -> (i32)  : i32 {
        %mul3A_363 = arith.constant 16 : i32
        %mul3A_364 = arith.muli %scan3A_361, %mul3A_363 : i32
        %get3A_365 = arith.index_cast %mul3A_364 : i32 to index
        %get3A_366 = tpu.vector_load %arg11[%get3A_365] {strides = array<i32>} : memref<2048xi32, #tpu.memory_space<vmem>>, vector<16xi32>,
        %broadcast_in_dim3A = arith.constant true
        %broadcast_in_dim3A_367 = vector.broadcast %broadcast_in_dim3A : i1 to vector<16xi1>
        %masked_cumsum3A = tpu.scan <sum>, %get3A_366 masked %broadcast_in_dim3A_367 : vector<16xi32>, vector<16xi1> -> vector<16xi32>
        %sub3A = arith.subi %masked_cumsum3A, %get3A_366 : vector<16xi32>
        %add3A = vector.broadcast %scan3A_362 : i32 to vector<16xi32>
        %add3A_368 = arith.addi %sub3A, %add3A : vector<16xi32>
        %mul3A_369 = arith.constant 16 : i32
        %mul3A_370 = arith.muli %scan3A_361, %mul3A_369 : i32
        %swap3A_371 = arith.index_cast %mul3A_370 : i32 to index
        %swap3A_372 = tpu.vector_load %arg11[%swap3A_371] {strides = array<i32>} : memref<2048xi32, #tpu.memory_space<vmem>>, vector<16xi32>,
        tpu.vector_store %arg11[%swap3A_371], %add3A_368 {strides = array<i32>} : memref<2048xi32, #tpu.memory_space<vmem>>, vector<16xi32>,
        %reduce_max3A = arith.constant true
        %reduce_max3A_373 = vector.broadcast %reduce_max3A : i1 to vector<16xi1>
        %reduce_max3A_374 = arith.constant -2147483648 : i32
        %reduce_max3A_375 = vector.broadcast %reduce_max3A_374 : i32 to vector<16xi32>
        %reduce_max3A_376 = arith.xori %masked_cumsum3A, %reduce_max3A_375 : vector<16xi32>
        %reduce_max3A_377 = tpu.scan <max>, %reduce_max3A_376 masked %reduce_max3A_373 : vector<16xi32>, vector<16xi1> -> vector<16xi32>
        %reduce_max3A_378 = arith.xori %reduce_max3A_377, %reduce_max3A_375 : vector<16xi32>
        %reduce_max3A_379 = vector.extract %reduce_max3A_378[15] : i32 from vector<16xi32>
        %add3A_380 = arith.addi %scan3A_362, %reduce_max3A_379 : i32
        scf.yield %add3A_380 : i32
      }
      %scan3A_325 = arith.constant 128 : i32
      %scan3A_326 = arith.constant 0 : i32
      %scan3A_327 = arith.constant 0 : i32
      %scan3A_328 = arith.constant 512 : i32
      %scan3A_329 = arith.addi %scan3A_327, %scan3A_328 : i32
      %scan3A_330 = arith.constant 1 : i32
      %scan3A_331 = scf.for %scan3A_361 = %scan3A_327 to %scan3A_329 step %scan3A_330 iter_args(%scan3A_362 = %scan3A_326) -> (i32)  : i32 {
        %mul3A_363 = arith.constant 16 : i32
        %mul3A_364 = arith.muli %scan3A_361, %mul3A_363 : i32
        %get3A_365 = arith.index_cast %mul3A_364 : i32 to index
        %get3A_366 = tpu.vector_load %arg9[%get3A_365] {strides = array<i32>} : memref<8192xi32, #tpu.memory_space<vmem>>, vector<16xi32>,
        %mul3A_367 = arith.constant 16 : i32
        %mul3A_368 = arith.muli %scan3A_361, %mul3A_367 : i32
        %get3A_369 = arith.index_cast %mul3A_368 : i32 to index
        %get3A_370 = tpu.vector_load %arg10[%get3A_369] {strides = array<i32>} : memref<8192xi32, #tpu.memory_space<vmem>>, vector<16xi32>,
        %bitcast3A = vector.bitcast %get3A_366 : vector<16xi32> to vector<16xi32>
        %shift_right_logical3A = arith.constant 11 : i32
        %shift_right_logical3A_371 = vector.broadcast %shift_right_logical3A : i32 to vector<16xi32>
        %shift_right_logical3A_372 = arith.shrui %bitcast3A, %shift_right_logical3A_371 : vector<16xi32>
        %bitcast3A_373 = vector.bitcast %shift_right_logical3A_372 : vector<16xi32> to vector<16xi32>
        %and3A = arith.constant 2047 : i32
        %and3A_374 = vector.broadcast %and3A : i32 to vector<16xi32>
        %and3A_375 = arith.andi %bitcast3A_373, %and3A_374 : vector<16xi32>
        %broadcast_in_dim3A = arith.constant true
        %broadcast_in_dim3A_376 = vector.broadcast %broadcast_in_dim3A : i1 to vector<16xi1>
        %unique3A, %unique3A_377 = tpu.scan_count mask(%broadcast_in_dim3A_376 : vector<16xi1>) value(%and3A_375 : vector<16xi32>) : vector<16xi1>, vector<16xi32>
        %gather3A = tpu.vector_load_idx %arg11[%and3A_375] : memref<2048xi32, #tpu.memory_space<vmem>>[vector<16xi32>], vector<16xi32>,
        %add3A = arith.addi %gather3A, %unique3A_377 : vector<16xi32>
        %sub3A = arith.constant 1 : i32
        %sub3A_378 = vector.broadcast %sub3A : i32 to vector<16xi32>
        %sub3A_379 = arith.subi %add3A, %sub3A_378 : vector<16xi32>
        %jit3A = arith.constant 0 : i32
        %jit3A_380 = arith.constant 8191 : i32
        %max3A = vector.broadcast %jit3A : i32 to vector<16xi32>
        %max3A_381 = arith.maxsi %max3A, %sub3A_379 : vector<16xi32>
        %min3A = vector.broadcast %jit3A_380 : i32 to vector<16xi32>
        %min3A_382 = arith.minsi %min3A, %max3A_381 : vector<16xi32>
        tpu.vector_store_idx %arg7[%min3A_382], %get3A_366 : memref<8192xi32, #tpu.memory_space<vmem>>[vector<16xi32>], vector<16xi32>,
        tpu.vector_store_idx %arg8[%min3A_382], %get3A_370 : memref<8192xi32, #tpu.memory_space<vmem>>[vector<16xi32>], vector<16xi32>,
        %add3A_383 = arith.addi %gather3A, %unique3A_377 : vector<16xi32>
        tpu.vector_store_idx %arg11[%and3A_375], %add3A_383 masked %unique3A : memref<2048xi32, #tpu.memory_space<vmem>>[vector<16xi32>], vector<16xi32>, vector<16xi1>
        %scan3A_384 = arith.constant 0 : i32
        scf.yield %scan3A_384 : i32
      }
      %scan3A_332 = arith.constant 512 : i32
      %scan3A_333 = arith.constant 0 : i32
      %scan3A_334 = arith.constant 0 : i32
      %scan3A_335 = arith.constant 128 : i32
      %scan3A_336 = arith.addi %scan3A_334, %scan3A_335 : i32
      %scan3A_337 = arith.constant 1 : i32
      %scan3A_338 = scf.for %scan3A_361 = %scan3A_334 to %scan3A_336 step %scan3A_337 iter_args(%scan3A_362 = %scan3A_333) -> (i32)  : i32 {
        %broadcast_in_dim3A = arith.constant 0 : i32
        %broadcast_in_dim3A_363 = vector.broadcast %broadcast_in_dim3A : i32 to vector<16xi32>
        %mul3A_364 = arith.constant 16 : i32
        %mul3A_365 = arith.muli %scan3A_361, %mul3A_364 : i32
        %swap3A_366 = arith.index_cast %mul3A_365 : i32 to index
        %swap3A_367 = tpu.vector_load %arg11[%swap3A_366] {strides = array<i32>} : memref<2048xi32, #tpu.memory_space<vmem>>, vector<16xi32>,
        tpu.vector_store %arg11[%swap3A_366], %broadcast_in_dim3A_363 {strides = array<i32>} : memref<2048xi32, #tpu.memory_space<vmem>>, vector<16xi32>,
        %scan3A_368 = arith.constant 0 : i32
        scf.yield %scan3A_368 : i32
      }
      %scan3A_339 = arith.constant 128 : i32
      %scan3A_340 = arith.constant 0 : i32
      %scan3A_341 = arith.constant 0 : i32
      %scan3A_342 = arith.constant 512 : i32
      %scan3A_343 = arith.addi %scan3A_341, %scan3A_342 : i32
      %scan3A_344 = arith.constant 1 : i32
      %scan3A_345 = scf.for %scan3A_361 = %scan3A_341 to %scan3A_343 step %scan3A_344 iter_args(%scan3A_362 = %scan3A_340) -> (i32)  : i32 {
        %mul3A_363 = arith.constant 16 : i32
        %mul3A_364 = arith.muli %scan3A_361, %mul3A_363 : i32
        %get3A_365 = arith.index_cast %mul3A_364 : i32 to index
        %get3A_366 = tpu.vector_load %arg7[%get3A_365] {strides = array<i32>} : memref<8192xi32, #tpu.memory_space<vmem>>, vector<16xi32>,
        %bitcast3A = vector.bitcast %get3A_366 : vector<16xi32> to vector<16xi32>
        %shift_right_logical3A = arith.constant 22 : i32
        %shift_right_logical3A_367 = vector.broadcast %shift_right_logical3A : i32 to vector<16xi32>
        %shift_right_logical3A_368 = arith.shrui %bitcast3A, %shift_right_logical3A_367 : vector<16xi32>
        %bitcast3A_369 = vector.bitcast %shift_right_logical3A_368 : vector<16xi32> to vector<16xi32>
        %and3A = arith.constant 1023 : i32
        %and3A_370 = vector.broadcast %and3A : i32 to vector<16xi32>
        %and3A_371 = arith.andi %bitcast3A_369, %and3A_370 : vector<16xi32>
        %broadcast_in_dim3A = arith.constant true
        %broadcast_in_dim3A_372 = vector.broadcast %broadcast_in_dim3A : i1 to vector<16xi1>
        %unique3A, %unique3A_373 = tpu.scan_count mask(%broadcast_in_dim3A_372 : vector<16xi1>) value(%and3A_371 : vector<16xi32>) : vector<16xi1>, vector<16xi32>
        tpu.vector_store_idx %arg11[%and3A_371], %unique3A_373 masked %unique3A {add = true} : memref<2048xi32, #tpu.memory_space<vmem>>[vector<16xi32>], vector<16xi32>, vector<16xi1>
        %scan3A_374 = arith.constant 0 : i32
        scf.yield %scan3A_374 : i32
      }
      %scan3A_346 = arith.constant 512 : i32
      %scan3A_347 = arith.constant 0 : i32
      %scan3A_348 = arith.constant 0 : i32
      %scan3A_349 = arith.constant 128 : i32
      %scan3A_350 = arith.addi %scan3A_348, %scan3A_349 : i32
      %scan3A_351 = arith.constant 1 : i32
      %scan3A_352 = scf.for %scan3A_361 = %scan3A_348 to %scan3A_350 step %scan3A_351 iter_args(%scan3A_362 = %scan3A_347) -> (i32)  : i32 {
        %mul3A_363 = arith.constant 16 : i32
        %mul3A_364 = arith.muli %scan3A_361, %mul3A_363 : i32
        %get3A_365 = arith.index_cast %mul3A_364 : i32 to index
        %get3A_366 = tpu.vector_load %arg11[%get3A_365] {strides = array<i32>} : memref<2048xi32, #tpu.memory_space<vmem>>, vector<16xi32>,
        %broadcast_in_dim3A = arith.constant true
        %broadcast_in_dim3A_367 = vector.broadcast %broadcast_in_dim3A : i1 to vector<16xi1>
        %masked_cumsum3A = tpu.scan <sum>, %get3A_366 masked %broadcast_in_dim3A_367 : vector<16xi32>, vector<16xi1> -> vector<16xi32>
        %sub3A = arith.subi %masked_cumsum3A, %get3A_366 : vector<16xi32>
        %add3A = vector.broadcast %scan3A_362 : i32 to vector<16xi32>
        %add3A_368 = arith.addi %sub3A, %add3A : vector<16xi32>
        %mul3A_369 = arith.constant 16 : i32
        %mul3A_370 = arith.muli %scan3A_361, %mul3A_369 : i32
        %swap3A_371 = arith.index_cast %mul3A_370 : i32 to index
        %swap3A_372 = tpu.vector_load %arg11[%swap3A_371] {strides = array<i32>} : memref<2048xi32, #tpu.memory_space<vmem>>, vector<16xi32>,
        tpu.vector_store %arg11[%swap3A_371], %add3A_368 {strides = array<i32>} : memref<2048xi32, #tpu.memory_space<vmem>>, vector<16xi32>,
        %reduce_max3A = arith.constant true
        %reduce_max3A_373 = vector.broadcast %reduce_max3A : i1 to vector<16xi1>
        %reduce_max3A_374 = arith.constant -2147483648 : i32
        %reduce_max3A_375 = vector.broadcast %reduce_max3A_374 : i32 to vector<16xi32>
        %reduce_max3A_376 = arith.xori %masked_cumsum3A, %reduce_max3A_375 : vector<16xi32>
        %reduce_max3A_377 = tpu.scan <max>, %reduce_max3A_376 masked %reduce_max3A_373 : vector<16xi32>, vector<16xi1> -> vector<16xi32>
        %reduce_max3A_378 = arith.xori %reduce_max3A_377, %reduce_max3A_375 : vector<16xi32>
        %reduce_max3A_379 = vector.extract %reduce_max3A_378[15] : i32 from vector<16xi32>
        %add3A_380 = arith.addi %scan3A_362, %reduce_max3A_379 : i32
        scf.yield %add3A_380 : i32
      }
      %scan3A_353 = arith.constant 128 : i32
      %scan3A_354 = arith.constant 0 : i32
      %scan3A_355 = arith.constant 0 : i32
      %scan3A_356 = arith.constant 512 : i32
      %scan3A_357 = arith.addi %scan3A_355, %scan3A_356 : i32
      %scan3A_358 = arith.constant 1 : i32
      %scan3A_359 = scf.for %scan3A_361 = %scan3A_355 to %scan3A_357 step %scan3A_358 iter_args(%scan3A_362 = %scan3A_354) -> (i32)  : i32 {
        %mul3A_363 = arith.constant 16 : i32
        %mul3A_364 = arith.muli %scan3A_361, %mul3A_363 : i32
        %get3A_365 = arith.index_cast %mul3A_364 : i32 to index
        %get3A_366 = tpu.vector_load %arg7[%get3A_365] {strides = array<i32>} : memref<8192xi32, #tpu.memory_space<vmem>>, vector<16xi32>,
        %mul3A_367 = arith.constant 16 : i32
        %mul3A_368 = arith.muli %scan3A_361, %mul3A_367 : i32
        %get3A_369 = arith.index_cast %mul3A_368 : i32 to index
        %get3A_370 = tpu.vector_load %arg8[%get3A_369] {strides = array<i32>} : memref<8192xi32, #tpu.memory_space<vmem>>, vector<16xi32>,
        %bitcast3A = vector.bitcast %get3A_366 : vector<16xi32> to vector<16xi32>
        %shift_right_logical3A = arith.constant 22 : i32
        %shift_right_logical3A_371 = vector.broadcast %shift_right_logical3A : i32 to vector<16xi32>
        %shift_right_logical3A_372 = arith.shrui %bitcast3A, %shift_right_logical3A_371 : vector<16xi32>
        %bitcast3A_373 = vector.bitcast %shift_right_logical3A_372 : vector<16xi32> to vector<16xi32>
        %and3A = arith.constant 1023 : i32
        %and3A_374 = vector.broadcast %and3A : i32 to vector<16xi32>
        %and3A_375 = arith.andi %bitcast3A_373, %and3A_374 : vector<16xi32>
        %broadcast_in_dim3A = arith.constant true
        %broadcast_in_dim3A_376 = vector.broadcast %broadcast_in_dim3A : i1 to vector<16xi1>
        %unique3A, %unique3A_377 = tpu.scan_count mask(%broadcast_in_dim3A_376 : vector<16xi1>) value(%and3A_375 : vector<16xi32>) : vector<16xi1>, vector<16xi32>
        %gather3A = tpu.vector_load_idx %arg11[%and3A_375] : memref<2048xi32, #tpu.memory_space<vmem>>[vector<16xi32>], vector<16xi32>,
        %add3A = arith.addi %gather3A, %unique3A_377 : vector<16xi32>
        %sub3A = arith.constant 1 : i32
        %sub3A_378 = vector.broadcast %sub3A : i32 to vector<16xi32>
        %sub3A_379 = arith.subi %add3A, %sub3A_378 : vector<16xi32>
        %jit3A = arith.constant 0 : i32
        %jit3A_380 = arith.constant 8191 : i32
        %max3A = vector.broadcast %jit3A : i32 to vector<16xi32>
        %max3A_381 = arith.maxsi %max3A, %sub3A_379 : vector<16xi32>
        %min3A = vector.broadcast %jit3A_380 : i32 to vector<16xi32>
        %min3A_382 = arith.minsi %min3A, %max3A_381 : vector<16xi32>
        tpu.vector_store_idx %arg9[%min3A_382], %get3A_366 : memref<8192xi32, #tpu.memory_space<vmem>>[vector<16xi32>], vector<16xi32>,
        tpu.vector_store_idx %arg10[%min3A_382], %get3A_370 : memref<8192xi32, #tpu.memory_space<vmem>>[vector<16xi32>], vector<16xi32>,
        %add3A_383 = arith.addi %gather3A, %unique3A_377 : vector<16xi32>
        tpu.vector_store_idx %arg11[%and3A_375], %add3A_383 masked %unique3A : memref<2048xi32, #tpu.memory_space<vmem>>[vector<16xi32>], vector<16xi32>, vector<16xi1>
        %scan3A_384 = arith.constant 0 : i32
        scf.yield %scan3A_384 : i32
      }
      %scan3A_360 = arith.constant 512 : i32
      "tpu.region"() ({
        %run_scoped3A = tpu.sem_alloc : memref<!tpu.dma_semaphore, #tpu.memory_space<semaphore_mem>>
        tpu.enqueue_dma source(%arg10 : memref<8192xi32, #tpu.memory_space<vmem>>) target(%arg5 : memref<8192xi32, #tpu.memory_space<hbm>>) target_semaphore(%run_scoped3A : memref<!tpu.dma_semaphore, #tpu.memory_space<semaphore_mem>>)
        tpu.wait_dma2 semaphore(%run_scoped3A : memref<!tpu.dma_semaphore, #tpu.memory_space<semaphore_mem>>) src(%arg10 : memref<8192xi32, #tpu.memory_space<vmem>>) dst(%arg5 : memref<8192xi32, #tpu.memory_space<hbm>>)
        tpu.yield
      }) : () -> ()
    } else {
    }
    %barrier3A = arith.constant 0 : index
    tpu.barrier barrier_id(%barrier3A)
    %mul3A = arith.constant 512 : i32
    %mul3A_2 = arith.muli %arg1, %mul3A : i32
    "tpu.region"() ({
      %run_scoped3A = tpu.sem_alloc : memref<!tpu.dma_semaphore, #tpu.memory_space<semaphore_mem>>
      %dma_start3A_271 = tpu.memref_slice %arg5[%mul3A_2] : memref<8192xi32, #tpu.memory_space<hbm>> -> memref<512xi32, #tpu.memory_space<hbm>>
      %dma_start3A_272 = tpu.memref_slice %arg5[%mul3A_2] : memref<8192xi32, #tpu.memory_space<hbm>> -> memref<512xi32, #tpu.memory_space<hbm>>
      tpu.enqueue_dma source(%dma_start3A_272 : memref<512xi32, #tpu.memory_space<hbm>>) target(%arg12 : memref<512xi32, #tpu.memory_space<vmem>>) target_semaphore(%run_scoped3A : memref<!tpu.dma_semaphore, #tpu.memory_space<semaphore_mem>>)
      %dma_wait3A_273 = tpu.memref_slice %arg5[%mul3A_2] : memref<8192xi32, #tpu.memory_space<hbm>> -> memref<512xi32, #tpu.memory_space<hbm>>
      %dma_wait3A_274 = tpu.memref_slice %arg5[%mul3A_2] : memref<8192xi32, #tpu.memory_space<hbm>> -> memref<512xi32, #tpu.memory_space<hbm>>
      tpu.wait_dma2 semaphore(%run_scoped3A : memref<!tpu.dma_semaphore, #tpu.memory_space<semaphore_mem>>) src(%dma_wait3A_274 : memref<512xi32, #tpu.memory_space<hbm>>) dst(%arg12 : memref<512xi32, #tpu.memory_space<vmem>>)
      tpu.yield
    }) : () -> ()
    %get3A = arith.constant 0 : index
    %get3A_3 = tpu.vector_load %arg12[%get3A] {strides = array<i32>} : memref<512xi32, #tpu.memory_space<vmem>>, vector<16xi32>,
    %swap3A = arith.constant 0 : i32
    %swap3A_4 = arith.index_cast %swap3A : i32 to index
    %swap3A_5 = arith.constant 0 : index
    %swap3A_6 = tpu.vector_load %arg13[%swap3A_4, %swap3A_5] {strides = array<i32>} : memref<4x128xi32, #tpu.memory_space<vmem>>, vector<16xi32>,
    tpu.vector_store %arg13[%swap3A_4, %swap3A_5], %get3A_3 {strides = array<i32>} : memref<4x128xi32, #tpu.memory_space<vmem>>, vector<16xi32>,
    %get3A_7 = arith.constant 16 : index
    %get3A_8 = tpu.vector_load %arg12[%get3A_7] {strides = array<i32>} : memref<512xi32, #tpu.memory_space<vmem>>, vector<16xi32>,
    %swap3A_9 = arith.constant 0 : i32
    %swap3A_10 = arith.index_cast %swap3A_9 : i32 to index
    %swap3A_11 = arith.constant 16 : index
    %swap3A_12 = tpu.vector_load %arg13[%swap3A_10, %swap3A_11] {strides = array<i32>} : memref<4x128xi32, #tpu.memory_space<vmem>>, vector<16xi32>,
    tpu.vector_store %arg13[%swap3A_10, %swap3A_11], %get3A_8 {strides = array<i32>} : memref<4x128xi32, #tpu.memory_space<vmem>>, vector<16xi32>,
    %get3A_13 = arith.constant 32 : index
    %get3A_14 = tpu.vector_load %arg12[%get3A_13] {strides = array<i32>} : memref<512xi32, #tpu.memory_space<vmem>>, vector<16xi32>,
    %swap3A_15 = arith.constant 0 : i32
    %swap3A_16 = arith.index_cast %swap3A_15 : i32 to index
    %swap3A_17 = arith.constant 32 : index
    %swap3A_18 = tpu.vector_load %arg13[%swap3A_16, %swap3A_17] {strides = array<i32>} : memref<4x128xi32, #tpu.memory_space<vmem>>, vector<16xi32>,
    tpu.vector_store %arg13[%swap3A_16, %swap3A_17], %get3A_14 {strides = array<i32>} : memref<4x128xi32, #tpu.memory_space<vmem>>, vector<16xi32>,
    %get3A_19 = arith.constant 48 : index
    %get3A_20 = tpu.vector_load %arg12[%get3A_19] {strides = array<i32>} : memref<512xi32, #tpu.memory_space<vmem>>, vector<16xi32>,
    %swap3A_21 = arith.constant 0 : i32
    %swap3A_22 = arith.index_cast %swap3A_21 : i32 to index
    %swap3A_23 = arith.constant 48 : index
    %swap3A_24 = tpu.vector_load %arg13[%swap3A_22, %swap3A_23] {strides = array<i32>} : memref<4x128xi32, #tpu.memory_space<vmem>>, vector<16xi32>,
    tpu.vector_store %arg13[%swap3A_22, %swap3A_23], %get3A_20 {strides = array<i32>} : memref<4x128xi32, #tpu.memory_space<vmem>>, vector<16xi32>,
    %get3A_25 = arith.constant 64 : index
    %get3A_26 = tpu.vector_load %arg12[%get3A_25] {strides = array<i32>} : memref<512xi32, #tpu.memory_space<vmem>>, vector<16xi32>,
    %swap3A_27 = arith.constant 0 : i32
    %swap3A_28 = arith.index_cast %swap3A_27 : i32 to index
    %swap3A_29 = arith.constant 64 : index
    %swap3A_30 = tpu.vector_load %arg13[%swap3A_28, %swap3A_29] {strides = array<i32>} : memref<4x128xi32, #tpu.memory_space<vmem>>, vector<16xi32>,
    tpu.vector_store %arg13[%swap3A_28, %swap3A_29], %get3A_26 {strides = array<i32>} : memref<4x128xi32, #tpu.memory_space<vmem>>, vector<16xi32>,
    %get3A_31 = arith.constant 80 : index
    %get3A_32 = tpu.vector_load %arg12[%get3A_31] {strides = array<i32>} : memref<512xi32, #tpu.memory_space<vmem>>, vector<16xi32>,
    %swap3A_33 = arith.constant 0 : i32
    %swap3A_34 = arith.index_cast %swap3A_33 : i32 to index
    %swap3A_35 = arith.constant 80 : index
    %swap3A_36 = tpu.vector_load %arg13[%swap3A_34, %swap3A_35] {strides = array<i32>} : memref<4x128xi32, #tpu.memory_space<vmem>>, vector<16xi32>,
    tpu.vector_store %arg13[%swap3A_34, %swap3A_35], %get3A_32 {strides = array<i32>} : memref<4x128xi32, #tpu.memory_space<vmem>>, vector<16xi32>,
    %get3A_37 = arith.constant 96 : index
    %get3A_38 = tpu.vector_load %arg12[%get3A_37] {strides = array<i32>} : memref<512xi32, #tpu.memory_space<vmem>>, vector<16xi32>,
    %swap3A_39 = arith.constant 0 : i32
    %swap3A_40 = arith.index_cast %swap3A_39 : i32 to index
    %swap3A_41 = arith.constant 96 : index
    %swap3A_42 = tpu.vector_load %arg13[%swap3A_40, %swap3A_41] {strides = array<i32>} : memref<4x128xi32, #tpu.memory_space<vmem>>, vector<16xi32>,
    tpu.vector_store %arg13[%swap3A_40, %swap3A_41], %get3A_38 {strides = array<i32>} : memref<4x128xi32, #tpu.memory_space<vmem>>, vector<16xi32>,
    %get3A_43 = arith.constant 112 : index
    %get3A_44 = tpu.vector_load %arg12[%get3A_43] {strides = array<i32>} : memref<512xi32, #tpu.memory_space<vmem>>, vector<16xi32>,
    %swap3A_45 = arith.constant 0 : i32
    %swap3A_46 = arith.index_cast %swap3A_45 : i32 to index
    %swap3A_47 = arith.constant 112 : index
    %swap3A_48 = tpu.vector_load %arg13[%swap3A_46, %swap3A_47] {strides = array<i32>} : memref<4x128xi32, #tpu.memory_space<vmem>>, vector<16xi32>,
    tpu.vector_store %arg13[%swap3A_46, %swap3A_47], %get3A_44 {strides = array<i32>} : memref<4x128xi32, #tpu.memory_space<vmem>>, vector<16xi32>,
    %get3A_49 = arith.constant 128 : index
    %get3A_50 = tpu.vector_load %arg12[%get3A_49] {strides = array<i32>} : memref<512xi32, #tpu.memory_space<vmem>>, vector<16xi32>,
    %swap3A_51 = arith.constant 1 : i32
    %swap3A_52 = arith.index_cast %swap3A_51 : i32 to index
    %swap3A_53 = arith.constant 0 : index
    %swap3A_54 = tpu.vector_load %arg13[%swap3A_52, %swap3A_53] {strides = array<i32>} : memref<4x128xi32, #tpu.memory_space<vmem>>, vector<16xi32>,
    tpu.vector_store %arg13[%swap3A_52, %swap3A_53], %get3A_50 {strides = array<i32>} : memref<4x128xi32, #tpu.memory_space<vmem>>, vector<16xi32>,
    %get3A_55 = arith.constant 144 : index
    %get3A_56 = tpu.vector_load %arg12[%get3A_55] {strides = array<i32>} : memref<512xi32, #tpu.memory_space<vmem>>, vector<16xi32>,
    %swap3A_57 = arith.constant 1 : i32
    %swap3A_58 = arith.index_cast %swap3A_57 : i32 to index
    %swap3A_59 = arith.constant 16 : index
    %swap3A_60 = tpu.vector_load %arg13[%swap3A_58, %swap3A_59] {strides = array<i32>} : memref<4x128xi32, #tpu.memory_space<vmem>>, vector<16xi32>,
    tpu.vector_store %arg13[%swap3A_58, %swap3A_59], %get3A_56 {strides = array<i32>} : memref<4x128xi32, #tpu.memory_space<vmem>>, vector<16xi32>,
    %get3A_61 = arith.constant 160 : index
    %get3A_62 = tpu.vector_load %arg12[%get3A_61] {strides = array<i32>} : memref<512xi32, #tpu.memory_space<vmem>>, vector<16xi32>,
    %swap3A_63 = arith.constant 1 : i32
    %swap3A_64 = arith.index_cast %swap3A_63 : i32 to index
    %swap3A_65 = arith.constant 32 : index
    %swap3A_66 = tpu.vector_load %arg13[%swap3A_64, %swap3A_65] {strides = array<i32>} : memref<4x128xi32, #tpu.memory_space<vmem>>, vector<16xi32>,
    tpu.vector_store %arg13[%swap3A_64, %swap3A_65], %get3A_62 {strides = array<i32>} : memref<4x128xi32, #tpu.memory_space<vmem>>, vector<16xi32>,
    %get3A_67 = arith.constant 176 : index
    %get3A_68 = tpu.vector_load %arg12[%get3A_67] {strides = array<i32>} : memref<512xi32, #tpu.memory_space<vmem>>, vector<16xi32>,
    %swap3A_69 = arith.constant 1 : i32
    %swap3A_70 = arith.index_cast %swap3A_69 : i32 to index
    %swap3A_71 = arith.constant 48 : index
    %swap3A_72 = tpu.vector_load %arg13[%swap3A_70, %swap3A_71] {strides = array<i32>} : memref<4x128xi32, #tpu.memory_space<vmem>>, vector<16xi32>,
    tpu.vector_store %arg13[%swap3A_70, %swap3A_71], %get3A_68 {strides = array<i32>} : memref<4x128xi32, #tpu.memory_space<vmem>>, vector<16xi32>,
    %get3A_73 = arith.constant 192 : index
    %get3A_74 = tpu.vector_load %arg12[%get3A_73] {strides = array<i32>} : memref<512xi32, #tpu.memory_space<vmem>>, vector<16xi32>,
    %swap3A_75 = arith.constant 1 : i32
    %swap3A_76 = arith.index_cast %swap3A_75 : i32 to index
    %swap3A_77 = arith.constant 64 : index
    %swap3A_78 = tpu.vector_load %arg13[%swap3A_76, %swap3A_77] {strides = array<i32>} : memref<4x128xi32, #tpu.memory_space<vmem>>, vector<16xi32>,
    tpu.vector_store %arg13[%swap3A_76, %swap3A_77], %get3A_74 {strides = array<i32>} : memref<4x128xi32, #tpu.memory_space<vmem>>, vector<16xi32>,
    %get3A_79 = arith.constant 208 : index
    %get3A_80 = tpu.vector_load %arg12[%get3A_79] {strides = array<i32>} : memref<512xi32, #tpu.memory_space<vmem>>, vector<16xi32>,
    %swap3A_81 = arith.constant 1 : i32
    %swap3A_82 = arith.index_cast %swap3A_81 : i32 to index
    %swap3A_83 = arith.constant 80 : index
    %swap3A_84 = tpu.vector_load %arg13[%swap3A_82, %swap3A_83] {strides = array<i32>} : memref<4x128xi32, #tpu.memory_space<vmem>>, vector<16xi32>,
    tpu.vector_store %arg13[%swap3A_82, %swap3A_83], %get3A_80 {strides = array<i32>} : memref<4x128xi32, #tpu.memory_space<vmem>>, vector<16xi32>,
    %get3A_85 = arith.constant 224 : index
    %get3A_86 = tpu.vector_load %arg12[%get3A_85] {strides = array<i32>} : memref<512xi32, #tpu.memory_space<vmem>>, vector<16xi32>,
    %swap3A_87 = arith.constant 1 : i32
    %swap3A_88 = arith.index_cast %swap3A_87 : i32 to index
    %swap3A_89 = arith.constant 96 : index
    %swap3A_90 = tpu.vector_load %arg13[%swap3A_88, %swap3A_89] {strides = array<i32>} : memref<4x128xi32, #tpu.memory_space<vmem>>, vector<16xi32>,
    tpu.vector_store %arg13[%swap3A_88, %swap3A_89], %get3A_86 {strides = array<i32>} : memref<4x128xi32, #tpu.memory_space<vmem>>, vector<16xi32>,
    %get3A_91 = arith.constant 240 : index
    %get3A_92 = tpu.vector_load %arg12[%get3A_91] {strides = array<i32>} : memref<512xi32, #tpu.memory_space<vmem>>, vector<16xi32>,
    %swap3A_93 = arith.constant 1 : i32
    %swap3A_94 = arith.index_cast %swap3A_93 : i32 to index
    %swap3A_95 = arith.constant 112 : index
    %swap3A_96 = tpu.vector_load %arg13[%swap3A_94, %swap3A_95] {strides = array<i32>} : memref<4x128xi32, #tpu.memory_space<vmem>>, vector<16xi32>,
    tpu.vector_store %arg13[%swap3A_94, %swap3A_95], %get3A_92 {strides = array<i32>} : memref<4x128xi32, #tpu.memory_space<vmem>>, vector<16xi32>,
    %get3A_97 = arith.constant 256 : index
    %get3A_98 = tpu.vector_load %arg12[%get3A_97] {strides = array<i32>} : memref<512xi32, #tpu.memory_space<vmem>>, vector<16xi32>,
    %swap3A_99 = arith.constant 2 : i32
    %swap3A_100 = arith.index_cast %swap3A_99 : i32 to index
    %swap3A_101 = arith.constant 0 : index
    %swap3A_102 = tpu.vector_load %arg13[%swap3A_100, %swap3A_101] {strides = array<i32>} : memref<4x128xi32, #tpu.memory_space<vmem>>, vector<16xi32>,
    tpu.vector_store %arg13[%swap3A_100, %swap3A_101], %get3A_98 {strides = array<i32>} : memref<4x128xi32, #tpu.memory_space<vmem>>, vector<16xi32>,
    %get3A_103 = arith.constant 272 : index
    %get3A_104 = tpu.vector_load %arg12[%get3A_103] {strides = array<i32>} : memref<512xi32, #tpu.memory_space<vmem>>, vector<16xi32>,
    %swap3A_105 = arith.constant 2 : i32
    %swap3A_106 = arith.index_cast %swap3A_105 : i32 to index
    %swap3A_107 = arith.constant 16 : index
    %swap3A_108 = tpu.vector_load %arg13[%swap3A_106, %swap3A_107] {strides = array<i32>} : memref<4x128xi32, #tpu.memory_space<vmem>>, vector<16xi32>,
    tpu.vector_store %arg13[%swap3A_106, %swap3A_107], %get3A_104 {strides = array<i32>} : memref<4x128xi32, #tpu.memory_space<vmem>>, vector<16xi32>,
    %get3A_109 = arith.constant 288 : index
    %get3A_110 = tpu.vector_load %arg12[%get3A_109] {strides = array<i32>} : memref<512xi32, #tpu.memory_space<vmem>>, vector<16xi32>,
    %swap3A_111 = arith.constant 2 : i32
    %swap3A_112 = arith.index_cast %swap3A_111 : i32 to index
    %swap3A_113 = arith.constant 32 : index
    %swap3A_114 = tpu.vector_load %arg13[%swap3A_112, %swap3A_113] {strides = array<i32>} : memref<4x128xi32, #tpu.memory_space<vmem>>, vector<16xi32>,
    tpu.vector_store %arg13[%swap3A_112, %swap3A_113], %get3A_110 {strides = array<i32>} : memref<4x128xi32, #tpu.memory_space<vmem>>, vector<16xi32>,
    %get3A_115 = arith.constant 304 : index
    %get3A_116 = tpu.vector_load %arg12[%get3A_115] {strides = array<i32>} : memref<512xi32, #tpu.memory_space<vmem>>, vector<16xi32>,
    %swap3A_117 = arith.constant 2 : i32
    %swap3A_118 = arith.index_cast %swap3A_117 : i32 to index
    %swap3A_119 = arith.constant 48 : index
    %swap3A_120 = tpu.vector_load %arg13[%swap3A_118, %swap3A_119] {strides = array<i32>} : memref<4x128xi32, #tpu.memory_space<vmem>>, vector<16xi32>,
    tpu.vector_store %arg13[%swap3A_118, %swap3A_119], %get3A_116 {strides = array<i32>} : memref<4x128xi32, #tpu.memory_space<vmem>>, vector<16xi32>,
    %get3A_121 = arith.constant 320 : index
    %get3A_122 = tpu.vector_load %arg12[%get3A_121] {strides = array<i32>} : memref<512xi32, #tpu.memory_space<vmem>>, vector<16xi32>,
    %swap3A_123 = arith.constant 2 : i32
    %swap3A_124 = arith.index_cast %swap3A_123 : i32 to index
    %swap3A_125 = arith.constant 64 : index
    %swap3A_126 = tpu.vector_load %arg13[%swap3A_124, %swap3A_125] {strides = array<i32>} : memref<4x128xi32, #tpu.memory_space<vmem>>, vector<16xi32>,
    tpu.vector_store %arg13[%swap3A_124, %swap3A_125], %get3A_122 {strides = array<i32>} : memref<4x128xi32, #tpu.memory_space<vmem>>, vector<16xi32>,
    %get3A_127 = arith.constant 336 : index
    %get3A_128 = tpu.vector_load %arg12[%get3A_127] {strides = array<i32>} : memref<512xi32, #tpu.memory_space<vmem>>, vector<16xi32>,
    %swap3A_129 = arith.constant 2 : i32
    %swap3A_130 = arith.index_cast %swap3A_129 : i32 to index
    %swap3A_131 = arith.constant 80 : index
    %swap3A_132 = tpu.vector_load %arg13[%swap3A_130, %swap3A_131] {strides = array<i32>} : memref<4x128xi32, #tpu.memory_space<vmem>>, vector<16xi32>,
    tpu.vector_store %arg13[%swap3A_130, %swap3A_131], %get3A_128 {strides = array<i32>} : memref<4x128xi32, #tpu.memory_space<vmem>>, vector<16xi32>,
    %get3A_133 = arith.constant 352 : index
    %get3A_134 = tpu.vector_load %arg12[%get3A_133] {strides = array<i32>} : memref<512xi32, #tpu.memory_space<vmem>>, vector<16xi32>,
    %swap3A_135 = arith.constant 2 : i32
    %swap3A_136 = arith.index_cast %swap3A_135 : i32 to index
    %swap3A_137 = arith.constant 96 : index
    %swap3A_138 = tpu.vector_load %arg13[%swap3A_136, %swap3A_137] {strides = array<i32>} : memref<4x128xi32, #tpu.memory_space<vmem>>, vector<16xi32>,
    tpu.vector_store %arg13[%swap3A_136, %swap3A_137], %get3A_134 {strides = array<i32>} : memref<4x128xi32, #tpu.memory_space<vmem>>, vector<16xi32>,
    %get3A_139 = arith.constant 368 : index
    %get3A_140 = tpu.vector_load %arg12[%get3A_139] {strides = array<i32>} : memref<512xi32, #tpu.memory_space<vmem>>, vector<16xi32>,
    %swap3A_141 = arith.constant 2 : i32
    %swap3A_142 = arith.index_cast %swap3A_141 : i32 to index
    %swap3A_143 = arith.constant 112 : index
    %swap3A_144 = tpu.vector_load %arg13[%swap3A_142, %swap3A_143] {strides = array<i32>} : memref<4x128xi32, #tpu.memory_space<vmem>>, vector<16xi32>,
    tpu.vector_store %arg13[%swap3A_142, %swap3A_143], %get3A_140 {strides = array<i32>} : memref<4x128xi32, #tpu.memory_space<vmem>>, vector<16xi32>,
    %get3A_145 = arith.constant 384 : index
    %get3A_146 = tpu.vector_load %arg12[%get3A_145] {strides = array<i32>} : memref<512xi32, #tpu.memory_space<vmem>>, vector<16xi32>,
    %swap3A_147 = arith.constant 3 : i32
    %swap3A_148 = arith.index_cast %swap3A_147 : i32 to index
    %swap3A_149 = arith.constant 0 : index
    %swap3A_150 = tpu.vector_load %arg13[%swap3A_148, %swap3A_149] {strides = array<i32>} : memref<4x128xi32, #tpu.memory_space<vmem>>, vector<16xi32>,
    tpu.vector_store %arg13[%swap3A_148, %swap3A_149], %get3A_146 {strides = array<i32>} : memref<4x128xi32, #tpu.memory_space<vmem>>, vector<16xi32>,
    %get3A_151 = arith.constant 400 : index
    %get3A_152 = tpu.vector_load %arg12[%get3A_151] {strides = array<i32>} : memref<512xi32, #tpu.memory_space<vmem>>, vector<16xi32>,
    %swap3A_153 = arith.constant 3 : i32
    %swap3A_154 = arith.index_cast %swap3A_153 : i32 to index
    %swap3A_155 = arith.constant 16 : index
    %swap3A_156 = tpu.vector_load %arg13[%swap3A_154, %swap3A_155] {strides = array<i32>} : memref<4x128xi32, #tpu.memory_space<vmem>>, vector<16xi32>,
    tpu.vector_store %arg13[%swap3A_154, %swap3A_155], %get3A_152 {strides = array<i32>} : memref<4x128xi32, #tpu.memory_space<vmem>>, vector<16xi32>,
    %get3A_157 = arith.constant 416 : index
    %get3A_158 = tpu.vector_load %arg12[%get3A_157] {strides = array<i32>} : memref<512xi32, #tpu.memory_space<vmem>>, vector<16xi32>,
    %swap3A_159 = arith.constant 3 : i32
    %swap3A_160 = arith.index_cast %swap3A_159 : i32 to index
    %swap3A_161 = arith.constant 32 : index
    %swap3A_162 = tpu.vector_load %arg13[%swap3A_160, %swap3A_161] {strides = array<i32>} : memref<4x128xi32, #tpu.memory_space<vmem>>, vector<16xi32>,
    tpu.vector_store %arg13[%swap3A_160, %swap3A_161], %get3A_158 {strides = array<i32>} : memref<4x128xi32, #tpu.memory_space<vmem>>, vector<16xi32>,
    %get3A_163 = arith.constant 432 : index
    %get3A_164 = tpu.vector_load %arg12[%get3A_163] {strides = array<i32>} : memref<512xi32, #tpu.memory_space<vmem>>, vector<16xi32>,
    %swap3A_165 = arith.constant 3 : i32
    %swap3A_166 = arith.index_cast %swap3A_165 : i32 to index
    %swap3A_167 = arith.constant 48 : index
    %swap3A_168 = tpu.vector_load %arg13[%swap3A_166, %swap3A_167] {strides = array<i32>} : memref<4x128xi32, #tpu.memory_space<vmem>>, vector<16xi32>,
    tpu.vector_store %arg13[%swap3A_166, %swap3A_167], %get3A_164 {strides = array<i32>} : memref<4x128xi32, #tpu.memory_space<vmem>>, vector<16xi32>,
    %get3A_169 = arith.constant 448 : index
    %get3A_170 = tpu.vector_load %arg12[%get3A_169] {strides = array<i32>} : memref<512xi32, #tpu.memory_space<vmem>>, vector<16xi32>,
    %swap3A_171 = arith.constant 3 : i32
    %swap3A_172 = arith.index_cast %swap3A_171 : i32 to index
    %swap3A_173 = arith.constant 64 : index
    %swap3A_174 = tpu.vector_load %arg13[%swap3A_172, %swap3A_173] {strides = array<i32>} : memref<4x128xi32, #tpu.memory_space<vmem>>, vector<16xi32>,
    tpu.vector_store %arg13[%swap3A_172, %swap3A_173], %get3A_170 {strides = array<i32>} : memref<4x128xi32, #tpu.memory_space<vmem>>, vector<16xi32>,
    %get3A_175 = arith.constant 464 : index
    %get3A_176 = tpu.vector_load %arg12[%get3A_175] {strides = array<i32>} : memref<512xi32, #tpu.memory_space<vmem>>, vector<16xi32>,
    %swap3A_177 = arith.constant 3 : i32
    %swap3A_178 = arith.index_cast %swap3A_177 : i32 to index
    %swap3A_179 = arith.constant 80 : index
    %swap3A_180 = tpu.vector_load %arg13[%swap3A_178, %swap3A_179] {strides = array<i32>} : memref<4x128xi32, #tpu.memory_space<vmem>>, vector<16xi32>,
    tpu.vector_store %arg13[%swap3A_178, %swap3A_179], %get3A_176 {strides = array<i32>} : memref<4x128xi32, #tpu.memory_space<vmem>>, vector<16xi32>,
    %get3A_181 = arith.constant 480 : index
    %get3A_182 = tpu.vector_load %arg12[%get3A_181] {strides = array<i32>} : memref<512xi32, #tpu.memory_space<vmem>>, vector<16xi32>,
    %swap3A_183 = arith.constant 3 : i32
    %swap3A_184 = arith.index_cast %swap3A_183 : i32 to index
    %swap3A_185 = arith.constant 96 : index
    %swap3A_186 = tpu.vector_load %arg13[%swap3A_184, %swap3A_185] {strides = array<i32>} : memref<4x128xi32, #tpu.memory_space<vmem>>, vector<16xi32>,
    tpu.vector_store %arg13[%swap3A_184, %swap3A_185], %get3A_182 {strides = array<i32>} : memref<4x128xi32, #tpu.memory_space<vmem>>, vector<16xi32>,
    %get3A_187 = arith.constant 496 : index
    %get3A_188 = tpu.vector_load %arg12[%get3A_187] {strides = array<i32>} : memref<512xi32, #tpu.memory_space<vmem>>, vector<16xi32>,
    %swap3A_189 = arith.constant 3 : i32
    %swap3A_190 = arith.index_cast %swap3A_189 : i32 to index
    %swap3A_191 = arith.constant 112 : index
    %swap3A_192 = tpu.vector_load %arg13[%swap3A_190, %swap3A_191] {strides = array<i32>} : memref<4x128xi32, #tpu.memory_space<vmem>>, vector<16xi32>,
    tpu.vector_store %arg13[%swap3A_190, %swap3A_191], %get3A_188 {strides = array<i32>} : memref<4x128xi32, #tpu.memory_space<vmem>>, vector<16xi32>,
    %dma_start3A = arith.constant 0 : i32
    %dma_start3A_193 = arith.constant 0 : i32
    %dma_start3A_194 = arith.constant 0 : i32
    %dma_start3A_195 = tpu.memref_slice %arg14[%dma_start3A_193, %dma_start3A_194] : memref<4x128xf32, #tpu.memory_space<vmem>> -> memref<1x128xf32, #tpu.memory_space<vmem>>
    %dma_start3A_196 = tpu.memref_squeeze %dma_start3A_195 : memref<1x128xf32, #tpu.memory_space<vmem>> -> memref<128xf32, #tpu.memory_space<vmem>>
    %dma_start3A_197 = arith.constant 0 : i32
    %dma_start3A_198 = tpu.memref_slice %arg13[%dma_start3A, %dma_start3A_197] : memref<4x128xi32, #tpu.memory_space<vmem>> -> memref<1x128xi32, #tpu.memory_space<vmem>>
    %dma_start3A_199 = tpu.memref_squeeze %dma_start3A_198 : memref<1x128xi32, #tpu.memory_space<vmem>> -> memref<128xi32, #tpu.memory_space<vmem>>
    %dma_start3A_200 = arith.constant 0 : i32
    %dma_start3A_201 = tpu.memref_slice %arg4[%dma_start3A_200] : memref<1000000xf32, #tpu.memory_space<hbm>> -> memref<1000000xf32, #tpu.memory_space<hbm>>
    tpu.enqueue_indirect_dma source(%dma_start3A_201 : memref<1000000xf32, #tpu.memory_space<hbm>>) target(%dma_start3A_196 : memref<128xf32, #tpu.memory_space<vmem>>) offsets(%dma_start3A_199 : memref<128xi32, #tpu.memory_space<vmem>>) semaphore(%arg15 : memref<!tpu.dma_semaphore, #tpu.memory_space<semaphore_mem>>)
    %dma_start3A_202 = arith.constant 1 : i32
    %dma_start3A_203 = arith.constant 1 : i32
    %dma_start3A_204 = arith.constant 0 : i32
    %dma_start3A_205 = tpu.memref_slice %arg14[%dma_start3A_203, %dma_start3A_204] : memref<4x128xf32, #tpu.memory_space<vmem>> -> memref<1x128xf32, #tpu.memory_space<vmem>>
    %dma_start3A_206 = tpu.memref_squeeze %dma_start3A_205 : memref<1x128xf32, #tpu.memory_space<vmem>> -> memref<128xf32, #tpu.memory_space<vmem>>
    %dma_start3A_207 = arith.constant 0 : i32
    %dma_start3A_208 = tpu.memref_slice %arg13[%dma_start3A_202, %dma_start3A_207] : memref<4x128xi32, #tpu.memory_space<vmem>> -> memref<1x128xi32, #tpu.memory_space<vmem>>
    %dma_start3A_209 = tpu.memref_squeeze %dma_start3A_208 : memref<1x128xi32, #tpu.memory_space<vmem>> -> memref<128xi32, #tpu.memory_space<vmem>>
    %dma_start3A_210 = arith.constant 0 : i32
    %dma_start3A_211 = tpu.memref_slice %arg4[%dma_start3A_210] : memref<1000000xf32, #tpu.memory_space<hbm>> -> memref<1000000xf32, #tpu.memory_space<hbm>>
    tpu.enqueue_indirect_dma source(%dma_start3A_211 : memref<1000000xf32, #tpu.memory_space<hbm>>) target(%dma_start3A_206 : memref<128xf32, #tpu.memory_space<vmem>>) offsets(%dma_start3A_209 : memref<128xi32, #tpu.memory_space<vmem>>) semaphore(%arg15 : memref<!tpu.dma_semaphore, #tpu.memory_space<semaphore_mem>>)
    %dma_start3A_212 = arith.constant 2 : i32
    %dma_start3A_213 = arith.constant 2 : i32
    %dma_start3A_214 = arith.constant 0 : i32
    %dma_start3A_215 = tpu.memref_slice %arg14[%dma_start3A_213, %dma_start3A_214] : memref<4x128xf32, #tpu.memory_space<vmem>> -> memref<1x128xf32, #tpu.memory_space<vmem>>
    %dma_start3A_216 = tpu.memref_squeeze %dma_start3A_215 : memref<1x128xf32, #tpu.memory_space<vmem>> -> memref<128xf32, #tpu.memory_space<vmem>>
    %dma_start3A_217 = arith.constant 0 : i32
    %dma_start3A_218 = tpu.memref_slice %arg13[%dma_start3A_212, %dma_start3A_217] : memref<4x128xi32, #tpu.memory_space<vmem>> -> memref<1x128xi32, #tpu.memory_space<vmem>>
    %dma_start3A_219 = tpu.memref_squeeze %dma_start3A_218 : memref<1x128xi32, #tpu.memory_space<vmem>> -> memref<128xi32, #tpu.memory_space<vmem>>
    %dma_start3A_220 = arith.constant 0 : i32
    %dma_start3A_221 = tpu.memref_slice %arg4[%dma_start3A_220] : memref<1000000xf32, #tpu.memory_space<hbm>> -> memref<1000000xf32, #tpu.memory_space<hbm>>
    tpu.enqueue_indirect_dma source(%dma_start3A_221 : memref<1000000xf32, #tpu.memory_space<hbm>>) target(%dma_start3A_216 : memref<128xf32, #tpu.memory_space<vmem>>) offsets(%dma_start3A_219 : memref<128xi32, #tpu.memory_space<vmem>>) semaphore(%arg15 : memref<!tpu.dma_semaphore, #tpu.memory_space<semaphore_mem>>)
    %dma_start3A_222 = arith.constant 3 : i32
    %dma_start3A_223 = arith.constant 3 : i32
    %dma_start3A_224 = arith.constant 0 : i32
    %dma_start3A_225 = tpu.memref_slice %arg14[%dma_start3A_223, %dma_start3A_224] : memref<4x128xf32, #tpu.memory_space<vmem>> -> memref<1x128xf32, #tpu.memory_space<vmem>>
    %dma_start3A_226 = tpu.memref_squeeze %dma_start3A_225 : memref<1x128xf32, #tpu.memory_space<vmem>> -> memref<128xf32, #tpu.memory_space<vmem>>
    %dma_start3A_227 = arith.constant 0 : i32
    %dma_start3A_228 = tpu.memref_slice %arg13[%dma_start3A_222, %dma_start3A_227] : memref<4x128xi32, #tpu.memory_space<vmem>> -> memref<1x128xi32, #tpu.memory_space<vmem>>
    %dma_start3A_229 = tpu.memref_squeeze %dma_start3A_228 : memref<1x128xi32, #tpu.memory_space<vmem>> -> memref<128xi32, #tpu.memory_space<vmem>>
    %dma_start3A_230 = arith.constant 0 : i32
    %dma_start3A_231 = tpu.memref_slice %arg4[%dma_start3A_230] : memref<1000000xf32, #tpu.memory_space<hbm>> -> memref<1000000xf32, #tpu.memory_space<hbm>>
    tpu.enqueue_indirect_dma source(%dma_start3A_231 : memref<1000000xf32, #tpu.memory_space<hbm>>) target(%dma_start3A_226 : memref<128xf32, #tpu.memory_space<vmem>>) offsets(%dma_start3A_229 : memref<128xi32, #tpu.memory_space<vmem>>) semaphore(%arg15 : memref<!tpu.dma_semaphore, #tpu.memory_space<semaphore_mem>>)
    %dma_wait3A = arith.constant 0 : i32
    %dma_wait3A_232 = arith.constant 0 : i32
    %dma_wait3A_233 = arith.constant 0 : i32
    %dma_wait3A_234 = tpu.memref_slice %arg14[%dma_wait3A_232, %dma_wait3A_233] : memref<4x128xf32, #tpu.memory_space<vmem>> -> memref<1x128xf32, #tpu.memory_space<vmem>>
    %dma_wait3A_235 = tpu.memref_squeeze %dma_wait3A_234 : memref<1x128xf32, #tpu.memory_space<vmem>> -> memref<128xf32, #tpu.memory_space<vmem>>
    %dma_wait3A_236 = arith.constant 0 : i32
    %dma_wait3A_237 = tpu.memref_slice %arg13[%dma_wait3A, %dma_wait3A_236] : memref<4x128xi32, #tpu.memory_space<vmem>> -> memref<1x128xi32, #tpu.memory_space<vmem>>
    %dma_wait3A_238 = tpu.memref_squeeze %dma_wait3A_237 : memref<1x128xi32, #tpu.memory_space<vmem>> -> memref<128xi32, #tpu.memory_space<vmem>>
    %dma_wait3A_239 = arith.constant 0 : i32
    %dma_wait3A_240 = tpu.memref_slice %arg4[%dma_wait3A_239] : memref<1000000xf32, #tpu.memory_space<hbm>> -> memref<1000000xf32, #tpu.memory_space<hbm>>
    tpu.wait_indirect_dma semaphore(%arg15 : memref<!tpu.dma_semaphore, #tpu.memory_space<semaphore_mem>>) src(%dma_wait3A_240 : memref<1000000xf32, #tpu.memory_space<hbm>>) dst(%dma_wait3A_235 : memref<128xf32, #tpu.memory_space<vmem>>)
    %dma_wait3A_241 = arith.constant 1 : i32
    %dma_wait3A_242 = arith.constant 1 : i32
    %dma_wait3A_243 = arith.constant 0 : i32
    %dma_wait3A_244 = tpu.memref_slice %arg14[%dma_wait3A_242, %dma_wait3A_243] : memref<4x128xf32, #tpu.memory_space<vmem>> -> memref<1x128xf32, #tpu.memory_space<vmem>>
    %dma_wait3A_245 = tpu.memref_squeeze %dma_wait3A_244 : memref<1x128xf32, #tpu.memory_space<vmem>> -> memref<128xf32, #tpu.memory_space<vmem>>
    %dma_wait3A_246 = arith.constant 0 : i32
    %dma_wait3A_247 = tpu.memref_slice %arg13[%dma_wait3A_241, %dma_wait3A_246] : memref<4x128xi32, #tpu.memory_space<vmem>> -> memref<1x128xi32, #tpu.memory_space<vmem>>
    %dma_wait3A_248 = tpu.memref_squeeze %dma_wait3A_247 : memref<1x128xi32, #tpu.memory_space<vmem>> -> memref<128xi32, #tpu.memory_space<vmem>>
    %dma_wait3A_249 = arith.constant 0 : i32
    %dma_wait3A_250 = tpu.memref_slice %arg4[%dma_wait3A_249] : memref<1000000xf32, #tpu.memory_space<hbm>> -> memref<1000000xf32, #tpu.memory_space<hbm>>
    tpu.wait_indirect_dma semaphore(%arg15 : memref<!tpu.dma_semaphore, #tpu.memory_space<semaphore_mem>>) src(%dma_wait3A_250 : memref<1000000xf32, #tpu.memory_space<hbm>>) dst(%dma_wait3A_245 : memref<128xf32, #tpu.memory_space<vmem>>)
    %dma_wait3A_251 = arith.constant 2 : i32
    %dma_wait3A_252 = arith.constant 2 : i32
    %dma_wait3A_253 = arith.constant 0 : i32
    %dma_wait3A_254 = tpu.memref_slice %arg14[%dma_wait3A_252, %dma_wait3A_253] : memref<4x128xf32, #tpu.memory_space<vmem>> -> memref<1x128xf32, #tpu.memory_space<vmem>>
    %dma_wait3A_255 = tpu.memref_squeeze %dma_wait3A_254 : memref<1x128xf32, #tpu.memory_space<vmem>> -> memref<128xf32, #tpu.memory_space<vmem>>
    %dma_wait3A_256 = arith.constant 0 : i32
    %dma_wait3A_257 = tpu.memref_slice %arg13[%dma_wait3A_251, %dma_wait3A_256] : memref<4x128xi32, #tpu.memory_space<vmem>> -> memref<1x128xi32, #tpu.memory_space<vmem>>
    %dma_wait3A_258 = tpu.memref_squeeze %dma_wait3A_257 : memref<1x128xi32, #tpu.memory_space<vmem>> -> memref<128xi32, #tpu.memory_space<vmem>>
    %dma_wait3A_259 = arith.constant 0 : i32
    %dma_wait3A_260 = tpu.memref_slice %arg4[%dma_wait3A_259] : memref<1000000xf32, #tpu.memory_space<hbm>> -> memref<1000000xf32, #tpu.memory_space<hbm>>
    tpu.wait_indirect_dma semaphore(%arg15 : memref<!tpu.dma_semaphore, #tpu.memory_space<semaphore_mem>>) src(%dma_wait3A_260 : memref<1000000xf32, #tpu.memory_space<hbm>>) dst(%dma_wait3A_255 : memref<128xf32, #tpu.memory_space<vmem>>)
    %dma_wait3A_261 = arith.constant 3 : i32
    %dma_wait3A_262 = arith.constant 3 : i32
    %dma_wait3A_263 = arith.constant 0 : i32
    %dma_wait3A_264 = tpu.memref_slice %arg14[%dma_wait3A_262, %dma_wait3A_263] : memref<4x128xf32, #tpu.memory_space<vmem>> -> memref<1x128xf32, #tpu.memory_space<vmem>>
    %dma_wait3A_265 = tpu.memref_squeeze %dma_wait3A_264 : memref<1x128xf32, #tpu.memory_space<vmem>> -> memref<128xf32, #tpu.memory_space<vmem>>
    %dma_wait3A_266 = arith.constant 0 : i32
    %dma_wait3A_267 = tpu.memref_slice %arg13[%dma_wait3A_261, %dma_wait3A_266] : memref<4x128xi32, #tpu.memory_space<vmem>> -> memref<1x128xi32, #tpu.memory_space<vmem>>
    %dma_wait3A_268 = tpu.memref_squeeze %dma_wait3A_267 : memref<1x128xi32, #tpu.memory_space<vmem>> -> memref<128xi32, #tpu.memory_space<vmem>>
    %dma_wait3A_269 = arith.constant 0 : i32
    %dma_wait3A_270 = tpu.memref_slice %arg4[%dma_wait3A_269] : memref<1000000xf32, #tpu.memory_space<hbm>> -> memref<1000000xf32, #tpu.memory_space<hbm>>
    tpu.wait_indirect_dma semaphore(%arg15 : memref<!tpu.dma_semaphore, #tpu.memory_space<semaphore_mem>>) src(%dma_wait3A_270 : memref<1000000xf32, #tpu.memory_space<hbm>>) dst(%dma_wait3A_265 : memref<128xf32, #tpu.memory_space<vmem>>)
    "tpu.region"() ({
      %run_scoped3A = tpu.sem_alloc : memref<!tpu.dma_semaphore, #tpu.memory_space<semaphore_mem>>
      %dma_start3A_271 = arith.constant 0 : i32
      %dma_start3A_272 = arith.constant 0 : i32
      %dma_start3A_273 = tpu.memref_slice %arg6[%arg1, %dma_start3A_271, %dma_start3A_272] : memref<16x4x128xf32, #tpu.memory_space<hbm>> -> memref<1x4x128xf32, #tpu.memory_space<hbm>>
      %dma_start3A_274 = tpu.memref_squeeze %dma_start3A_273 : memref<1x4x128xf32, #tpu.memory_space<hbm>> -> memref<4x128xf32, #tpu.memory_space<hbm>>
      %dma_start3A_275 = arith.constant 0 : i32
      %dma_start3A_276 = arith.constant 0 : i32
      %dma_start3A_277 = tpu.memref_slice %arg6[%arg1, %dma_start3A_275, %dma_start3A_276] : memref<16x4x128xf32, #tpu.memory_space<hbm>> -> memref<1x4x128xf32, #tpu.memory_space<hbm>>
      %dma_start3A_278 = tpu.memref_squeeze %dma_start3A_277 : memref<1x4x128xf32, #tpu.memory_space<hbm>> -> memref<4x128xf32, #tpu.memory_space<hbm>>
      tpu.enqueue_dma source(%arg14 : memref<4x128xf32, #tpu.memory_space<vmem>>) target(%dma_start3A_278 : memref<4x128xf32, #tpu.memory_space<hbm>>) target_semaphore(%run_scoped3A : memref<!tpu.dma_semaphore, #tpu.memory_space<semaphore_mem>>)
      %dma_wait3A_279 = arith.constant 0 : i32
      %dma_wait3A_280 = arith.constant 0 : i32
      %dma_wait3A_281 = tpu.memref_slice %arg6[%arg1, %dma_wait3A_279, %dma_wait3A_280] : memref<16x4x128xf32, #tpu.memory_space<hbm>> -> memref<1x4x128xf32, #tpu.memory_space<hbm>>
      %dma_wait3A_282 = tpu.memref_squeeze %dma_wait3A_281 : memref<1x4x128xf32, #tpu.memory_space<hbm>> -> memref<4x128xf32, #tpu.memory_space<hbm>>
      %dma_wait3A_283 = arith.constant 0 : i32
      %dma_wait3A_284 = arith.constant 0 : i32
      %dma_wait3A_285 = tpu.memref_slice %arg6[%arg1, %dma_wait3A_283, %dma_wait3A_284] : memref<16x4x128xf32, #tpu.memory_space<hbm>> -> memref<1x4x128xf32, #tpu.memory_space<hbm>>
      %dma_wait3A_286 = tpu.memref_squeeze %dma_wait3A_285 : memref<1x4x128xf32, #tpu.memory_space<hbm>> -> memref<4x128xf32, #tpu.memory_space<hbm>>
      tpu.wait_dma2 semaphore(%run_scoped3A : memref<!tpu.dma_semaphore, #tpu.memory_space<semaphore_mem>>) src(%arg14 : memref<4x128xf32, #tpu.memory_space<vmem>>) dst(%dma_wait3A_286 : memref<4x128xf32, #tpu.memory_space<hbm>>)
      tpu.yield
    }) : () -> ()
    return
  }
}

</mosaic_0001>

<sc_bundles>
// kernel: kernel.4.cloned.1.call-start
scs
__scs_entry_jumppad:
0x0: {  	(pc) =	sbr.rel $0x88, $3  }
0x1: {  	(tag) =	ssettag $0x0;
	lr =	simm.s32 $0x1  }
0x2: {  	[smem:$0x3F9F] =	sst lr;
	_ =	strace $0xD0000000  }
0x3: {  	_ = 	snop  }
0x4: {  	_ = 	snop  }
0x5: {  	_ = 	snop  }
0x6: {  	_ = 	snop  }
0x7: {  	_ = 	snop  }
__scs_overlays_trampoline_lowered:
0x8: {  	[smem:$0x3FAE] =	sst s0  }
0x9: {  	[smem:$0x3FAF] =	sst s1  }
0xa: {  	[smem:$0x3FB0] =	sst s2  }
0xb: {  	[smem:$0x3FB1] =	sst s3  }
0xc: {  	[smem:$0x3FB2] =	sst s4  }
0xd: {  	[smem:$0x3FB3] =	sst s5  }
0xe: {  	[smem:$0x3FB4] =	sst s6  }
0xf: {  	[smem:$0x3FB5] =	sst s7  }
0x10: {  	[smem:$0x3FB6] =	sst s8  }
0x11: {  	[smem:$0x3FB7] =	sst s9;
	s0 =	simm.s32 @!p0 $0x0  }
0x12: {  	s1 =	sld [smem:$0x3F9D];
	s0 =	simm.s32 @p0 $0x1  }
0x13: {  	[smem:$0x3FB8] =	sst s0;
	s0 =	simm.s32 @!p1 $0x0  }
0x14: {  	s2 =	sld [smem:$0x3F9C];
	s0 =	simm.s32 @p1 $0x1  }
0x15: {  	[smem:$0x3FB9] =	sst s0;
	s0 =	simm.s32 @!p2 $0x0  }
0x16: {  	s3 =	sld [smem:$0x3FDB];
	s0 =	simm.s32 @p2 $0x1  }
0x17: {  	s4 =	simm.s32 $0x1BF5;
	[smem:$0x3FBB] =	sst s0  }
0x18: {  	s0 =	sld [smem:$0x3F9E];
	_ =	swait.ge [sflag:s4], $0x0  }
0x19: {  	s7 =	sld [smem:$0x3F9F]  }
0x1a: {  	s8 =	sadd.s32 $0xFFFFE003, lr  }
0x1b: {  	s9 =	sadd.s32 $0xFFFFFEF7, lr;
	s5 =	simm.s32 $0xFFFFFFFF;
	p2 =	slt.u32 s8, $0xFFFFF086  }
0x1c: {  	p1 =	slt.u32 s9, $0xF7A;
	s5 =	simm.s32 @!p2 $0x0  }
0x1d: {  	s5 =	simm.s32 @p1 $0x1;
	p0 =	seq.s32 s7, s2  }
0x1e: {  	s7 =	smul.u32 @!p0 $0xF7A, s2;
	p2 =	seq.s32 @!p0 s5, $0x0  }
0x1f: {  	s9 =	smul.u32 $0xF7A, s1;
	s8 =	simm.s32 @!p0 $0x1BF5;
	p2 =	por !p2, p0  }
0x20: {  	[sflag:s8] =	ssyncset.s32 @!p0 $0xFFFFF086;
	s6 =	sadd.s32 @!p0 s3, s7;
	s7 =	simm.s32 @!p0 $0x108  }
0x21: {  	s3 =	sadd.s32 s3, s9;
	s6 =	sadd.s32 @!p0 $0x88, s6;
	s7 =	simm.s32 @p2 $0x1082  }
0x22: {  	[simem:s7], [sflag:s8] =	dma.local @!p0 [hbm:s6], $0xF7A  }
0x23: {  	s9 =	sor.u32 $0xD0000000, s2;
	s6 =	simm.s32 $0x108;
	_ =	swait.ge @!p0 [sflag:s8], $0x0  }
0x24: {  	s3 =	sadd.s32 $0x88, s3;
	s6 =	simm.s32 @!p1 $0x1082;
	[sflag:s4] =	ssyncset.s32 $0xFFFFF086  }
0x25: {  	[simem:s6], [sflag:s4] =	dma.local [hbm:s3], $0xF7A  }
0x26: {  	[smem:$0x3F9F] =	sst s1;
	(tag) =	ssettag s2;
	_ =	strace s9  }
0x27: {  	s1 =	sld [smem:$0x3FAF]  }
0x28: {  	s2 =	sld [smem:$0x3FB0]  }
0x29: {  	s4 =	sld [smem:$0x3FB2]  }
0x2a: {  	p0 =	seq.s32 s5, $0x0;
	s5 =	sld [smem:$0x3FB3]  }
0x2b: {  	s6 =	sld [smem:$0x3FB4]  }
0x2c: {  	s7 =	sld [smem:$0x3FB5]  }
0x2d: {  	s3 =	simm.s32 $0x108;
	s8 =	sld [smem:$0x3FB6]  }
0x2e: {  	s3 =	simm.s32 @!p0 $0x1082;
	s9 =	sld [smem:$0x3FB7]  }
0x2f: {  	lr =	sadd.s32 s0, s3;
	s0 =	sld [smem:$0x3FAE]  }
0x30: {  	s3 =	sld [smem:$0x3FB1]  }
0x31: {  	[smem:$0x3FBA] =	sst s10  }
0x32: {  	s10 =	sld [smem:$0x3FB8];
	_ =	sdelay $0x3  }
0x33: {  	p0 =	seq.s32 s10, $0x1;
	s10 =	sld [smem:$0x3FBA];
	_ =	sdelay $0x3  }
0x34: {  	[smem:$0x3FBA] =	sst s10  }
0x35: {  	s10 =	sld [smem:$0x3FB9];
	_ =	sdelay $0x3  }
0x36: {  	p1 =	seq.s32 s10, $0x1;
	s10 =	sld [smem:$0x3FBA];
	_ =	sdelay $0x3  }
0x37: {  	[smem:$0x3FBA] =	sst s10  }
0x38: {  	s10 =	sld [smem:$0x3FBB]  }
0x39: {  	_ = 	snop;
	(pc) =	sbr.ind lr, $3  }
0x3a: {  	_ = 	snop  }
0x3b: {  	_ = 	snop  }
0x3c: {  	p2 =	seq.s32 s10, $0x1;
	s10 =	sld [smem:$0x3FBA]  }
0x3d: {  	_ =	shalt  }
0x3e: {  	_ =	shalt  }
0x3f: {  	_ =	shalt  }
0x40: {  	_ =	shalt  }
0x41: {  	_ =	shalt  }
0x42: {  	_ =	shalt  }
0x43: {  	_ =	shalt  }
0x44: {  	_ =	shalt  }
0x45: {  	_ =	shalt  }
0x46: {  	_ =	shalt  }
0x47: {  	_ =	shalt  }
0x48: {  	_ =	shalt  }
0x49: {  	_ =	shalt  }
0x4a: {  	_ =	shalt  }
0x4b: {  	_ =	shalt  }
0x4c: {  	_ =	shalt  }
0x4d: {  	_ =	shalt  }
0x4e: {  	_ =	shalt  }
0x4f: {  	_ =	shalt  }
0x50: {  	_ =	shalt  }
0x51: {  	_ =	shalt  }
0x52: {  	_ =	shalt  }
0x53: {  	_ =	shalt  }
0x54: {  	_ =	shalt  }
0x55: {  	_ =	shalt  }
0x56: {  	_ =	shalt  }
0x57: {  	_ =	shalt  }
0x58: {  	_ =	shalt  }
0x59: {  	_ =	shalt  }
0x5a: {  	_ =	shalt  }
0x5b: {  	_ =	shalt  }
0x5c: {  	_ =	shalt  }
0x5d: {  	_ =	shalt  }
0x5e: {  	_ =	shalt  }
0x5f: {  	_ =	shalt  }
0x60: {  	_ =	shalt  }
0x61: {  	_ =	shalt  }
0x62: {  	_ =	shalt  }
0x63: {  	_ =	shalt  }
0x64: {  	_ =	shalt  }
0x65: {  	_ =	shalt  }
0x66: {  	_ =	shalt  }
0x67: {  	_ =	shalt  }
0x68: {  	_ =	shalt  }
0x69: {  	_ =	shalt  }
0x6a: {  	_ =	shalt  }
0x6b: {  	_ =	shalt  }
0x6c: {  	_ =	shalt  }
0x6d: {  	_ =	shalt  }
0x6e: {  	_ =	shalt  }
0x6f: {  	_ =	shalt  }
0x70: {  	_ =	shalt  }
0x71: {  	_ =	shalt  }
0x72: {  	_ =	shalt  }
0x73: {  	_ =	shalt  }
0x74: {  	_ =	shalt  }
0x75: {  	_ =	shalt  }
0x76: {  	_ =	shalt  }
0x77: {  	_ =	shalt  }
0x78: {  	_ =	shalt  }
0x79: {  	_ =	shalt  }
0x7a: {  	_ =	shalt  }
0x7b: {  	_ =	shalt  }
0x7c: {  	_ =	shalt  }
0x7d: {  	_ =	shalt  }
0x7e: {  	_ =	shalt  }
0x7f: {  	_ =	shalt  }
0x80: {  	_ =	shalt  }
0x81: {  	_ =	shalt  }
0x82: {  	_ =	shalt  }
0x83: {  	_ =	shalt  }
0x84: {  	_ =	shalt  }
0x85: {  	_ =	shalt  }
0x86: {  	_ =	shalt  }
0x87: {  	_ =	shalt  }
.Lfunc_end0:
.L_simem_size_0:
called_computation_lowered:
.L_overlay_start_0:
0x88: {  	s0 =	sld [smem:$0x3FD9]  }
0x89: {  	s1 =	sld [smem:$0x3FFE];
	_ =	sdelay $0x3  }
0x8a: {  	s0 =	sadd.s32 s1, s0  }
0x8b: {  	[smem:$0x3FC6] =	sst s0  }
0x8c: {  	_ = 	snop  }
0x8d: {  	s0 =	sld [smem:$0x3FD0];
	_ =	sdelay $0x1  }
0x8e: {  	s13 =	sld [smem:$0x3FC9]  }
0x8f: {  	s3 =	simm.s32 $0xA;
	s4 =	simm.s32 $0x10;
	s2 =	sld [smem:$0x3FC8]  }
0x90: {  	[smem:s4], [sflag:s3] =	dma.local [hbm:s0], $0x1  }
0x91: {  	_ =	swait.eq [sflag:s3], $0x1  }
0x92: {  	[sflag:s3] =	ssyncset.done $0x0  }
0x93: {  	[sflag:s3] =	ssyncadd.s32 $0xFFFFFFFF  }
0x94: {  	s14 =	sld [smem:$0x11];
	(tm) =	ssettm $0x1  }
0x95: {  	s15 =	sld [smem:$0x3FFB];
	_ =	sdelay $0x3  }
0x96: {  	_ =	strace s15  }
0x97: {  	s3 =	sld [smem:$0x3FFC];
	_ =	sdelay $0x3  }
0x98: {  	_ =	strace s3  }
0x99: {  	s3 =	sld [smem:$0x3FFD];
	_ =	sdelay $0x3  }
0x9a: {  	_ =	strace s3  }
0x9b: {  	_ =	strace $0x8FFFFFFF  }
0x9c: {  	s16 =	sld [smem:$0x3FDB];
	_ =	sdelay $0x1  }
0x9d: {  	s17 =	simm.s32 $_scs_section_size  }
0x9e: {  	s5 =	simm.s32 $_size__tile_overlayer_lowered;
	s6 =	simm.s32 $_tile_overlayer_lowered  }
0x9f: {  	s20 =	simm.s32 $0x1BFF;
	s19 =	sshll.u32 s6, $0x1;
	s3 =	sadd.s32 s17, s16  }
0xa0: {  	s7 =	simm.s32 $0x0;
	s18 =	sshll.u32 s5, $0x1;
	s5 =	sadd.s32 s19, s3  }
0xa1: {  	[timem:s7], [sflag:s20] =	dma.local [hbm:s5], s18  }
0xa2: {  	_ =	swait.ge [sflag:s20], s18  }
0xa3: {  	s4 =	ssub.s32 $0x0, s18;
	[sflag:s20] =	ssyncset.done $0x0  }
0xa4: {  	[sflag:s20] =	ssyncadd.s32 s4;
	_ =	sdelay $0x1  }
0xa5: {  	s21 =	simm.s32 $0x1B8B  }
0xa6: {  	_ =	swait.ge [sflag:s21], $0x1  }
0xa7: {  	[sflag:s21] =	ssyncset.done $0x0  }
0xa8: {  	s23 =	simm.s32 $0x1B8E;
	s22 =	sld [smem:$0x3FFE];
	[sflag:s21] =	ssyncadd.s32 $0xFFFFFFFF  }
0xa9: {  	s24 =	simm.s32 $execute0_lowered;
	[smem:$0x3FD2] =	sst s23  }
0xaa: {  	s5 =	sshll.u32 s24, $0x1;
	_ =	strace $0x80000046;
	[dreg:$0x1] =	wrdreg $0xFFFFFFFF  }
0xab: {  	s25 =	simm.s32 $_size_execute0_lowered;
	s3 =	sadd.s32 s3, s5;
	[dreg:$0x0] =	wrdreg $0x0  }
0xac: {  	s5 =	sshll.u32 s25, $0x1;
	[dreg:$0x2] =	wrdreg s3  }
0xad: {  	[dreg:$0x3] =	wrdreg s5  }
0xae: {  	[dreg:$0x4] =	wrdreg $0xC0  }
0xaf: {  	_ =	task [dreg:s7], $0x5FFFF  }
0xb0: {  	[dreg:$0x1] =	wrdreg $0xFFFFFFFF  }
0xb1: {  	[dreg:$0x0] =	wrdreg $0x60  }
0xb2: {  	[dreg:$0x2] =	wrdreg s22  }
0xb3: {  	[dreg:$0x3] =	wrdreg s13  }
0xb4: {  	[dreg:$0x4] =	wrdreg s2  }
0xb5: {  	[dreg:$0x5] =	wrdreg s14  }
0xb6: {  	[dreg:$0x6] =	wrdreg $0x9  }
0xb7: {  	_ =	task.clear_ibuf [dreg:s7], $0x7FFFF;
	_ =	strace $0x90000046  }
0xb8: {  	s26 =	simm.s32 $0x9;
	_ =	strace $0x80000048  }
0xb9: {  	_ =	swait.ge [sflag:s26], $0x1  }
0xba: {  	[sflag:s26] =	ssyncadd.s32 $0xFFFFFFFF  }
0xbb: {  	_ =	strace $0x90000048  }
0xbc: {  	_ =	sfence  }
0xbd: {  	s28 =	sld [smem:$0x0];
	_ =	sdelay $0x1  }
0xbe: {  	s29 =	srdreg.scid  }
0xbf: {  	s30 =	sshll.u32 s29, $0xD;
	s31 =	sshrl.u32 s29, $0x2  }
0xc0: {  	s1 =	sand.u32 $0x1, s29;
	s2 =	sand.u32 $0x4000, s30;
	s0 =	sadd.s32 s31, s28  }
0xc1: {  	s1 =	sor.u32 s2, s1;
	s0 =	sshll.u32 s0, $0x11  }
0xc2: {  	s0 =	sor.u32 s0, s1  }
0xc3: {  	s0 =	sadd.s32 $0x8F2B, s0  }
0xc4: {  	[sflag:s0] =	ssyncadd.remote.s32 $0x1  }
0xc5: {  	_ =	sfence.sel $0xFFFF  }
0xc6: {  	[dreg:$0x0] =	wrdreg $0xFFFFFFFF;
	(pc) =	sbr.abs _section_cstart, $3  }
0xc7: {  	[dreg:$0x1] =	wrdreg $0xFFFFFFFF  }
0xc8: {  	_ =	task.clear_ibuf [dreg:s7], $0x2FFFF;
	_ =	strace $0x9FFFFFFF  }
0xc9: {  	(tm) =	ssettm $0x7FFFFFFF  }
tec
execute0_lowered:
.L_overlay_start_1:
0x0: {  	(tag) =	ssettag $0x1  }
0x1: {  	s7 =	rddreg [dreg:$0x0]  }
0x2: {  	s2 =	rddreg [dreg:$0x1]  }
0x3: {  	s3 =	rddreg [dreg:$0x2]  }
0x4: {  	s4 =	rddreg [dreg:$0x3]  }
0x5: {  	s0 =	rddreg [dreg:$0x4];
	s8 =	simm.s32 $0x0;
	s1 =	stileid.u32  }
0x6: {  	s6 =	simm.s32 $0x1B300;
	[smem:$0x7FF] =	sst s8;
	s5 =	sshll.u32 s1, $0x7  }
0x7: {  	s9 =	simm.s32 $0x3;
	_ =	strace $0x80000047;
	s3 =	sadd.s32 s3, s5  }
0x8: {  	[tilespmem:s6], [sflag:$0x3] =	stream.linear.gather [hbm4b:s3+s8], $0x400, $0x38;
	[tilespmem:$0x1BB80] =	vst v63  }
0x9: {  	_ =	swait.ge [sflag:s9], $0x400  }
0xa: {  	[sflag:s9] =	ssyncset.done $0x0  }
0xb: {  	s16 =	simm.s32 $0x80;
	s10 =	simm.s32 $0x1B700;
	[sflag:s9] =	ssyncadd.s32 $0xFFFFFC00  }
0xc: {  	[tilespmem:s10], [sflag:$0x2] =	stream.indirect.gather [hbm4b:s2+s16], $0x1, s6, s16, $0xb8;
	[tilespmem:$0x1BB80] =	vst v63  }
0xd: {  	s17 =	simm.s32 $0x1B380;
	s18 =	simm.s32 $0x1B780  }
0xe: {  	[tilespmem:s18], [sflag:$0x2] =	stream.indirect.gather [hbm4b:s2+s16], $0x1, s17, s16, $0xb8;
	[tilespmem:$0x1BB80] =	vst v63  }
0xf: {  	s19 =	simm.s32 $0x1B400;
	s20 =	simm.s32 $0x1B800  }
0x10: {  	[tilespmem:s20], [sflag:$0x2] =	stream.indirect.gather [hbm4b:s2+s16], $0x1, s19, s16, $0xb8;
	[tilespmem:$0x1BB80] =	vst v63  }
0x11: {  	s21 =	simm.s32 $0x1B480;
	s22 =	simm.s32 $0x1B880  }
0x12: {  	[tilespmem:s22], [sflag:$0x2] =	stream.indirect.gather [hbm4b:s2+s16], $0x1, s21, s16, $0xb8;
	[tilespmem:$0x1BB80] =	vst v63  }
0x13: {  	s23 =	simm.s32 $0x1B500;
	s24 =	simm.s32 $0x1B900  }
0x14: {  	[tilespmem:s24], [sflag:$0x2] =	stream.indirect.gather [hbm4b:s2+s16], $0x1, s23, s16, $0xb8;
	[tilespmem:$0x1BB80] =	vst v63  }
0x15: {  	s25 =	simm.s32 $0x1B580;
	s11 =	simm.s32 $0x1B980;
	s6 =	smul.u32 $0xF440, s1  }
0x16: {  	[tilespmem:s11], [sflag:$0x2] =	stream.indirect.gather [hbm4b:s2+s16], $0x1, s25, s16, $0xb8;
	[tilespmem:$0x1BB80] =	vst v63  }
0x17: {  	s28 =	simm.s32 $0x1B600;
	s12 =	simm.s32 $0x1BA00;
	s26 =	sshrl.u32 s6, $0x3  }
0x18: {  	[tilespmem:s12], [sflag:$0x2] =	stream.indirect.gather [hbm4b:s2+s16], $0x1, s28, s16, $0xb8;
	[tilespmem:$0x1BB80] =	vst v63  }
0x19: {  	s29 =	simm.s32 $0x1B680;
	s30 =	simm.s32 $0x1BA80;
	s10 =	sadd.s32 s26, s7  }
0x1a: {  	[tilespmem:s30], [sflag:$0x2] =	stream.indirect.gather [hbm4b:s2+s16], $0x1, s29, s16, $0xb8;
	[tilespmem:$0x1BB80] =	vst v63  }
0x1b: {  	s31 =	sadd.s32 $0x1000, s10  }
0x1c: {  	[tilespmem:s8], [sflag:$0x3] =	stream.linear.gather [hbm4b:s31+s8], $0xF440, $0x38;
	[tilespmem:$0x1BB80] =	vst v63  }
0x1d: {  	_ =	swait.ge [sflag:s9], $0xF440  }
0x1e: {  	s3 =	sadd.s32 $0x21800, s7;
	s2 =	sadd.s32 $0x21200, s7;
	[sflag:s9] =	ssyncset.done $0x0  }
0x1f: {  	v0 =	vimm.s32 $0x0;
	s7 =	sadd.s32 $0x1FA00, s7;
	[sflag:s9] =	ssyncadd.s32 $0xFFFF0BC0;
	s9 =	simm.s32 $0x0  }
.LBB2_1:
0x20: {  	p0 =	sne.s32 s9, $0x7FC0  }
.Ltmp0:
0x21: {  	_ = 	snop;
	(pc) =	sbr.rel @p0 .LBB2_1-.Ltmp0, $3  }
0x22: {  	_ =	sdelay $0x1  }
0x23: {  	s10 =	sshra.s32 s9, $0x2  }
0x24: {  	s9 =	sadd.s32 $0x40, s9;
	[tilespmem:s10+$0xF480] =	vst v0  }
0x25: {  	s9 =	simm.s32 $0xF480  }
.LBB2_3:
0x26: {  	s10 =	sshra.s32 s8, $0x2  }
0x27: {  	v0 =	vld [tilespmem:s10+$0x0];
	_ =	sdelay $0x4  }
0x28: {  	v0 =	vshrl.u32 v0, $0x15  }
0x29: {  	v1 =	vxor.u32 $0x400, v0  }
0x2a: {  	(xrf1) =	vunique.msk.u32 $0xffff, v1;
	_ =	sdelay $0xd  }
0x2b: {  	v0 =	vand.u32 $0x7F, v0;
	v1 =	vand.u32 $0x780, v1;
	_, v2, vm0 =	vpop (xrf1)  }
0x2c: {  	v0 =	vor.u32 v0, v1;
	_ =	sdelay $0x4  }
0x2d: {  	[tilespmem:v0+s9+$0x0] =	vst.idx.add.s32.msk vm0, v2  }
0x2e: {  	v0 =	vld [tilespmem:s10+$0x10];
	_ =	sdelay $0x4  }
0x2f: {  	v0 =	vshrl.u32 v0, $0x15  }
0x30: {  	v61 =	vxor.u32 $0xC00, v0  }
0x31: {  	(xrf1) =	vunique.msk.u32 $0xffff, v61;
	_ =	sdelay $0xd  }
0x32: {  	v0 =	vand.u32 $0x7F, v0;
	v1 =	vand.u32 $0xF80, v61;
	_, v2, vm0 =	vpop (xrf1)  }
0x33: {  	v0 =	vor.u32 v0, v1;
	_ =	sdelay $0x4  }
0x34: {  	[tilespmem:v0+s9+$0x0] =	vst.idx.add.s32.msk vm0, v2  }
0x35: {  	v0 =	vld [tilespmem:s10+$0x20];
	_ =	sdelay $0x4  }
0x36: {  	v0 =	vshrl.u32 v0, $0x15  }
0x37: {  	v62 =	vxor.u32 $0x1400, v0  }
0x38: {  	(xrf1) =	vunique.msk.u32 $0xffff, v62;
	_ =	sdelay $0xd  }
0x39: {  	v0 =	vand.u32 $0x7F, v0;
	v1 =	vand.u32 $0x1780, v62;
	_, v2, vm0 =	vpop (xrf1)  }
0x3a: {  	v0 =	vor.u32 v0, v1;
	_ =	sdelay $0x4  }
0x3b: {  	[tilespmem:v0+s9+$0x0] =	vst.idx.add.s32.msk vm0, v2  }
0x3c: {  	v0 =	vld [tilespmem:s10+$0x30];
	_ =	sdelay $0x4  }
0x3d: {  	v0 =	vshrl.u32 v0, $0x15  }
0x3e: {  	v63 =	vxor.u32 $0x1C00, v0  }
0x3f: {  	(xrf1) =	vunique.msk.u32 $0xffff, v63;
	_ =	sdelay $0xd  }
0x40: {  	v0 =	vand.u32 $0x7F, v0;
	v1 =	vand.u32 $0x1F80, v63;
	_, v2, vm0 =	vpop (xrf1)  }
0x41: {  	p0 =	sne.s32 s8, $0x3D000;
	v0 =	vor.u32 v0, v1  }
.Ltmp1:
0x42: {  	_ = 	snop;
	(pc) =	sbr.rel @p0 .LBB2_3-.Ltmp1, $2  }
0x43: {  	_ =	sdelay $0x2  }
0x44: {  	s8 =	sadd.s32 $0x100, s8;
	[tilespmem:v0+s9+$0x0] =	vst.idx.add.s32.msk vm0, v2  }
0x45: {  	s8 =	simm.s32 $0x0  }
0x46: {  	v1 =	vld [tilespmem:s9+$0x0];
	s8 =	sand.u32 $0x7F0, s8  }
0x47: {  	v0 =	vld [tilespmem:s8+$0xFC80]  }
0x48: {  	v2 =	vld [tilespmem:s8+$0x10480]  }
0x49: {  	v3 =	vld [tilespmem:s8+$0x10C80];
	_ =	sdelay $0x2  }
0x4a: {  	v0 =	vadd.s32 v1, v0  }
0x4b: {  	v0 =	vadd.s32 v2, v0  }
0x4c: {  	s31 =	simm.s32 $0x10;
	s8 =	simm.s32 $0x11480;
	v0 =	vadd.s32 v3, v0  }
0x4d: {  	s11 =	sand.u32 $0x7F0, s31;
	[tilespmem:s8+$0x0] =	vst v0  }
0x4e: {  	s10 =	simm.s32 $0x20;
	s9 =	simm.s32 $0xF490;
	v0 =	vld [tilespmem:s11+$0xFC80]  }
.LBB2_5:
0x4f: {  	p0 =	sne.s32 s10, $0x7F0;
	v1 =	vld [tilespmem:s9+$0x0]  }
0x50: {  	v2 =	vld [tilespmem:s11+$0x10480]  }
0x51: {  	v3 =	vld [tilespmem:s11+$0x10C80];
	_ =	sdelay $0x2  }
.Ltmp2:
0x52: {  	v0 =	vadd.s32 v1, v0;
	(pc) =	sbr.rel @p0 .LBB2_5-.Ltmp2, $4  }
0x53: {  	v0 =	vadd.s32 v2, v0  }
0x54: {  	s8 =	sadd.s32 $0x10, s8;
	v0 =	vadd.s32 v3, v0  }
0x55: {  	s11 =	sand.u32 $0x7F0, s10;
	[tilespmem:s8+$0x0] =	vst v0  }
0x56: {  	s9 =	sadd.s32 $0x10, s9;
	s10 =	sadd.s32 $0x10, s10;
	v0 =	vld [tilespmem:s11+$0xFC80]  }
0x57: {  	v1 =	vld [tilespmem:s9+$0x0]  }
0x58: {  	v2 =	vld [tilespmem:s11+$0x10480]  }
0x59: {  	v3 =	vld [tilespmem:s11+$0x10C80];
	_ =	sdelay $0x1  }
0x5a: {  	s28 =	sshll.u32 s1, $0xB  }
0x5b: {  	s9 =	sor.u32 s5, s28;
	v0 =	vadd.s32 v1, v0  }
0x5c: {  	s8 =	sadd.s32 $0x10, s8;
	s9 =	sand.u32 $0x4380, s9;
	v0 =	vadd.s32 v2, v0  }
0x5d: {  	s29 =	simm.s32 $0x80;
	s30 =	simm.s32 $0x400;
	s9 =	sshrl.u32 s9, $0x3;
	v0 =	vadd.s32 v3, v0  }
0x5e: {  	s10 =	simm.s32 $0x11480;
	s31 =	simm.s32 $0x3;
	s9 =	sadd.s32 s7, s9;
	[tilespmem:s8+$0x0] =	vst v0  }
0x5f: {  	[hbm4b:s9+s29] =	stream.strided.scatter [tilespmem:s10], [sflag:$0x3], $0x800, s30, s29, $0x38;
	[tilespmem:$0x1BB80] =	vst v63  }
0x60: {  	_ =	swait.ge [sflag:s31], $0x800  }
0x61: {  	[sflag:s31] =	ssyncset.done $0x0  }
0x62: {  	s12 =	simm.s32 $0x4000;
	[sflag:s31] =	ssyncadd.s32 $0xFFFFF800  }
0x63: {  	s13 =	simm.s32 $0x12480;
	s10 =	sadd.s32 s7, s5;
	[bflag:$0x0] =	sbarrier.arrive $0xFFFF  }
0x64: {  	[tilespmem:s13], [sflag:$0x3] =	stream.strided.gather [hbm4b:s10+s30], $0x800, s12, s30, $0x38;
	[tilespmem:$0x1BB80] =	vst v63  }
0x65: {  	_ =	swait.ge [sflag:s31], $0x800  }
0x66: {  	[sflag:s31] =	ssyncset.done $0x0  }
0x67: {  	s8 =	simm.s32 $0x0;
	[sflag:s31] =	ssyncadd.s32 $0xFFFFF800  }
0x68: {  	v0 =	vld [tilespmem:s8+$0x12480]  }
0x69: {  	v1 =	vld [tilespmem:s8+$0x12500]  }
0x6a: {  	v2 =	vld [tilespmem:s8+$0x12580]  }
0x6b: {  	v3 =	vld [tilespmem:s8+$0x12600]  }
0x6c: {  	v4 =	vld [tilespmem:s8+$0x12680]  }
0x6d: {  	v5 =	vld [tilespmem:s8+$0x12700]  }
0x6e: {  	v0 =	vadd.s32 v0, v1;
	v1 =	vld [tilespmem:s8+$0x12780]  }
0x6f: {  	v0 =	vadd.s32 v2, v0;
	v2 =	vld [tilespmem:s8+$0x12800]  }
0x70: {  	v0 =	vadd.s32 v3, v0;
	v3 =	vld [tilespmem:s8+$0x12880]  }
0x71: {  	v0 =	vadd.s32 v4, v0;
	v4 =	vld [tilespmem:s8+$0x12900]  }
0x72: {  	v0 =	vadd.s32 v5, v0;
	v5 =	vld [tilespmem:s8+$0x12980]  }
0x73: {  	v6 =	vld [tilespmem:s8+$0x12A00];
	v0 =	vadd.s32 v1, v0  }
0x74: {  	v1 =	vld [tilespmem:s8+$0x12A80];
	v0 =	vadd.s32 v2, v0  }
0x75: {  	v2 =	vld [tilespmem:s8+$0x12B00];
	v0 =	vadd.s32 v3, v0  }
0x76: {  	v3 =	vld [tilespmem:s8+$0x12B80];
	v0 =	vadd.s32 v4, v0  }
0x77: {  	s11 =	simm.s32 $0x10;
	v4 =	vld [tilespmem:s8+$0x12C00];
	v5 =	vadd.s32 v5, v0  }
0x78: {  	s12 =	simm.s32 $0x80;
	v0 =	vld [tilespmem:s11+$0x12480];
	v5 =	vadd.s32 v6, v5  }
.LBB2_7:
0x79: {  	p0 =	sne.s32 s12, $0x1C0;
	v6 =	vld [tilespmem:s11+$0x12500];
	v1 =	vadd.s32 v1, v5  }
0x7a: {  	v5 =	vld [tilespmem:s11+$0x12580];
	v1 =	vadd.s32 v2, v1  }
0x7b: {  	v2 =	vld [tilespmem:s11+$0x12600];
	v1 =	vadd.s32 v3, v1  }
0x7c: {  	v3 =	vld [tilespmem:s11+$0x12680];
	v1 =	vadd.s32 v4, v1  }
0x7d: {  	v4 =	vld [tilespmem:s11+$0x12700];
	[tilespmem:s8+$0x12C80] =	vst v1;
	s8 =	smov.u32 s11  }
0x7e: {  	v0 =	vadd.s32 v0, v6;
	v1 =	vld [tilespmem:s8+$0x12780]  }
0x7f: {  	v0 =	vadd.s32 v5, v0;
	v5 =	vld [tilespmem:s8+$0x12800]  }
0x80: {  	v0 =	vadd.s32 v2, v0;
	v2 =	vld [tilespmem:s8+$0x12880]  }
0x81: {  	v0 =	vadd.s32 v3, v0;
	v3 =	vld [tilespmem:s8+$0x12900]  }
0x82: {  	v0 =	vadd.s32 v4, v0;
	v4 =	vld [tilespmem:s8+$0x12980]  }
0x83: {  	v0 =	vadd.s32 v1, v0;
	v6 =	vld [tilespmem:s8+$0x12A00]  }
.Ltmp3:
0x84: {  	v0 =	vadd.s32 v5, v0;
	v1 =	vld [tilespmem:s8+$0x12A80];
	(pc) =	sbr.rel @p0 .LBB2_7-.Ltmp3, $4  }
0x85: {  	v0 =	vadd.s32 v2, v0;
	v2 =	vld [tilespmem:s8+$0x12B00]  }
0x86: {  	v0 =	vadd.s32 v3, v0;
	v3 =	vld [tilespmem:s8+$0x12B80]  }
0x87: {  	s11 =	sshra.s32 s12, $0x2;
	v5 =	vadd.s32 v4, v0;
	v4 =	vld [tilespmem:s8+$0x12C00]  }
0x88: {  	s12 =	sadd.s32 $0x40, s12;
	v0 =	vld [tilespmem:s11+$0x12480];
	v5 =	vadd.s32 v6, v5  }
0x89: {  	v6 =	vld [tilespmem:s11+$0x12500];
	v1 =	vadd.s32 v1, v5  }
0x8a: {  	v5 =	vld [tilespmem:s11+$0x12580];
	v1 =	vadd.s32 v2, v1  }
0x8b: {  	v2 =	vld [tilespmem:s11+$0x12600];
	v1 =	vadd.s32 v3, v1  }
0x8c: {  	v3 =	vld [tilespmem:s11+$0x12680];
	v1 =	vadd.s32 v4, v1  }
0x8d: {  	v4 =	vld [tilespmem:s11+$0x12700];
	[tilespmem:s8+$0x12C80] =	vst v1  }
0x8e: {  	v0 =	vadd.s32 v0, v6;
	v1 =	vld [tilespmem:s11+$0x12780]  }
0x8f: {  	v0 =	vadd.s32 v5, v0;
	v5 =	vld [tilespmem:s11+$0x12800]  }
0x90: {  	v0 =	vadd.s32 v2, v0;
	v2 =	vld [tilespmem:s11+$0x12880]  }
0x91: {  	v0 =	vadd.s32 v3, v0;
	v3 =	vld [tilespmem:s11+$0x12900]  }
0x92: {  	v0 =	vadd.s32 v4, v0;
	v4 =	vld [tilespmem:s11+$0x12980]  }
0x93: {  	v0 =	vadd.s32 v1, v0;
	v1 =	vld [tilespmem:s11+$0x12A00]  }
0x94: {  	v0 =	vadd.s32 v5, v0;
	v5 =	vld [tilespmem:s11+$0x12A80]  }
0x95: {  	v0 =	vadd.s32 v2, v0;
	v2 =	vld [tilespmem:s11+$0x12B00]  }
0x96: {  	v0 =	vadd.s32 v3, v0;
	v3 =	vld [tilespmem:s11+$0x12B80]  }
0x97: {  	v0 =	vadd.s32 v4, v0;
	v4 =	vld [tilespmem:s11+$0x12C00]  }
0x98: {  	v0 =	vadd.s32 v1, v0  }
0x99: {  	v0 =	vadd.s32 v5, v0  }
0x9a: {  	v0 =	vadd.s32 v2, v0  }
0x9b: {  	v0 =	vadd.s32 v3, v0  }
0x9c: {  	s13 =	simm.s32 $0x0;
	s8 =	sadd.s32 $0x1000, s7;
	v0 =	vadd.s32 v4, v0  }
0x9d: {  	s12 =	simm.s32 $0x12C80;
	s30 =	simm.s32 $0x3;
	[tilespmem:s11+$0x12C80] =	vst v0;
	s11 =	sadd.s32 s5, s8  }
0x9e: {  	[hbm4b:s11+s13] =	stream.linear.scatter [tilespmem:s12], [sflag:$0x3], $0x80, $0x38;
	[tilespmem:$0x1BB80] =	vst v63  }
0x9f: {  	_ =	swait.ge [sflag:s30], $0x80  }
0xa0: {  	[sflag:s30] =	ssyncset.done $0x0  }
0xa1: {  	s14 =	simm.s32 $0x80;
	[sflag:s30] =	ssyncadd.s32 $0xFFFFFF80  }
0xa2: {  	s15 =	simm.s32 $0x400;
	s16 =	simm.s32 $0x11C80;
	[bflag:$0x0] =	sbarrier.arrive $0xFFFF  }
0xa3: {  	[tilespmem:s16], [sflag:$0x3] =	stream.strided.gather [hbm4b:s8+s14], $0x800, s15, s14, $0x38;
	[tilespmem:$0x1BB80] =	vst v63  }
0xa4: {  	_ =	swait.ge [sflag:s30], $0x800  }
0xa5: {  	[sflag:s30] =	ssyncset.done $0x0  }
0xa6: {  	s31 =	simm.s32 $0x12470;
	[sflag:s30] =	ssyncadd.s32 $0xFFFFF800  }
0xa7: {  	v2 =	vld [tilespmem:s31+$0x0]  }
0xa8: {  	v0 =	vlaneseq.u32  }
0xa9: {  	v1 =	vmul.u32 $0xFFFFFFFF, v0;
	_ =	sdelay $0x1  }
0xaa: {  	v1 =	vadd.s32 $0xF, v1  }
0xab: {  	v4 =	vperm.xlane v2, v1;
	_ =	sdelay $0x1  }
0xac: {  	(xrf0) =	vadd.scan.msk.s32 $0xffff, v4;
	_ =	sdelay $0x5  }
0xad: {  	v2, _, _ =	vpop (xrf0)  }
0xae: {  	v5 =	vadd.s32 s13, v2  }
0xaf: {  	vm0 =	vgt.s32 v5, $0x1FFF  }
0xb0: {  	v2 =	vmctz.xlane vm0  }
0xb1: {  	v3 =	vxor.u32 $0x80000000, v5  }
0xb2: {  	(xrf0) =	vmax.scan.msk.u32 $0xffff, v3;
	v2 =	vxor.u32 $0x80000000, v2  }
0xb3: {  	(xrf0) =	vmax.scan.msk.u32 $0xffff, v2  }
0xb4: {  	p2 =	por $0x0, $0x0  }
.Ltmp4:
0xb5: {  	_ = 	snop;
	(pc) =	sbr.rel @p2 .LBB2_9-.Ltmp4, $4  }
0xb6: {  	_ = 	snop  }
0xb7: {  	p0 =	por $0x0, $0x0  }
0xb8: {  	p1 =	por !p0, !p0;
	v2, _, _ =	vpop (xrf0)  }
0xb9: {  	s12 =	simm.s32 $0x12460;
	s16 =	simm.s32 $0x7FF;
	s14 =	simm.s32 $0x7EF;
	(v2sf) =	vpush v2, $0xF;
	v6, _, _ =	vpop (xrf0)  }
0xba: {  	_ =	sdelay $0x1  }
0xbb: {  	v2 =	vld [tilespmem:s12+$0x0];
	(v2sf) =	vpush v6, $0xF;
	_ =	sdelay $0x4  }
0xbc: {  	v2 =	vperm.xlane v2, v1;
	_ =	sdelay $0x1  }
0xbd: {  	(xrf0) =	vadd.scan.msk.s32 $0xffff, v2;
	_ =	sdelay $0x4  }
0xbe: {  	s31 =	spop (v2sf)  }
0xbf: {  	v3, _, _ =	vpop (xrf0);
	s12 =	sxor.u32 $0x80000000, s31  }
0xc0: {  	v3 =	vadd.s32 s12, v3  }
0xc1: {  	s15 =	spop (v2sf);
	vm0 =	vgt.s32 v3, $0x1FFF;
	v7 =	vxor.u32 $0x80000000, v3  }
0xc2: {  	s15 =	sxor.u32 $0x80000000, s15;
	v6 =	vmctz.xlane vm0;
	(xrf0) =	vmax.scan.msk.u32 $0xffff, v7  }
0xc3: {  	p2 =	slt.s32 s15, $0xF  }
0xc4: {  	s15 =	simm.s32 @!p2 $0xF;
	v6 =	vxor.u32 $0x80000000, v6  }
0xc5: {  	(xrf0) =	vmax.scan.msk.u32 $0xffff, v6;
	v6 =	vmov s15  }
0xc6: {  	p4 =	por $0x0, $0x0;
	vm15 =	veq.s32 v6, v0  }
.Ltmp5:
0xc7: {  	p3 =	sgt.s32 s12, $0x1FFF;
	v5 =	vnsel vm15, $0x0, v5;
	(pc) =	sbr.rel @p4 .LBB2_11-.Ltmp5, $4  }
0xc8: {  	s16 =	simm.s32 $0x12450;
	s17 =	simm.s32 $0x7DF;
	p6 =	por !p3, !p1;
	v4 =	vnsel vm15, $0x0, v4;
	v6, _, _ =	vpop (xrf0);
	(xrf0) =	vadd.scan.msk.s32 $0xffff, v5  }
0xc9: {  	s12 =	simm.s32 $0x0;
	p3 =	por p0, p3;
	p0 =	por !p6, !p6;
	(v2sf) =	vpush v6, $0xF;
	(xrf0) =	vadd.scan.msk.s32 $0xffff, v4  }
0xca: {  	p1 =	por !p3, !p3;
	p2 =	por p0, p0;
	s15 =	ssub.s32 $0x7FF, s15  }
0xcb: {  	s12 =	smov.u32 @p0 s15;
	p0 =	por $0x1, $0x1;
	s15 =	simm.s32 $0x0;
	v6, _, _ =	vpop (xrf0)  }
.LBB2_12:
0xcc: {  	v4 =	vld [tilespmem:s16+$0x0];
	p4 =	seq.s32 s17, $0xF;
	(v2sf) =	vpush v6, $0xF;
	_ =	sdelay $0x1  }
0xcd: {  	v5, _, _ =	vpop (xrf0)  }
0xce: {  	(v2sf) =	vpush v5, $0xF;
	v5, _, _ =	vpop (xrf0)  }
0xcf: {  	(v2sf) =	vpush v5, $0xF  }
0xd0: {  	v4 =	vperm.xlane v4, v1;
	_ =	sdelay $0x1  }
0xd1: {  	(xrf0) =	vadd.scan.msk.s32 $0xffff, v4;
	_ =	sdelay $0x4  }
0xd2: {  	s18 =	spop (v2sf)  }
0xd3: {  	v5, _, _ =	vpop (xrf0);
	s18 =	sxor.u32 $0x80000000, s18  }
0xd4: {  	v5 =	vadd.s32 s18, v5;
	p5 =	sgt.s32 s18, $0x1FFF  }
0xd5: {  	v6 =	vxor.u32 $0x80000000, v5;
	vm0 =	vgt.s32 v5, $0x1FFF;
	p6 =	por !p5, !p1;
	p3 =	por p3, p5;
	s18 =	spop (v2sf)  }
0xd6: {  	v7 =	vmctz.xlane vm0;
	p1 =	por !p3, !p3;
	(xrf0) =	vmax.scan.msk.u32 $0xffff, v6;
	s18 =	sxor.u32 $0x80000000, s18;
	p5 =	por !p6, !p6  }
0xd7: {  	p6 =	slt.s32 s18, $0xF  }
0xd8: {  	v6 =	vxor.u32 $0x80000000, v7;
	s18 =	simm.s32 @!p6 $0xF;
	s19 =	spop (v2sf)  }
0xd9: {  	(xrf0) =	vmax.scan.msk.u32 $0xffff, v6;
	v6 =	vmov s18;
	s18 =	ssub.s32 s14, s18;
	s20 =	spop (v2sf);
	s14 =	smov.u32 s17  }
0xda: {  	vm0 =	veq.s32 v6, v0;
	s12 =	smov.u32 @p5 s18;
	s18 =	ssub.s32 s19, s20  }
.Ltmp6:
0xdb: {  	v6 =	vnsel vm0, $0x0, v3;
	v7 =	vnsel vm0, $0x0, v2;
	s15 =	smov.u32 @p2 s18;
	v2 =	vmovc v4;
	v3 =	vmov v5;
	p2 =	por p5, p5;
	(pc) =	sbr.rel @!p4 .LBB2_12-.Ltmp6, $3  }
0xdc: {  	v4, _, _ =	vpop (xrf0);
	(xrf0) =	vadd.scan.msk.s32 $0xffff, v6  }
0xdd: {  	(v2sf) =	vpush v4, $0xF;
	(xrf0) =	vadd.scan.msk.s32 $0xffff, v7;
	_ =	sdelay $0x1  }
0xde: {  	s16 =	sadd.s32 $0xFFFFFFF0, s16;
	s17 =	sadd.s32 $0xFFFFFFF0, s17;
	v6, _, _ =	vpop (xrf0)  }
0xdf: {  	s16 =	smov.u32 s14;
	v5 =	vmov v3;
	v4 =	vmov v2  }
.LBB2_14:
0xe0: {  	(v2sf) =	vpush v6, $0xF;
	_ =	sdelay $0xd  }
0xe1: {  	s14 =	spop (v2sf)  }
0xe2: {  	s17 =	spop (v2sf)  }
0xe3: {  	s17 =	sxor.u32 $0x80000000, s17  }
0xe4: {  	p3 =	slt.s32 s17, $0xF  }
0xe5: {  	s17 =	simm.s32 @!p3 $0xF  }
0xe6: {  	v1 =	vmov s17  }
0xe7: {  	vm0 =	veq.s32 v1, v0  }
0xe8: {  	v0 =	vnsel vm0, $0x0, v5  }
0xe9: {  	v1 =	vnsel vm0, $0x0, v4;
	(xrf0) =	vadd.scan.msk.s32 $0xffff, v0  }
0xea: {  	(xrf0) =	vadd.scan.msk.s32 $0xffff, v1;
	_ =	sdelay $0x2  }
0xeb: {  	v0, _, _ =	vpop @p0 (xrf0)  }
0xec: {  	v1, _, _ =	vpop @p0 (xrf0);
	(v2sf) =	vpush @p0 v0, $0xF  }
0xed: {  	(v2sf) =	vpush @p0 v1, $0xF;
	v0, _, _ =	vpop (xrf0)  }
0xee: {  	(v2sf) =	vpush v0, $0xF;
	v0, _, _ =	vpop (xrf0)  }
0xef: {  	(v2sf) =	vpush v0, $0xF;
	_ =	sdelay $0xa  }
0xf0: {  	s14 =	sxor.u32 $0x80000000, s14  }
0xf1: {  	p2 =	por !p2, !p0;
	p6 =	sgt.s32 s14, $0x1FFF;
	s14 =	spop @p0 (v2sf)  }
0xf2: {  	p1 =	por !p6, !p1;
	s16 =	ssub.s32 s16, s17;
	s17 =	spop @p0 (v2sf)  }
0xf3: {  	p1 =	por !p1, !p1;
	s14 =	ssub.s32 @p0 s14, s17;
	s30 =	spop (v2sf)  }
0xf4: {  	s12 =	smov.u32 @p1 s16;
	s14 =	smov.u32 @p2 s15;
	s31 =	spop (v2sf)  }
0xf5: {  	p2 =	por p1, p1;
	s13 =	smov.u32 @p0 s14;
	s14 =	ssub.s32 s30, s31  }
0xf6: {  	v0 =	vimm.s32 $0x0;
	s15 =	simm.s32 $0x0;
	s13 =	smov.u32 @p2 s14;
	s14 =	simm.s32 $0x40  }
.LBB2_15:
0xf7: {  	p0 =	seq.s32 s14, $0x1FC0;
	[tilespmem:s15+$0x11480] =	vst v0;
	s15 =	smov.u32 s14;
	s14 =	sadd.s32 $0x40, s14  }
.Ltmp7:
0xf8: {  	(pc) =	sbr.rel @!p0 .LBB2_15-.Ltmp7, $2  }
0xf9: {  	_ =	sdelay $0x2  }
0xfa: {  	s15 =	sshra.s32 s15, $0x2  }
0xfb: {  	[tilespmem:s15+$0x11480] =	vst v0;
	s14 =	simm.s32 $0x0  }
0xfc: {  	v1 =	vld [tilespmem:s14+$0x10]  }
0xfd: {  	v3 =	vld [tilespmem:s14+$0x20]  }
0xfe: {  	v4 =	vld [tilespmem:s14+$0x30]  }
0xff: {  	v2 =	vld [tilespmem:s14+$0x0];
	_ =	sdelay $0x2  }
0x100: {  	v0 =	vmov s12  }
0x101: {  	v5 =	vshrl.u32 v1, $0x15;
	v6 =	vshrl.u32 v3, $0x15;
	v7 =	vshrl.u32 v4, $0x15  }
0x102: {  	v8 =	vshrl.u32 v2, $0x15;
	v6 =	vxor.u32 v0, v6;
	v7 =	vxor.u32 v0, v7  }
0x103: {  	v5 =	vxor.u32 v0, v5;
	vm0 =	veq.s32 v6, $0x400;
	vm1 =	veq.s32 v7, $0x400  }
0x104: {  	v8 =	vxor.u32 v0, v8;
	vm2 =	veq.s32 v5, $0x400;
	vm0 =	vmor vm0, vm1  }
0x105: {  	vm1 =	veq.s32 v8, $0x400;
	vm0 =	vmor vm2, vm0  }
0x106: {  	vm0 =	vmor vm1, vm0  }
0x107: {  	v9 =	vmpcnt.ones.xlane vm0;
	_ =	sdelay $0x1  }
0x108: {  	v9 =	vxor.u32 $0x80000000, v9  }
0x109: {  	(xrf0) =	vmax.scan.msk.u32 $0xffff, v9;
	_ =	sdelay $0x5  }
0x10a: {  	v9, _, _ =	vpop (xrf0)  }
0x10b: {  	(v2sf) =	vpush v9, $0xF;
	_ =	sdelay $0xe  }
0x10c: {  	s31 =	spop (v2sf)  }
0x10d: {  	p1 =	slt.u32 s31, $0x80000001  }
0x10e: {  	v2 =	vshrl.u32 @!p1 v2, $0xA  }
0x10f: {  	v1 =	vshrl.u32 @!p1 v1, $0xA;
	vm0 =	veq.s32 @!p1 v8, $0x400;
	v2 =	vand.u32 @!p1 $0x7FF, v2  }
0x110: {  	v3 =	vshrl.u32 @!p1 v3, $0xA;
	vm1 =	veq.s32 @!p1 v5, $0x400;
	v1 =	vand.u32 @!p1 $0x7FF, v1;
	(xrf1) =	vunique.msk.u32 @!p1 vm0, v2  }
0x111: {  	v4 =	vshrl.u32 @!p1 v4, $0xA;
	v3 =	vand.u32 @!p1 $0x7FF, v3;
	vm0 =	veq.s32 @!p1 v6, $0x400;
	(xrf1) =	vunique.msk.u32 @!p1 vm1, v1  }
0x112: {  	v4 =	vand.u32 @!p1 $0x7FF, v4;
	vm1 =	veq.s32 @!p1 v7, $0x400;
	(xrf1) =	vunique.msk.u32 @!p1 vm0, v3  }
0x113: {  	(xrf1) =	vunique.msk.u32 @!p1 vm1, v4;
	_ =	sdelay $0xa  }
0x114: {  	_, v8, vm3 =	vpop @!p1 (xrf1)  }
0x115: {  	_, v6, vm1 =	vpop @!p1 (xrf1)  }
0x116: {  	_, v5, vm0 =	vpop @!p1 (xrf1)  }
0x117: {  	_, v7, vm2 =	vpop @!p1 (xrf1);
	_ =	sdelay $0x1  }
0x118: {  	s14 =	simm.s32 $0x100;
	s15 =	simm.s32 @!p1 $0x11480  }
.LBB2_17:
0x119: {  	[tilespmem:v2+s15+$0x0] =	vst.idx.add.s32.msk @!p1 vm3, v8;
	s16 =	smov.u32 s14;
	s14 =	sadd.s32 $0x100, s14  }
0x11a: {  	p0 =	sne.s32 s14, $0x3D100;
	[tilespmem:v1+s15+$0x0] =	vst.idx.add.s32.msk @!p1 vm1, v6  }
0x11b: {  	s16 =	sshra.s32 s16, $0x2;
	[tilespmem:v3+s15+$0x0] =	vst.idx.add.s32.msk @!p1 vm0, v5  }
0x11c: {  	[tilespmem:v4+s15+$0x0] =	vst.idx.add.s32.msk @!p1 vm2, v7  }
0x11d: {  	v1 =	vld [tilespmem:s16+$0x10]  }
0x11e: {  	v2 =	vld [tilespmem:s16+$0x20]  }
0x11f: {  	v4 =	vld [tilespmem:s16+$0x30];
	_ =	sdelay $0x1  }
0x120: {  	v3 =	vld [tilespmem:s16+$0x0]  }
0x121: {  	v5 =	vshrl.u32 v1, $0x15  }
0x122: {  	v6 =	vshrl.u32 v2, $0x15  }
0x123: {  	v6 =	vxor.u32 v0, v6;
	v7 =	vshrl.u32 v4, $0x15  }
0x124: {  	v5 =	vxor.u32 v0, v5;
	v7 =	vxor.u32 v0, v7  }
0x125: {  	vm0 =	veq.s32 v6, $0x400;
	v8 =	vshrl.u32 v3, $0x15;
	vm1 =	veq.s32 v7, $0x400  }
0x126: {  	vm2 =	veq.s32 v5, $0x400;
	v8 =	vxor.u32 v0, v8;
	vm0 =	vmor vm0, vm1  }
0x127: {  	vm1 =	veq.s32 v8, $0x400;
	vm0 =	vmor vm2, vm0  }
0x128: {  	vm0 =	vmor vm1, vm0  }
0x129: {  	v9 =	vmpcnt.ones.xlane vm0;
	_ =	sdelay $0x1  }
0x12a: {  	v9 =	vxor.u32 $0x80000000, v9  }
0x12b: {  	(xrf0) =	vmax.scan.msk.u32 $0xffff, v9;
	_ =	sdelay $0x5  }
0x12c: {  	v9, _, _ =	vpop (xrf0)  }
0x12d: {  	(v2sf) =	vpush v9, $0xF;
	_ =	sdelay $0xe  }
0x12e: {  	s15 =	spop (v2sf)  }
0x12f: {  	p1 =	slt.u32 s15, $0x80000001  }
0x130: {  	v3 =	vshrl.u32 @!p1 v3, $0xA;
	v1 =	vshrl.u32 @!p1 v1, $0xA;
	v9 =	vshrl.u32 @!p1 v2, $0xA  }
0x131: {  	vm0 =	veq.s32 @!p1 v8, $0x400;
	v2 =	vand.u32 @!p1 $0x7FF, v3;
	v1 =	vand.u32 @!p1 $0x7FF, v1  }
0x132: {  	vm1 =	veq.s32 @!p1 v6, $0x400;
	vm2 =	veq.s32 @!p1 v5, $0x400;
	v3 =	vand.u32 @!p1 $0x7FF, v9;
	(xrf1) =	vunique.msk.u32 @!p1 vm0, v2  }
0x133: {  	v4 =	vshrl.u32 @!p1 v4, $0xA;
	vm0 =	veq.s32 @!p1 v7, $0x400;
	(xrf1) =	vunique.msk.u32 @!p1 vm2, v1  }
0x134: {  	v4 =	vand.u32 @!p1 $0x7FF, v4;
	(xrf1) =	vunique.msk.u32 @!p1 vm1, v3  }
0x135: {  	(xrf1) =	vunique.msk.u32 @!p1 vm0, v4;
	_ =	sdelay $0xa  }
0x136: {  	_, v8, vm3 =	vpop @!p1 (xrf1)  }
.Ltmp8:
0x137: {  	_, v6, vm1 =	vpop @!p1 (xrf1);
	(pc) =	sbr.rel @p0 .LBB2_17-.Ltmp8, $3  }
0x138: {  	_, v5, vm0 =	vpop @!p1 (xrf1)  }
0x139: {  	_, v7, vm2 =	vpop @!p1 (xrf1);
	_ =	sdelay $0x1  }
0x13a: {  	s15 =	simm.s32 @!p1 $0x11480  }
0x13b: {  	_ =	sdelay $0x4  }
0x13c: {  	[tilespmem:v2+s15+$0x0] =	vst.idx.add.s32.msk @!p1 vm3, v8  }
0x13d: {  	[tilespmem:v1+s15+$0x0] =	vst.idx.add.s32.msk @!p1 vm1, v6  }
0x13e: {  	s14 =	simm.s32 $0x80;
	[tilespmem:v3+s15+$0x0] =	vst.idx.add.s32.msk @!p1 vm0, v5  }
0x13f: {  	s29 =	simm.s32 $0x400;
	s16 =	simm.s32 $0x11480;
	s30 =	simm.s32 $0x3;
	[tilespmem:v4+s15+$0x0] =	vst.idx.add.s32.msk @!p1 vm2, v7  }
0x140: {  	[hbm4b:s9+s14] =	stream.strided.scatter [tilespmem:s16], [sflag:$0x3], $0x800, s29, s14, $0x38;
	[tilespmem:$0x1BB80] =	vst v63  }
0x141: {  	_ =	swait.ge [sflag:s30], $0x800  }
0x142: {  	[sflag:s30] =	ssyncset.done $0x0  }
0x143: {  	[sflag:s30] =	ssyncadd.s32 $0xFFFFF800  }
0x144: {  	s31 =	simm.s32 $0x4000;
	s17 =	simm.s32 $0x12480;
	[bflag:$0x0] =	sbarrier.arrive $0xFFFF  }
0x145: {  	[tilespmem:s17], [sflag:$0x3] =	stream.strided.gather [hbm4b:s10+s29], $0x800, s31, s29, $0x38;
	[tilespmem:$0x1BB80] =	vst v63  }
0x146: {  	_ =	swait.ge [sflag:s30], $0x800  }
0x147: {  	[sflag:s30] =	ssyncset.done $0x0  }
0x148: {  	s14 =	simm.s32 $0x0;
	[sflag:s30] =	ssyncadd.s32 $0xFFFFF800  }
0x149: {  	v0 =	vld [tilespmem:s14+$0x12480]  }
0x14a: {  	v1 =	vld [tilespmem:s14+$0x12500]  }
0x14b: {  	v2 =	vld [tilespmem:s14+$0x12580]  }
0x14c: {  	v3 =	vld [tilespmem:s14+$0x12600]  }
0x14d: {  	v4 =	vld [tilespmem:s14+$0x12680]  }
0x14e: {  	v5 =	vld [tilespmem:s14+$0x12700]  }
0x14f: {  	v0 =	vadd.s32 v0, v1;
	v1 =	vld [tilespmem:s14+$0x12780]  }
0x150: {  	v0 =	vadd.s32 v2, v0;
	v2 =	vld [tilespmem:s14+$0x12800]  }
0x151: {  	v0 =	vadd.s32 v3, v0;
	v3 =	vld [tilespmem:s14+$0x12880]  }
0x152: {  	v0 =	vadd.s32 v4, v0;
	v4 =	vld [tilespmem:s14+$0x12900]  }
0x153: {  	v0 =	vadd.s32 v5, v0;
	v5 =	vld [tilespmem:s14+$0x12980]  }
0x154: {  	v6 =	vld [tilespmem:s14+$0x12A00];
	v0 =	vadd.s32 v1, v0  }
0x155: {  	v1 =	vld [tilespmem:s14+$0x12A80];
	v0 =	vadd.s32 v2, v0  }
0x156: {  	v2 =	vld [tilespmem:s14+$0x12B00];
	v0 =	vadd.s32 v3, v0  }
0x157: {  	v3 =	vld [tilespmem:s14+$0x12B80];
	v0 =	vadd.s32 v4, v0  }
0x158: {  	s15 =	simm.s32 $0x10;
	v4 =	vld [tilespmem:s14+$0x12C00];
	v5 =	vadd.s32 v5, v0  }
0x159: {  	s16 =	simm.s32 $0x80;
	v0 =	vld [tilespmem:s15+$0x12480];
	v5 =	vadd.s32 v6, v5  }
.LBB2_19:
0x15a: {  	p0 =	sne.s32 s16, $0x1C0;
	v6 =	vld [tilespmem:s15+$0x12500];
	v1 =	vadd.s32 v1, v5  }
0x15b: {  	v5 =	vld [tilespmem:s15+$0x12580];
	v1 =	vadd.s32 v2, v1  }
0x15c: {  	v2 =	vld [tilespmem:s15+$0x12600];
	v1 =	vadd.s32 v3, v1  }
0x15d: {  	v3 =	vld [tilespmem:s15+$0x12680];
	v1 =	vadd.s32 v4, v1  }
0x15e: {  	v4 =	vld [tilespmem:s15+$0x12700];
	[tilespmem:s14+$0x12C80] =	vst v1;
	s14 =	smov.u32 s15  }
0x15f: {  	v0 =	vadd.s32 v0, v6;
	v1 =	vld [tilespmem:s14+$0x12780]  }
0x160: {  	v0 =	vadd.s32 v5, v0;
	v5 =	vld [tilespmem:s14+$0x12800]  }
0x161: {  	v0 =	vadd.s32 v2, v0;
	v2 =	vld [tilespmem:s14+$0x12880]  }
0x162: {  	v0 =	vadd.s32 v3, v0;
	v3 =	vld [tilespmem:s14+$0x12900]  }
0x163: {  	v0 =	vadd.s32 v4, v0;
	v4 =	vld [tilespmem:s14+$0x12980]  }
0x164: {  	v0 =	vadd.s32 v1, v0;
	v6 =	vld [tilespmem:s14+$0x12A00]  }
.Ltmp9:
0x165: {  	v0 =	vadd.s32 v5, v0;
	v1 =	vld [tilespmem:s14+$0x12A80];
	(pc) =	sbr.rel @p0 .LBB2_19-.Ltmp9, $4  }
0x166: {  	v0 =	vadd.s32 v2, v0;
	v2 =	vld [tilespmem:s14+$0x12B00]  }
0x167: {  	v0 =	vadd.s32 v3, v0;
	v3 =	vld [tilespmem:s14+$0x12B80]  }
0x168: {  	s15 =	sshra.s32 s16, $0x2;
	v5 =	vadd.s32 v4, v0;
	v4 =	vld [tilespmem:s14+$0x12C00]  }
0x169: {  	s16 =	sadd.s32 $0x40, s16;
	v0 =	vld [tilespmem:s15+$0x12480];
	v5 =	vadd.s32 v6, v5  }
0x16a: {  	v6 =	vld [tilespmem:s15+$0x12500];
	v1 =	vadd.s32 v1, v5  }
0x16b: {  	v5 =	vld [tilespmem:s15+$0x12580];
	v1 =	vadd.s32 v2, v1  }
0x16c: {  	v2 =	vld [tilespmem:s15+$0x12600];
	v1 =	vadd.s32 v3, v1  }
0x16d: {  	v3 =	vld [tilespmem:s15+$0x12680];
	v1 =	vadd.s32 v4, v1  }
0x16e: {  	v4 =	vld [tilespmem:s15+$0x12700];
	[tilespmem:s14+$0x12C80] =	vst v1  }
0x16f: {  	v0 =	vadd.s32 v0, v6;
	v1 =	vld [tilespmem:s15+$0x12780]  }
0x170: {  	v0 =	vadd.s32 v5, v0;
	v5 =	vld [tilespmem:s15+$0x12800]  }
0x171: {  	v0 =	vadd.s32 v2, v0;
	v2 =	vld [tilespmem:s15+$0x12880]  }
0x172: {  	v0 =	vadd.s32 v3, v0;
	v3 =	vld [tilespmem:s15+$0x12900]  }
0x173: {  	v0 =	vadd.s32 v4, v0;
	v4 =	vld [tilespmem:s15+$0x12980]  }
0x174: {  	v0 =	vadd.s32 v1, v0;
	v1 =	vld [tilespmem:s15+$0x12A00]  }
0x175: {  	v0 =	vadd.s32 v5, v0;
	v5 =	vld [tilespmem:s15+$0x12A80]  }
0x176: {  	v0 =	vadd.s32 v2, v0;
	v2 =	vld [tilespmem:s15+$0x12B00]  }
0x177: {  	v0 =	vadd.s32 v3, v0;
	v3 =	vld [tilespmem:s15+$0x12B80]  }
0x178: {  	v0 =	vadd.s32 v4, v0;
	v4 =	vld [tilespmem:s15+$0x12C00]  }
0x179: {  	v0 =	vadd.s32 v1, v0  }
0x17a: {  	v0 =	vadd.s32 v5, v0  }
0x17b: {  	v0 =	vadd.s32 v2, v0  }
0x17c: {  	v0 =	vadd.s32 v3, v0  }
0x17d: {  	v0 =	vadd.s32 v4, v0  }
0x17e: {  	s29 =	simm.s32 $0x12C80;
	s30 =	simm.s32 $0x3;
	s14 =	simm.s32 $0x0;
	[tilespmem:s15+$0x12C80] =	vst v0  }
0x17f: {  	[hbm4b:s11+s14] =	stream.linear.scatter [tilespmem:s29], [sflag:$0x3], $0x80, $0x38;
	[tilespmem:$0x1BB80] =	vst v63  }
0x180: {  	_ =	swait.ge [sflag:s30], $0x80  }
0x181: {  	[sflag:s30] =	ssyncset.done $0x0  }
0x182: {  	s16 =	simm.s32 $0x80;
	[sflag:s30] =	ssyncadd.s32 $0xFFFFFF80  }
0x183: {  	s17 =	simm.s32 $0x400;
	s18 =	simm.s32 $0x11C80;
	[bflag:$0x0] =	sbarrier.arrive $0xFFFF  }
0x184: {  	[tilespmem:s18], [sflag:$0x3] =	stream.strided.gather [hbm4b:s8+s16], $0x800, s17, s16, $0x38;
	[tilespmem:$0x1BB80] =	vst v63  }
0x185: {  	_ =	swait.ge [sflag:s30], $0x800  }
0x186: {  	[sflag:s30] =	ssyncset.done $0x0  }
0x187: {  	s31 =	simm.s32 $0x12470;
	[sflag:s30] =	ssyncadd.s32 $0xFFFFF800  }
0x188: {  	v2 =	vld [tilespmem:s31+$0x0]  }
0x189: {  	v0 =	vlaneseq.u32  }
0x18a: {  	v1 =	vmul.u32 $0xFFFFFFFF, v0;
	_ =	sdelay $0x1  }
0x18b: {  	v1 =	vadd.s32 $0xF, v1  }
0x18c: {  	v5 =	vperm.xlane v2, v1;
	_ =	sdelay $0x1  }
0x18d: {  	(xrf0) =	vadd.scan.msk.s32 $0xffff, v5;
	_ =	sdelay $0x5  }
0x18e: {  	s13 =	ssub.s32 $0x2000, s13;
	v3, _, _ =	vpop (xrf0)  }
0x18f: {  	v2 =	vmov s13;
	v6 =	vadd.s32 s14, v3  }
0x190: {  	vm0 =	vge.s32 v6, v2  }
0x191: {  	v3 =	vmctz.xlane vm0  }
0x192: {  	v4 =	vxor.u32 $0x80000000, v6  }
0x193: {  	(xrf0) =	vmax.scan.msk.u32 $0xffff, v4;
	v3 =	vxor.u32 $0x80000000, v3  }
0x194: {  	(xrf0) =	vmax.scan.msk.u32 $0xffff, v3  }
0x195: {  	p2 =	por $0x0, $0x0  }
.Ltmp10:
0x196: {  	_ = 	snop;
	(pc) =	sbr.rel @p2 .LBB2_21-.Ltmp10, $4  }
0x197: {  	_ = 	snop  }
0x198: {  	p0 =	por $0x0, $0x0  }
0x199: {  	p1 =	por !p0, !p0;
	v3, _, _ =	vpop (xrf0)  }
0x19a: {  	s15 =	simm.s32 $0x12460;
	s18 =	simm.s32 $0x7FF;
	s16 =	simm.s32 $0x7EF;
	(v2sf) =	vpush v3, $0xF;
	v7, _, _ =	vpop (xrf0)  }
0x19b: {  	_ =	sdelay $0x1  }
0x19c: {  	v3 =	vld [tilespmem:s15+$0x0];
	(v2sf) =	vpush v7, $0xF;
	_ =	sdelay $0x4  }
0x19d: {  	v3 =	vperm.xlane v3, v1;
	_ =	sdelay $0x1  }
0x19e: {  	(xrf0) =	vadd.scan.msk.s32 $0xffff, v3;
	_ =	sdelay $0x4  }
0x19f: {  	s31 =	spop (v2sf)  }
0x1a0: {  	v4, _, _ =	vpop (xrf0);
	s15 =	sxor.u32 $0x80000000, s31  }
0x1a1: {  	v4 =	vadd.s32 s15, v4  }
0x1a2: {  	s17 =	spop (v2sf);
	vm0 =	vge.s32 v4, v2;
	v8 =	vxor.u32 $0x80000000, v4  }
0x1a3: {  	s17 =	sxor.u32 $0x80000000, s17;
	v7 =	vmctz.xlane vm0;
	(xrf0) =	vmax.scan.msk.u32 $0xffff, v8  }
0x1a4: {  	p2 =	slt.s32 s17, $0xF  }
0x1a5: {  	s17 =	simm.s32 @!p2 $0xF;
	v7 =	vxor.u32 $0x80000000, v7  }
0x1a6: {  	(xrf0) =	vmax.scan.msk.u32 $0xffff, v7;
	v7 =	vmov s17  }
0x1a7: {  	p4 =	por $0x0, $0x0;
	vm15 =	veq.s32 v7, v0  }
.Ltmp11:
0x1a8: {  	p3 =	sge.s32 s15, s13;
	v6 =	vnsel vm15, $0x0, v6;
	(pc) =	sbr.rel @p4 .LBB2_23-.Ltmp11, $4  }
0x1a9: {  	s18 =	simm.s32 $0x12450;
	s19 =	simm.s32 $0x7DF;
	p6 =	por !p3, !p1;
	v5 =	vnsel vm15, $0x0, v5;
	v7, _, _ =	vpop (xrf0);
	(xrf0) =	vadd.scan.msk.s32 $0xffff, v6  }
0x1aa: {  	s15 =	simm.s32 $0x0;
	p3 =	por p0, p3;
	p0 =	por !p6, !p6;
	(v2sf) =	vpush v7, $0xF;
	(xrf0) =	vadd.scan.msk.s32 $0xffff, v5  }
0x1ab: {  	p1 =	por !p3, !p3;
	p2 =	por p0, p0;
	s17 =	ssub.s32 $0x7FF, s17  }
0x1ac: {  	s15 =	smov.u32 @p0 s17;
	p0 =	por $0x1, $0x1;
	s17 =	simm.s32 $0x0;
	v7, _, _ =	vpop (xrf0)  }
.LBB2_24:
0x1ad: {  	v5 =	vld [tilespmem:s18+$0x0];
	p4 =	seq.s32 s19, $0xF;
	(v2sf) =	vpush v7, $0xF;
	_ =	sdelay $0x1  }
0x1ae: {  	v6, _, _ =	vpop (xrf0)  }
0x1af: {  	(v2sf) =	vpush v6, $0xF;
	v6, _, _ =	vpop (xrf0)  }
0x1b0: {  	(v2sf) =	vpush v6, $0xF  }
0x1b1: {  	v5 =	vperm.xlane v5, v1;
	_ =	sdelay $0x1  }
0x1b2: {  	(xrf0) =	vadd.scan.msk.s32 $0xffff, v5;
	_ =	sdelay $0x4  }
0x1b3: {  	s20 =	spop (v2sf)  }
0x1b4: {  	v6, _, _ =	vpop (xrf0);
	s20 =	sxor.u32 $0x80000000, s20  }
0x1b5: {  	v6 =	vadd.s32 s20, v6;
	p5 =	sge.s32 s20, s13  }
0x1b6: {  	v7 =	vxor.u32 $0x80000000, v6;
	vm0 =	vge.s32 v6, v2;
	p6 =	por !p5, !p1;
	p3 =	por p3, p5;
	s20 =	spop (v2sf)  }
0x1b7: {  	v8 =	vmctz.xlane vm0;
	p1 =	por !p3, !p3;
	(xrf0) =	vmax.scan.msk.u32 $0xffff, v7;
	s20 =	sxor.u32 $0x80000000, s20;
	p5 =	por !p6, !p6  }
0x1b8: {  	p6 =	slt.s32 s20, $0xF  }
0x1b9: {  	v7 =	vxor.u32 $0x80000000, v8;
	s20 =	simm.s32 @!p6 $0xF;
	s21 =	spop (v2sf)  }
0x1ba: {  	(xrf0) =	vmax.scan.msk.u32 $0xffff, v7;
	v7 =	vmov s20;
	s20 =	ssub.s32 s16, s20;
	s22 =	spop (v2sf);
	s16 =	smov.u32 s19  }
0x1bb: {  	vm0 =	veq.s32 v7, v0;
	s15 =	smov.u32 @p5 s20;
	s20 =	ssub.s32 s21, s22  }
.Ltmp12:
0x1bc: {  	v7 =	vnsel vm0, $0x0, v4;
	v8 =	vnsel vm0, $0x0, v3;
	s17 =	smov.u32 @p2 s20;
	v3 =	vmovc v5;
	v4 =	vmov v6;
	p2 =	por p5, p5;
	(pc) =	sbr.rel @!p4 .LBB2_24-.Ltmp12, $3  }
0x1bd: {  	v5, _, _ =	vpop (xrf0);
	(xrf0) =	vadd.scan.msk.s32 $0xffff, v7  }
0x1be: {  	(v2sf) =	vpush v5, $0xF;
	(xrf0) =	vadd.scan.msk.s32 $0xffff, v8;
	_ =	sdelay $0x1  }
0x1bf: {  	s18 =	sadd.s32 $0xFFFFFFF0, s18;
	s19 =	sadd.s32 $0xFFFFFFF0, s19;
	v7, _, _ =	vpop (xrf0)  }
0x1c0: {  	s18 =	smov.u32 s16;
	v6 =	vmov v4;
	v5 =	vmov v3  }
.LBB2_26:
0x1c1: {  	(v2sf) =	vpush v7, $0xF;
	_ =	sdelay $0xd  }
0x1c2: {  	s16 =	spop (v2sf)  }
0x1c3: {  	s19 =	spop (v2sf)  }
0x1c4: {  	s19 =	sxor.u32 $0x80000000, s19  }
0x1c5: {  	p3 =	slt.s32 s19, $0xF  }
0x1c6: {  	s19 =	simm.s32 @!p3 $0xF  }
0x1c7: {  	v1 =	vmov s19  }
0x1c8: {  	vm0 =	veq.s32 v1, v0  }
0x1c9: {  	v0 =	vnsel vm0, $0x0, v6  }
0x1ca: {  	v1 =	vnsel vm0, $0x0, v5;
	(xrf0) =	vadd.scan.msk.s32 $0xffff, v0  }
0x1cb: {  	(xrf0) =	vadd.scan.msk.s32 $0xffff, v1;
	_ =	sdelay $0x2  }
0x1cc: {  	v0, _, _ =	vpop @p0 (xrf0)  }
0x1cd: {  	v1, _, _ =	vpop @p0 (xrf0);
	(v2sf) =	vpush @p0 v0, $0xF  }
0x1ce: {  	(v2sf) =	vpush @p0 v1, $0xF;
	v0, _, _ =	vpop (xrf0)  }
0x1cf: {  	(v2sf) =	vpush v0, $0xF;
	v0, _, _ =	vpop (xrf0)  }
0x1d0: {  	(v2sf) =	vpush v0, $0xF;
	_ =	sdelay $0xa  }
0x1d1: {  	s16 =	sxor.u32 $0x80000000, s16  }
0x1d2: {  	p2 =	por !p2, !p0;
	p6 =	sge.s32 s16, s13;
	s16 =	spop @p0 (v2sf)  }
0x1d3: {  	p1 =	por !p6, !p1;
	s18 =	ssub.s32 s18, s19;
	s19 =	spop @p0 (v2sf)  }
0x1d4: {  	p1 =	por !p1, !p1;
	s16 =	ssub.s32 @p0 s16, s19;
	s30 =	spop (v2sf)  }
0x1d5: {  	s15 =	smov.u32 @p1 s18;
	s16 =	smov.u32 @p2 s17;
	s31 =	spop (v2sf)  }
0x1d6: {  	p2 =	por p1, p1;
	s14 =	smov.u32 @p0 s16;
	s16 =	ssub.s32 s30, s31  }
0x1d7: {  	v0 =	vimm.s32 $0x0;
	s17 =	simm.s32 $0x0;
	s14 =	smov.u32 @p2 s16;
	s16 =	simm.s32 $0x40  }
.LBB2_27:
0x1d8: {  	p0 =	seq.s32 s16, $0x1FC0;
	[tilespmem:s17+$0x11480] =	vst v0;
	s17 =	smov.u32 s16;
	s16 =	sadd.s32 $0x40, s16  }
.Ltmp13:
0x1d9: {  	(pc) =	sbr.rel @!p0 .LBB2_27-.Ltmp13, $2  }
0x1da: {  	_ =	sdelay $0x2  }
0x1db: {  	s17 =	sshra.s32 s17, $0x2  }
0x1dc: {  	[tilespmem:s17+$0x11480] =	vst v0;
	s30 =	simm.s32 $0x0  }
0x1dd: {  	v1 =	vld [tilespmem:s30+$0x10]  }
0x1de: {  	v2 =	vld [tilespmem:s30+$0x20]  }
0x1df: {  	v4 =	vld [tilespmem:s30+$0x30]  }
0x1e0: {  	v3 =	vld [tilespmem:s30+$0x0]  }
0x1e1: {  	s12 =	sshll.u32 s12, $0xB  }
0x1e2: {  	s12 =	sor.u32 s12, s15  }
0x1e3: {  	v0 =	vmov s12  }
0x1e4: {  	v5 =	vshrl.u32 v1, $0xA;
	v6 =	vshrl.u32 v2, $0xA;
	v7 =	vshrl.u32 v4, $0xA  }
0x1e5: {  	v8 =	vshrl.u32 v3, $0xA;
	v6 =	vxor.u32 v0, v6;
	v7 =	vxor.u32 v0, v7  }
0x1e6: {  	v5 =	vxor.u32 v0, v5;
	vm0 =	veq.s32 v6, $0x200000;
	vm1 =	veq.s32 v7, $0x200000  }
0x1e7: {  	v8 =	vxor.u32 v0, v8;
	vm2 =	veq.s32 v5, $0x200000;
	vm0 =	vmor vm0, vm1  }
0x1e8: {  	vm1 =	veq.s32 v8, $0x200000;
	vm0 =	vmor vm2, vm0  }
0x1e9: {  	vm0 =	vmor vm1, vm0  }
0x1ea: {  	v9 =	vmpcnt.ones.xlane vm0;
	_ =	sdelay $0x1  }
0x1eb: {  	v9 =	vxor.u32 $0x80000000, v9  }
0x1ec: {  	(xrf0) =	vmax.scan.msk.u32 $0xffff, v9;
	_ =	sdelay $0x5  }
0x1ed: {  	v9, _, _ =	vpop (xrf0)  }
0x1ee: {  	(v2sf) =	vpush v9, $0xF;
	_ =	sdelay $0xe  }
0x1ef: {  	s31 =	spop (v2sf)  }
0x1f0: {  	p1 =	slt.u32 s31, $0x80000001  }
0x1f1: {  	vm0 =	veq.s32 @!p1 v8, $0x200000;
	v8 =	vand.u32 @!p1 $0x3FF, v3  }
0x1f2: {  	v3 =	vand.u32 @!p1 $0x3FF, v1;
	(xrf1) =	vunique.msk.u32 @!p1 vm0, v8;
	vm0 =	veq.s32 @!p1 v5, $0x200000  }
0x1f3: {  	vm1 =	veq.s32 @!p1 v6, $0x200000;
	v1 =	vand.u32 @!p1 $0x3FF, v2;
	(xrf1) =	vunique.msk.u32 @!p1 vm0, v3  }
0x1f4: {  	v2 =	vand.u32 @!p1 $0x3FF, v4;
	vm0 =	veq.s32 @!p1 v7, $0x200000;
	(xrf1) =	vunique.msk.u32 @!p1 vm1, v1  }
0x1f5: {  	(xrf1) =	vunique.msk.u32 @!p1 vm0, v2;
	_ =	sdelay $0xa  }
0x1f6: {  	_, v7, vm3 =	vpop @!p1 (xrf1)  }
0x1f7: {  	_, v6, vm2 =	vpop @!p1 (xrf1)  }
0x1f8: {  	_, v4, vm0 =	vpop @!p1 (xrf1)  }
0x1f9: {  	_, v5, vm1 =	vpop @!p1 (xrf1);
	_ =	sdelay $0x1  }
0x1fa: {  	s16 =	simm.s32 @!p1 $0x11480  }
0x1fb: {  	s15 =	simm.s32 $0x100;
	[tilespmem:v8+s16+$0x0] =	vst.idx.add.s32.msk @!p1 vm3, v7  }
.LBB2_29:
0x1fc: {  	[tilespmem:v3+s16+$0x0] =	vst.idx.add.s32.msk @!p1 vm2, v6;
	s17 =	smov.u32 s15;
	s15 =	sadd.s32 $0x100, s15  }
0x1fd: {  	p0 =	sne.s32 s15, $0x3D100;
	[tilespmem:v1+s16+$0x0] =	vst.idx.add.s32.msk @!p1 vm0, v4  }
0x1fe: {  	s17 =	sshra.s32 s17, $0x2;
	[tilespmem:v2+s16+$0x0] =	vst.idx.add.s32.msk @!p1 vm1, v5  }
0x1ff: {  	v1 =	vld [tilespmem:s17+$0x10]  }
0x200: {  	v2 =	vld [tilespmem:s17+$0x20]  }
0x201: {  	v4 =	vld [tilespmem:s17+$0x30]  }
0x202: {  	v3 =	vld [tilespmem:s17+$0x0];
	_ =	sdelay $0x1  }
0x203: {  	v5 =	vshrl.u32 v1, $0xA  }
0x204: {  	v6 =	vshrl.u32 v2, $0xA  }
0x205: {  	v5 =	vxor.u32 v0, v5;
	v6 =	vxor.u32 v0, v6;
	v7 =	vshrl.u32 v4, $0xA  }
0x206: {  	v8 =	vshrl.u32 v3, $0xA;
	vm0 =	veq.s32 v6, $0x200000;
	v7 =	vxor.u32 v0, v7  }
0x207: {  	vm1 =	veq.s32 v5, $0x200000;
	v8 =	vxor.u32 v0, v8;
	vm2 =	veq.s32 v7, $0x200000  }
0x208: {  	vm3 =	veq.s32 v8, $0x200000;
	vm0 =	vmor vm0, vm2  }
0x209: {  	vm0 =	vmor vm1, vm0  }
0x20a: {  	vm0 =	vmor vm3, vm0  }
0x20b: {  	v9 =	vmpcnt.ones.xlane vm0;
	_ =	sdelay $0x1  }
0x20c: {  	v9 =	vxor.u32 $0x80000000, v9  }
0x20d: {  	(xrf0) =	vmax.scan.msk.u32 $0xffff, v9;
	_ =	sdelay $0x5  }
0x20e: {  	v9, _, _ =	vpop (xrf0)  }
0x20f: {  	(v2sf) =	vpush v9, $0xF;
	_ =	sdelay $0xe  }
0x210: {  	s16 =	spop (v2sf)  }
0x211: {  	p1 =	slt.u32 s16, $0x80000001  }
0x212: {  	vm0 =	veq.s32 @!p1 v5, $0x200000;
	vm1 =	veq.s32 @!p1 v8, $0x200000;
	v8 =	vand.u32 @!p1 $0x3FF, v3  }
0x213: {  	vm2 =	veq.s32 @!p1 v7, $0x200000;
	vm3 =	veq.s32 @!p1 v6, $0x200000;
	v3 =	vand.u32 @!p1 $0x3FF, v1;
	(xrf1) =	vunique.msk.u32 @!p1 vm1, v8  }
0x214: {  	v1 =	vand.u32 @!p1 $0x3FF, v2;
	v2 =	vand.u32 @!p1 $0x3FF, v4;
	(xrf1) =	vunique.msk.u32 @!p1 vm0, v3  }
0x215: {  	(xrf1) =	vunique.msk.u32 @!p1 vm3, v1  }
0x216: {  	(xrf1) =	vunique.msk.u32 @!p1 vm2, v2;
	_ =	sdelay $0xa  }
0x217: {  	_, v7, vm3 =	vpop @!p1 (xrf1)  }
0x218: {  	_, v6, vm2 =	vpop @!p1 (xrf1)  }
.Ltmp14:
0x219: {  	_, v4, vm0 =	vpop @!p1 (xrf1);
	(pc) =	sbr.rel @p0 .LBB2_29-.Ltmp14, $3  }
0x21a: {  	_, v5, vm1 =	vpop @!p1 (xrf1)  }
0x21b: {  	s16 =	simm.s32 @!p1 $0x11480;
	_ =	sdelay $0x1  }
0x21c: {  	[tilespmem:v8+s16+$0x0] =	vst.idx.add.s32.msk @!p1 vm3, v7  }
0x21d: {  	_ =	sdelay $0x4  }
0x21e: {  	[tilespmem:v3+s16+$0x0] =	vst.idx.add.s32.msk @!p1 vm2, v6  }
0x21f: {  	s15 =	simm.s32 $0x80;
	[tilespmem:v1+s16+$0x0] =	vst.idx.add.s32.msk @!p1 vm0, v4  }
0x220: {  	s28 =	simm.s32 $0x400;
	s17 =	simm.s32 $0x11480;
	s29 =	simm.s32 $0x3;
	[tilespmem:v2+s16+$0x0] =	vst.idx.add.s32.msk @!p1 vm1, v5  }
0x221: {  	[hbm4b:s9+s15] =	stream.strided.scatter [tilespmem:s17], [sflag:$0x3], $0x800, s28, s15, $0x38;
	[tilespmem:$0x1BB80] =	vst v63  }
0x222: {  	_ =	swait.ge [sflag:s29], $0x800  }
0x223: {  	[sflag:s29] =	ssyncset.done $0x0  }
0x224: {  	[sflag:s29] =	ssyncadd.s32 $0xFFFFF800  }
0x225: {  	s30 =	simm.s32 $0x4000;
	s31 =	simm.s32 $0x12480;
	[bflag:$0x0] =	sbarrier.arrive $0xFFFF  }
0x226: {  	[tilespmem:s31], [sflag:$0x3] =	stream.strided.gather [hbm4b:s10+s28], $0x800, s30, s28, $0x38;
	[tilespmem:$0x1BB80] =	vst v63  }
0x227: {  	_ =	swait.ge [sflag:s29], $0x800  }
0x228: {  	[sflag:s29] =	ssyncset.done $0x0  }
0x229: {  	s9 =	simm.s32 $0x0;
	[sflag:s29] =	ssyncadd.s32 $0xFFFFF800  }
0x22a: {  	v0 =	vld [tilespmem:s9+$0x12480]  }
0x22b: {  	v1 =	vld [tilespmem:s9+$0x12500]  }
0x22c: {  	v2 =	vld [tilespmem:s9+$0x12580]  }
0x22d: {  	v3 =	vld [tilespmem:s9+$0x12600]  }
0x22e: {  	v4 =	vld [tilespmem:s9+$0x12680]  }
0x22f: {  	v5 =	vld [tilespmem:s9+$0x12700]  }
0x230: {  	v0 =	vadd.s32 v0, v1;
	v1 =	vld [tilespmem:s9+$0x12780]  }
0x231: {  	v0 =	vadd.s32 v2, v0;
	v2 =	vld [tilespmem:s9+$0x12800]  }
0x232: {  	v0 =	vadd.s32 v3, v0;
	v3 =	vld [tilespmem:s9+$0x12880]  }
0x233: {  	v0 =	vadd.s32 v4, v0;
	v4 =	vld [tilespmem:s9+$0x12900]  }
0x234: {  	v0 =	vadd.s32 v5, v0;
	v5 =	vld [tilespmem:s9+$0x12980]  }
0x235: {  	v6 =	vld [tilespmem:s9+$0x12A00];
	v0 =	vadd.s32 v1, v0  }
0x236: {  	v1 =	vld [tilespmem:s9+$0x12A80];
	v0 =	vadd.s32 v2, v0  }
0x237: {  	v2 =	vld [tilespmem:s9+$0x12B00];
	v0 =	vadd.s32 v3, v0  }
0x238: {  	v3 =	vld [tilespmem:s9+$0x12B80];
	v0 =	vadd.s32 v4, v0  }
0x239: {  	s10 =	simm.s32 $0x10;
	v4 =	vld [tilespmem:s9+$0x12C00];
	v5 =	vadd.s32 v5, v0  }
0x23a: {  	s15 =	simm.s32 $0x80;
	v0 =	vld [tilespmem:s10+$0x12480];
	v5 =	vadd.s32 v6, v5  }
.LBB2_31:
0x23b: {  	p0 =	sne.s32 s15, $0x1C0;
	v6 =	vld [tilespmem:s10+$0x12500];
	v1 =	vadd.s32 v1, v5  }
0x23c: {  	v5 =	vld [tilespmem:s10+$0x12580];
	v1 =	vadd.s32 v2, v1  }
0x23d: {  	v2 =	vld [tilespmem:s10+$0x12600];
	v1 =	vadd.s32 v3, v1  }
0x23e: {  	v3 =	vld [tilespmem:s10+$0x12680];
	v1 =	vadd.s32 v4, v1  }
0x23f: {  	v4 =	vld [tilespmem:s10+$0x12700];
	[tilespmem:s9+$0x12C80] =	vst v1;
	s9 =	smov.u32 s10  }
0x240: {  	v0 =	vadd.s32 v0, v6;
	v1 =	vld [tilespmem:s9+$0x12780]  }
0x241: {  	v0 =	vadd.s32 v5, v0;
	v5 =	vld [tilespmem:s9+$0x12800]  }
0x242: {  	v0 =	vadd.s32 v2, v0;
	v2 =	vld [tilespmem:s9+$0x12880]  }
0x243: {  	v0 =	vadd.s32 v3, v0;
	v3 =	vld [tilespmem:s9+$0x12900]  }
0x244: {  	v0 =	vadd.s32 v4, v0;
	v4 =	vld [tilespmem:s9+$0x12980]  }
0x245: {  	v0 =	vadd.s32 v1, v0;
	v6 =	vld [tilespmem:s9+$0x12A00]  }
.Ltmp15:
0x246: {  	v0 =	vadd.s32 v5, v0;
	v1 =	vld [tilespmem:s9+$0x12A80];
	(pc) =	sbr.rel @p0 .LBB2_31-.Ltmp15, $4  }
0x247: {  	v0 =	vadd.s32 v2, v0;
	v2 =	vld [tilespmem:s9+$0x12B00]  }
0x248: {  	v0 =	vadd.s32 v3, v0;
	v3 =	vld [tilespmem:s9+$0x12B80]  }
0x249: {  	s10 =	sshra.s32 s15, $0x2;
	v5 =	vadd.s32 v4, v0;
	v4 =	vld [tilespmem:s9+$0x12C00]  }
0x24a: {  	s15 =	sadd.s32 $0x40, s15;
	v0 =	vld [tilespmem:s10+$0x12480];
	v5 =	vadd.s32 v6, v5  }
0x24b: {  	v6 =	vld [tilespmem:s10+$0x12500];
	v1 =	vadd.s32 v1, v5  }
0x24c: {  	v5 =	vld [tilespmem:s10+$0x12580];
	v1 =	vadd.s32 v2, v1  }
0x24d: {  	v2 =	vld [tilespmem:s10+$0x12600];
	v1 =	vadd.s32 v3, v1  }
0x24e: {  	v3 =	vld [tilespmem:s10+$0x12680];
	v1 =	vadd.s32 v4, v1  }
0x24f: {  	v4 =	vld [tilespmem:s10+$0x12700];
	[tilespmem:s9+$0x12C80] =	vst v1  }
0x250: {  	v0 =	vadd.s32 v0, v6;
	v1 =	vld [tilespmem:s10+$0x12780]  }
0x251: {  	v0 =	vadd.s32 v5, v0;
	v5 =	vld [tilespmem:s10+$0x12800]  }
0x252: {  	v0 =	vadd.s32 v2, v0;
	v2 =	vld [tilespmem:s10+$0x12880]  }
0x253: {  	v0 =	vadd.s32 v3, v0;
	v3 =	vld [tilespmem:s10+$0x12900]  }
0x254: {  	v0 =	vadd.s32 v4, v0;
	v4 =	vld [tilespmem:s10+$0x12980]  }
0x255: {  	v0 =	vadd.s32 v1, v0;
	v1 =	vld [tilespmem:s10+$0x12A00]  }
0x256: {  	v0 =	vadd.s32 v5, v0;
	v5 =	vld [tilespmem:s10+$0x12A80]  }
0x257: {  	v0 =	vadd.s32 v2, v0;
	v2 =	vld [tilespmem:s10+$0x12B00]  }
0x258: {  	v0 =	vadd.s32 v3, v0;
	v3 =	vld [tilespmem:s10+$0x12B80]  }
0x259: {  	v0 =	vadd.s32 v4, v0;
	v4 =	vld [tilespmem:s10+$0x12C00]  }
0x25a: {  	v0 =	vadd.s32 v1, v0  }
0x25b: {  	v0 =	vadd.s32 v5, v0  }
0x25c: {  	v0 =	vadd.s32 v2, v0  }
0x25d: {  	v0 =	vadd.s32 v3, v0  }
0x25e: {  	v0 =	vadd.s32 v4, v0  }
0x25f: {  	s24 =	simm.s32 $0x12C80;
	s25 =	simm.s32 $0x3;
	s9 =	simm.s32 $0x0;
	[tilespmem:s10+$0x12C80] =	vst v0  }
0x260: {  	[hbm4b:s11+s9] =	stream.linear.scatter [tilespmem:s24], [sflag:$0x3], $0x80, $0x38;
	[tilespmem:$0x1BB80] =	vst v63  }
0x261: {  	_ =	swait.ge [sflag:s25], $0x80  }
0x262: {  	[sflag:s25] =	ssyncset.done $0x0  }
0x263: {  	s26 =	simm.s32 $0x80;
	[sflag:s25] =	ssyncadd.s32 $0xFFFFFF80  }
0x264: {  	s15 =	simm.s32 $0x400;
	s16 =	simm.s32 $0x11C80;
	[bflag:$0x0] =	sbarrier.arrive $0xFFFF  }
0x265: {  	[tilespmem:s16], [sflag:$0x3] =	stream.strided.gather [hbm4b:s8+s26], $0x800, s15, s26, $0x38;
	[tilespmem:$0x1BB80] =	vst v63  }
0x266: {  	_ =	swait.ge [sflag:s25], $0x800  }
0x267: {  	[sflag:s25] =	ssyncset.done $0x0  }
0x268: {  	s28 =	simm.s32 $0x12470;
	[sflag:s25] =	ssyncadd.s32 $0xFFFFF800  }
0x269: {  	v2 =	vld [tilespmem:s28+$0x0]  }
0x26a: {  	v0 =	vlaneseq.u32  }
0x26b: {  	v1 =	vmul.u32 $0xFFFFFFFF, v0;
	_ =	sdelay $0x1  }
0x26c: {  	v1 =	vadd.s32 $0xF, v1  }
0x26d: {  	v5 =	vperm.xlane v2, v1;
	_ =	sdelay $0x1  }
0x26e: {  	(xrf0) =	vadd.scan.msk.s32 $0xffff, v5;
	_ =	sdelay $0x5  }
0x26f: {  	s8 =	ssub.s32 s13, s14;
	v2, _, _ =	vpop (xrf0)  }
0x270: {  	v6 =	vadd.s32 s9, v2;
	v2 =	vmov s8  }
0x271: {  	v3 =	vxor.u32 $0x80000000, v6;
	vm0 =	vge.s32 v6, v2  }
0x272: {  	(xrf0) =	vmax.scan.msk.u32 $0xffff, v3;
	v3 =	vmctz.xlane vm0;
	_ =	sdelay $0x1  }
0x273: {  	v3 =	vxor.u32 $0x80000000, v3  }
0x274: {  	(xrf0) =	vmax.scan.msk.u32 $0xffff, v3;
	_ =	sdelay $0x2  }
0x275: {  	v3, _, _ =	vpop (xrf0)  }
0x276: {  	(v2sf) =	vpush v3, $0xF;
	_ =	sdelay $0x1  }
0x277: {  	s29 =	simm.s32 $0x12460;
	v4, _, _ =	vpop (xrf0)  }
0x278: {  	v3 =	vld [tilespmem:s29+$0x0];
	(v2sf) =	vpush v4, $0xF;
	_ =	sdelay $0x4  }
0x279: {  	v3 =	vperm.xlane v3, v1;
	_ =	sdelay $0x1  }
0x27a: {  	(xrf0) =	vadd.scan.msk.s32 $0xffff, v3;
	_ =	sdelay $0x4  }
0x27b: {  	s30 =	spop (v2sf)  }
0x27c: {  	v4, _, _ =	vpop (xrf0);
	s10 =	sxor.u32 $0x80000000, s30  }
0x27d: {  	v4 =	vadd.s32 s10, v4  }
0x27e: {  	vm14 =	vge.s32 v4, v2;
	v8 =	vxor.u32 $0x80000000, v4;
	s31 =	spop (v2sf)  }
0x27f: {  	v7 =	vmctz.xlane vm14;
	(xrf0) =	vmax.scan.msk.u32 $0xffff, v8;
	s11 =	sxor.u32 $0x80000000, s31  }
0x280: {  	p0 =	slt.s32 s11, $0xF  }
0x281: {  	v7 =	vxor.u32 $0x80000000, v7;
	s11 =	simm.s32 @!p0 $0xF  }
0x282: {  	(xrf0) =	vmax.scan.msk.u32 $0xffff, v7;
	v7 =	vmov s11  }
0x283: {  	p1 =	por $0x0, $0x0;
	vm15 =	veq.s32 v7, v0  }
0x284: {  	p6 =	por !p1, !p1;
	p2 =	sge.s32 s10, s8;
	v6 =	vnsel vm15, $0x0, v6  }
0x285: {  	s14 =	simm.s32 $0x7DF;
	p0 =	por !p2, !p6;
	v5 =	vnsel vm15, $0x0, v5;
	v7, _, _ =	vpop (xrf0);
	(xrf0) =	vadd.scan.msk.s32 $0xffff, v6  }
0x286: {  	s10 =	simm.s32 $0x0;
	p2 =	por p1, p2;
	p0 =	por !p0, !p0;
	(v2sf) =	vpush v7, $0xF;
	(xrf0) =	vadd.scan.msk.s32 $0xffff, v5  }
0x287: {  	s13 =	ssub.s32 $0x7FF, s11;
	s11 =	simm.s32 $0x7EF;
	p1 =	por !p2, !p2  }
0x288: {  	s10 =	smov.u32 @p0 s13;
	p0 =	por p0, p0;
	s13 =	simm.s32 $0x12450;
	v5, _, _ =	vpop (xrf0)  }
.LBB2_33:
0x289: {  	v6 =	vld [tilespmem:s13+$0x0];
	p3 =	sne.s32 s14, $0xF;
	(v2sf) =	vpush v5, $0xF;
	_ =	sdelay $0x1  }
0x28a: {  	v5, _, _ =	vpop (xrf0)  }
0x28b: {  	(v2sf) =	vpush v5, $0xF;
	v5, _, _ =	vpop (xrf0)  }
0x28c: {  	(v2sf) =	vpush v5, $0xF  }
0x28d: {  	v5 =	vperm.xlane v6, v1;
	_ =	sdelay $0x1  }
0x28e: {  	(xrf0) =	vadd.scan.msk.s32 $0xffff, v5;
	_ =	sdelay $0x4  }
0x28f: {  	s15 =	spop (v2sf)  }
0x290: {  	v6, _, _ =	vpop (xrf0);
	s15 =	sxor.u32 $0x80000000, s15  }
0x291: {  	v6 =	vadd.s32 s15, v6;
	p4 =	sge.s32 s15, s8  }
0x292: {  	v7 =	vxor.u32 $0x80000000, v6;
	vm0 =	vge.s32 v6, v2;
	p5 =	por !p4, !p1;
	p2 =	por p2, p4;
	s15 =	spop (v2sf)  }
0x293: {  	v8 =	vmctz.xlane vm0;
	p1 =	por !p2, !p2;
	(xrf0) =	vmax.scan.msk.u32 $0xffff, v7;
	s15 =	sxor.u32 $0x80000000, s15;
	p4 =	por !p5, !p5  }
0x294: {  	p5 =	slt.s32 s15, $0xF  }
0x295: {  	v7 =	vxor.u32 $0x80000000, v8;
	s15 =	simm.s32 @!p5 $0xF;
	s16 =	spop (v2sf)  }
0x296: {  	(xrf0) =	vmax.scan.msk.u32 $0xffff, v7;
	v7 =	vmov s15;
	s15 =	ssub.s32 s11, s15;
	s17 =	spop (v2sf);
	s11 =	smov.u32 s14  }
0x297: {  	vm0 =	veq.s32 v7, v0;
	s10 =	smov.u32 @p4 s15;
	s15 =	ssub.s32 s16, s17  }
.Ltmp16:
0x298: {  	v7 =	vnsel vm0, $0x0, v4;
	v8 =	vnsel vm0, $0x0, v3;
	s9 =	smov.u32 @p0 s15;
	v3 =	vmovc v5;
	v4 =	vmov v6;
	p0 =	por p4, p4;
	(pc) =	sbr.rel @p3 .LBB2_33-.Ltmp16, $3  }
0x299: {  	v5, _, _ =	vpop (xrf0);
	(xrf0) =	vadd.scan.msk.s32 $0xffff, v7  }
0x29a: {  	(v2sf) =	vpush v5, $0xF;
	(xrf0) =	vadd.scan.msk.s32 $0xffff, v8;
	_ =	sdelay $0x1  }
0x29b: {  	s13 =	sadd.s32 $0xFFFFFFF0, s13;
	s14 =	sadd.s32 $0xFFFFFFF0, s14;
	v5, _, _ =	vpop (xrf0)  }
0x29c: {  	(v2sf) =	vpush v5, $0xF;
	_ =	sdelay $0xd  }
0x29d: {  	s13 =	spop (v2sf)  }
0x29e: {  	s14 =	spop (v2sf)  }
0x29f: {  	s14 =	sxor.u32 $0x80000000, s14  }
0x2a0: {  	p2 =	slt.s32 s14, $0xF  }
0x2a1: {  	s14 =	simm.s32 @!p2 $0xF  }
0x2a2: {  	v1 =	vmov s14  }
0x2a3: {  	vm0 =	veq.s32 v1, v0  }
0x2a4: {  	v0 =	vnsel vm0, $0x0, v4  }
0x2a5: {  	v1 =	vnsel vm0, $0x0, v3;
	(xrf0) =	vadd.scan.msk.s32 $0xffff, v0  }
0x2a6: {  	(xrf0) =	vadd.scan.msk.s32 $0xffff, v1;
	_ =	sdelay $0x2  }
0x2a7: {  	v0, _, _ =	vpop (xrf0)  }
0x2a8: {  	v1, _, _ =	vpop (xrf0);
	(v2sf) =	vpush v0, $0xF  }
0x2a9: {  	(v2sf) =	vpush v1, $0xF;
	v0, _, _ =	vpop (xrf0)  }
0x2aa: {  	(v2sf) =	vpush v0, $0xF;
	v0, _, _ =	vpop (xrf0)  }
0x2ab: {  	(v2sf) =	vpush v0, $0xF;
	_ =	sdelay $0x8  }
0x2ac: {  	s13 =	sxor.u32 $0x80000000, s13  }
0x2ad: {  	p6 =	sge.s32 s13, s8  }
0x2ae: {  	s12 =	sshll.u32 s12, $0xA;
	p1 =	por !p6, !p1  }
0x2af: {  	p1 =	por !p1, !p1;
	s11 =	ssub.s32 s11, s14;
	s28 =	spop (v2sf)  }
.Ltmp17:
0x2b0: {  	s10 =	smov.u32 @p1 s11;
	s29 =	spop (v2sf);
	(pc) =	sbr.rel .LBB2_35-.Ltmp17, $4  }
0x2b1: {  	s10 =	sor.u32 s12, s10;
	s30 =	spop (v2sf)  }
0x2b2: {  	v6 =	vimm.s32 $0x0;
	s10 =	sxor.u32 $0x80000000, s10;
	s11 =	ssub.s32 s28, s29;
	s31 =	spop (v2sf)  }
0x2b3: {  	[tilespmem:$0x12C80] =	vst v6;
	s9 =	smov.u32 @p0 s11;
	p0 =	por p1, p1;
	s11 =	ssub.s32 s30, s31  }
0x2b4: {  	v7 =	vimm.s32 $0x0;
	[tilespmem:$0x12C90] =	vst v6;
	v1 =	vlaneseq.u32;
	v0 =	vmov s10;
	s10 =	simm.s32 $0x0;
	s9 =	smov.u32 @p0 s11;
	s11 =	simm.s32 $0x20  }
.LBB2_37:
0x2b5: {  	s10 =	sadd.s32 $0x40, s10  }
0x2b6: {  	p0 =	sne.s32 s10, $0xF440  }
.Ltmp18:
0x2b7: {  	_ = 	snop;
	(pc) =	sbr.rel @!p0 .LBB2_38-.Ltmp18, $2  }
0x2b8: {  	_ =	sdelay $0x2  }
0x2b9: {  	s11 =	sadd.s32 $0x40, s11  }
.LBB2_35:
0x2ba: {  	v5 =	vld [tilespmem:s11+$0xFFFFFFE0]  }
0x2bb: {  	v4 =	vld [tilespmem:s11+$0xFFFFFFF0]  }
0x2bc: {  	v3 =	vld [tilespmem:s11+$0x0]  }
0x2bd: {  	v2 =	vld [tilespmem:s11+$0x10];
	_ =	sdelay $0x3  }
0x2be: {  	vm0 =	vge.s32 v5, v0  }
0x2bf: {  	vm1 =	vge.s32 v4, v0;
	vm2 =	vge.s32 v3, v0;
	vm3 =	vge.s32 v2, v0  }
0x2c0: {  	vm0 =	vmor vm0, vm1;
	vm15 =	vmor vm2, vm3  }
0x2c1: {  	vm0 =	vmor vm0, vm15  }
0x2c2: {  	v8 =	vmpcnt.ones.xlane vm0;
	_ =	sdelay $0x1  }
0x2c3: {  	v8 =	vxor.u32 $0x80000000, v8  }
0x2c4: {  	(xrf0) =	vmax.scan.msk.u32 $0xffff, v8;
	_ =	sdelay $0x5  }
0x2c5: {  	v8, _, _ =	vpop (xrf0)  }
0x2c6: {  	(v2sf) =	vpush v8, $0xF;
	_ =	sdelay $0xe  }
0x2c7: {  	s12 =	spop (v2sf)  }
0x2c8: {  	p0 =	slt.u32 s12, $0x80000001  }
.Ltmp19:
0x2c9: {  	_ = 	snop;
	(pc) =	sbr.rel @p0 .LBB2_37-.Ltmp19, $1  }
0x2ca: {  	_ =	sdelay $0x3  }
0x2cb: {  	vm7 =	vgt.s32 v5, v0  }
0x2cc: {  	v7 =	vxor.u32 $0x80000000, v7;
	vm5 =	veq.s32 v5, v0;
	v8 =	vmpcnt.ones.xlane vm7  }
0x2cd: {  	v6 =	vxor.u32 $0x80000000, v6;
	vm3 =	vgt.s32 v4, v0;
	(xrf0) =	vmax.scan.msk.u32 $0xffff, v7;
	v7 =	vmpcnt.ones.xlane vm5  }
0x2ce: {  	(xrf0) =	vmax.scan.msk.u32 $0xffff, v6;
	v6 =	vxor.u32 $0x80000000, v8;
	v8 =	vmpcnt.ones.xlane vm3  }
0x2cf: {  	vm2 =	veq.s32 v4, v0;
	vm1 =	vgt.s32 v3, v0;
	(xrf0) =	vmax.scan.msk.u32 $0xffff, v6;
	v6 =	vxor.u32 $0x80000000, v7  }
0x2d0: {  	v7 =	vmpcnt.ones.xlane vm2;
	(xrf0) =	vmax.scan.msk.u32 $0xffff, v6;
	v6 =	vxor.u32 $0x80000000, v8;
	v8 =	vmpcnt.ones.xlane vm1  }
0x2d1: {  	vm0 =	veq.s32 v3, v0  }
0x2d2: {  	(xrf0) =	vmax.scan.msk.u32 $0xffff, v6;
	v6 =	vxor.u32 $0x80000000, v7;
	v7 =	vmpcnt.ones.xlane vm0  }
0x2d3: {  	(xrf0) =	vmax.scan.msk.u32 $0xffff, v6;
	v6 =	vxor.u32 $0x80000000, v8  }
0x2d4: {  	v8, _, _ =	vpop (xrf0);
	(xrf0) =	vmax.scan.msk.u32 $0xffff, v6;
	v6 =	vxor.u32 $0x80000000, v7;
	_ =	sdelay $0x1  }
0x2d5: {  	(v2sf) =	vpush v8, $0xF;
	v7, _, _ =	vpop (xrf0);
	(xrf0) =	vmax.scan.msk.u32 $0xffff, v6  }
0x2d6: {  	(v2sf) =	vpush v7, $0xF;
	v6, _, _ =	vpop (xrf0)  }
0x2d7: {  	v7, _, _ =	vpop (xrf0);
	(v2sf) =	vpush v6, $0xF  }
0x2d8: {  	v6, _, _ =	vpop (xrf0);
	(v2sf) =	vpush v7, $0xF  }
0x2d9: {  	vm4 =	vgt.s32 v2, v0;
	v7, _, _ =	vpop (xrf0);
	(v2sf) =	vpush v6, $0xF  }
0x2da: {  	(v2sf) =	vpush v7, $0xF;
	v6, _, _ =	vpop (xrf0);
	v7 =	vmpcnt.ones.xlane vm4  }
0x2db: {  	(v2sf) =	vpush v6, $0xF;
	v6, _, _ =	vpop (xrf0)  }
0x2dc: {  	vm6 =	veq.s32 v2, v0;
	(v2sf) =	vpush v6, $0xF;
	v6 =	vxor.u32 $0x80000000, v7  }
0x2dd: {  	(xrf0) =	vmax.scan.msk.u32 $0xffff, v6;
	v6 =	vmpcnt.ones.xlane vm6;
	_ =	sdelay $0x1  }
0x2de: {  	v6 =	vxor.u32 $0x80000000, v6  }
0x2df: {  	(xrf0) =	vmax.scan.msk.u32 $0xffff, v6;
	_ =	sdelay $0x4  }
0x2e0: {  	s25 =	sadd.s32 s10, s6;
	v6, _, _ =	vpop (xrf0)  }
0x2e1: {  	s26 =	sadd.s32 $0x10, s25;
	s12 =	spop (v2sf);
	(v2sf) =	vpush v6, $0xF;
	v6, _, _ =	vpop (xrf0)  }
0x2e2: {  	s29 =	sadd.s32 $0x20, s25;
	s13 =	spop (v2sf);
	s12 =	sxor.u32 $0x80000000, s12;
	(v2sf) =	vpush v6, $0xF  }
0x2e3: {  	s13 =	sxor.u32 $0x80000000, s13;
	p0 =	slt.s32 s12, $0x2000;
	s20 =	smov.u32 s12  }
0x2e4: {  	s14 =	spop (v2sf);
	s20 =	simm.s32 @!p0 $0x2000;
	p0 =	slt.s32 s13, $0x2000  }
0x2e5: {  	s15 =	spop (v2sf);
	s12 =	sadd.s32 s14, s12;
	s14 =	sadd.s32 $0x30, s25  }
0x2e6: {  	s16 =	spop (v2sf);
	s15 =	sadd.s32 s15, s13;
	s12 =	sadd.s32 $0x80000000, s12  }
0x2e7: {  	[tilespmem:s20+$0x12D00] =	vst.msk vm7, v5;
	v5 =	vor.u32 s25, v1;
	s13 =	simm.s32 @!p0 $0x2000;
	s17 =	spop (v2sf);
	s15 =	sadd.s32 $0x80000000, s15  }
0x2e8: {  	[tilespmem:s20+$0x14D80] =	vst.msk vm7, v5;
	p0 =	slt.s32 s12, $0x2000;
	s20 =	smov.u32 s12;
	s12 =	sadd.s32 s16, s12  }
0x2e9: {  	s18 =	spop (v2sf);
	s20 =	simm.s32 @!p0 $0x2000;
	p0 =	slt.s32 s15, $0x2000  }
0x2ea: {  	[tilespmem:s13+$0x16E00] =	vst.msk vm5, v5;
	s28 =	sadd.s32 s17, s15;
	s12 =	sadd.s32 $0x80000000, s12;
	s19 =	spop (v2sf)  }
0x2eb: {  	v5 =	vor.u32 s26, v1;
	[tilespmem:s20+$0x12D00] =	vst.msk vm3, v4;
	s15 =	simm.s32 @!p0 $0x2000;
	p0 =	slt.s32 s12, $0x2000;
	s16 =	smov.u32 s12  }
0x2ec: {  	s13 =	sadd.s32 $0x80000000, s28;
	s12 =	sadd.s32 s18, s12;
	[tilespmem:s20+$0x14D80] =	vst.msk vm3, v5;
	s16 =	simm.s32 @!p0 $0x2000  }
0x2ed: {  	p0 =	slt.s32 s13, $0x2000;
	[tilespmem:s15+$0x16E00] =	vst.msk vm2, v5;
	s15 =	smov.u32 s13;
	s13 =	sadd.s32 s19, s13  }
0x2ee: {  	v4 =	vor.u32 s29, v1;
	s12 =	sadd.s32 $0x80000000, s12;
	[tilespmem:s16+$0x12D00] =	vst.msk vm1, v3;
	s15 =	simm.s32 @!p0 $0x2000;
	s13 =	sadd.s32 $0x80000000, s13  }
0x2ef: {  	p0 =	slt.s32 s12, $0x2000;
	v3 =	vor.u32 s14, v1;
	[tilespmem:s16+$0x14D80] =	vst.msk vm1, v4;
	s16 =	smov.u32 s12;
	s14 =	smov.u32 s13  }
0x2f0: {  	[tilespmem:s15+$0x16E00] =	vst.msk vm0, v4;
	s16 =	simm.s32 @!p0 $0x2000;
	p0 =	slt.s32 s13, $0x2000;
	s30 =	spop (v2sf)  }
.Ltmp20:
0x2f1: {  	[tilespmem:s16+$0x12D00] =	vst.msk vm4, v2;
	s12 =	sadd.s32 s30, s12;
	s31 =	spop (v2sf);
	(pc) =	sbr.rel .LBB2_37-.Ltmp20, $4  }
0x2f2: {  	s14 =	simm.s32 @!p0 $0x2000;
	[tilespmem:s16+$0x14D80] =	vst.msk vm4, v3;
	s12 =	sadd.s32 $0x80000000, s12;
	s13 =	sadd.s32 s31, s13  }
0x2f3: {  	[tilespmem:s14+$0x16E00] =	vst.msk vm6, v3;
	v7 =	vmov s12;
	s13 =	sadd.s32 $0x80000000, s13  }
0x2f4: {  	[tilespmem:$0x12C80] =	vst v7;
	v6 =	vmov s13  }
0x2f5: {  	[tilespmem:$0x12C90] =	vst v6  }
.LBB2_38:
0x2f6: {  	v1 =	vxor.u32 $0x80000000, v7  }
0x2f7: {  	(xrf0) =	vmax.scan.msk.u32 $0xffff, v1  }
0x2f8: {  	v1 =	vxor.u32 $0x80000000, v6  }
0x2f9: {  	(xrf0) =	vmax.scan.msk.u32 $0xffff, v1;
	_ =	sdelay $0x3  }
0x2fa: {  	v1, _, _ =	vpop (xrf0)  }
0x2fb: {  	(v2sf) =	vpush v1, $0xF  }
0x2fc: {  	v1, _, _ =	vpop (xrf0)  }
0x2fd: {  	(v2sf) =	vpush v1, $0xF;
	_ =	sdelay $0xc  }
0x2fe: {  	s11 =	spop (v2sf)  }
0x2ff: {  	s6 =	sxor.u32 $0x80000000, s11  }
0x300: {  	vm0 =	vcmask $0x300;
	s10 =	spop (v2sf);
	v1 =	vmov s6  }
0x301: {  	vm14 =	vcmask $0x704;
	s10 =	sxor.u32 $0x80000000, s10;
	v2 =	vnsel vm0, $0x0, v1  }
0x302: {  	s7 =	sadd.s32 $0x1010, s7;
	s13 =	simm.s32 $0x0;
	v2 =	vsel vm14, s10, v2  }
0x303: {  	s14 =	simm.s32 $0x1BB00;
	s25 =	simm.s32 $0x3;
	s12 =	sadd.s32 s5, s7;
	[tilespmem:$0x1BB00] =	vst v2  }
0x304: {  	[hbm4b:s12+s13] =	stream.linear.scatter [tilespmem:s14], [sflag:$0x3], $0x10, $0x38;
	[tilespmem:$0x1BB80] =	vst v63  }
0x305: {  	_ =	swait.ge [sflag:s25], $0x10  }
0x306: {  	[sflag:s25] =	ssyncset.done $0x0  }
0x307: {  	s26 =	simm.s32 $0x80;
	[sflag:s25] =	ssyncadd.s32 $0xFFFFFFF0  }
0x308: {  	s28 =	simm.s32 $0x400;
	s15 =	simm.s32 $0x11480;
	[bflag:$0x0] =	sbarrier.arrive $0xFFFF  }
0x309: {  	[tilespmem:s15], [sflag:$0x3] =	stream.strided.gather [hbm4b:s7+s26], $0x800, s28, s26, $0x38;
	[tilespmem:$0x1BB80] =	vst v63  }
0x30a: {  	_ =	swait.ge [sflag:s25], $0x800  }
0x30b: {  	[sflag:s25] =	ssyncset.done $0x0  }
0x30c: {  	[sflag:s25] =	ssyncadd.s32 $0xFFFFF800  }
0x30d: {  	v2 =	vld [tilespmem:$0x11480];
	_ =	sdelay $0x1  }
0x30e: {  	v3 =	vld [tilespmem:$0x11500];
	_ =	sdelay $0x1  }
0x30f: {  	vm1 =	vmmov $0x1;
	v4 =	vld [tilespmem:$0x11580]  }
0x310: {  	vm15 =	vcmask $0x308;
	v5 =	vnsel vm1, $0x0, v2  }
0x311: {  	v48 =	vld [tilespmem:$0x11600];
	v2 =	vsel vm15, $0x0, v2;
	(xrf0) =	vadd.scan.msk.s32 $0xffff, v5  }
0x312: {  	(xrf0) =	vadd.scan.msk.s32 $0xffff, v2;
	v2 =	vnsel vm1, $0x0, v3  }
0x313: {  	(xrf0) =	vadd.scan.msk.s32 $0xffff, v2;
	v2 =	vsel vm15, $0x0, v3;
	v3 =	vld [tilespmem:$0x11680]  }
0x314: {  	(xrf0) =	vadd.scan.msk.s32 $0xffff, v2;
	v2 =	vnsel vm1, $0x0, v4  }
0x315: {  	(xrf0) =	vadd.scan.msk.s32 $0xffff, v2;
	v2 =	vsel vm15, $0x0, v4  }
0x316: {  	(xrf0) =	vadd.scan.msk.s32 $0xffff, v2;
	v2 =	vnsel vm1, $0x0, v48  }
0x317: {  	v49 =	vld [tilespmem:$0x11700];
	v50, _, _ =	vpop (xrf0);
	(xrf0) =	vadd.scan.msk.s32 $0xffff, v2;
	v2 =	vsel vm15, $0x0, v48  }
0x318: {  	v51, _, _ =	vpop (xrf0);
	(xrf0) =	vadd.scan.msk.s32 $0xffff, v2;
	v2 =	vnsel vm1, $0x0, v3  }
0x319: {  	v52 =	vld [tilespmem:$0x11780];
	(v2sf) =	vpush v50, $0xF;
	v53, _, _ =	vpop (xrf0);
	(xrf0) =	vadd.scan.msk.s32 $0xffff, v2;
	v2 =	vsel vm15, $0x0, v3  }
0x31a: {  	(v2sf) =	vpush v51, $0xF  }
0x31b: {  	v54 =	vld [tilespmem:$0x11800];
	(v2sf) =	vpush v53, $0xF;
	v3, _, _ =	vpop (xrf0);
	(xrf0) =	vadd.scan.msk.s32 $0xffff, v2  }
0x31c: {  	(v2sf) =	vpush v3, $0xF;
	v3 =	vnsel vm1, $0x0, v49;
	v2, _, _ =	vpop (xrf0)  }
0x31d: {  	(xrf0) =	vadd.scan.msk.s32 $0xffff, v3;
	v3 =	vsel vm15, $0x0, v49;
	(v2sf) =	vpush v2, $0xF;
	v2, _, _ =	vpop (xrf0)  }
0x31e: {  	v55 =	vld [tilespmem:$0x11880];
	(v2sf) =	vpush v2, $0xF;
	v2, _, _ =	vpop (xrf0);
	(xrf0) =	vadd.scan.msk.s32 $0xffff, v3;
	v3 =	vnsel vm1, $0x0, v52  }
0x31f: {  	(v2sf) =	vpush v2, $0xF;
	v2, _, _ =	vpop (xrf0);
	(xrf0) =	vadd.scan.msk.s32 $0xffff, v3;
	v3 =	vsel vm15, $0x0, v52  }
0x320: {  	v56 =	vld [tilespmem:$0x11900];
	(v2sf) =	vpush v2, $0xF;
	v2, _, _ =	vpop (xrf0);
	(xrf0) =	vadd.scan.msk.s32 $0xffff, v3;
	v3 =	vnsel vm1, $0x0, v54  }
0x321: {  	(v2sf) =	vpush v2, $0xF;
	v2, _, _ =	vpop (xrf0)  }
0x322: {  	(xrf0) =	vadd.scan.msk.s32 $0xffff, v3;
	(v2sf) =	vpush v2, $0xF;
	v2 =	vsel vm15, $0x0, v54  }
0x323: {  	v57 =	vld [tilespmem:$0x11980];
	v3, _, _ =	vpop (xrf0);
	(xrf0) =	vadd.scan.msk.s32 $0xffff, v2;
	v2 =	vnsel vm1, $0x0, v55  }
0x324: {  	(v2sf) =	vpush v3, $0xF;
	v3, _, _ =	vpop (xrf0);
	(xrf0) =	vadd.scan.msk.s32 $0xffff, v2;
	v2 =	vsel vm15, $0x0, v55  }
0x325: {  	(xrf0) =	vadd.scan.msk.s32 $0xffff, v2;
	v2 =	vnsel vm1, $0x0, v56  }
0x326: {  	(v2sf) =	vpush v3, $0xF;
	v3, _, _ =	vpop (xrf0);
	(xrf0) =	vadd.scan.msk.s32 $0xffff, v2;
	v2 =	vld [tilespmem:$0x11A00]  }
0x327: {  	v58 =	vsel vm15, $0x0, v56;
	(v2sf) =	vpush v3, $0xF;
	v3, _, _ =	vpop (xrf0)  }
0x328: {  	v60 =	vld [tilespmem:$0x11A80];
	v59 =	vnsel vm1, $0x0, v57;
	s7 =	spop (v2sf);
	(v2sf) =	vpush v3, $0xF;
	v3, _, _ =	vpop (xrf0);
	(xrf0) =	vadd.scan.msk.s32 $0xffff, v58  }
0x329: {  	s12 =	spop (v2sf);
	(v2sf) =	vpush v3, $0xF;
	(xrf0) =	vadd.scan.msk.s32 $0xffff, v59;
	v3, _, _ =	vpop (xrf0)  }
0x32a: {  	v5 =	vsel vm15, $0x0, v57;
	s13 =	spop (v2sf);
	(v2sf) =	vpush v3, $0xF;
	v3, _, _ =	vpop (xrf0)  }
0x32b: {  	v62 =	vld [tilespmem:$0x11B00];
	s14 =	spop (v2sf);
	(xrf0) =	vadd.scan.msk.s32 $0xffff, v5;
	(v2sf) =	vpush v3, $0xF;
	v3, _, _ =	vpop (xrf0);
	v61 =	vnsel vm1, $0x0, v2;
	v2 =	vsel vm15, $0x0, v2  }
0x32c: {  	s15 =	spop (v2sf);
	(v2sf) =	vpush v3, $0xF;
	v3, _, _ =	vpop (xrf0);
	(xrf0) =	vadd.scan.msk.s32 $0xffff, v61  }
0x32d: {  	s16 =	spop (v2sf);
	(v2sf) =	vpush v3, $0xF;
	(xrf0) =	vadd.scan.msk.s32 $0xffff, v2;
	v3 =	vnsel vm1, $0x0, v60  }
0x32e: {  	v63 =	vld [tilespmem:$0x11B80];
	v2, _, _ =	vpop (xrf0);
	(xrf0) =	vadd.scan.msk.s32 $0xffff, v3;
	v3 =	vsel vm15, $0x0, v60  }
0x32f: {  	s17 =	spop (v2sf);
	(v2sf) =	vpush v2, $0xF;
	v2, _, _ =	vpop (xrf0)  }
0x330: {  	s18 =	spop (v2sf);
	(xrf0) =	vadd.scan.msk.s32 $0xffff, v3;
	(v2sf) =	vpush v2, $0xF;
	v2 =	vnsel vm1, $0x0, v62  }
0x331: {  	p0 =	seq.s32 s1, $0x0;
	p1 =	sgt.u32 s1, $0x1;
	s8 =	ssub.s32 s8, s9;
	v3, _, _ =	vpop (xrf0);
	(xrf0) =	vadd.scan.msk.s32 $0xffff, v2;
	v2 =	vsel vm15, $0x0, v62  }
0x332: {  	s7 =	simm.s32 @p0 $0x0;
	s12 =	simm.s32 @p0 $0x0;
	s19 =	spop (v2sf);
	(v2sf) =	vpush v3, $0xF;
	v3, _, _ =	vpop (xrf0)  }
0x333: {  	p0 =	sgt.u32 s1, $0x2;
	s13 =	simm.s32 @!p1 $0x0;
	s20 =	spop (v2sf);
	(v2sf) =	vpush v3, $0xF;
	v3 =	vnsel vm1, $0x0, v63  }
0x334: {  	s7 =	sadd.s32 s7, s13;
	s14 =	simm.s32 @!p1 $0x0;
	(xrf0) =	vadd.scan.msk.s32 $0xffff, v2;
	s9 =	spop (v2sf);
	v2, _, _ =	vpop (xrf0)  }
0x335: {  	p1 =	sgt.u32 s1, $0x3;
	s12 =	sadd.s32 s12, s14;
	s13 =	spop (v2sf);
	(v2sf) =	vpush v2, $0xF;
	v2, _, _ =	vpop (xrf0)  }
0x336: {  	s15 =	simm.s32 @!p0 $0x0;
	s16 =	simm.s32 @!p0 $0x0;
	(xrf0) =	vadd.scan.msk.s32 $0xffff, v3;
	s14 =	spop (v2sf);
	v3, _, _ =	vpop (xrf0);
	(v2sf) =	vpush v2, $0xF;
	v2 =	vsel vm15, $0x0, v63  }
0x337: {  	s7 =	sadd.s32 s15, s7;
	s17 =	simm.s32 @!p1 $0x0;
	s15 =	spop (v2sf);
	(v2sf) =	vpush v3, $0xF;
	v3, _, _ =	vpop (xrf0);
	(xrf0) =	vadd.scan.msk.s32 $0xffff, v2  }
0x338: {  	p0 =	sgt.u32 s1, $0x4;
	s12 =	sadd.s32 s16, s12;
	s7 =	sadd.s32 s17, s7  }
0x339: {  	s18 =	simm.s32 @!p1 $0x0;
	p1 =	sgt.u32 s1, $0x6;
	s19 =	simm.s32 @!p0 $0x0  }
0x33a: {  	s12 =	sadd.s32 s18, s12;
	s7 =	sadd.s32 s19, s7;
	s20 =	simm.s32 @!p0 $0x0  }
0x33b: {  	p0 =	sgt.u32 s1, $0x5;
	s12 =	sadd.s32 s20, s12;
	s16 =	spop (v2sf);
	(v2sf) =	vpush v3, $0xF;
	v2, _, _ =	vpop (xrf0)  }
0x33c: {  	s9 =	simm.s32 @!p0 $0x0;
	s13 =	simm.s32 @!p0 $0x0;
	s17 =	spop (v2sf);
	(v2sf) =	vpush v2, $0xF;
	v2, _, _ =	vpop (xrf0)  }
0x33d: {  	s7 =	sadd.s32 s9, s7;
	p0 =	sgt.u32 s1, $0x7;
	s18 =	spop (v2sf);
	(v2sf) =	vpush v2, $0xF;
	v2, _, _ =	vpop (xrf0)  }
0x33e: {  	s29 =	sadd.s32 s13, s12;
	s14 =	simm.s32 @!p1 $0x0;
	s19 =	spop (v2sf);
	(v2sf) =	vpush v2, $0xF  }
0x33f: {  	s7 =	sadd.s32 s14, s7;
	s15 =	simm.s32 @!p1 $0x0;
	s16 =	simm.s32 @!p0 $0x0  }
0x340: {  	p1 =	sgt.u32 s1, $0x8;
	s9 =	sadd.s32 s15, s29;
	s7 =	sadd.s32 s16, s7  }
0x341: {  	s17 =	simm.s32 @!p0 $0x0;
	p0 =	sgt.u32 s1, $0x9;
	s18 =	simm.s32 @!p1 $0x0  }
0x342: {  	s9 =	sadd.s32 s17, s9;
	s20 =	spop (v2sf);
	s7 =	sadd.s32 s18, s7  }
0x343: {  	s19 =	simm.s32 @!p1 $0x0;
	p1 =	sgt.u32 s1, $0xB;
	s12 =	spop (v2sf)  }
0x344: {  	s9 =	sadd.s32 s19, s9;
	s20 =	simm.s32 @!p0 $0x0;
	s13 =	spop (v2sf)  }
0x345: {  	s12 =	simm.s32 @!p0 $0x0;
	p0 =	sgt.u32 s1, $0xA;
	s14 =	spop (v2sf)  }
0x346: {  	s7 =	sadd.s32 s20, s7;
	s13 =	simm.s32 @!p0 $0x0;
	s15 =	spop (v2sf)  }
0x347: {  	s9 =	sadd.s32 s12, s9;
	s7 =	sadd.s32 s13, s7;
	s16 =	spop (v2sf)  }
0x348: {  	s14 =	simm.s32 @!p0 $0x0;
	p0 =	sgt.u32 s1, $0xC;
	s17 =	spop (v2sf)  }
0x349: {  	s9 =	sadd.s32 s14, s9;
	s15 =	simm.s32 @!p1 $0x0;
	s18 =	spop (v2sf)  }
0x34a: {  	s16 =	simm.s32 @!p1 $0x0;
	p1 =	sgt.u32 s1, $0xD;
	s19 =	spop (v2sf)  }
0x34b: {  	s9 =	sadd.s32 s16, s9;
	s17 =	simm.s32 @!p0 $0x0;
	s12 =	spop (v2sf)  }
0x34c: {  	s18 =	simm.s32 @!p0 $0x0;
	p0 =	seq.s32 s1, $0xF;
	s13 =	spop (v2sf)  }
0x34d: {  	s9 =	sadd.s32 s18, s9;
	s12 =	simm.s32 @!p1 $0x0;
	s14 =	spop (v2sf)  }
0x34e: {  	s7 =	sadd.s32 s15, s7;
	s9 =	sadd.s32 s12, s9;
	s14 =	simm.s32 @!p0 $0x0  }
0x34f: {  	s7 =	sadd.s32 s17, s7;
	s19 =	simm.s32 @!p1 $0x0;
	s12 =	sadd.s32 s14, s9  }
0x350: {  	s30 =	sadd.s32 s19, s7;
	s7 =	ssub.s32 s8, s12  }
0x351: {  	s31 =	sadd.s32 $0x8000007F, s11;
	s13 =	simm.s32 @!p0 $0x0;
	p0 =	sgt.s32 s7, $0x0  }
0x352: {  	s9 =	sshra.s32 s31, $0x7;
	s7 =	simm.s32 @!p0 $0x0;
	p0 =	sgt.s32 s8, s12  }
0x353: {  	s8 =	smov.u32 @p0 s12;
	p0 =	slt.s32 s9, $0x1  }
.Ltmp21:
0x354: {  	_ = 	snop;
	(pc) =	sbr.rel @p0 .LBB2_47-.Ltmp21, $3  }
0x355: {  	_ =	sdelay $0x1  }
0x356: {  	s13 =	sadd.s32 s13, s30;
	p1 =	slt.s32 s10, s7  }
0x357: {  	s7 =	smov.u32 @p1 s10;
	s8 =	sadd.s32 s8, s13  }
0x358: {  	p0 =	seq.s32 s9, $0x1  }
.Ltmp22:
0x359: {  	_ = 	snop;
	(pc) =	sbr.rel @p0 .LBB2_40-.Ltmp22, $3  }
0x35a: {  	_ =	sdelay $0x1  }
0x35b: {  	s12 =	simm.s32 $0x70;
	s10 =	simm.s32 $0x18EC0;
	v4 =	vlaneseq.u32;
	s15 =	simm.s32 $0x10  }
0x35c: {  	v3 =	vmov s8;
	s14 =	simm.s32 $0x60;
	s9 =	sadd.s32 $0xFFFFFFFF, s9;
	p1 =	por $0x0, $0x0;
	v2 =	vor.u32 $0x2000, v4;
	v5 =	vor.u32 s12, v4  }
0x35d: {  	v6 =	vor.u32 s15, v4;
	s11 =	simm.s32 $0x20  }
0x35e: {  	s12 =	simm.s32 $0x30;
	v7 =	vor.u32 s14, v4;
	v8 =	vadd.s32 v3, v5;
	s13 =	simm.s32 $0x0;
	v9 =	vor.u32 s11, v4  }
0x35f: {  	s30 =	simm.s32 $0x40;
	v10 =	vor.u32 s12, v4;
	v11 =	vadd.s32 v3, v7;
	v12 =	vor.u32 s13, v4  }
0x360: {  	s31 =	simm.s32 $0x50;
	v13 =	vand.u32 $0x6F, v7;
	vm1 =	vlt.s32 v7, v1;
	v62 =	vor.u32 s30, v4  }
0x361: {  	v14 =	vor.u32 s31, v4;
	v15 =	vadd.s32 v3, v6;
	v20 =	vand.u32 $0x1F, v6  }
0x362: {  	vm8 =	vlt.s32 v6, v1;
	v6 =	vand.u32 $0x7F, v5;
	vm9 =	vgt.s32 v8, $0x0  }
0x363: {  	vm0 =	vgt.s32 v11, $0x0;
	v7 =	vor.u32 $0x2000, v13;
	v16 =	vadd.s32 v3, v9  }
0x364: {  	v17 =	vadd.s32 v3, v10;
	v18 =	vadd.s32 v3, v62;
	vm15 =	vgt.s32 v15, $0x0  }
0x365: {  	v19 =	vadd.s32 v3, v14;
	v21 =	vand.u32 $0x2F, v9;
	v22 =	vand.u32 $0x3F, v10  }
0x366: {  	v23 =	vand.u32 $0x4F, v62;
	v24 =	vand.u32 $0x5F, v14;
	v20 =	vor.u32 $0x2000, v20  }
0x367: {  	v8 =	vnsel vm9, $0x0, v8;
	vm10 =	vlt.s32 v9, v1;
	vm11 =	vlt.s32 v10, v1  }
0x368: {  	vm12 =	vlt.s32 v62, v1;
	vm13 =	vlt.s32 v14, v1;
	v11 =	vnsel vm0, $0x0, v11  }
0x369: {  	vm2 =	vgt.s32 v16, $0x0;
	vm3 =	vgt.s32 v17, $0x0;
	vm4 =	vgt.s32 v18, $0x0  }
0x36a: {  	vm5 =	vgt.s32 v19, $0x0;
	v15 =	vnsel vm15, $0x0, v15;
	v21 =	vor.u32 $0x2000, v21  }
0x36b: {  	v22 =	vor.u32 $0x2000, v22;
	v23 =	vor.u32 $0x2000, v23;
	v24 =	vor.u32 $0x2000, v24  }
0x36c: {  	vm15 =	vlt.s32 v12, v1;
	v7 =	vsel vm1, v11, v7;
	v11 =	vadd.s32 v3, v12  }
0x36d: {  	v16 =	vnsel vm2, $0x0, v16;
	v17 =	vnsel vm3, $0x0, v17;
	v18 =	vnsel vm4, $0x0, v18  }
0x36e: {  	v19 =	vnsel vm5, $0x0, v19;
	v9 =	vsel vm8, v15, v20;
	v7 =	vmin.u32 v7, $0x20FF  }
0x36f: {  	p2 =	seq.s32 s9, $0x1;
	vm14 =	vgt.s32 v11, $0x0;
	v10 =	vsel vm10, v16, v21;
	v9 =	vmin.u32 v9, $0x20FF  }
.Ltmp23:
0x370: {  	v63 =	vsel vm13, v19, v24;
	v11 =	vnsel vm14, $0x0, v11;
	vm14 =	vlt.s32 v5, v1;
	(pc) =	sbr.rel @p2 .LBB2_42-.Ltmp23, $4  }
0x371: {  	v5 =	vor.u32 $0x2000, v6;
	[tilespmem:s10+$0x20] =	vst v7;
	v7 =	vsel vm12, v18, v23;
	v10 =	vmin.u32 v10, $0x20FF  }
0x372: {  	[tilespmem:s10+$0xFFFFFFD0] =	vst v9;
	v6 =	vmin.u32 v11, $0x20FF;
	v11 =	vsel vm11, v17, v22;
	v5 =	vsel vm14, v8, v5  }
0x373: {  	s15 =	simm.s32 $0x90;
	s14 =	simm.s32 $0xE0;
	s12 =	simm.s32 $0xF0;
	v8 =	vmin.u32 v7, $0x20FF;
	v7 =	vmin.u32 v63, $0x20FF;
	[tilespmem:s10+$0xFFFFFFE0] =	vst v10;
	v6 =	vsel vm15, v6, v2  }
0x374: {  	p1 =	por $0x1, $0x1;
	s13 =	sadd.s32 $0xFFFFFFFF, s9;
	s11 =	simm.s32 $0x18EC0;
	v9 =	vmin.u32 v11, $0x20FF;
	[tilespmem:s10+$0xFFFFFFC0] =	vst v6;
	v6 =	vmin.u32 v5, $0x20FF;
	v5 =	vor.u32 s12, v4  }
.LBB2_43:
0x375: {  	p2 =	seq.s32 s13, $0x1;
	v10 =	vor.u32 s15, v4;
	s15 =	sadd.s32 $0xFFFFFFB0, s12;
	s16 =	sadd.s32 $0xFFFFFFC0, s12;
	v11 =	vor.u32 s14, v4;
	v12 =	vadd.s32 v3, v5;
	[tilespmem:s11+$0xFFFFFFF0] =	vst v9  }
0x376: {  	s14 =	sadd.s32 $0xFFFFFF90, s12;
	v9 =	vor.u32 s15, v4;
	v13 =	vor.u32 s16, v4;
	s15 =	sadd.s32 $0xFFFFFFD0, s12;
	s16 =	sadd.s32 $0xFFFFFFE0, s12;
	v14 =	vadd.s32 v3, v11;
	[tilespmem:s11+$0x0] =	vst v8  }
0x377: {  	v8 =	vor.u32 s14, v4;
	v15 =	vand.u32 $0x6F, v11;
	vm0 =	vgt.s32 v14, $0x0;
	[tilespmem:s11+$0x10] =	vst v7  }
0x378: {  	vm1 =	vlt.s32 v11, v1;
	v7 =	vor.u32 $0x2000, v15;
	v11 =	vnsel vm0, $0x0, v14;
	[tilespmem:s11+$0x30] =	vst v6  }
0x379: {  	v6 =	vor.u32 s15, v4;
	v14 =	vor.u32 s16, v4;
	v7 =	vsel vm1, v11, v7  }
0x37a: {  	v15 =	vadd.s32 v3, v10;
	s11 =	sadd.s32 $0x80, s11;
	v11 =	vadd.s32 v3, v8;
	v7 =	vmin.u32 v7, $0x20FF  }
0x37b: {  	v16 =	vadd.s32 v3, v9;
	v17 =	vadd.s32 v3, v13;
	v18 =	vadd.s32 v3, v6;
	[tilespmem:s11+$0x20] =	vst v7  }
0x37c: {  	vm1 =	vgt.s32 v15, $0x0;
	vm0 =	vgt.s32 v11, $0x0;
	v7 =	vadd.s32 v3, v14  }
0x37d: {  	vm2 =	vgt.s32 v16, $0x0;
	vm3 =	vgt.s32 v17, $0x0;
	vm4 =	vgt.s32 v18, $0x0  }
0x37e: {  	v19 =	vand.u32 $0x1F, v10;
	v20 =	vand.u32 $0x2F, v9;
	vm5 =	vgt.s32 v7, $0x0  }
0x37f: {  	v21 =	vand.u32 $0x3F, v13;
	v22 =	vand.u32 $0x4F, v6;
	v23 =	vand.u32 $0x5F, v14  }
0x380: {  	v24 =	vand.u32 $0x7F, v5;
	v11 =	vnsel vm0, $0x0, v11;
	vm0 =	vgt.s32 v12, $0x0  }
0x381: {  	v16 =	vnsel vm2, $0x0, v16;
	v17 =	vnsel vm3, $0x0, v17;
	v15 =	vnsel vm1, $0x0, v15  }
0x382: {  	v19 =	vor.u32 $0x2000, v19;
	v18 =	vnsel vm4, $0x0, v18;
	v7 =	vnsel vm5, $0x0, v7  }
0x383: {  	v20 =	vor.u32 $0x2000, v20;
	v21 =	vor.u32 $0x2000, v21;
	v22 =	vor.u32 $0x2000, v22  }
0x384: {  	vm1 =	vlt.s32 v10, v1;
	v10 =	vor.u32 $0x2000, v23;
	v12 =	vnsel vm0, $0x0, v12  }
0x385: {  	vm2 =	vlt.s32 v13, v1;
	vm3 =	vlt.s32 v6, v1;
	vm0 =	vlt.s32 v9, v1  }
0x386: {  	vm4 =	vlt.s32 v14, v1;
	vm5 =	vlt.s32 v5, v1;
	v5 =	vor.u32 $0x2000, v24  }
0x387: {  	v6 =	vmin.u32 v11, $0x20FF;
	v9 =	vsel vm1, v15, v19;
	v11 =	vsel vm0, v16, v20  }
.Ltmp24:
0x388: {  	v13 =	vsel vm2, v17, v21;
	v14 =	vsel vm3, v18, v22;
	v7 =	vsel vm4, v7, v10;
	(pc) =	sbr.rel @!p2 .LBB2_43-.Ltmp24, $4  }
0x389: {  	vm0 =	vlt.s32 v8, v1;
	v8 =	vmin.u32 v9, $0x20FF;
	v5 =	vsel vm5, v12, v5  }
0x38a: {  	v9 =	vmin.u32 v13, $0x20FF;
	v6 =	vsel vm0, v6, v2;
	v10 =	vmin.u32 v11, $0x20FF;
	[tilespmem:s11+$0xFFFFFFD0] =	vst v8  }
0x38b: {  	s12 =	sadd.s32 $0x80, s12;
	v7 =	vmin.u32 v7, $0x20FF;
	v8 =	vmin.u32 v14, $0x20FF;
	[tilespmem:s11+$0xFFFFFFC0] =	vst v6;
	v6 =	vmin.u32 v5, $0x20FF  }
0x38c: {  	s13 =	sadd.s32 $0xFFFFFFFF, s13;
	s14 =	sadd.s32 $0xFFFFFFF0, s12;
	s15 =	sadd.s32 $0xFFFFFFA0, s12;
	v5 =	vor.u32 s12, v4;
	[tilespmem:s11+$0xFFFFFFE0] =	vst v10  }
.LBB2_44:
0x38d: {  	v10 =	vor.u32 s15, v4;
	s13 =	sadd.s32 $0xFFFFFFB0, s12;
	s26 =	sadd.s32 $0xFFFFFFC0, s12;
	v11 =	vor.u32 s14, v4;
	v12 =	vadd.s32 v3, v5  }
0x38e: {  	s28 =	sadd.s32 $0xFFFFFF90, s12;
	v52 =	vand.u32 $0x7F, v5;
	v13 =	vor.u32 s13, v4;
	v14 =	vor.u32 s26, v4  }
0x38f: {  	s29 =	sadd.s32 $0xFFFFFFD0, s12;
	s30 =	sadd.s32 $0xFFFFFFE0, s12;
	v15 =	vadd.s32 v3, v11;
	v16 =	vor.u32 s28, v4;
	v17 =	vand.u32 $0x6F, v11  }
0x390: {  	vm1 =	vlt.s32 v11, v1;
	v49 =	vor.u32 s29, v4;
	v50 =	vor.u32 s30, v4  }
0x391: {  	v18 =	vadd.s32 v3, v10;
	v22 =	vand.u32 $0x1F, v10;
	vm8 =	vlt.s32 v10, v1  }
0x392: {  	vm9 =	vgt.s32 v12, $0x0;
	v63 =	vor.u32 $0x2000, v52;
	vm0 =	vgt.s32 v15, $0x0  }
0x393: {  	v48 =	vor.u32 $0x2000, v17;
	v51 =	vadd.s32 v3, v16;
	v19 =	vadd.s32 v3, v13  }
0x394: {  	v20 =	vadd.s32 v3, v14;
	v21 =	vadd.s32 v3, v49;
	vm15 =	vgt.s32 v18, $0x0  }
0x395: {  	v3 =	vadd.s32 v3, v50;
	v23 =	vand.u32 $0x2F, v13;
	v24 =	vand.u32 $0x3F, v14  }
0x396: {  	v25 =	vand.u32 $0x4F, v49;
	v26 =	vand.u32 $0x5F, v50;
	v54 =	vor.u32 $0x2000, v22  }
0x397: {  	vm10 =	vlt.s32 v13, v1;
	vm11 =	vlt.s32 v14, v1;
	vm12 =	vlt.s32 v16, v1  }
0x398: {  	vm13 =	vlt.s32 v49, v1;
	v15 =	vnsel vm0, $0x0, v15;
	vm14 =	vgt.s32 v51, $0x0  }
0x399: {  	vm2 =	vgt.s32 v19, $0x0;
	vm3 =	vgt.s32 v20, $0x0;
	vm4 =	vgt.s32 v21, $0x0  }
0x39a: {  	[tilespmem:s11+$0xFFFFFFF0] =	vst @p1 v9;
	vm5 =	vgt.s32 v3, $0x0;
	v18 =	vnsel vm15, $0x0, v18;
	v55 =	vor.u32 $0x2000, v23  }
0x39b: {  	[tilespmem:s11+$0x0] =	vst @p1 v8;
	v56 =	vor.u32 $0x2000, v24;
	v57 =	vor.u32 $0x2000, v25;
	v58 =	vor.u32 $0x2000, v26  }
0x39c: {  	[tilespmem:s11+$0x10] =	vst @p1 v7;
	s12 =	sadd.s32 @p1 $0x80, s11;
	vm15 =	vlt.s32 v5, v1;
	v11 =	vsel vm1, v15, v48;
	v15 =	vnsel vm14, $0x0, v51  }
0x39d: {  	[tilespmem:s11+$0x30] =	vst @p1 v6;
	s10 =	smov.u32 @p1 s12;
	v19 =	vnsel vm2, $0x0, v19;
	v59 =	vsel vm8, v18, v54;
	v11 =	vmin.u32 v11, $0x20FF  }
0x39e: {  	v20 =	vnsel vm3, $0x0, v20;
	v60 =	vmin.u32 v15, $0x20FF;
	v6 =	vmin.u32 v59, $0x20FF;
	[tilespmem:s10+$0x20] =	vst v11  }
0x39f: {  	v53 =	vnsel vm4, $0x0, v21;
	v8 =	vsel vm10, v19, v55;
	v2 =	vsel vm12, v60, v2;
	[tilespmem:s10+$0xFFFFFFD0] =	vst v6  }
0x3a0: {  	vm14 =	vlt.s32 v50, v1;
	v1 =	vsel vm13, v53, v57;
	v62 =	vmin.u32 v8, $0x20FF;
	[tilespmem:s10+$0xFFFFFFC0] =	vst v2  }
0x3a1: {  	v3 =	vnsel vm5, $0x0, v3;
	v61 =	vsel vm11, v20, v56;
	v1 =	vmin.u32 v1, $0x20FF;
	[tilespmem:s10+$0xFFFFFFE0] =	vst v62  }
0x3a2: {  	v12 =	vnsel vm9, $0x0, v12;
	v3 =	vsel vm14, v3, v58;
	v2 =	vmin.u32 v61, $0x20FF;
	[tilespmem:s10+$0x0] =	vst v1  }
0x3a3: {  	v3 =	vmin.u32 v3, $0x20FF;
	[tilespmem:s10+$0xFFFFFFF0] =	vst v2;
	v2 =	vsel vm15, v12, v63  }
0x3a4: {  	[tilespmem:s10+$0x10] =	vst v3;
	v1 =	vmin.u32 v2, $0x20FF  }
0x3a5: {  	s11 =	simm.s32 $0x18E80;
	s12 =	simm.s32 $0x12D00;
	s13 =	simm.s32 $0x80;
	[tilespmem:s10+$0x30] =	vst v1  }
0x3a6: {  	[hbm4b:s2+s13] =	stream.indirect.scatter [tilespmem:s12], [sflag:$0x1], $0x1, s11, s13, $0xb8;
	[tilespmem:$0x1BB80] =	vst v63  }
0x3a7: {  	s31 =	simm.s32 $0x14D80;
	s10 =	simm.s32 $0x1  }
0x3a8: {  	[hbm4b:s3+s13] =	stream.indirect.scatter [tilespmem:s31], [sflag:$0x1], $0x1, s11, s13, $0xb8;
	[tilespmem:$0x1BB80] =	vst v63  }
.Ltmp25:
0x3a9: {  	_ =	swait.ge [sflag:s10], $0x80;
	(pc) =	sbr.rel @p0 .LBB2_46-.Ltmp25, $4  }
0x3aa: {  	[sflag:s10] =	ssyncset.done $0x0  }
0x3ab: {  	[sflag:s10] =	ssyncadd.s32 $0xFFFFFF80  }
0x3ac: {  	_ =	swait.ge [sflag:s10], $0x80  }
0x3ad: {  	s14 =	simm.s32 $0x14E00;
	[sflag:s10] =	ssyncset.done $0x0  }
.LBB2_45:
0x3ae: {  	[sflag:s10] =	ssyncadd.s32 $0xFFFFFF80;
	s11 =	sadd.s32 $0x80, s11;
	s12 =	sadd.s32 $0x80, s12  }
0x3af: {  	[hbm4b:s2+s13] =	stream.indirect.scatter [tilespmem:s12], [sflag:$0x1], $0x1, s11, s13, $0xb8;
	[tilespmem:$0x1BB80] =	vst v63  }
0x3b0: {  	p0 =	seq.s32 s9, $0x1;
	s9 =	sadd.s32 $0xFFFFFFFF, s9  }
0x3b1: {  	[hbm4b:s3+s13] =	stream.indirect.scatter [tilespmem:s14], [sflag:$0x1], $0x1, s11, s13, $0xb8;
	[tilespmem:$0x1BB80] =	vst v63  }
.Ltmp26:
0x3b2: {  	_ =	swait.ge [sflag:s10], $0x80;
	(pc) =	sbr.rel @!p0 .LBB2_45-.Ltmp26, $4  }
0x3b3: {  	[sflag:s10] =	ssyncset.done $0x0  }
0x3b4: {  	[sflag:s10] =	ssyncadd.s32 $0xFFFFFF80  }
0x3b5: {  	_ =	swait.ge [sflag:s10], $0x80  }
0x3b6: {  	s14 =	sadd.s32 $0x80, s14;
	[sflag:s10] =	ssyncset.done $0x0  }
.LBB2_46:
0x3b7: {  	[sflag:s10] =	ssyncadd.s32 $0xFFFFFF80  }
.LBB2_47:
0x3b8: {  	[tilespmem:$0x1B280] =	vst v0;
	s9 =	sadd.s32 $0x7F, s7  }
0x3b9: {  	[tilespmem:$0x1B290] =	vst v0;
	s9 =	sshra.s32 s9, $0x7  }
0x3ba: {  	[tilespmem:$0x1B2A0] =	vst v0;
	p0 =	sgt.s32 s9, $0x0  }
.Ltmp27:
0x3bb: {  	[tilespmem:$0x1B2B0] =	vst v0;
	(pc) =	sbr.rel @!p0 .LBB2_56-.Ltmp27, $4  }
0x3bc: {  	[tilespmem:$0x1B2C0] =	vst v0  }
0x3bd: {  	[tilespmem:$0x1B2D0] =	vst v0  }
0x3be: {  	[tilespmem:$0x1B2E0] =	vst v0  }
0x3bf: {  	s4 =	sadd.s32 s4, s5;
	[tilespmem:$0x1B2F0] =	vst v0  }
0x3c0: {  	p0 =	sne.s32 s9, $0x1  }
.Ltmp28:
0x3c1: {  	_ = 	snop;
	(pc) =	sbr.rel @!p0 .LBB2_49-.Ltmp28, $4  }
0x3c2: {  	_ = 	snop  }
0x3c3: {  	s5 =	sadd.s32 s6, s8  }
0x3c4: {  	s8 =	simm.s32 $0x70;
	v0 =	vmov s7;
	s6 =	simm.s32 $0x18EC0;
	v3 =	vlaneseq.u32;
	s11 =	simm.s32 $0x10  }
0x3c5: {  	s10 =	simm.s32 $0x60;
	p1 =	por $0x0, $0x0;
	v2 =	vmov s5;
	v1 =	vor.u32 $0x2000, v3;
	v4 =	vor.u32 s8, v3;
	s5 =	sadd.s32 $0xFFFFFFFF, s9  }
0x3c6: {  	v5 =	vor.u32 s11, v3;
	s7 =	simm.s32 $0x20  }
0x3c7: {  	s8 =	simm.s32 $0x30;
	v6 =	vor.u32 s10, v3;
	v7 =	vadd.s32 v2, v4;
	s9 =	simm.s32 $0x0;
	v8 =	vor.u32 s7, v3  }
0x3c8: {  	s30 =	simm.s32 $0x40;
	v9 =	vor.u32 s8, v3;
	v10 =	vadd.s32 v2, v6;
	v11 =	vor.u32 s9, v3  }
0x3c9: {  	s31 =	simm.s32 $0x50;
	v12 =	vand.u32 $0x6F, v6;
	vm1 =	vlt.s32 v6, v0;
	v63 =	vor.u32 s30, v3  }
0x3ca: {  	v13 =	vor.u32 s31, v3;
	v14 =	vadd.s32 v2, v5;
	v19 =	vand.u32 $0x1F, v5  }
0x3cb: {  	vm8 =	vlt.s32 v5, v0;
	v5 =	vand.u32 $0x7F, v4;
	vm9 =	vgt.s32 v7, $0x0  }
0x3cc: {  	vm0 =	vgt.s32 v10, $0x0;
	v6 =	vor.u32 $0x2000, v12;
	v15 =	vadd.s32 v2, v8  }
0x3cd: {  	v16 =	vadd.s32 v2, v9;
	v17 =	vadd.s32 v2, v63;
	vm15 =	vgt.s32 v14, $0x0  }
0x3ce: {  	v18 =	vadd.s32 v2, v13;
	v20 =	vand.u32 $0x2F, v8;
	v21 =	vand.u32 $0x3F, v9  }
0x3cf: {  	v22 =	vand.u32 $0x4F, v63;
	v23 =	vand.u32 $0x5F, v13;
	v19 =	vor.u32 $0x2000, v19  }
0x3d0: {  	v7 =	vnsel vm9, $0x0, v7;
	vm10 =	vlt.s32 v8, v0;
	vm11 =	vlt.s32 v9, v0  }
0x3d1: {  	vm12 =	vlt.s32 v63, v0;
	vm13 =	vlt.s32 v13, v0;
	v10 =	vnsel vm0, $0x0, v10  }
0x3d2: {  	vm2 =	vgt.s32 v15, $0x0;
	vm3 =	vgt.s32 v16, $0x0;
	vm4 =	vgt.s32 v17, $0x0  }
0x3d3: {  	vm5 =	vgt.s32 v18, $0x0;
	v14 =	vnsel vm15, $0x0, v14;
	v20 =	vor.u32 $0x2000, v20  }
0x3d4: {  	v21 =	vor.u32 $0x2000, v21;
	v22 =	vor.u32 $0x2000, v22;
	v23 =	vor.u32 $0x2000, v23  }
0x3d5: {  	vm15 =	vlt.s32 v11, v0;
	v6 =	vsel vm1, v10, v6;
	v10 =	vadd.s32 v2, v11  }
0x3d6: {  	v15 =	vnsel vm2, $0x0, v15;
	v16 =	vnsel vm3, $0x0, v16;
	v17 =	vnsel vm4, $0x0, v17  }
0x3d7: {  	v18 =	vnsel vm5, $0x0, v18;
	v8 =	vsel vm8, v14, v19;
	v6 =	vmin.u32 v6, $0x20FF  }
0x3d8: {  	p2 =	sne.s32 s5, $0x1;
	vm14 =	vgt.s32 v10, $0x0;
	v9 =	vsel vm10, v15, v20;
	v8 =	vmin.u32 v8, $0x20FF  }
.Ltmp29:
0x3d9: {  	v11 =	vsel vm13, v18, v23;
	v10 =	vnsel vm14, $0x0, v10;
	vm14 =	vlt.s32 v4, v0;
	(pc) =	sbr.rel @!p2 .LBB2_51-.Ltmp29, $4  }
0x3da: {  	v4 =	vor.u32 $0x2000, v5;
	[tilespmem:s6+$0x20] =	vst v6;
	v6 =	vsel vm12, v17, v22;
	v9 =	vmin.u32 v9, $0x20FF  }
0x3db: {  	[tilespmem:s6+$0xFFFFFFD0] =	vst v8;
	v5 =	vmin.u32 v10, $0x20FF;
	v10 =	vsel vm11, v16, v21;
	v4 =	vsel vm14, v7, v4  }
0x3dc: {  	s11 =	simm.s32 $0x90;
	s10 =	simm.s32 $0xE0;
	s8 =	simm.s32 $0xF0;
	v7 =	vmin.u32 v6, $0x20FF;
	v6 =	vmin.u32 v11, $0x20FF;
	[tilespmem:s6+$0xFFFFFFE0] =	vst v9;
	v5 =	vsel vm15, v5, v1  }
0x3dd: {  	p1 =	por $0x1, $0x1;
	s9 =	sadd.s32 $0xFFFFFFFF, s5;
	s7 =	simm.s32 $0x18EC0;
	v8 =	vmin.u32 v10, $0x20FF;
	[tilespmem:s6+$0xFFFFFFC0] =	vst v5;
	v5 =	vmin.u32 v4, $0x20FF;
	v4 =	vor.u32 s8, v3  }
.LBB2_52:
0x3de: {  	p2 =	sne.s32 s9, $0x1;
	v9 =	vor.u32 s11, v3;
	s11 =	sadd.s32 $0xFFFFFFB0, s8;
	s12 =	sadd.s32 $0xFFFFFFC0, s8;
	v10 =	vor.u32 s10, v3;
	v11 =	vadd.s32 v2, v4;
	[tilespmem:s7+$0xFFFFFFF0] =	vst v8  }
0x3df: {  	s10 =	sadd.s32 $0xFFFFFF90, s8;
	v8 =	vor.u32 s11, v3;
	v12 =	vor.u32 s12, v3;
	s11 =	sadd.s32 $0xFFFFFFD0, s8;
	s12 =	sadd.s32 $0xFFFFFFE0, s8;
	v13 =	vadd.s32 v2, v10;
	[tilespmem:s7+$0x0] =	vst v7  }
0x3e0: {  	v7 =	vor.u32 s10, v3;
	v14 =	vand.u32 $0x6F, v10;
	vm0 =	vgt.s32 v13, $0x0;
	[tilespmem:s7+$0x10] =	vst v6  }
0x3e1: {  	vm1 =	vlt.s32 v10, v0;
	v6 =	vor.u32 $0x2000, v14;
	v10 =	vnsel vm0, $0x0, v13;
	[tilespmem:s7+$0x30] =	vst v5  }
0x3e2: {  	v5 =	vor.u32 s11, v3;
	v13 =	vor.u32 s12, v3;
	v6 =	vsel vm1, v10, v6  }
0x3e3: {  	v14 =	vadd.s32 v2, v9;
	s7 =	sadd.s32 $0x80, s7;
	v10 =	vadd.s32 v2, v7;
	v6 =	vmin.u32 v6, $0x20FF  }
0x3e4: {  	v15 =	vadd.s32 v2, v8;
	v16 =	vadd.s32 v2, v12;
	v17 =	vadd.s32 v2, v5;
	[tilespmem:s7+$0x20] =	vst v6  }
0x3e5: {  	vm1 =	vgt.s32 v14, $0x0;
	vm0 =	vgt.s32 v10, $0x0;
	v6 =	vadd.s32 v2, v13  }
0x3e6: {  	vm2 =	vgt.s32 v15, $0x0;
	vm3 =	vgt.s32 v16, $0x0;
	vm4 =	vgt.s32 v17, $0x0  }
0x3e7: {  	v18 =	vand.u32 $0x1F, v9;
	v19 =	vand.u32 $0x2F, v8;
	vm5 =	vgt.s32 v6, $0x0  }
0x3e8: {  	v20 =	vand.u32 $0x3F, v12;
	v21 =	vand.u32 $0x4F, v5;
	v22 =	vand.u32 $0x5F, v13  }
0x3e9: {  	v23 =	vand.u32 $0x7F, v4;
	v10 =	vnsel vm0, $0x0, v10;
	vm0 =	vgt.s32 v11, $0x0  }
0x3ea: {  	v15 =	vnsel vm2, $0x0, v15;
	v16 =	vnsel vm3, $0x0, v16;
	v14 =	vnsel vm1, $0x0, v14  }
0x3eb: {  	v18 =	vor.u32 $0x2000, v18;
	v17 =	vnsel vm4, $0x0, v17;
	v6 =	vnsel vm5, $0x0, v6  }
0x3ec: {  	v19 =	vor.u32 $0x2000, v19;
	v20 =	vor.u32 $0x2000, v20;
	v21 =	vor.u32 $0x2000, v21  }
0x3ed: {  	vm1 =	vlt.s32 v9, v0;
	v9 =	vor.u32 $0x2000, v22;
	v11 =	vnsel vm0, $0x0, v11  }
0x3ee: {  	vm2 =	vlt.s32 v12, v0;
	vm3 =	vlt.s32 v5, v0;
	vm0 =	vlt.s32 v8, v0  }
0x3ef: {  	vm4 =	vlt.s32 v13, v0;
	vm5 =	vlt.s32 v4, v0;
	v4 =	vor.u32 $0x2000, v23  }
0x3f0: {  	v5 =	vmin.u32 v10, $0x20FF;
	v8 =	vsel vm1, v14, v18;
	v10 =	vsel vm0, v15, v19  }
.Ltmp30:
0x3f1: {  	v12 =	vsel vm2, v16, v20;
	v13 =	vsel vm3, v17, v21;
	v6 =	vsel vm4, v6, v9;
	(pc) =	sbr.rel @p2 .LBB2_52-.Ltmp30, $4  }
0x3f2: {  	vm0 =	vlt.s32 v7, v0;
	v7 =	vmin.u32 v8, $0x20FF;
	v4 =	vsel vm5, v11, v4  }
0x3f3: {  	v8 =	vmin.u32 v12, $0x20FF;
	v5 =	vsel vm0, v5, v1;
	v9 =	vmin.u32 v10, $0x20FF;
	[tilespmem:s7+$0xFFFFFFD0] =	vst v7  }
0x3f4: {  	s8 =	sadd.s32 $0x80, s8;
	v6 =	vmin.u32 v6, $0x20FF;
	v7 =	vmin.u32 v13, $0x20FF;
	[tilespmem:s7+$0xFFFFFFC0] =	vst v5;
	v5 =	vmin.u32 v4, $0x20FF  }
0x3f5: {  	s9 =	sadd.s32 $0xFFFFFFFF, s9;
	s10 =	sadd.s32 $0xFFFFFFF0, s8;
	s11 =	sadd.s32 $0xFFFFFFA0, s8;
	v4 =	vor.u32 s8, v3;
	[tilespmem:s7+$0xFFFFFFE0] =	vst v9  }
.LBB2_53:
0x3f6: {  	v9 =	vor.u32 s11, v3;
	s9 =	sadd.s32 $0xFFFFFFB0, s8;
	s28 =	sadd.s32 $0xFFFFFFC0, s8;
	v10 =	vor.u32 s10, v3;
	v11 =	vadd.s32 v2, v4  }
0x3f7: {  	s29 =	sadd.s32 $0xFFFFFF90, s8;
	v48 =	vand.u32 $0x7F, v4;
	v12 =	vor.u32 s9, v3;
	v13 =	vor.u32 s28, v3  }
0x3f8: {  	s30 =	sadd.s32 $0xFFFFFFD0, s8;
	s31 =	sadd.s32 $0xFFFFFFE0, s8;
	v14 =	vadd.s32 v2, v10;
	v15 =	vor.u32 s29, v3;
	v16 =	vand.u32 $0x6F, v10  }
0x3f9: {  	vm1 =	vlt.s32 v10, v0;
	v44 =	vor.u32 s30, v3;
	v45 =	vor.u32 s31, v3  }
0x3fa: {  	v17 =	vadd.s32 v2, v9;
	v21 =	vand.u32 $0x1F, v9;
	vm8 =	vlt.s32 v9, v0  }
0x3fb: {  	vm9 =	vgt.s32 v11, $0x0;
	v61 =	vor.u32 $0x2000, v48;
	vm0 =	vgt.s32 v14, $0x0  }
0x3fc: {  	v43 =	vor.u32 $0x2000, v16;
	v46 =	vadd.s32 v2, v15;
	v18 =	vadd.s32 v2, v12  }
0x3fd: {  	v19 =	vadd.s32 v2, v13;
	v20 =	vadd.s32 v2, v44;
	vm15 =	vgt.s32 v17, $0x0  }
0x3fe: {  	v47 =	vadd.s32 v2, v45;
	v22 =	vand.u32 $0x2F, v12;
	v23 =	vand.u32 $0x3F, v13  }
0x3ff: {  	v24 =	vand.u32 $0x4F, v44;
	v25 =	vand.u32 $0x5F, v45;
	v50 =	vor.u32 $0x2000, v21  }
0x400: {  	v11 =	vnsel vm9, $0x0, v11;
	vm10 =	vlt.s32 v12, v0;
	vm11 =	vlt.s32 v13, v0  }
0x401: {  	vm12 =	vlt.s32 v15, v0;
	vm13 =	vlt.s32 v44, v0;
	v14 =	vnsel vm0, $0x0, v14  }
0x402: {  	vm14 =	vgt.s32 v46, $0x0;
	vm2 =	vgt.s32 v18, $0x0;
	vm3 =	vgt.s32 v19, $0x0  }
0x403: {  	[tilespmem:s7+$0xFFFFFFF0] =	vst @p1 v8;
	vm4 =	vgt.s32 v20, $0x0;
	vm5 =	vgt.s32 v47, $0x0;
	v17 =	vnsel vm15, $0x0, v17  }
0x404: {  	[tilespmem:s7+$0x0] =	vst @p1 v7;
	v51 =	vor.u32 $0x2000, v22;
	v52 =	vor.u32 $0x2000, v23;
	v53 =	vor.u32 $0x2000, v24  }
0x405: {  	[tilespmem:s7+$0x10] =	vst @p1 v6;
	s8 =	sadd.s32 @p1 $0x80, s7;
	v54 =	vor.u32 $0x2000, v25;
	vm15 =	vlt.s32 v4, v0;
	v10 =	vsel vm1, v14, v43  }
0x406: {  	[tilespmem:s7+$0x30] =	vst @p1 v5;
	s6 =	smov.u32 @p1 s8;
	v14 =	vnsel vm14, $0x0, v46;
	v55 =	vsel vm8, v17, v50;
	v10 =	vmin.u32 v10, $0x20FF  }
0x407: {  	v18 =	vnsel vm2, $0x0, v18;
	v62 =	vsel vm15, v11, v61;
	v5 =	vmin.u32 v55, $0x20FF;
	[tilespmem:s6+$0x20] =	vst v10  }
0x408: {  	v19 =	vnsel vm3, $0x0, v19;
	v56 =	vmin.u32 v14, $0x20FF;
	v63 =	vmin.u32 v62, $0x20FF;
	[tilespmem:s6+$0xFFFFFFD0] =	vst v5  }
0x409: {  	v49 =	vnsel vm4, $0x0, v20;
	v7 =	vsel vm10, v18, v51;
	v1 =	vsel vm12, v56, v1;
	[tilespmem:s6+$0x30] =	vst v63  }
0x40a: {  	v2 =	vnsel vm5, $0x0, v47;
	v57 =	vsel vm11, v19, v52;
	v58 =	vmin.u32 v7, $0x20FF;
	[tilespmem:s6+$0xFFFFFFC0] =	vst v1  }
0x40b: {  	vm14 =	vlt.s32 v45, v0;
	v59 =	vsel vm13, v49, v53;
	v60 =	vmin.u32 v57, $0x20FF;
	[tilespmem:s6+$0xFFFFFFE0] =	vst v58  }
0x40c: {  	v2 =	vsel vm14, v2, v54;
	v0 =	vmin.u32 v59, $0x20FF;
	[tilespmem:s6+$0xFFFFFFF0] =	vst v60  }
0x40d: {  	v2 =	vmin.u32 v2, $0x20FF;
	[tilespmem:s6+$0x0] =	vst v0  }
0x40e: {  	s7 =	simm.s32 $0x80;
	s8 =	simm.s32 $0x1B280;
	[tilespmem:s6+$0x10] =	vst v2;
	s6 =	simm.s32 $0x18E80  }
0x40f: {  	[hbm4b:s2+s7] =	stream.indirect.scatter [tilespmem:s8], [sflag:$0x1], $0x1, s6, s7, $0xb8;
	[tilespmem:$0x1BB80] =	vst v63  }
0x410: {  	s10 =	simm.s32 $0x16E00;
	s9 =	simm.s32 $0x1  }
0x411: {  	[hbm4b:s3+s7] =	stream.indirect.scatter [tilespmem:s10], [sflag:$0x1], $0x1, s6, s7, $0xb8;
	[tilespmem:$0x1BB80] =	vst v63  }
.Ltmp31:
0x412: {  	_ =	swait.ge [sflag:s9], $0x80;
	(pc) =	sbr.rel @!p0 .LBB2_55-.Ltmp31, $4  }
0x413: {  	[sflag:s9] =	ssyncset.done $0x0  }
0x414: {  	[sflag:s9] =	ssyncadd.s32 $0xFFFFFF80  }
0x415: {  	_ =	swait.ge [sflag:s9], $0x80  }
0x416: {  	[sflag:s9] =	ssyncset.done $0x0  }
.LBB2_54:
0x417: {  	[sflag:s9] =	ssyncadd.s32 $0xFFFFFF80;
	s10 =	sadd.s32 $0x80, s10;
	s6 =	sadd.s32 $0x80, s6  }
0x418: {  	[hbm4b:s2+s7] =	stream.indirect.scatter [tilespmem:s8], [sflag:$0x1], $0x1, s6, s7, $0xb8;
	[tilespmem:$0x1BB80] =	vst v63  }
0x419: {  	p0 =	sne.s32 s5, $0x1;
	s5 =	sadd.s32 $0xFFFFFFFF, s5  }
0x41a: {  	[hbm4b:s3+s7] =	stream.indirect.scatter [tilespmem:s10], [sflag:$0x1], $0x1, s6, s7, $0xb8;
	[tilespmem:$0x1BB80] =	vst v63  }
.Ltmp32:
0x41b: {  	_ =	swait.ge [sflag:s9], $0x80;
	(pc) =	sbr.rel @p0 .LBB2_54-.Ltmp32, $4  }
0x41c: {  	[sflag:s9] =	ssyncset.done $0x0  }
0x41d: {  	[sflag:s9] =	ssyncadd.s32 $0xFFFFFF80  }
0x41e: {  	_ =	swait.ge [sflag:s9], $0x80  }
0x41f: {  	[sflag:s9] =	ssyncset.done $0x0  }
.LBB2_55:
0x420: {  	[sflag:s9] =	ssyncadd.s32 $0xFFFFFF80  }
.LBB2_56:
0x421: {  	s2 =	simm.s32 $0x2  }
0x422: {  	_ =	swait.ge [sflag:s2], $0x80  }
0x423: {  	[sflag:s2] =	ssyncset.done $0x0  }
0x424: {  	[sflag:s2] =	ssyncadd.s32 $0xFFFFFF80  }
0x425: {  	_ =	swait.ge [sflag:s2], $0x80  }
0x426: {  	[sflag:s2] =	ssyncset.done $0x0  }
0x427: {  	[sflag:s2] =	ssyncadd.s32 $0xFFFFFF80  }
0x428: {  	_ =	swait.ge [sflag:s2], $0x80  }
0x429: {  	[sflag:s2] =	ssyncset.done $0x0  }
0x42a: {  	[sflag:s2] =	ssyncadd.s32 $0xFFFFFF80  }
0x42b: {  	_ =	swait.ge [sflag:s2], $0x80  }
0x42c: {  	[sflag:s2] =	ssyncset.done $0x0  }
0x42d: {  	[sflag:s2] =	ssyncadd.s32 $0xFFFFFF80  }
0x42e: {  	_ =	swait.ge [sflag:s2], $0x80  }
0x42f: {  	[sflag:s2] =	ssyncset.done $0x0  }
0x430: {  	[sflag:s2] =	ssyncadd.s32 $0xFFFFFF80  }
0x431: {  	_ =	swait.ge [sflag:s2], $0x80  }
0x432: {  	[sflag:s2] =	ssyncset.done $0x0  }
0x433: {  	[sflag:s2] =	ssyncadd.s32 $0xFFFFFF80  }
0x434: {  	_ =	swait.ge [sflag:s2], $0x80  }
0x435: {  	[sflag:s2] =	ssyncset.done $0x0  }
0x436: {  	[sflag:s2] =	ssyncadd.s32 $0xFFFFFF80  }
0x437: {  	_ =	swait.ge [sflag:s2], $0x80  }
0x438: {  	s30 =	simm.s32 $0x0;
	[sflag:s2] =	ssyncset.done $0x0  }
0x439: {  	s3 =	simm.s32 $0x1B700;
	s31 =	simm.s32 $0x3;
	[sflag:s2] =	ssyncadd.s32 $0xFFFFFF80  }
0x43a: {  	[hbm4b:s4+s30] =	stream.linear.scatter [tilespmem:s3], [sflag:$0x3], $0x400, $0x38;
	[tilespmem:$0x1BB80] =	vst v63  }
0x43b: {  	_ =	swait.ge [sflag:s31], $0x400  }
0x43c: {  	[sflag:s31] =	ssyncset.done $0x0  }
0x43d: {  	[sflag:s31] =	ssyncadd.s32 $0xFFFFFC00  }
0x43e: {  	_ =	sfence.sel $0x180000  }
0x43f: {  	[bflag:$0x0] =	sbarrier.arrive $0xFFFF  }
0x440: {  	p0 =	sne.s32 s1, $0x0;
	_ =	strace $0x90000047  }
0x441: {  	s0 =	sadd.s32 @!p0 $0x100000, s0;
	[bflag:$0x2] =	sbarrier.arrive $0xFFFF  }
0x442: {  	[sflag:s0] =	ssyncadd.tile.s32 @!p0 $0x1;
	_ =	shalt  }
.LBB2_9:
.Ltmp33:
0x443: {  	(pc) =	sbr.rel .LBB2_14-.Ltmp33, $2  }
0x444: {  	_ =	sdelay $0x2  }
0x445: {  	s12 =	simm.s32 $0x0;
	s15 =	simm.s32 $0x0  }
.LBB2_21:
.Ltmp34:
0x446: {  	(pc) =	sbr.rel .LBB2_26-.Ltmp34, $2  }
0x447: {  	_ =	sdelay $0x2  }
0x448: {  	s15 =	simm.s32 $0x0;
	s17 =	simm.s32 $0x0  }
.LBB2_11:
.Ltmp35:
0x449: {  	(pc) =	sbr.rel .LBB2_14-.Ltmp35, $2  }
0x44a: {  	_ =	sdelay $0x2  }
0x44b: {  	s16 =	simm.s32 $0x7EF;
	v5 =	vmov v3;
	v4 =	vmov v2;
	s15 =	simm.s32 $0x0  }
.LBB2_23:
.Ltmp36:
0x44c: {  	(pc) =	sbr.rel .LBB2_26-.Ltmp36, $2  }
0x44d: {  	_ =	sdelay $0x2  }
0x44e: {  	s18 =	simm.s32 $0x7EF;
	v6 =	vmov v4;
	v5 =	vmov v3;
	s17 =	simm.s32 $0x0  }
.LBB2_40:
.Ltmp37:
0x44f: {  	(pc) =	sbr.rel .LBB2_44-.Ltmp37, $2  }
0x450: {  	_ =	sdelay $0x2  }
0x451: {  	s11 =	simm.s32 $0x18EC0  }
.LBB2_49:
.Ltmp38:
0x452: {  	(pc) =	sbr.rel .LBB2_53-.Ltmp38, $2  }
0x453: {  	_ =	sdelay $0x2  }
0x454: {  	s7 =	simm.s32 $0x18EC0  }
.LBB2_42:
.Ltmp39:
0x455: {  	(pc) =	sbr.rel .LBB2_44-.Ltmp39, $2  }
0x456: {  	_ =	sdelay $0x2  }
0x457: {  	s11 =	simm.s32 $0x18EC0  }
.LBB2_51:
.Ltmp40:
0x458: {  	(pc) =	sbr.rel .LBB2_53-.Ltmp40, $2  }
0x459: {  	_ =	sdelay $0x2  }
0x45a: {  	s7 =	simm.s32 $0x18EC0  }
.Lfunc_end2:
_tile_overlayer_lowered:
.L_overlay_start_2:
0x45b: {  	(tag) =	ssettag $0x2  }
0x45c: {  	s0 =	rddreg [dreg:$0x0];
	s2 =	stileid.u32  }
0x45d: {  	s1 =	rddreg [dreg:$0x1];
	p0 =	sne.s32 s2, $0x0  }
0x45e: {  	s3 =	rddreg [dreg:$0x2];
	[bflag:$0x3] =	sbarrier.arrive $0xFFFF;
	s2 =	simm.s32 @!p0 $0x1C03  }
0x45f: {  	[timem:s3], [sflag:s2] =	dma.local @!p0 [hbm:s0], s1  }
0x460: {  	s0 =	simm.s32 @!p0 $0x3  }
0x461: {  	_ =	swait.ge @!p0 [sflag:s0], s1  }
0x462: {  	s1 =	ssub.s32 @!p0 $0x0, s1;
	[sflag:s0] =	ssyncset.done @!p0 $0x0  }
0x463: {  	[sflag:s0] =	ssyncadd.s32 @!p0 s1  }
0x464: {  	[bflag:$0x3] =	sbarrier.arrive $0xFFFF  }
0x465: {  	_ =	shalt  }

// kernel: kernel.7.cloned.1.call-start
scs
__scs_entry_jumppad:
0x0: {  	(pc) =	sbr.rel $0x88, $3  }
0x1: {  	(tag) =	ssettag $0x0;
	lr =	simm.s32 $0x1  }
0x2: {  	[smem:$0x3F9F] =	sst lr;
	_ =	strace $0xD0000000  }
0x3: {  	_ = 	snop  }
0x4: {  	_ = 	snop  }
0x5: {  	_ = 	snop  }
0x6: {  	_ = 	snop  }
0x7: {  	_ = 	snop  }
__scs_overlays_trampoline_lowered:
0x8: {  	[smem:$0x3FAE] =	sst s0  }
0x9: {  	[smem:$0x3FAF] =	sst s1  }
0xa: {  	[smem:$0x3FB0] =	sst s2  }
0xb: {  	[smem:$0x3FB1] =	sst s3  }
0xc: {  	[smem:$0x3FB2] =	sst s4  }
0xd: {  	[smem:$0x3FB3] =	sst s5  }
0xe: {  	[smem:$0x3FB4] =	sst s6  }
0xf: {  	[smem:$0x3FB5] =	sst s7  }
0x10: {  	[smem:$0x3FB6] =	sst s8  }
0x11: {  	[smem:$0x3FB7] =	sst s9;
	s0 =	simm.s32 @!p0 $0x0  }
0x12: {  	s1 =	sld [smem:$0x3F9D];
	s0 =	simm.s32 @p0 $0x1  }
0x13: {  	[smem:$0x3FB8] =	sst s0;
	s0 =	simm.s32 @!p1 $0x0  }
0x14: {  	s2 =	sld [smem:$0x3F9C];
	s0 =	simm.s32 @p1 $0x1  }
0x15: {  	[smem:$0x3FB9] =	sst s0;
	s0 =	simm.s32 @!p2 $0x0  }
0x16: {  	s3 =	sld [smem:$0x3FDB];
	s0 =	simm.s32 @p2 $0x1  }
0x17: {  	s4 =	simm.s32 $0x1BF5;
	[smem:$0x3FBB] =	sst s0  }
0x18: {  	s0 =	sld [smem:$0x3F9E];
	_ =	swait.ge [sflag:s4], $0x0  }
0x19: {  	s7 =	sld [smem:$0x3F9F]  }
0x1a: {  	s8 =	sadd.s32 $0xFFFFE003, lr  }
0x1b: {  	s9 =	sadd.s32 $0xFFFFFEF7, lr;
	s5 =	simm.s32 $0xFFFFFFFF;
	p2 =	slt.u32 s8, $0xFFFFF086  }
0x1c: {  	p1 =	slt.u32 s9, $0xF7A;
	s5 =	simm.s32 @!p2 $0x0  }
0x1d: {  	s5 =	simm.s32 @p1 $0x1;
	p0 =	seq.s32 s7, s2  }
0x1e: {  	s7 =	smul.u32 @!p0 $0xF7A, s2;
	p2 =	seq.s32 @!p0 s5, $0x0  }
0x1f: {  	s9 =	smul.u32 $0xF7A, s1;
	s8 =	simm.s32 @!p0 $0x1BF5;
	p2 =	por !p2, p0  }
0x20: {  	[sflag:s8] =	ssyncset.s32 @!p0 $0xFFFFF086;
	s6 =	sadd.s32 @!p0 s3, s7;
	s7 =	simm.s32 @!p0 $0x108  }
0x21: {  	s3 =	sadd.s32 s3, s9;
	s6 =	sadd.s32 @!p0 $0x88, s6;
	s7 =	simm.s32 @p2 $0x1082  }
0x22: {  	[simem:s7], [sflag:s8] =	dma.local @!p0 [hbm:s6], $0xF7A  }
0x23: {  	s9 =	sor.u32 $0xD0000000, s2;
	s6 =	simm.s32 $0x108;
	_ =	swait.ge @!p0 [sflag:s8], $0x0  }
0x24: {  	s3 =	sadd.s32 $0x88, s3;
	s6 =	simm.s32 @!p1 $0x1082;
	[sflag:s4] =	ssyncset.s32 $0xFFFFF086  }
0x25: {  	[simem:s6], [sflag:s4] =	dma.local [hbm:s3], $0xF7A  }
0x26: {  	[smem:$0x3F9F] =	sst s1;
	(tag) =	ssettag s2;
	_ =	strace s9  }
0x27: {  	s1 =	sld [smem:$0x3FAF]  }
0x28: {  	s2 =	sld [smem:$0x3FB0]  }
0x29: {  	s4 =	sld [smem:$0x3FB2]  }
0x2a: {  	p0 =	seq.s32 s5, $0x0;
	s5 =	sld [smem:$0x3FB3]  }
0x2b: {  	s6 =	sld [smem:$0x3FB4]  }
0x2c: {  	s7 =	sld [smem:$0x3FB5]  }
0x2d: {  	s3 =	simm.s32 $0x108;
	s8 =	sld [smem:$0x3FB6]  }
0x2e: {  	s3 =	simm.s32 @!p0 $0x1082;
	s9 =	sld [smem:$0x3FB7]  }
0x2f: {  	lr =	sadd.s32 s0, s3;
	s0 =	sld [smem:$0x3FAE]  }
0x30: {  	s3 =	sld [smem:$0x3FB1]  }
0x31: {  	[smem:$0x3FBA] =	sst s10  }
0x32: {  	s10 =	sld [smem:$0x3FB8];
	_ =	sdelay $0x3  }
0x33: {  	p0 =	seq.s32 s10, $0x1;
	s10 =	sld [smem:$0x3FBA];
	_ =	sdelay $0x3  }
0x34: {  	[smem:$0x3FBA] =	sst s10  }
0x35: {  	s10 =	sld [smem:$0x3FB9];
	_ =	sdelay $0x3  }
0x36: {  	p1 =	seq.s32 s10, $0x1;
	s10 =	sld [smem:$0x3FBA];
	_ =	sdelay $0x3  }
0x37: {  	[smem:$0x3FBA] =	sst s10  }
0x38: {  	s10 =	sld [smem:$0x3FBB]  }
0x39: {  	_ = 	snop;
	(pc) =	sbr.ind lr, $3  }
0x3a: {  	_ = 	snop  }
0x3b: {  	_ = 	snop  }
0x3c: {  	p2 =	seq.s32 s10, $0x1;
	s10 =	sld [smem:$0x3FBA]  }
0x3d: {  	_ =	shalt  }
0x3e: {  	_ =	shalt  }
0x3f: {  	_ =	shalt  }
0x40: {  	_ =	shalt  }
0x41: {  	_ =	shalt  }
0x42: {  	_ =	shalt  }
0x43: {  	_ =	shalt  }
0x44: {  	_ =	shalt  }
0x45: {  	_ =	shalt  }
0x46: {  	_ =	shalt  }
0x47: {  	_ =	shalt  }
0x48: {  	_ =	shalt  }
0x49: {  	_ =	shalt  }
0x4a: {  	_ =	shalt  }
0x4b: {  	_ =	shalt  }
0x4c: {  	_ =	shalt  }
0x4d: {  	_ =	shalt  }
0x4e: {  	_ =	shalt  }
0x4f: {  	_ =	shalt  }
0x50: {  	_ =	shalt  }
0x51: {  	_ =	shalt  }
0x52: {  	_ =	shalt  }
0x53: {  	_ =	shalt  }
0x54: {  	_ =	shalt  }
0x55: {  	_ =	shalt  }
0x56: {  	_ =	shalt  }
0x57: {  	_ =	shalt  }
0x58: {  	_ =	shalt  }
0x59: {  	_ =	shalt  }
0x5a: {  	_ =	shalt  }
0x5b: {  	_ =	shalt  }
0x5c: {  	_ =	shalt  }
0x5d: {  	_ =	shalt  }
0x5e: {  	_ =	shalt  }
0x5f: {  	_ =	shalt  }
0x60: {  	_ =	shalt  }
0x61: {  	_ =	shalt  }
0x62: {  	_ =	shalt  }
0x63: {  	_ =	shalt  }
0x64: {  	_ =	shalt  }
0x65: {  	_ =	shalt  }
0x66: {  	_ =	shalt  }
0x67: {  	_ =	shalt  }
0x68: {  	_ =	shalt  }
0x69: {  	_ =	shalt  }
0x6a: {  	_ =	shalt  }
0x6b: {  	_ =	shalt  }
0x6c: {  	_ =	shalt  }
0x6d: {  	_ =	shalt  }
0x6e: {  	_ =	shalt  }
0x6f: {  	_ =	shalt  }
0x70: {  	_ =	shalt  }
0x71: {  	_ =	shalt  }
0x72: {  	_ =	shalt  }
0x73: {  	_ =	shalt  }
0x74: {  	_ =	shalt  }
0x75: {  	_ =	shalt  }
0x76: {  	_ =	shalt  }
0x77: {  	_ =	shalt  }
0x78: {  	_ =	shalt  }
0x79: {  	_ =	shalt  }
0x7a: {  	_ =	shalt  }
0x7b: {  	_ =	shalt  }
0x7c: {  	_ =	shalt  }
0x7d: {  	_ =	shalt  }
0x7e: {  	_ =	shalt  }
0x7f: {  	_ =	shalt  }
0x80: {  	_ =	shalt  }
0x81: {  	_ =	shalt  }
0x82: {  	_ =	shalt  }
0x83: {  	_ =	shalt  }
0x84: {  	_ =	shalt  }
0x85: {  	_ =	shalt  }
0x86: {  	_ =	shalt  }
0x87: {  	_ =	shalt  }
.Lfunc_end0:
.L_simem_size_0:
called_computation.1_lowered:
.L_overlay_start_0:
0x88: {  	s0 =	sld [smem:$0x3FD9]  }
0x89: {  	s1 =	sld [smem:$0x3FFE];
	_ =	sdelay $0x3  }
0x8a: {  	s0 =	sadd.s32 s1, s0  }
0x8b: {  	[smem:$0x3FC6] =	sst s0  }
0x8c: {  	_ = 	snop  }
0x8d: {  	s0 =	sld [smem:$0x3FD0];
	_ =	sdelay $0x2  }
0x8e: {  	s2 =	simm.s32 $0xA;
	s3 =	simm.s32 $0x10;
	s13 =	sld [smem:$0x3FC9]  }
0x8f: {  	[smem:s3], [sflag:s2] =	dma.local [hbm:s0], $0x1  }
0x90: {  	_ =	swait.eq [sflag:s2], $0x1  }
0x91: {  	[sflag:s2] =	ssyncset.done $0x0  }
0x92: {  	s14 =	sld [smem:$0x10];
	[sflag:s2] =	ssyncadd.s32 $0xFFFFFFFF  }
0x93: {  	s15 =	sld [smem:$0x12];
	(tm) =	ssettm $0x1  }
0x94: {  	s16 =	sld [smem:$0x3FFB];
	_ =	sdelay $0x3  }
0x95: {  	_ =	strace s16  }
0x96: {  	s3 =	sld [smem:$0x3FFC];
	_ =	sdelay $0x3  }
0x97: {  	_ =	strace s3  }
0x98: {  	s3 =	sld [smem:$0x3FFD];
	_ =	sdelay $0x3  }
0x99: {  	_ =	strace s3  }
0x9a: {  	_ =	strace $0x8FFFFFFF  }
0x9b: {  	s17 =	sld [smem:$0x3FDB];
	_ =	sdelay $0x1  }
0x9c: {  	s4 =	simm.s32 $_scs_section_size  }
0x9d: {  	s5 =	simm.s32 $_size__tile_overlayer_lowered;
	s6 =	simm.s32 $_tile_overlayer_lowered  }
0x9e: {  	s20 =	simm.s32 $0x1BFF;
	s19 =	sshll.u32 s6, $0x1;
	s3 =	sadd.s32 s4, s17  }
0x9f: {  	s7 =	simm.s32 $0x0;
	s18 =	sshll.u32 s5, $0x1;
	s5 =	sadd.s32 s19, s3  }
0xa0: {  	[timem:s7], [sflag:s20] =	dma.local [hbm:s5], s18  }
0xa1: {  	_ =	swait.ge [sflag:s20], s18  }
0xa2: {  	s4 =	ssub.s32 $0x0, s18;
	[sflag:s20] =	ssyncset.done $0x0  }
0xa3: {  	[sflag:s20] =	ssyncadd.s32 s4;
	_ =	sdelay $0x1  }
0xa4: {  	s21 =	simm.s32 $0x1B8B  }
0xa5: {  	_ =	swait.ge [sflag:s21], $0x1  }
0xa6: {  	[sflag:s21] =	ssyncset.done $0x0  }
0xa7: {  	s23 =	simm.s32 $0x1B8E;
	s22 =	sld [smem:$0x3FFE];
	[sflag:s21] =	ssyncadd.s32 $0xFFFFFFFF  }
0xa8: {  	s24 =	simm.s32 $execute0_lowered;
	[smem:$0x3FD2] =	sst s23  }
0xa9: {  	s5 =	sshll.u32 s24, $0x1;
	_ =	strace $0x80000049;
	[dreg:$0x1] =	wrdreg $0xFFFFFFFF  }
0xaa: {  	s25 =	simm.s32 $_size_execute0_lowered;
	s3 =	sadd.s32 s3, s5;
	[dreg:$0x0] =	wrdreg $0x0  }
0xab: {  	s5 =	sshll.u32 s25, $0x1;
	[dreg:$0x2] =	wrdreg s3  }
0xac: {  	[dreg:$0x3] =	wrdreg s5  }
0xad: {  	[dreg:$0x4] =	wrdreg $0xC0  }
0xae: {  	_ =	task [dreg:s7], $0x5FFFF  }
0xaf: {  	[dreg:$0x1] =	wrdreg $0xFFFFFFFF  }
0xb0: {  	[dreg:$0x0] =	wrdreg $0x60  }
0xb1: {  	[dreg:$0x2] =	wrdreg s22  }
0xb2: {  	[dreg:$0x3] =	wrdreg s13  }
0xb3: {  	[dreg:$0x4] =	wrdreg s14  }
0xb4: {  	[dreg:$0x5] =	wrdreg s15  }
0xb5: {  	[dreg:$0x6] =	wrdreg $0x9  }
0xb6: {  	_ =	task.clear_ibuf [dreg:s7], $0x7FFFF;
	_ =	strace $0x90000049  }
0xb7: {  	s26 =	simm.s32 $0x9;
	_ =	strace $0x8000004B  }
0xb8: {  	_ =	swait.ge [sflag:s26], $0x1  }
0xb9: {  	[sflag:s26] =	ssyncadd.s32 $0xFFFFFFFF  }
0xba: {  	_ =	strace $0x9000004B  }
0xbb: {  	_ =	sfence  }
0xbc: {  	s28 =	sld [smem:$0x0];
	_ =	sdelay $0x1  }
0xbd: {  	s29 =	srdreg.scid  }
0xbe: {  	s30 =	sshll.u32 s29, $0xD;
	s31 =	sshrl.u32 s29, $0x2  }
0xbf: {  	s1 =	sand.u32 $0x1, s29;
	s2 =	sand.u32 $0x4000, s30;
	s0 =	sadd.s32 s31, s28  }
0xc0: {  	s1 =	sor.u32 s2, s1;
	s0 =	sshll.u32 s0, $0x11  }
0xc1: {  	s0 =	sor.u32 s0, s1  }
0xc2: {  	s0 =	sadd.s32 $0x8F2B, s0  }
0xc3: {  	[sflag:s0] =	ssyncadd.remote.s32 $0x1  }
0xc4: {  	_ =	sfence.sel $0xFFFF  }
0xc5: {  	[dreg:$0x0] =	wrdreg $0xFFFFFFFF;
	(pc) =	sbr.abs _section_cstart, $3  }
0xc6: {  	[dreg:$0x1] =	wrdreg $0xFFFFFFFF  }
0xc7: {  	_ =	task.clear_ibuf [dreg:s7], $0x2FFFF;
	_ =	strace $0x9FFFFFFF  }
0xc8: {  	(tm) =	ssettm $0x7FFFFFFF  }
0xc9: {  	_ =	shalt  }
tec
execute0_lowered:
.L_overlay_start_1:
0x0: {  	(tag) =	ssettag $0x1  }
0x1: {  	s6 =	rddreg [dreg:$0x0];
	s5 =	stileid.u32  }
0x2: {  	s3 =	rddreg [dreg:$0x1];
	p0 =	sne.s32 s5, $0x0  }
.Ltmp0:
0x3: {  	s4 =	rddreg [dreg:$0x2];
	(pc) =	sbr.rel @p0 .LBB2_28-.Ltmp0, $4  }
0x4: {  	s2 =	rddreg [dreg:$0x3]  }
0x5: {  	s0 =	rddreg [dreg:$0x4];
	s1 =	simm.s32 $0x0  }
0x6: {  	[smem:$0x7FF] =	sst s1;
	s7 =	sshll.u32 s5, $0x6  }
0x7: {  	_ =	strace $0x8000004A;
	s5 =	sadd.s32 s4, s7;
	s2 =	sadd.s32 s2, s7  }
0x8: {  	s7 =	sadd.s32 $0x21200, s6;
	s30 =	simm.s32 $0x2  }
0x9: {  	[tilespmem:s1], [sflag:$0x2] =	stream.linear.gather [hbm4b:s7+s1], $0x2000, $0x38;
	[tilespmem:$0x8E00] =	vst v63  }
0xa: {  	_ =	swait.ge [sflag:s30], $0x2000  }
0xb: {  	[sflag:s30] =	ssyncset.done $0x0  }
0xc: {  	s31 =	sadd.s32 $0x21800, s6;
	s8 =	simm.s32 $0x2000;
	[sflag:s30] =	ssyncadd.s32 $0xFFFFE000  }
0xd: {  	[tilespmem:s8], [sflag:$0x2] =	stream.linear.gather [hbm4b:s31+s1], $0x2000, $0x38;
	[tilespmem:$0x8E00] =	vst v63  }
0xe: {  	_ =	swait.ge [sflag:s30], $0x2000  }
0xf: {  	[sflag:s30] =	ssyncset.done $0x0  }
0x10: {  	s6 =	simm.s32 $0x0;
	s7 =	simm.s32 $0x40;
	[sflag:s30] =	ssyncadd.s32 $0xFFFFE000  }
.LBB2_2:
0x11: {  	p1 =	sne.s32 s7, $0x7FC0;
	v0 =	vld [tilespmem:s6+$0x0];
	_ =	sdelay $0x1  }
.Ltmp1:
0x12: {  	(pc) =	sbr.rel @p1 .LBB2_2-.Ltmp1, $3  }
0x13: {  	_ =	sdelay $0x1  }
0x14: {  	v0 =	vxor.u32 $0x7FFFFFFF, v0  }
0x15: {  	[tilespmem:s6+$0x0] =	vst v0;
	s6 =	sshra.s32 s7, $0x2;
	s7 =	sadd.s32 $0x40, s7  }
0x16: {  	v0 =	vld [tilespmem:s6+$0x0];
	_ =	sdelay $0x4  }
0x17: {  	v0 =	vxor.u32 $0x7FFFFFFF, v0  }
0x18: {  	[tilespmem:s6+$0x0] =	vst v0;
	s6 =	simm.s32 $0x0;
	v0 =	vimm.s32 $0x0  }
.LBB2_4:
0x19: {  	p1 =	sne.s32 s6, $0x1FC0  }
.Ltmp2:
0x1a: {  	_ = 	snop;
	(pc) =	sbr.rel @p1 .LBB2_4-.Ltmp2, $3  }
0x1b: {  	_ =	sdelay $0x1  }
0x1c: {  	s7 =	sshra.s32 s6, $0x2  }
0x1d: {  	s6 =	sadd.s32 $0x40, s6;
	[tilespmem:s7+$0x8000] =	vst v0  }
0x1e: {  	s6 =	simm.s32 $0x0;
	s7 =	simm.s32 $0x8000  }
.LBB2_6:
0x1f: {  	s8 =	sshra.s32 s6, $0x2  }
0x20: {  	v0 =	vld [tilespmem:s8+$0x0];
	_ =	sdelay $0x4  }
0x21: {  	v0 =	vand.u32 $0x7FF, v0  }
0x22: {  	(xrf1) =	vunique.msk.u32 $0xffff, v0;
	_ =	sdelay $0xd  }
0x23: {  	_, v1, vm0 =	vpop (xrf1)  }
0x24: {  	p1 =	sne.s32 s6, $0x7FC0  }
.Ltmp3:
0x25: {  	_ = 	snop;
	(pc) =	sbr.rel @p1 .LBB2_6-.Ltmp3, $2  }
0x26: {  	_ =	sdelay $0x2  }
0x27: {  	s6 =	sadd.s32 $0x40, s6;
	[tilespmem:v0+s7+$0x0] =	vst.idx.add.s32.msk vm0, v1  }
0x28: {  	s6 =	simm.s32 $0x0  }
0x29: {  	v0 =	vld [tilespmem:s6+$0x8000];
	_ =	sdelay $0x4  }
0x2a: {  	(xrf0) =	vadd.scan.msk.s32 $0xffff, v0;
	_ =	sdelay $0x5  }
0x2b: {  	v1, _, _ =	vpop (xrf0)  }
0x2c: {  	v2 =	vxor.u32 $0x80000000, v1  }
0x2d: {  	(xrf0) =	vmax.scan.msk.u32 $0xffff, v2;
	_ =	sdelay $0x3  }
0x2e: {  	s7 =	simm.s32 $0x0  }
0x2f: {  	v0 =	vsub.s32 s7, v0  }
0x30: {  	v0 =	vadd.s32 v1, v0;
	v63, _, _ =	vpop (xrf0)  }
0x31: {  	s8 =	simm.s32 $0x80;
	[tilespmem:s6+$0x8000] =	vst v0;
	s6 =	simm.s32 $0x10;
	(v2sf) =	vpush v63, $0xF  }
.LBB2_8:
0x32: {  	p1 =	sne.s32 s8, $0x1FC0;
	v0 =	vld [tilespmem:s6+$0x8000];
	_ =	sdelay $0x4  }
0x33: {  	(xrf0) =	vadd.scan.msk.s32 $0xffff, v0;
	_ =	sdelay $0x5  }
0x34: {  	v1, _, _ =	vpop (xrf0)  }
0x35: {  	v2 =	vxor.u32 $0x80000000, v1  }
0x36: {  	(xrf0) =	vmax.scan.msk.u32 $0xffff, v2  }
0x37: {  	s9 =	spop (v2sf)  }
0x38: {  	s7 =	sadd.s32 s9, s7  }
.Ltmp4:
0x39: {  	s7 =	sadd.s32 $0x80000000, s7;
	(pc) =	sbr.rel @p1 .LBB2_8-.Ltmp4, $4  }
0x3a: {  	v2 =	vsub.s32 s7, v0  }
0x3b: {  	v1 =	vadd.s32 v1, v2  }
0x3c: {  	[tilespmem:s6+$0x8000] =	vst v1;
	v0, _, _ =	vpop (xrf0)  }
0x3d: {  	s6 =	sshra.s32 s8, $0x2;
	s8 =	sadd.s32 $0x40, s8;
	(v2sf) =	vpush v0, $0xF  }
0x3e: {  	v0 =	vld [tilespmem:s6+$0x8000];
	_ =	sdelay $0x4  }
0x3f: {  	(xrf0) =	vadd.scan.msk.s32 $0xffff, v0;
	_ =	sdelay $0x5  }
0x40: {  	v1, _, _ =	vpop (xrf0)  }
0x41: {  	v2 =	vxor.u32 $0x80000000, v1  }
0x42: {  	(xrf0) =	vmax.scan.msk.u32 $0xffff, v2;
	_ =	sdelay $0x5  }
0x43: {  	v2, _, _ =	vpop (xrf0)  }
0x44: {  	(v2sf) =	vpush v2, $0xF;
	_ =	sdelay $0x9  }
0x45: {  	s8 =	spop (v2sf)  }
0x46: {  	s7 =	sadd.s32 s8, s7  }
0x47: {  	s7 =	sadd.s32 $0x80000000, s7  }
0x48: {  	v0 =	vsub.s32 s7, v0  }
0x49: {  	s9 =	simm.s32 $0x6000;
	s8 =	simm.s32 $0x4000;
	v0 =	vadd.s32 v1, v0  }
0x4a: {  	s7 =	simm.s32 $0x0;
	[tilespmem:s6+$0x8000] =	vst v0;
	s6 =	simm.s32 $0x8000;
	s31 =	spop (v2sf)  }
.LBB2_10:
0x4b: {  	s10 =	sshra.s32 s7, $0x2  }
0x4c: {  	v0 =	vld [tilespmem:s10+$0x0];
	_ =	sdelay $0x4  }
0x4d: {  	v1 =	vand.u32 $0x7FF, v0  }
0x4e: {  	(xrf1) =	vunique.msk.u32 $0xffff, v1;
	_ =	sdelay $0x9  }
0x4f: {  	v2 =	vld.idx.msk [tilespmem:v1+s6+$0x0], $0xffff;
	_ =	sdelay $0x3  }
0x50: {  	_, v3, vm0 =	vpop (xrf1)  }
0x51: {  	v2 =	vadd.s32 v2, v3  }
0x52: {  	v3 =	vadd.s32 $0xFFFFFFFF, v2  }
0x53: {  	vm1 =	vgt.s32 v3, $0x0  }
0x54: {  	v3 =	vnsel vm1, $0x0, v3  }
0x55: {  	v3 =	vmin.u32 v3, $0x1FFF  }
0x56: {  	v4 =	vld [tilespmem:s10+$0x2000]  }
0x57: {  	p1 =	sne.s32 s7, $0x7FC0  }
.Ltmp5:
0x58: {  	_ = 	snop;
	(pc) =	sbr.rel @p1 .LBB2_10-.Ltmp5, $4  }
0x59: {  	_ = 	snop  }
0x5a: {  	[tilespmem:v3+s8+$0x0] =	vst.idx.msk $0xffff, v0  }
0x5b: {  	[tilespmem:v3+s9+$0x0] =	vst.idx.msk $0xffff, v4  }
0x5c: {  	s7 =	sadd.s32 $0x40, s7;
	[tilespmem:v1+s6+$0x0] =	vst.idx.msk vm0, v2  }
0x5d: {  	s6 =	simm.s32 $0x0;
	v0 =	vimm.s32 $0x0  }
.LBB2_12:
0x5e: {  	p1 =	sne.s32 s6, $0x1FC0  }
.Ltmp6:
0x5f: {  	_ = 	snop;
	(pc) =	sbr.rel @p1 .LBB2_12-.Ltmp6, $3  }
0x60: {  	_ =	sdelay $0x1  }
0x61: {  	s7 =	sshra.s32 s6, $0x2  }
0x62: {  	s6 =	sadd.s32 $0x40, s6;
	[tilespmem:s7+$0x8000] =	vst v0  }
0x63: {  	s6 =	simm.s32 $0x0;
	s7 =	simm.s32 $0x8000  }
.LBB2_14:
0x64: {  	s8 =	sshra.s32 s6, $0x2  }
0x65: {  	v0 =	vld [tilespmem:s8+$0x4000];
	_ =	sdelay $0x4  }
0x66: {  	v0 =	vshrl.u32 v0, $0xB  }
0x67: {  	v0 =	vand.u32 $0x7FF, v0  }
0x68: {  	(xrf1) =	vunique.msk.u32 $0xffff, v0;
	_ =	sdelay $0xd  }
0x69: {  	_, v1, vm0 =	vpop (xrf1)  }
0x6a: {  	p1 =	sne.s32 s6, $0x7FC0  }
.Ltmp7:
0x6b: {  	_ = 	snop;
	(pc) =	sbr.rel @p1 .LBB2_14-.Ltmp7, $2  }
0x6c: {  	_ =	sdelay $0x2  }
0x6d: {  	s6 =	sadd.s32 $0x40, s6;
	[tilespmem:v0+s7+$0x0] =	vst.idx.add.s32.msk vm0, v1  }
0x6e: {  	s6 =	simm.s32 $0x0  }
0x6f: {  	v0 =	vld [tilespmem:s6+$0x8000];
	_ =	sdelay $0x4  }
0x70: {  	(xrf0) =	vadd.scan.msk.s32 $0xffff, v0;
	_ =	sdelay $0x5  }
0x71: {  	v1, _, _ =	vpop (xrf0)  }
0x72: {  	v2 =	vxor.u32 $0x80000000, v1  }
0x73: {  	(xrf0) =	vmax.scan.msk.u32 $0xffff, v2;
	_ =	sdelay $0x3  }
0x74: {  	s7 =	simm.s32 $0x0  }
0x75: {  	v0 =	vsub.s32 s7, v0  }
0x76: {  	v0 =	vadd.s32 v1, v0;
	v63, _, _ =	vpop (xrf0)  }
0x77: {  	s8 =	simm.s32 $0x80;
	[tilespmem:s6+$0x8000] =	vst v0;
	s6 =	simm.s32 $0x10;
	(v2sf) =	vpush v63, $0xF  }
.LBB2_16:
0x78: {  	p1 =	sne.s32 s8, $0x1FC0;
	v0 =	vld [tilespmem:s6+$0x8000];
	_ =	sdelay $0x4  }
0x79: {  	(xrf0) =	vadd.scan.msk.s32 $0xffff, v0;
	_ =	sdelay $0x5  }
0x7a: {  	v1, _, _ =	vpop (xrf0)  }
0x7b: {  	v2 =	vxor.u32 $0x80000000, v1  }
0x7c: {  	(xrf0) =	vmax.scan.msk.u32 $0xffff, v2  }
0x7d: {  	s9 =	spop (v2sf)  }
0x7e: {  	s7 =	sadd.s32 s9, s7  }
.Ltmp8:
0x7f: {  	s7 =	sadd.s32 $0x80000000, s7;
	(pc) =	sbr.rel @p1 .LBB2_16-.Ltmp8, $4  }
0x80: {  	v2 =	vsub.s32 s7, v0  }
0x81: {  	v1 =	vadd.s32 v1, v2  }
0x82: {  	[tilespmem:s6+$0x8000] =	vst v1;
	v0, _, _ =	vpop (xrf0)  }
0x83: {  	s6 =	sshra.s32 s8, $0x2;
	s8 =	sadd.s32 $0x40, s8;
	(v2sf) =	vpush v0, $0xF  }
0x84: {  	v0 =	vld [tilespmem:s6+$0x8000];
	_ =	sdelay $0x4  }
0x85: {  	(xrf0) =	vadd.scan.msk.s32 $0xffff, v0;
	_ =	sdelay $0x5  }
0x86: {  	v1, _, _ =	vpop (xrf0)  }
0x87: {  	v2 =	vxor.u32 $0x80000000, v1  }
0x88: {  	(xrf0) =	vmax.scan.msk.u32 $0xffff, v2;
	_ =	sdelay $0x5  }
0x89: {  	v2, _, _ =	vpop (xrf0)  }
0x8a: {  	(v2sf) =	vpush v2, $0xF;
	_ =	sdelay $0x9  }
0x8b: {  	s8 =	spop (v2sf)  }
0x8c: {  	s7 =	sadd.s32 s8, s7  }
0x8d: {  	s7 =	sadd.s32 $0x80000000, s7  }
0x8e: {  	v0 =	vsub.s32 s7, v0  }
0x8f: {  	s9 =	simm.s32 $0x0;
	s8 =	simm.s32 $0x2000;
	v0 =	vadd.s32 v1, v0  }
0x90: {  	s7 =	simm.s32 $0x0;
	[tilespmem:s6+$0x8000] =	vst v0;
	s6 =	simm.s32 $0x8000;
	s31 =	spop (v2sf)  }
.LBB2_18:
0x91: {  	s10 =	sshra.s32 s9, $0x2  }
0x92: {  	v0 =	vld [tilespmem:s10+$0x4000];
	_ =	sdelay $0x4  }
0x93: {  	v1 =	vshrl.u32 v0, $0xB  }
0x94: {  	v1 =	vand.u32 $0x7FF, v1  }
0x95: {  	(xrf1) =	vunique.msk.u32 $0xffff, v1;
	_ =	sdelay $0x9  }
0x96: {  	v2 =	vld.idx.msk [tilespmem:v1+s6+$0x0], $0xffff;
	_ =	sdelay $0x3  }
0x97: {  	_, v3, vm0 =	vpop (xrf1)  }
0x98: {  	v2 =	vadd.s32 v2, v3  }
0x99: {  	v3 =	vadd.s32 $0xFFFFFFFF, v2  }
0x9a: {  	vm1 =	vgt.s32 v3, $0x0  }
0x9b: {  	v3 =	vnsel vm1, $0x0, v3  }
0x9c: {  	v3 =	vmin.u32 v3, $0x1FFF  }
0x9d: {  	v4 =	vld [tilespmem:s10+$0x6000]  }
0x9e: {  	p1 =	sne.s32 s9, $0x7FC0  }
.Ltmp9:
0x9f: {  	_ = 	snop;
	(pc) =	sbr.rel @p1 .LBB2_18-.Ltmp9, $4  }
0xa0: {  	_ = 	snop  }
0xa1: {  	[tilespmem:v3+s7+$0x0] =	vst.idx.msk $0xffff, v0  }
0xa2: {  	[tilespmem:v3+s8+$0x0] =	vst.idx.msk $0xffff, v4  }
0xa3: {  	s9 =	sadd.s32 $0x40, s9;
	[tilespmem:v1+s6+$0x0] =	vst.idx.msk vm0, v2  }
0xa4: {  	v0 =	vimm.s32 $0x0  }
.LBB2_20:
0xa5: {  	p1 =	sne.s32 s7, $0x1FC0  }
.Ltmp10:
0xa6: {  	_ = 	snop;
	(pc) =	sbr.rel @p1 .LBB2_20-.Ltmp10, $3  }
0xa7: {  	_ =	sdelay $0x1  }
0xa8: {  	s6 =	sshra.s32 s7, $0x2  }
0xa9: {  	s7 =	sadd.s32 $0x40, s7;
	[tilespmem:s6+$0x8000] =	vst v0  }
0xaa: {  	s6 =	simm.s32 $0x0;
	s7 =	simm.s32 $0x8000  }
.LBB2_22:
0xab: {  	s8 =	sshra.s32 s6, $0x2  }
0xac: {  	v0 =	vld [tilespmem:s8+$0x0];
	_ =	sdelay $0x4  }
0xad: {  	v0 =	vshrl.u32 v0, $0x16  }
0xae: {  	(xrf1) =	vunique.msk.u32 $0xffff, v0;
	_ =	sdelay $0xd  }
0xaf: {  	_, v1, vm0 =	vpop (xrf1)  }
0xb0: {  	p1 =	sne.s32 s6, $0x7FC0  }
.Ltmp11:
0xb1: {  	_ = 	snop;
	(pc) =	sbr.rel @p1 .LBB2_22-.Ltmp11, $2  }
0xb2: {  	_ =	sdelay $0x2  }
0xb3: {  	s6 =	sadd.s32 $0x40, s6;
	[tilespmem:v0+s7+$0x0] =	vst.idx.add.s32.msk vm0, v1  }
0xb4: {  	s7 =	simm.s32 $0x0  }
0xb5: {  	v0 =	vld [tilespmem:s7+$0x8000];
	_ =	sdelay $0x4  }
0xb6: {  	(xrf0) =	vadd.scan.msk.s32 $0xffff, v0;
	_ =	sdelay $0x5  }
0xb7: {  	v1, _, _ =	vpop (xrf0)  }
0xb8: {  	v2 =	vxor.u32 $0x80000000, v1  }
0xb9: {  	(xrf0) =	vmax.scan.msk.u32 $0xffff, v2;
	_ =	sdelay $0x3  }
0xba: {  	s6 =	simm.s32 $0x0  }
0xbb: {  	v0 =	vsub.s32 s6, v0  }
0xbc: {  	v0 =	vadd.s32 v1, v0;
	v63, _, _ =	vpop (xrf0)  }
0xbd: {  	s8 =	simm.s32 $0x80;
	[tilespmem:s7+$0x8000] =	vst v0;
	s7 =	simm.s32 $0x10;
	(v2sf) =	vpush v63, $0xF  }
.LBB2_24:
0xbe: {  	p1 =	sne.s32 s8, $0x1FC0;
	v0 =	vld [tilespmem:s7+$0x8000];
	_ =	sdelay $0x4  }
0xbf: {  	(xrf0) =	vadd.scan.msk.s32 $0xffff, v0;
	_ =	sdelay $0x5  }
0xc0: {  	v1, _, _ =	vpop (xrf0)  }
0xc1: {  	v2 =	vxor.u32 $0x80000000, v1  }
0xc2: {  	(xrf0) =	vmax.scan.msk.u32 $0xffff, v2  }
0xc3: {  	s9 =	spop (v2sf)  }
0xc4: {  	s6 =	sadd.s32 s9, s6  }
.Ltmp12:
0xc5: {  	s6 =	sadd.s32 $0x80000000, s6;
	(pc) =	sbr.rel @p1 .LBB2_24-.Ltmp12, $4  }
0xc6: {  	v2 =	vsub.s32 s6, v0  }
0xc7: {  	v1 =	vadd.s32 v1, v2  }
0xc8: {  	[tilespmem:s7+$0x8000] =	vst v1;
	v0, _, _ =	vpop (xrf0)  }
0xc9: {  	s7 =	sshra.s32 s8, $0x2;
	s8 =	sadd.s32 $0x40, s8;
	(v2sf) =	vpush v0, $0xF  }
0xca: {  	v0 =	vld [tilespmem:s7+$0x8000];
	_ =	sdelay $0x4  }
0xcb: {  	(xrf0) =	vadd.scan.msk.s32 $0xffff, v0;
	_ =	sdelay $0x5  }
0xcc: {  	v1, _, _ =	vpop (xrf0)  }
0xcd: {  	v2 =	vxor.u32 $0x80000000, v1  }
0xce: {  	(xrf0) =	vmax.scan.msk.u32 $0xffff, v2;
	_ =	sdelay $0x5  }
0xcf: {  	v2, _, _ =	vpop (xrf0)  }
0xd0: {  	(v2sf) =	vpush v2, $0xF;
	_ =	sdelay $0x7  }
0xd1: {  	s8 =	spop (v2sf)  }
0xd2: {  	s6 =	sadd.s32 s8, s6  }
0xd3: {  	s6 =	sadd.s32 $0x80000000, s6  }
0xd4: {  	v0 =	vsub.s32 s6, v0  }
0xd5: {  	v0 =	vadd.s32 v1, v0  }
0xd6: {  	s9 =	simm.s32 $0x0;
	[tilespmem:s7+$0x8000] =	vst v0  }
0xd7: {  	s8 =	simm.s32 $0x6000;
	s6 =	simm.s32 $0x8000;
	v0 =	vld [tilespmem:s9+$0x0]  }
0xd8: {  	s7 =	simm.s32 $0x4000;
	v1 =	vld [tilespmem:s9+$0x2000];
	s9 =	simm.s32 $0x40;
	s31 =	spop (v2sf)  }
.LBB2_26:
0xd9: {  	p1 =	sne.s32 s9, $0x7FC0;
	_ =	sdelay $0x2  }
0xda: {  	v2 =	vshrl.u32 v0, $0x16  }
0xdb: {  	(xrf1) =	vunique.msk.u32 $0xffff, v2;
	_ =	sdelay $0x8  }
0xdc: {  	v3 =	vld.idx.msk [tilespmem:v2+s6+$0x0], $0xffff;
	_ =	sdelay $0x4  }
0xdd: {  	_, v4, vm0 =	vpop (xrf1)  }
0xde: {  	v3 =	vadd.s32 v3, v4  }
0xdf: {  	v4 =	vadd.s32 $0xFFFFFFFF, v3  }
0xe0: {  	vm1 =	vgt.s32 v4, $0x0  }
0xe1: {  	v4 =	vnsel vm1, $0x0, v4  }
0xe2: {  	v4 =	vmin.u32 v4, $0x1FFF;
	_ =	sdelay $0x4  }
.Ltmp13:
0xe3: {  	[tilespmem:v4+s7+$0x0] =	vst.idx.msk $0xffff, v0;
	(pc) =	sbr.rel @p1 .LBB2_26-.Ltmp13, $4  }
0xe4: {  	[tilespmem:v4+s8+$0x0] =	vst.idx.msk $0xffff, v1  }
0xe5: {  	s10 =	sshra.s32 s9, $0x2;
	[tilespmem:v2+s6+$0x0] =	vst.idx.msk vm0, v3  }
0xe6: {  	v0 =	vld [tilespmem:s10+$0x0]  }
0xe7: {  	s9 =	sadd.s32 $0x40, s9;
	v1 =	vld [tilespmem:s10+$0x2000]  }
0xe8: {  	_ =	sdelay $0x2  }
0xe9: {  	v2 =	vshrl.u32 v0, $0x16  }
0xea: {  	(xrf1) =	vunique.msk.u32 $0xffff, v2;
	_ =	sdelay $0x9  }
0xeb: {  	v3 =	vld.idx.msk [tilespmem:v2+s6+$0x0], $0xffff;
	_ =	sdelay $0x3  }
0xec: {  	_, v4, vm0 =	vpop (xrf1)  }
0xed: {  	v3 =	vadd.s32 v3, v4  }
0xee: {  	v4 =	vadd.s32 $0xFFFFFFFF, v3  }
0xef: {  	vm1 =	vgt.s32 v4, $0x0  }
0xf0: {  	v4 =	vnsel vm1, $0x0, v4  }
0xf1: {  	v4 =	vmin.u32 v4, $0x1FFF;
	_ =	sdelay $0x4  }
0xf2: {  	[tilespmem:v4+s7+$0x0] =	vst.idx.msk $0xffff, v0  }
0xf3: {  	[tilespmem:v4+s8+$0x0] =	vst.idx.msk $0xffff, v1  }
0xf4: {  	s29 =	simm.s32 $0x0;
	s30 =	simm.s32 $0x6000;
	s31 =	simm.s32 $0x2;
	[tilespmem:v2+s6+$0x0] =	vst.idx.msk vm0, v3  }
0xf5: {  	[hbm4b:s4+s29] =	stream.linear.scatter [tilespmem:s30], [sflag:$0x2], $0x2000, $0x38;
	[tilespmem:$0x8E00] =	vst v63  }
0xf6: {  	_ =	swait.ge [sflag:s31], $0x2000  }
0xf7: {  	[sflag:s31] =	ssyncset.done $0x0  }
0xf8: {  	[sflag:s31] =	ssyncadd.s32 $0xFFFFE000  }
.LBB2_28:
0xf9: {  	[bflag:$0x0] =	sbarrier.arrive $0xFFFF;
	s4 =	simm.s32 $0x8800;
	s23 =	simm.s32 $0x2  }
0xfa: {  	[tilespmem:s4], [sflag:$0x2] =	stream.linear.gather [hbm4b:s5+s1], $0x200, $0x38;
	[tilespmem:$0x8E00] =	vst v63  }
0xfb: {  	_ =	swait.ge [sflag:s23], $0x200  }
0xfc: {  	[sflag:s23] =	ssyncset.done $0x0  }
0xfd: {  	[sflag:s23] =	ssyncadd.s32 $0xFFFFFE00  }
0xfe: {  	v0 =	vld [tilespmem:$0x8800]  }
0xff: {  	v1 =	vld [tilespmem:$0x8810]  }
0x100: {  	v2 =	vld [tilespmem:$0x8820]  }
0x101: {  	v3 =	vld [tilespmem:$0x8830]  }
0x102: {  	v4 =	vld [tilespmem:$0x8840]  }
0x103: {  	v37 =	vld [tilespmem:$0x8850];
	[tilespmem:$0x8A00] =	vst v0  }
0x104: {  	v38 =	vld [tilespmem:$0x8860];
	[tilespmem:$0x8A10] =	vst v1  }
0x105: {  	v39 =	vld [tilespmem:$0x8870];
	[tilespmem:$0x8A20] =	vst v2  }
0x106: {  	v40 =	vld [tilespmem:$0x8880];
	[tilespmem:$0x8A30] =	vst v3  }
0x107: {  	v41 =	vld [tilespmem:$0x8890];
	[tilespmem:$0x8A40] =	vst v4  }
0x108: {  	v42 =	vld [tilespmem:$0x88A0];
	[tilespmem:$0x8A50] =	vst v37  }
0x109: {  	v43 =	vld [tilespmem:$0x88B0];
	[tilespmem:$0x8A60] =	vst v38  }
0x10a: {  	v44 =	vld [tilespmem:$0x88C0];
	[tilespmem:$0x8A70] =	vst v39  }
0x10b: {  	v45 =	vld [tilespmem:$0x88D0];
	[tilespmem:$0x8A80] =	vst v40  }
0x10c: {  	v46 =	vld [tilespmem:$0x88E0];
	[tilespmem:$0x8A90] =	vst v41  }
0x10d: {  	v47 =	vld [tilespmem:$0x88F0];
	[tilespmem:$0x8AA0] =	vst v42  }
0x10e: {  	v48 =	vld [tilespmem:$0x8900];
	[tilespmem:$0x8AB0] =	vst v43  }
0x10f: {  	v49 =	vld [tilespmem:$0x8910];
	[tilespmem:$0x8AC0] =	vst v44  }
0x110: {  	v50 =	vld [tilespmem:$0x8920];
	[tilespmem:$0x8AD0] =	vst v45  }
0x111: {  	v51 =	vld [tilespmem:$0x8930];
	[tilespmem:$0x8AE0] =	vst v46  }
0x112: {  	v52 =	vld [tilespmem:$0x8940];
	[tilespmem:$0x8AF0] =	vst v47  }
0x113: {  	v53 =	vld [tilespmem:$0x8950];
	[tilespmem:$0x8B00] =	vst v48  }
0x114: {  	v54 =	vld [tilespmem:$0x8960];
	[tilespmem:$0x8B10] =	vst v49  }
0x115: {  	v55 =	vld [tilespmem:$0x8970];
	[tilespmem:$0x8B20] =	vst v50  }
0x116: {  	v56 =	vld [tilespmem:$0x8980];
	[tilespmem:$0x8B30] =	vst v51  }
0x117: {  	v57 =	vld [tilespmem:$0x8990];
	[tilespmem:$0x8B40] =	vst v52  }
0x118: {  	v58 =	vld [tilespmem:$0x89A0];
	[tilespmem:$0x8B50] =	vst v53  }
0x119: {  	v59 =	vld [tilespmem:$0x89B0];
	[tilespmem:$0x8B60] =	vst v54  }
0x11a: {  	v60 =	vld [tilespmem:$0x89C0];
	[tilespmem:$0x8B70] =	vst v55  }
0x11b: {  	v61 =	vld [tilespmem:$0x89D0];
	[tilespmem:$0x8B80] =	vst v56  }
0x11c: {  	v62 =	vld [tilespmem:$0x89E0];
	[tilespmem:$0x8B90] =	vst v57  }
0x11d: {  	v63 =	vld [tilespmem:$0x89F0];
	[tilespmem:$0x8BA0] =	vst v58  }
0x11e: {  	[tilespmem:$0x8BB0] =	vst v59  }
0x11f: {  	[tilespmem:$0x8BC0] =	vst v60  }
0x120: {  	[tilespmem:$0x8BD0] =	vst v61  }
0x121: {  	[tilespmem:$0x8BE0] =	vst v62  }
0x122: {  	s24 =	simm.s32 $0x80;
	s6 =	simm.s32 $0x8A00;
	s7 =	simm.s32 $0x8C00;
	[tilespmem:$0x8BF0] =	vst v63  }
0x123: {  	[tilespmem:s7], [sflag:$0x1] =	stream.indirect.gather [hbm4b:s3+s24], $0x1, s6, s24, $0xb8;
	[tilespmem:$0x8E00] =	vst v63  }
0x124: {  	s25 =	simm.s32 $0x8A80;
	s8 =	simm.s32 $0x8C80  }
0x125: {  	[tilespmem:s8], [sflag:$0x1] =	stream.indirect.gather [hbm4b:s3+s24], $0x1, s25, s24, $0xb8;
	[tilespmem:$0x8E00] =	vst v63  }
0x126: {  	s26 =	simm.s32 $0x8B00;
	s28 =	simm.s32 $0x8D00  }
0x127: {  	[tilespmem:s28], [sflag:$0x1] =	stream.indirect.gather [hbm4b:s3+s24], $0x1, s26, s24, $0xb8;
	[tilespmem:$0x8E00] =	vst v63  }
0x128: {  	s29 =	simm.s32 $0x8B80;
	s30 =	simm.s32 $0x8D80;
	s31 =	simm.s32 $0x1  }
0x129: {  	[tilespmem:s30], [sflag:$0x1] =	stream.indirect.gather [hbm4b:s3+s24], $0x1, s29, s24, $0xb8;
	[tilespmem:$0x8E00] =	vst v63  }
0x12a: {  	_ =	swait.ge [sflag:s31], $0x80  }
0x12b: {  	[sflag:s31] =	ssyncset.done $0x0  }
0x12c: {  	[sflag:s31] =	ssyncadd.s32 $0xFFFFFF80  }
0x12d: {  	_ =	swait.ge [sflag:s31], $0x80  }
0x12e: {  	[sflag:s31] =	ssyncset.done $0x0  }
0x12f: {  	[sflag:s31] =	ssyncadd.s32 $0xFFFFFF80  }
0x130: {  	_ =	swait.ge [sflag:s31], $0x80  }
0x131: {  	[sflag:s31] =	ssyncset.done $0x0  }
0x132: {  	[sflag:s31] =	ssyncadd.s32 $0xFFFFFF80  }
0x133: {  	_ =	swait.ge [sflag:s31], $0x80  }
0x134: {  	[sflag:s31] =	ssyncset.done $0x0  }
0x135: {  	[sflag:s31] =	ssyncadd.s32 $0xFFFFFF80  }
0x136: {  	[hbm4b:s2+s1] =	stream.linear.scatter [tilespmem:s7], [sflag:$0x2], $0x200, $0x38;
	[tilespmem:$0x8E00] =	vst v63  }
0x137: {  	_ =	swait.ge [sflag:s23], $0x200  }
0x138: {  	[sflag:s23] =	ssyncset.done $0x0  }
0x139: {  	[sflag:s23] =	ssyncadd.s32 $0xFFFFFE00  }
0x13a: {  	_ =	sfence.sel $0x180000  }
0x13b: {  	[bflag:$0x0] =	sbarrier.arrive $0xFFFF  }
0x13c: {  	_ =	strace $0x9000004A  }
0x13d: {  	s0 =	sadd.s32 @!p0 $0x100000, s0;
	[bflag:$0x2] =	sbarrier.arrive $0xFFFF  }
0x13e: {  	[sflag:s0] =	ssyncadd.tile.s32 @!p0 $0x1;
	_ =	shalt  }
.Lfunc_end2:
_tile_overlayer_lowered:
.L_overlay_start_2:
0x13f: {  	(tag) =	ssettag $0x2  }
0x140: {  	s0 =	rddreg [dreg:$0x0];
	s2 =	stileid.u32  }
0x141: {  	s1 =	rddreg [dreg:$0x1];
	p0 =	sne.s32 s2, $0x0  }
0x142: {  	s3 =	rddreg [dreg:$0x2];
	[bflag:$0x3] =	sbarrier.arrive $0xFFFF;
	s2 =	simm.s32 @!p0 $0x1C02  }
0x143: {  	[timem:s3], [sflag:s2] =	dma.local @!p0 [hbm:s0], s1  }
0x144: {  	s0 =	simm.s32 @!p0 $0x2  }
0x145: {  	_ =	swait.ge @!p0 [sflag:s0], s1  }
0x146: {  	s1 =	ssub.s32 @!p0 $0x0, s1;
	[sflag:s0] =	ssyncset.done @!p0 $0x0  }
0x147: {  	[sflag:s0] =	ssyncadd.s32 @!p0 s1  }
0x148: {  	[bflag:$0x3] =	sbarrier.arrive $0xFFFF  }
0x149: {  	_ =	shalt  }

</sc_bundles>
